<compile_context>
chip_gen: v7x
topology: tpu7x:2x2x1
jax: 0.10.2.dev20260603
libtpu: 0.0.44.dev20260713+nightly
codegen_flags: <defaults>
</compile_context>

<pallas_src>
import functools

import jax
import jax.numpy as jnp
from jax import lax
from jax.experimental import pallas as pl
from jax.experimental.pallas import tpu as pltpu
from jax.experimental.pallas import tpu_sc as plsc

B, N, NPOINT = 4, 8192, 1024
RADII = (0.1, 0.2)
NSAMPLES = (32, 64)
IN_CH = 64
OUT = 128


def _fps_kernel(xyz_ref, o_ref):
    rows, cols = 8, N // 8
    idx2d = (jax.lax.broadcasted_iota(jnp.int32, (rows, cols), 0) * cols
             + jax.lax.broadcasted_iota(jnp.int32, (rows, cols), 1))
    ocols = NPOINT // 8
    t2d = (jax.lax.broadcasted_iota(jnp.int32, (8, ocols), 0) * ocols
           + jax.lax.broadcasted_iota(jnp.int32, (8, ocols), 1))

    def extract(sel2, arr):
        return jnp.max(jnp.where(sel2, arr, -1.0))

    init = []
    sel0 = idx2d == 0
    hit0 = t2d == 0
    zeros = jnp.zeros((8, ocols), jnp.float32)
    for b in range(B):
        cx = extract(sel0, xyz_ref[b, 0])
        cy = extract(sel0, xyz_ref[b, 1])
        cz = extract(sel0, xyz_ref[b, 2])
        init.append((jnp.full((rows, cols), 1e10, jnp.float32), cx, cy, cz,
                     jnp.where(hit0, cx, zeros), jnp.where(hit0, cy, zeros),
                     jnp.where(hit0, cz, zeros)))

    def body(t, carry):
        hit = t2d == t
        out = []
        for b in range(B):
            dists, cx, cy, cz, newx, newy, newz = carry[b]
            x = xyz_ref[b, 0]
            y = xyz_ref[b, 1]
            z = xyz_ref[b, 2]
            dx = x - cx
            dy = y - cy
            dz = z - cz
            d = dx * dx + dy * dy + dz * dz
            dists = jnp.minimum(dists, d)
            maxv = jnp.max(dists)
            fidx = jnp.min(jnp.where(dists == maxv, idx2d, N))
            sel2 = idx2d == fidx
            cx = extract(sel2, x)
            cy = extract(sel2, y)
            cz = extract(sel2, z)
            out.append((dists, cx, cy, cz, jnp.where(hit, cx, newx),
                        jnp.where(hit, cy, newy), jnp.where(hit, cz, newz)))
        return tuple(out)

    carry = jax.lax.fori_loop(1, NPOINT, body, tuple(init))
    for b in range(B):
        _, _, _, _, newx, newy, newz = carry[b]
        o_ref[b, 0] = newx
        o_ref[b, 1] = newy
        o_ref[b, 2] = newz


def _fps_newxyz(xyz):
    b, n, _ = xyz.shape
    xyzT = jnp.transpose(xyz, (0, 2, 1))
    xyzR = xyzT.reshape(b, 3, 8, n // 8)
    outR = pl.pallas_call(
        _fps_kernel,
        out_shape=jax.ShapeDtypeStruct((b, 3, 8, NPOINT // 8), jnp.float32),
    )(xyzR)
    cxyzT = outR.reshape(b, 3, NPOINT)
    return jnp.transpose(cxyzT, (0, 2, 1)), cxyzT, xyzT


_NW = 32
_MW = NPOINT // 8
_GROWS = 256


def _sc_body(xyzT_h, cxyzT_h, feat_h, gf0_h, gf1_h, rel0_h, rel1_h,
             x_v, y_v, z_v, cx_v, cy_v, cz_v, i0_v, i1_v, g0_v, g1_v,
             r0_v, r1_v, gf_v, sem):
    K0, K1 = NSAMPLES
    wid = lax.axis_index("s") * 2 + lax.axis_index("c")
    b = wid // 8
    m0 = (wid % 8) * _MW
    pltpu.sync_copy(xyzT_h.at[pl.ds((b * 3 + 0) * N, N)], x_v)
    pltpu.sync_copy(xyzT_h.at[pl.ds((b * 3 + 1) * N, N)], y_v)
    pltpu.sync_copy(xyzT_h.at[pl.ds((b * 3 + 2) * N, N)], z_v)
    pltpu.sync_copy(cxyzT_h.at[pl.ds((b * 3 + 0) * NPOINT + m0, _MW)], cx_v)
    pltpu.sync_copy(cxyzT_h.at[pl.ds((b * 3 + 1) * NPOINT + m0, _MW)], cy_v)
    pltpu.sync_copy(cxyzT_h.at[pl.ds((b * 3 + 2) * NPOINT + m0, _MW)], cz_v)
    iota = lax.iota(jnp.int32, 16)
    r2a = jnp.float32(RADII[0] * RADII[0])
    r2b = jnp.float32(RADII[1] * RADII[1])
    nchunk = N // 16
    boff = b * N

    def per_centroid(m, carry_unused):
        mm = jnp.full((16,), m, jnp.int32)
        cxv = plsc.load_gather(cx_v, [mm])
        cyv = plsc.load_gather(cy_v, [mm])
        czv = plsc.load_gather(cz_v, [mm])
        base0 = m * K0
        base1 = m * K1
        zc = jnp.zeros((16,), jnp.int32)

        def scan_body(j, cnts):
            c0v, c1v = cnts
            off = j * 16
            dx = x_v[pl.ds(off, 16)] - cxv
            dy = y_v[pl.ds(off, 16)] - cyv
            dz = z_v[pl.ds(off, 16)] - czv
            d2 = dx * dx + dy * dy + dz * dz
            mk0 = d2 < r2a
            mk1 = d2 < r2b
            idxv = iota + off
            rk0 = plsc.cumsum(mk0.astype(jnp.int32))
            rk1 = plsc.cumsum(mk1.astype(jnp.int32))
            pos0 = jnp.minimum(c0v + (rk0 - 1), K0 + 15) + base0
            pos1 = jnp.minimum(c1v + (rk1 - 1), K1 + 15) + base1
            plsc.store_scatter(i0_v, [pos0], idxv, mask=mk0)
            plsc.store_scatter(i1_v, [pos1], idxv, mask=mk1)
            c0v = c0v + plsc.all_reduce_population_count(mk0)
            c1v = c1v + plsc.all_reduce_population_count(mk1)
            return c0v, c1v

        c0v, c1v = plsc.parallel_loop(
            0, nchunk, 1, unroll=4, carry=(zc, zc))(scan_body)
        c0 = jnp.max(c0v)
        c1 = jnp.max(c1v)

        for (k, cN, base, iv, gv, rv) in (
                (K0, c0, base0, i0_v, g0_v, r0_v),
                (K1, c1, base1, i1_v, g1_v, r1_v)):
            cf = jnp.minimum(cN, k)
            fv = plsc.load_gather(iv, [jnp.full((16,), base, jnp.int32)])
            for t in range(k // 16):
                lane = iota + t * 16
                cur = iv[pl.ds(base + t * 16, 16)]
                cur = jnp.where(lane < cf, cur, fv)
                gv[pl.ds(base + t * 16, 16)] = cur + boff
                gx = plsc.load_gather(x_v, [cur]) - cxv
                gy = plsc.load_gather(y_v, [cur]) - cyv
                gz = plsc.load_gather(z_v, [cur]) - czv
                sidx = (iota * 3) + (base + t * 16) * 3
                plsc.store_scatter(rv, [sidx], gx)
                plsc.store_scatter(rv, [sidx + 1], gy)
                plsc.store_scatter(rv, [sidx + 2], gz)
        return carry_unused

    lax.fori_loop(0, _MW, per_centroid, jnp.int32(0))

    K0T, K1T = _MW * K0, _MW * K1
    for g in range(K0T // _GROWS):
        pltpu.async_copy(
            feat_h.at[g0_v.at[pl.ds(g * _GROWS, _GROWS)]], gf_v, sem).wait()
        pltpu.sync_copy(
            gf_v, gf0_h.at[pl.ds((b * NPOINT + m0) * K0 + g * _GROWS, _GROWS)])
    for g in range(K1T // _GROWS):
        pltpu.async_copy(
            feat_h.at[g1_v.at[pl.ds(g * _GROWS, _GROWS)]], gf_v, sem).wait()
        pltpu.sync_copy(
            gf_v, gf1_h.at[pl.ds((b * NPOINT + m0) * K1 + g * _GROWS, _GROWS)])
    pltpu.sync_copy(r0_v, rel0_h.at[pl.ds((b * NPOINT + m0) * K0 * 3, K0T * 3)])
    pltpu.sync_copy(r1_v, rel1_h.at[pl.ds((b * NPOINT + m0) * K1 * 3, K1T * 3)])


def _sc_ballquery_gather(xyzT, cxyzT, featflat):
    K0, K1 = NSAMPLES
    mesh = plsc.VectorSubcoreMesh(core_axis_name="c", subcore_axis_name="s")
    out_type = [
        jax.ShapeDtypeStruct((B * NPOINT * K0, IN_CH), jnp.float32),
        jax.ShapeDtypeStruct((B * NPOINT * K1, IN_CH), jnp.float32),
        jax.ShapeDtypeStruct((B * NPOINT * K0 * 3,), jnp.float32),
        jax.ShapeDtypeStruct((B * NPOINT * K1 * 3,), jnp.float32),
    ]
    scratch = [
        pltpu.VMEM((N,), jnp.float32),
        pltpu.VMEM((N,), jnp.float32),
        pltpu.VMEM((N,), jnp.float32),
        pltpu.VMEM((_MW,), jnp.float32),
        pltpu.VMEM((_MW,), jnp.float32),
        pltpu.VMEM((_MW,), jnp.float32),
        pltpu.VMEM((_MW * K0 + 16,), jnp.int32),
        pltpu.VMEM((_MW * K1 + 16,), jnp.int32),
        pltpu.VMEM((_MW * K0,), jnp.int32),
        pltpu.VMEM((_MW * K1,), jnp.int32),
        pltpu.VMEM((_MW * K0 * 3,), jnp.float32),
        pltpu.VMEM((_MW * K1 * 3,), jnp.float32),
        pltpu.VMEM((_GROWS, IN_CH), jnp.float32),
        pltpu.SemaphoreType.DMA,
    ]
    gf0, gf1, rel0, rel1 = pl.kernel(
        _sc_body, out_type=out_type, mesh=mesh, scratch_types=scratch,
        compiler_params=pltpu.CompilerParams(
            needs_layout_passes=False, use_tc_tiling_on_sc=False),
    )(xyzT.reshape(-1), cxyzT.reshape(-1), featflat)
    return gf0, gf1, rel0.reshape(-1, 3), rel1.reshape(-1, 3)


_TR = 4096


def _mlp_y(gf_ref, rel_ref, wax_ref, waf_ref):
    gf = gf_ref[...]
    rel = rel_ref[...]
    y = jax.lax.dot_general(gf, waf_ref[...], (((1,), (0,)), ((), ())),
                            preferred_element_type=jnp.float32)
    y = y + rel[:, 0:1] * wax_ref[0:1, :]
    y = y + rel[:, 1:2] * wax_ref[1:2, :]
    y = y + rel[:, 2:3] * wax_ref[2:3, :]
    return y


def _acc_stats(s_ref, v):
    i = pl.program_id(0)
    mu_t = jnp.mean(v, 0, keepdims=True)
    m2_t = jnp.sum((v - mu_t) ** 2, 0, keepdims=True)

    @pl.when(i == 0)
    def _():
        s_ref[0:1, :] = mu_t
        s_ref[1:2, :] = m2_t

    @pl.when(i > 0)
    def _():
        na = i.astype(jnp.float32) * _TR
        nn = na + _TR
        mu_a = s_ref[0:1, :]
        d = mu_t - mu_a
        s_ref[0:1, :] = mu_a + d * (_TR / nn)
        s_ref[1:2, :] += m2_t + d * d * (na * _TR / nn)


def _p1_kernel(gf_ref, rel_ref, wax_ref, waf_ref, s_ref):
    y = _mlp_y(gf_ref, rel_ref, wax_ref, waf_ref)
    _acc_stats(s_ref, y)


def _p2_kernel(gf_ref, rel_ref, wax_ref, waf_ref, a1_ref, c1_ref, wb_ref,
               s_ref):
    y = _mlp_y(gf_ref, rel_ref, wax_ref, waf_ref)
    h = jnp.maximum(y * a1_ref[...] + c1_ref[...], 0.0)
    z = jax.lax.dot_general(h, wb_ref[...], (((1,), (0,)), ((), ())),
                            preferred_element_type=jnp.float32)
    _acc_stats(s_ref, z)


def _p3_kernel(k_const, gf_ref, rel_ref, wax_ref, waf_ref, a1_ref, c1_ref,
               wb_ref, a2_ref, c2_ref, o_ref):
    y = _mlp_y(gf_ref, rel_ref, wax_ref, waf_ref)
    h = jnp.maximum(y * a1_ref[...] + c1_ref[...], 0.0)
    z = jax.lax.dot_general(h, wb_ref[...], (((1,), (0,)), ((), ())),
                            preferred_element_type=jnp.float32)
    o = jnp.maximum(z * a2_ref[...] + c2_ref[...], 0.0)
    o_ref[...] = jnp.max(o.reshape(_TR // k_const, k_const, OUT), axis=1)


def _branch_mlp(gf, rel, k, Wa, ga, ba, Wb, gb, bb):
    R = gf.shape[0]
    ntiles = R // _TR
    wax = Wa[:, :3].T
    waf = Wa[:, 3:].T
    wbT = Wb.T
    half = Wa.shape[0]
    row_spec = [
        pl.BlockSpec((_TR, IN_CH), lambda i: (i, 0)),
        pl.BlockSpec((_TR, 3), lambda i: (i, 0)),
        pl.BlockSpec((3, half), lambda i: (0, 0)),
        pl.BlockSpec((IN_CH, half), lambda i: (0, 0)),
    ]
    acc_spec = pl.BlockSpec((2, half), lambda i: (0, 0))
    s1 = pl.pallas_call(
        _p1_kernel, grid=(ntiles,), in_specs=row_spec, out_specs=acc_spec,
        out_shape=jax.ShapeDtypeStruct((2, half), jnp.float32),
    )(gf, rel, wax, waf)
    mu1 = s1[0]
    var1 = s1[1] / R
    a1 = (ga / jnp.sqrt(var1 + 1e-5)).reshape(1, half)
    c1 = (ba - mu1 * ga / jnp.sqrt(var1 + 1e-5)).reshape(1, half)

    vec_specs = [
        pl.BlockSpec((1, half), lambda i: (0, 0)),
        pl.BlockSpec((1, half), lambda i: (0, 0)),
        pl.BlockSpec((half, OUT), lambda i: (0, 0)),
    ]
    acc2_spec = pl.BlockSpec((2, OUT), lambda i: (0, 0))
    s2 = pl.pallas_call(
        _p2_kernel, grid=(ntiles,), in_specs=row_spec + vec_specs,
        out_specs=acc2_spec,
        out_shape=jax.ShapeDtypeStruct((2, OUT), jnp.float32),
    )(gf, rel, wax, waf, a1, c1, wbT)
    mu2 = s2[0]
    var2 = s2[1] / R
    a2 = (gb / jnp.sqrt(var2 + 1e-5)).reshape(1, OUT)
    c2 = (bb - mu2 * gb / jnp.sqrt(var2 + 1e-5)).reshape(1, OUT)

    vec2_specs = [
        pl.BlockSpec((1, OUT), lambda i: (0, 0)),
        pl.BlockSpec((1, OUT), lambda i: (0, 0)),
    ]
    pooled = pl.pallas_call(
        functools.partial(_p3_kernel, k),
        grid=(ntiles,), in_specs=row_spec + vec_specs + vec2_specs,
        out_specs=pl.BlockSpec((_TR // k, OUT), lambda i: (i, 0)),
        out_shape=jax.ShapeDtypeStruct((R // k, OUT), jnp.float32),
    )(gf, rel, wax, waf, a1, c1, wbT, a2, c2)
    return pooled.reshape(B, NPOINT, OUT)


def _final_mlp_kernel(x_ref, wf1_ref, gf1_ref, bf1_ref, wf2_ref, gf2_ref, bf2_ref, o_ref):
    x = x_ref[...]
    y = jax.lax.dot_general(x, wf1_ref[...], (((1,), (1,)), ((), ())),
                            preferred_element_type=jnp.float32)
    mu = jnp.mean(y, axis=0, keepdims=True)
    var = jnp.mean((y - mu) ** 2, axis=0, keepdims=True)
    y = (y - mu) / jnp.sqrt(var + 1e-5) * gf1_ref[...] + bf1_ref[...]
    y = jnp.maximum(y, 0.0)
    z = jax.lax.dot_general(y, wf2_ref[...], (((1,), (1,)), ((), ())),
                            preferred_element_type=jnp.float32)
    mu = jnp.mean(z, axis=0, keepdims=True)
    var = jnp.mean((z - mu) ** 2, axis=0, keepdims=True)
    z = (z - mu) / jnp.sqrt(var + 1e-5) * gf2_ref[...] + bf2_ref[...]
    o_ref[...] = jnp.maximum(z, 0.0)


def _final_mlp(x, Wf1, gf1, bf1, Wf2, gf2, bf2):
    bm = x.shape[0] * x.shape[1]
    out = pl.pallas_call(
        _final_mlp_kernel,
        out_shape=jax.ShapeDtypeStruct((bm, OUT), jnp.float32),
    )(x.reshape(bm, -1), Wf1, gf1.reshape(1, OUT), bf1.reshape(1, OUT),
      Wf2, gf2.reshape(1, OUT), bf2.reshape(1, OUT))
    return out.reshape(x.shape[0], x.shape[1], OUT)


def kernel(xyz, feat, W0_1, g0_1, b0_1, W0_2, g0_2, b0_2, W1_1, g1_1, b1_1,
           W1_2, g1_2, b1_2, Wf1, gf1, bf1, Wf2, gf2, bf2):
    new_xyz, cxyzT, xyzT = _fps_newxyz(xyz)
    featflat = feat.reshape(B * N, IN_CH)
    gfa, gfb, rela, relb = _sc_ballquery_gather(xyzT, cxyzT, featflat)
    pooled0 = _branch_mlp(gfa, rela, NSAMPLES[0], W0_1, g0_1, b0_1, W0_2, g0_2, b0_2)
    pooled1 = _branch_mlp(gfb, relb, NSAMPLES[1], W1_1, g1_1, b1_1, W1_2, g1_2, b1_2)
    x = jnp.concatenate([pooled0, pooled1], axis=-1)
    x = _final_mlp(x, Wf1, gf1, bf1, Wf2, gf2, bf2)
    return (new_xyz, x)

# --- scband reference (transcript-rebuilt; emitter-appended) ---
"""Pipeline reference for scband-set-abstraction-msg-46299747450895 (READ-ONLY COPY).

The authoritative reference and input builder live on the scoring server;
editing this copy changes nothing except your own understanding.
"""

import jax, jax.numpy as jnp
import numpy as np

B, N, NPOINT = 4, 8192, 1024
RADII = (0.1, 0.2)
NSAMPLES = (32, 64)
IN_CH = 64
OUT = 128


def _bn(x, gamma, beta, axes):
    mu = jnp.mean(x, axis=axes, keepdims=True)
    var = jnp.var(x, axis=axes, keepdims=True)
    return (x - mu) / jnp.sqrt(var + 1e-5) * gamma + beta


def _fps(xyz, npoint):
    # Farthest point sampling, matching pointnet2 CUDA semantics (start at index 0).
    xyz = jax.lax.stop_gradient(xyz)
    b, n, _ = xyz.shape

    def step(carry, _):
        dists, far = carry
        centroid = jnp.take_along_axis(xyz, far[:, None, None], axis=1)  # (b,1,3)
        d = jnp.sum((xyz - centroid) ** 2, axis=-1)
        dists = jnp.minimum(dists, d)
        nxt = jnp.argmax(dists, axis=-1).astype(jnp.int32)
        return (dists, nxt), far

    init = (jnp.full((b, n), 1e10, jnp.float32), jnp.zeros((b,), jnp.int32))
    _, idxs = jax.lax.scan(step, init, None, length=npoint)
    return jnp.transpose(idxs)  # (b, npoint)


def _ball_query(radius, k, xyz, new_xyz):
    # First-k-in-scan-order semantics; empty slots repeat first found index (0 if none).
    b, n, _ = xyz.shape
    d2 = jnp.sum((new_xyz[:, :, None, :] - xyz[:, None, :, :]) ** 2, axis=-1)  # (b,M,n)
    mask = d2 < radius * radius
    key = jnp.where(mask, jnp.arange(n)[None, None, :], n)
    srt = jnp.sort(key, axis=-1)[..., :k]
    first = srt[..., :1]
    idx = jnp.where(srt >= n, first, srt)
    idx = jnp.where(idx >= n, 0, idx)
    return idx


def setup_inputs(seed: int = 0):
    key = jax.random.key(seed)
    ks = jax.random.split(key, 16)
    inp = {}
    inp['xyz'] = jax.random.uniform(ks[0], (B, N, 3), jnp.float32)
    inp['feat'] = jax.random.normal(ks[1], (B, N, IN_CH), jnp.float32)
    half = OUT // 2
    cin = IN_CH + 3
    for i in range(2):
        inp['W%d_1' % i] = jax.random.normal(ks[2 + 3 * i], (half, cin), jnp.float32) * (1.0 / np.sqrt(cin))
        inp['g%d_1' % i] = jnp.ones((half,), jnp.float32)
        inp['b%d_1' % i] = jnp.zeros((half,), jnp.float32)
        inp['W%d_2' % i] = jax.random.normal(ks[3 + 3 * i], (OUT, half), jnp.float32) * (1.0 / np.sqrt(half))
        inp['g%d_2' % i] = jnp.ones((OUT,), jnp.float32)
        inp['b%d_2' % i] = jnp.zeros((OUT,), jnp.float32)
    inp['Wf1'] = jax.random.normal(ks[10], (OUT, 2 * OUT), jnp.float32) * (1.0 / np.sqrt(2 * OUT))
    inp['gf1'] = jnp.ones((OUT,), jnp.float32)
    inp['bf1'] = jnp.zeros((OUT,), jnp.float32)
    inp['Wf2'] = jax.random.normal(ks[11], (OUT, OUT), jnp.float32) * (1.0 / np.sqrt(OUT))
    inp['gf2'] = jnp.ones((OUT,), jnp.float32)
    inp['bf2'] = jnp.zeros((OUT,), jnp.float32)
    return inp


def reference(xyz, feat, W0_1, g0_1, b0_1, W0_2, g0_2, b0_2, W1_1, g1_1, b1_1, W1_2, g1_2, b1_2, Wf1, gf1, bf1, Wf2, gf2, bf2):
    b = xyz.shape[0]
    npoint = min(NPOINT, xyz.shape[1])
    idx_fps = _fps(xyz, npoint)
    bi = jnp.arange(b)[:, None]
    new_xyz = xyz[bi, idx_fps]  # (b, npoint, 3)
    bi3 = jnp.arange(b)[:, None, None]
    branches = [
        (RADII[0], NSAMPLES[0], W0_1, g0_1, b0_1, W0_2, g0_2, b0_2),
        (RADII[1], NSAMPLES[1], W1_1, g1_1, b1_1, W1_2, g1_2, b1_2),
    ]
    outs = []
    for r, k, Wa, ga, ba, Wb, gb, bb in branches:
        idx = _ball_query(r, k, xyz, new_xyz)  # (b, npoint, k)
        gx = xyz[bi3, idx]  # (b, npoint, k, 3)
        rel = gx - new_xyz[:, :, None, :]
        gf = feat[bi3, idx]  # (b, npoint, k, IN_CH)
        x = jnp.concatenate([rel, gf], axis=-1)
        x = jax.nn.relu(_bn(jnp.einsum('bmkc,oc->bmko', x, Wa), ga, ba, (0, 1, 2)))
        x = jax.nn.relu(_bn(jnp.einsum('bmkc,oc->bmko', x, Wb), gb, bb, (0, 1, 2)))
        x = jnp.max(x, axis=2)  # (b, npoint, OUT)
        outs.append(x)
    x = jnp.concatenate(outs, axis=-1)  # (b, npoint, 2*OUT)
    x = jax.nn.relu(_bn(jnp.einsum('bmc,oc->bmo', x, Wf1), gf1, bf1, (0, 1)))
    x = jax.nn.relu(_bn(jnp.einsum('bmc,oc->bmo', x, Wf2), gf2, bf2, (0, 1)))
    return (new_xyz, x)

if __name__ == "__main__":
    import jax
    _d = setup_inputs()
    print(jax.jit(kernel)(*tuple(_d.values())))

</pallas_src>

<mosaic_0001>
#map = affine_map<(d0, d1) -> (0)>
#map1 = affine_map<(d0, d1) -> (0, 0)>
module attributes {stable_mosaic.version = 14 : i64} {
  func.func @_sc_body(%arg0: i32, %arg1: i32, %arg2: memref<98304xf32, #tpu.memory_space<hbm>>, %arg3: memref<12288xf32, #tpu.memory_space<hbm>>, %arg4: memref<32768x64xf32, #tpu.memory_space<hbm>>, %arg5: memref<131072x64xf32, #tpu.memory_space<hbm>>, %arg6: memref<262144x64xf32, #tpu.memory_space<hbm>>, %arg7: memref<393216xf32, #tpu.memory_space<hbm>>, %arg8: memref<786432xf32, #tpu.memory_space<hbm>>, %arg9: memref<8192xf32, #tpu.memory_space<vmem>>, %arg10: memref<8192xf32, #tpu.memory_space<vmem>>, %arg11: memref<8192xf32, #tpu.memory_space<vmem>>, %arg12: memref<128xf32, #tpu.memory_space<vmem>>, %arg13: memref<128xf32, #tpu.memory_space<vmem>>, %arg14: memref<128xf32, #tpu.memory_space<vmem>>, %arg15: memref<4112xi32, #tpu.memory_space<vmem>>, %arg16: memref<8208xi32, #tpu.memory_space<vmem>>, %arg17: memref<4096xi32, #tpu.memory_space<vmem>>, %arg18: memref<8192xi32, #tpu.memory_space<vmem>>, %arg19: memref<12288xf32, #tpu.memory_space<vmem>>, %arg20: memref<24576xf32, #tpu.memory_space<vmem>>, %arg21: memref<256x64xf32, #tpu.memory_space<vmem>>, %arg22: memref<!tpu.dma_semaphore, #tpu.memory_space<semaphore_mem>>) attributes {dimension_semantics = [#tpu.dimension_semantics<core_parallel>, #tpu.dimension_semantics<subcore_parallel>], iteration_bounds = array<i64: 2, 16>, scalar_prefetch = 0 : i64, scratch_operands = 14 : i64, tpu.core_type = #tpu.core_type<sc_vector_subcore>, window_params = [{transform_indices = #map}, {transform_indices = #map}, {transform_indices = #map1}, {transform_indices = #map1}, {transform_indices = #map1}, {transform_indices = #map}, {transform_indices = #map}]} {
    %mul3A = arith.constant 2 : i32
    %mul3A_0 = arith.muli %arg1, %mul3A : i32
    %add3A = arith.addi %mul3A_0, %arg0 : i32
    %jit3A = arith.constant 8 : i32
    %div3A = arith.divsi %add3A, %jit3A : i32
    %sign3A = arith.constant 0 : i32
    %sign3A_1 = arith.cmpi sgt, %add3A, %sign3A : i32
    %sign3A_2 = arith.extui %sign3A_1 : i1 to i32
    %sign3A_3 = arith.constant 0 : i32
    %sign3A_4 = arith.cmpi slt, %add3A, %sign3A_3 : i32
    %sign3A_5 = arith.extui %sign3A_4 : i1 to i32
    %sign3A_6 = arith.subi %sign3A_2, %sign3A_5 : i32
    %sign3A_7 = arith.constant 0 : i32
    %sign3A_8 = arith.cmpi sgt, %jit3A, %sign3A_7 : i32
    %sign3A_9 = arith.extui %sign3A_8 : i1 to i32
    %sign3A_10 = arith.constant 0 : i32
    %sign3A_11 = arith.cmpi slt, %jit3A, %sign3A_10 : i32
    %sign3A_12 = arith.extui %sign3A_11 : i1 to i32
    %sign3A_13 = arith.subi %sign3A_9, %sign3A_12 : i32
    %ne3A = arith.cmpi ne, %sign3A_6, %sign3A_13 : i32
    %rem3A = arith.remsi %add3A, %jit3A : i32
    %ne3A_14 = arith.constant 0 : i32
    %ne3A_15 = arith.cmpi ne, %rem3A, %ne3A_14 : i32
    %and3A = arith.andi %ne3A, %ne3A_15 : i1
    %sub3A = arith.constant 1 : i32
    %sub3A_16 = arith.subi %div3A, %sub3A : i32
    %select_n3A = arith.select %and3A, %sub3A_16, %div3A : i32
    %jit3A_17 = arith.constant 8 : i32
    %eq3A = arith.constant 0 : i32
    %eq3A_18 = arith.cmpi eq, %jit3A_17, %eq3A : i32
    %jit3A_19 = arith.constant 1 : i32
    %select_n3A_20 = arith.select %eq3A_18, %jit3A_19, %jit3A_17 : i32
    %rem3A_21 = arith.remsi %add3A, %select_n3A_20 : i32
    %ne3A_22 = arith.constant 0 : i32
    %ne3A_23 = arith.cmpi ne, %rem3A_21, %ne3A_22 : i32
    %lt3A = arith.constant 0 : i32
    %lt3A_24 = arith.cmpi slt, %rem3A_21, %lt3A : i32
    %lt3A_25 = arith.constant 0 : i32
    %lt3A_26 = arith.cmpi slt, %select_n3A_20, %lt3A_25 : i32
    %ne3A_27 = arith.xori %lt3A_24, %lt3A_26 : i1
    %and3A_28 = arith.andi %ne3A_27, %ne3A_23 : i1
    %add3A_29 = arith.addi %rem3A_21, %select_n3A_20 : i32
    %select_n3A_30 = arith.select %and3A_28, %add3A_29, %rem3A_21 : i32
    %mul3A_31 = arith.constant 128 : i32
    %mul3A_32 = arith.muli %select_n3A_30, %mul3A_31 : i32
    %mul3A_33 = arith.constant 3 : i32
    %mul3A_34 = arith.muli %select_n3A, %mul3A_33 : i32
    %add3A_35 = arith.constant 0 : i32
    %add3A_36 = arith.addi %mul3A_34, %add3A_35 : i32
    %mul3A_37 = arith.constant 8192 : i32
    %mul3A_38 = arith.muli %add3A_36, %mul3A_37 : i32
    "tpu.region"() ({
      %run_scoped3A = tpu.sem_alloc : memref<!tpu.dma_semaphore, #tpu.memory_space<semaphore_mem>>
      %dma_start3A_909 = tpu.memref_slice %arg2[%mul3A_38] : memref<98304xf32, #tpu.memory_space<hbm>> -> memref<8192xf32, #tpu.memory_space<hbm>>
      %dma_start3A_910 = tpu.memref_slice %arg2[%mul3A_38] : memref<98304xf32, #tpu.memory_space<hbm>> -> memref<8192xf32, #tpu.memory_space<hbm>>
      tpu.enqueue_dma source(%dma_start3A_910 : memref<8192xf32, #tpu.memory_space<hbm>>) target(%arg9 : memref<8192xf32, #tpu.memory_space<vmem>>) target_semaphore(%run_scoped3A : memref<!tpu.dma_semaphore, #tpu.memory_space<semaphore_mem>>)
      %dma_wait3A_911 = tpu.memref_slice %arg2[%mul3A_38] : memref<98304xf32, #tpu.memory_space<hbm>> -> memref<8192xf32, #tpu.memory_space<hbm>>
      %dma_wait3A_912 = tpu.memref_slice %arg2[%mul3A_38] : memref<98304xf32, #tpu.memory_space<hbm>> -> memref<8192xf32, #tpu.memory_space<hbm>>
      tpu.wait_dma2 semaphore(%run_scoped3A : memref<!tpu.dma_semaphore, #tpu.memory_space<semaphore_mem>>) src(%dma_wait3A_912 : memref<8192xf32, #tpu.memory_space<hbm>>) dst(%arg9 : memref<8192xf32, #tpu.memory_space<vmem>>)
      tpu.yield
    }) : () -> ()
    %mul3A_39 = arith.constant 3 : i32
    %mul3A_40 = arith.muli %select_n3A, %mul3A_39 : i32
    %add3A_41 = arith.constant 1 : i32
    %add3A_42 = arith.addi %mul3A_40, %add3A_41 : i32
    %mul3A_43 = arith.constant 8192 : i32
    %mul3A_44 = arith.muli %add3A_42, %mul3A_43 : i32
    "tpu.region"() ({
      %run_scoped3A = tpu.sem_alloc : memref<!tpu.dma_semaphore, #tpu.memory_space<semaphore_mem>>
      %dma_start3A_909 = tpu.memref_slice %arg2[%mul3A_44] : memref<98304xf32, #tpu.memory_space<hbm>> -> memref<8192xf32, #tpu.memory_space<hbm>>
      %dma_start3A_910 = tpu.memref_slice %arg2[%mul3A_44] : memref<98304xf32, #tpu.memory_space<hbm>> -> memref<8192xf32, #tpu.memory_space<hbm>>
      tpu.enqueue_dma source(%dma_start3A_910 : memref<8192xf32, #tpu.memory_space<hbm>>) target(%arg10 : memref<8192xf32, #tpu.memory_space<vmem>>) target_semaphore(%run_scoped3A : memref<!tpu.dma_semaphore, #tpu.memory_space<semaphore_mem>>)
      %dma_wait3A_911 = tpu.memref_slice %arg2[%mul3A_44] : memref<98304xf32, #tpu.memory_space<hbm>> -> memref<8192xf32, #tpu.memory_space<hbm>>
      %dma_wait3A_912 = tpu.memref_slice %arg2[%mul3A_44] : memref<98304xf32, #tpu.memory_space<hbm>> -> memref<8192xf32, #tpu.memory_space<hbm>>
      tpu.wait_dma2 semaphore(%run_scoped3A : memref<!tpu.dma_semaphore, #tpu.memory_space<semaphore_mem>>) src(%dma_wait3A_912 : memref<8192xf32, #tpu.memory_space<hbm>>) dst(%arg10 : memref<8192xf32, #tpu.memory_space<vmem>>)
      tpu.yield
    }) : () -> ()
    %mul3A_45 = arith.constant 3 : i32
    %mul3A_46 = arith.muli %select_n3A, %mul3A_45 : i32
    %add3A_47 = arith.constant 2 : i32
    %add3A_48 = arith.addi %mul3A_46, %add3A_47 : i32
    %mul3A_49 = arith.constant 8192 : i32
    %mul3A_50 = arith.muli %add3A_48, %mul3A_49 : i32
    "tpu.region"() ({
      %run_scoped3A = tpu.sem_alloc : memref<!tpu.dma_semaphore, #tpu.memory_space<semaphore_mem>>
      %dma_start3A_909 = tpu.memref_slice %arg2[%mul3A_50] : memref<98304xf32, #tpu.memory_space<hbm>> -> memref<8192xf32, #tpu.memory_space<hbm>>
      %dma_start3A_910 = tpu.memref_slice %arg2[%mul3A_50] : memref<98304xf32, #tpu.memory_space<hbm>> -> memref<8192xf32, #tpu.memory_space<hbm>>
      tpu.enqueue_dma source(%dma_start3A_910 : memref<8192xf32, #tpu.memory_space<hbm>>) target(%arg11 : memref<8192xf32, #tpu.memory_space<vmem>>) target_semaphore(%run_scoped3A : memref<!tpu.dma_semaphore, #tpu.memory_space<semaphore_mem>>)
      %dma_wait3A_911 = tpu.memref_slice %arg2[%mul3A_50] : memref<98304xf32, #tpu.memory_space<hbm>> -> memref<8192xf32, #tpu.memory_space<hbm>>
      %dma_wait3A_912 = tpu.memref_slice %arg2[%mul3A_50] : memref<98304xf32, #tpu.memory_space<hbm>> -> memref<8192xf32, #tpu.memory_space<hbm>>
      tpu.wait_dma2 semaphore(%run_scoped3A : memref<!tpu.dma_semaphore, #tpu.memory_space<semaphore_mem>>) src(%dma_wait3A_912 : memref<8192xf32, #tpu.memory_space<hbm>>) dst(%arg11 : memref<8192xf32, #tpu.memory_space<vmem>>)
      tpu.yield
    }) : () -> ()
    %mul3A_51 = arith.constant 3 : i32
    %mul3A_52 = arith.muli %select_n3A, %mul3A_51 : i32
    %add3A_53 = arith.constant 0 : i32
    %add3A_54 = arith.addi %mul3A_52, %add3A_53 : i32
    %mul3A_55 = arith.constant 1024 : i32
    %mul3A_56 = arith.muli %add3A_54, %mul3A_55 : i32
    %add3A_57 = arith.addi %mul3A_56, %mul3A_32 : i32
    "tpu.region"() ({
      %run_scoped3A = tpu.sem_alloc : memref<!tpu.dma_semaphore, #tpu.memory_space<semaphore_mem>>
      %dma_start3A_909 = tpu.memref_slice %arg3[%add3A_57] : memref<12288xf32, #tpu.memory_space<hbm>> -> memref<128xf32, #tpu.memory_space<hbm>>
      %dma_start3A_910 = tpu.memref_slice %arg3[%add3A_57] : memref<12288xf32, #tpu.memory_space<hbm>> -> memref<128xf32, #tpu.memory_space<hbm>>
      tpu.enqueue_dma source(%dma_start3A_910 : memref<128xf32, #tpu.memory_space<hbm>>) target(%arg12 : memref<128xf32, #tpu.memory_space<vmem>>) target_semaphore(%run_scoped3A : memref<!tpu.dma_semaphore, #tpu.memory_space<semaphore_mem>>)
      %dma_wait3A_911 = tpu.memref_slice %arg3[%add3A_57] : memref<12288xf32, #tpu.memory_space<hbm>> -> memref<128xf32, #tpu.memory_space<hbm>>
      %dma_wait3A_912 = tpu.memref_slice %arg3[%add3A_57] : memref<12288xf32, #tpu.memory_space<hbm>> -> memref<128xf32, #tpu.memory_space<hbm>>
      tpu.wait_dma2 semaphore(%run_scoped3A : memref<!tpu.dma_semaphore, #tpu.memory_space<semaphore_mem>>) src(%dma_wait3A_912 : memref<128xf32, #tpu.memory_space<hbm>>) dst(%arg12 : memref<128xf32, #tpu.memory_space<vmem>>)
      tpu.yield
    }) : () -> ()
    %mul3A_58 = arith.constant 3 : i32
    %mul3A_59 = arith.muli %select_n3A, %mul3A_58 : i32
    %add3A_60 = arith.constant 1 : i32
    %add3A_61 = arith.addi %mul3A_59, %add3A_60 : i32
    %mul3A_62 = arith.constant 1024 : i32
    %mul3A_63 = arith.muli %add3A_61, %mul3A_62 : i32
    %add3A_64 = arith.addi %mul3A_63, %mul3A_32 : i32
    "tpu.region"() ({
      %run_scoped3A = tpu.sem_alloc : memref<!tpu.dma_semaphore, #tpu.memory_space<semaphore_mem>>
      %dma_start3A_909 = tpu.memref_slice %arg3[%add3A_64] : memref<12288xf32, #tpu.memory_space<hbm>> -> memref<128xf32, #tpu.memory_space<hbm>>
      %dma_start3A_910 = tpu.memref_slice %arg3[%add3A_64] : memref<12288xf32, #tpu.memory_space<hbm>> -> memref<128xf32, #tpu.memory_space<hbm>>
      tpu.enqueue_dma source(%dma_start3A_910 : memref<128xf32, #tpu.memory_space<hbm>>) target(%arg13 : memref<128xf32, #tpu.memory_space<vmem>>) target_semaphore(%run_scoped3A : memref<!tpu.dma_semaphore, #tpu.memory_space<semaphore_mem>>)
      %dma_wait3A_911 = tpu.memref_slice %arg3[%add3A_64] : memref<12288xf32, #tpu.memory_space<hbm>> -> memref<128xf32, #tpu.memory_space<hbm>>
      %dma_wait3A_912 = tpu.memref_slice %arg3[%add3A_64] : memref<12288xf32, #tpu.memory_space<hbm>> -> memref<128xf32, #tpu.memory_space<hbm>>
      tpu.wait_dma2 semaphore(%run_scoped3A : memref<!tpu.dma_semaphore, #tpu.memory_space<semaphore_mem>>) src(%dma_wait3A_912 : memref<128xf32, #tpu.memory_space<hbm>>) dst(%arg13 : memref<128xf32, #tpu.memory_space<vmem>>)
      tpu.yield
    }) : () -> ()
    %mul3A_65 = arith.constant 3 : i32
    %mul3A_66 = arith.muli %select_n3A, %mul3A_65 : i32
    %add3A_67 = arith.constant 2 : i32
    %add3A_68 = arith.addi %mul3A_66, %add3A_67 : i32
    %mul3A_69 = arith.constant 1024 : i32
    %mul3A_70 = arith.muli %add3A_68, %mul3A_69 : i32
    %add3A_71 = arith.addi %mul3A_70, %mul3A_32 : i32
    "tpu.region"() ({
      %run_scoped3A = tpu.sem_alloc : memref<!tpu.dma_semaphore, #tpu.memory_space<semaphore_mem>>
      %dma_start3A_909 = tpu.memref_slice %arg3[%add3A_71] : memref<12288xf32, #tpu.memory_space<hbm>> -> memref<128xf32, #tpu.memory_space<hbm>>
      %dma_start3A_910 = tpu.memref_slice %arg3[%add3A_71] : memref<12288xf32, #tpu.memory_space<hbm>> -> memref<128xf32, #tpu.memory_space<hbm>>
      tpu.enqueue_dma source(%dma_start3A_910 : memref<128xf32, #tpu.memory_space<hbm>>) target(%arg14 : memref<128xf32, #tpu.memory_space<vmem>>) target_semaphore(%run_scoped3A : memref<!tpu.dma_semaphore, #tpu.memory_space<semaphore_mem>>)
      %dma_wait3A_911 = tpu.memref_slice %arg3[%add3A_71] : memref<12288xf32, #tpu.memory_space<hbm>> -> memref<128xf32, #tpu.memory_space<hbm>>
      %dma_wait3A_912 = tpu.memref_slice %arg3[%add3A_71] : memref<12288xf32, #tpu.memory_space<hbm>> -> memref<128xf32, #tpu.memory_space<hbm>>
      tpu.wait_dma2 semaphore(%run_scoped3A : memref<!tpu.dma_semaphore, #tpu.memory_space<semaphore_mem>>) src(%dma_wait3A_912 : memref<128xf32, #tpu.memory_space<hbm>>) dst(%arg14 : memref<128xf32, #tpu.memory_space<vmem>>)
      tpu.yield
    }) : () -> ()
    %iota3A = tpu.iota {dimensions = array<i32: 0>} : vector<16xi32>
    %mul3A_72 = arith.constant 8192 : i32
    %mul3A_73 = arith.muli %select_n3A, %mul3A_72 : i32
    %scan3A = arith.constant 0 : i32
    %scan3A_74 = arith.constant 0.00999999977 : f32
    %scan3A_75 = arith.constant 4.000000e-02 : f32
    %scan3A_76 = arith.constant 0 : i32
    %scan3A_77 = arith.constant 128 : i32
    %scan3A_78 = arith.addi %scan3A_76, %scan3A_77 : i32
    %scan3A_79 = arith.constant 1 : i32
    scf.for %scan3A_909 = %scan3A_76 to %scan3A_78 step %scan3A_79  : i32 {
      %broadcast_in_dim3A = vector.broadcast %scan3A_909 : i32 to vector<16xi32>
      %gather3A = tpu.vector_load_idx %arg12[%broadcast_in_dim3A] : memref<128xf32, #tpu.memory_space<vmem>>[vector<16xi32>], vector<16xf32>,
      %gather3A_910 = tpu.vector_load_idx %arg13[%broadcast_in_dim3A] : memref<128xf32, #tpu.memory_space<vmem>>[vector<16xi32>], vector<16xf32>,
      %gather3A_911 = tpu.vector_load_idx %arg14[%broadcast_in_dim3A] : memref<128xf32, #tpu.memory_space<vmem>>[vector<16xi32>], vector<16xf32>,
      %mul3A_912 = arith.constant 32 : i32
      %mul3A_913 = arith.muli %scan3A_909, %mul3A_912 : i32
      %mul3A_914 = arith.constant 64 : i32
      %mul3A_915 = arith.muli %scan3A_909, %mul3A_914 : i32
      %broadcast_in_dim3A_916 = arith.constant 0 : i32
      %broadcast_in_dim3A_917 = vector.broadcast %broadcast_in_dim3A_916 : i32 to vector<16xi32>
      %parallel_loop3A = arith.constant 0 : i32
      %parallel_loop3A_918 = arith.constant 512 : i32
      %parallel_loop3A_919 = arith.constant 1 : i32
      %parallel_loop3A_920:2 = scf.for %parallel_loop3A_1163 = %parallel_loop3A to %parallel_loop3A_918 step %parallel_loop3A_919 iter_args(%parallel_loop3A_1164 = %broadcast_in_dim3A_917, %parallel_loop3A_1165 = %broadcast_in_dim3A_917) -> (vector<16xi32>, vector<16xi32>)  : i32 {
        %parallel_loop3A_1166 = arith.constant 16 : i32
        %parallel_loop3A_1167 = arith.muli %parallel_loop3A_1163, %parallel_loop3A_1166 : i32
        %parallel_loop3A_1168 = arith.index_cast %parallel_loop3A_1167 : i32 to index
        %parallel_loop3A_1169 = tpu.vector_load %arg9[%parallel_loop3A_1168] {strides = array<i32>} : memref<8192xf32, #tpu.memory_space<vmem>>, vector<16xf32>,
        %parallel_loop3A_1170 = arith.subf %parallel_loop3A_1169, %gather3A : vector<16xf32>
        %parallel_loop3A_1171 = arith.index_cast %parallel_loop3A_1167 : i32 to index
        %parallel_loop3A_1172 = tpu.vector_load %arg10[%parallel_loop3A_1171] {strides = array<i32>} : memref<8192xf32, #tpu.memory_space<vmem>>, vector<16xf32>,
        %parallel_loop3A_1173 = arith.subf %parallel_loop3A_1172, %gather3A_910 : vector<16xf32>
        %parallel_loop3A_1174 = arith.index_cast %parallel_loop3A_1167 : i32 to index
        %parallel_loop3A_1175 = tpu.vector_load %arg11[%parallel_loop3A_1174] {strides = array<i32>} : memref<8192xf32, #tpu.memory_space<vmem>>, vector<16xf32>,
        %parallel_loop3A_1176 = arith.subf %parallel_loop3A_1175, %gather3A_911 : vector<16xf32>
        %parallel_loop3A_1177 = arith.mulf %parallel_loop3A_1170, %parallel_loop3A_1170 : vector<16xf32>
        %parallel_loop3A_1178 = arith.mulf %parallel_loop3A_1173, %parallel_loop3A_1173 : vector<16xf32>
        %parallel_loop3A_1179 = arith.addf %parallel_loop3A_1177, %parallel_loop3A_1178 : vector<16xf32>
        %parallel_loop3A_1180 = arith.mulf %parallel_loop3A_1176, %parallel_loop3A_1176 : vector<16xf32>
        %parallel_loop3A_1181 = arith.addf %parallel_loop3A_1179, %parallel_loop3A_1180 : vector<16xf32>
        %parallel_loop3A_1182 = vector.broadcast %scan3A_74 : f32 to vector<16xf32>
        %parallel_loop3A_1183 = arith.cmpf olt, %parallel_loop3A_1181, %parallel_loop3A_1182 : vector<16xf32>
        %parallel_loop3A_1184 = vector.broadcast %scan3A_75 : f32 to vector<16xf32>
        %parallel_loop3A_1185 = arith.cmpf olt, %parallel_loop3A_1181, %parallel_loop3A_1184 : vector<16xf32>
        %parallel_loop3A_1186 = vector.broadcast %parallel_loop3A_1167 : i32 to vector<16xi32>
        %parallel_loop3A_1187 = arith.addi %iota3A, %parallel_loop3A_1186 : vector<16xi32>
        %parallel_loop3A_1188 = arith.extui %parallel_loop3A_1183 : vector<16xi1> to vector<16xi32>
        %parallel_loop3A_1189 = arith.constant true
        %parallel_loop3A_1190 = vector.broadcast %parallel_loop3A_1189 : i1 to vector<16xi1>
        %parallel_loop3A_1191 = tpu.scan <sum>, %parallel_loop3A_1188 masked %parallel_loop3A_1190 : vector<16xi32>, vector<16xi1> -> vector<16xi32>
        %parallel_loop3A_1192 = arith.extui %parallel_loop3A_1185 : vector<16xi1> to vector<16xi32>
        %parallel_loop3A_1193 = arith.constant true
        %parallel_loop3A_1194 = vector.broadcast %parallel_loop3A_1193 : i1 to vector<16xi1>
        %parallel_loop3A_1195 = tpu.scan <sum>, %parallel_loop3A_1192 masked %parallel_loop3A_1194 : vector<16xi32>, vector<16xi1> -> vector<16xi32>
        %parallel_loop3A_1196 = arith.constant 1 : i32
        %parallel_loop3A_1197 = vector.broadcast %parallel_loop3A_1196 : i32 to vector<16xi32>
        %parallel_loop3A_1198 = arith.subi %parallel_loop3A_1191, %parallel_loop3A_1197 : vector<16xi32>
        %parallel_loop3A_1199 = arith.addi %parallel_loop3A_1164, %parallel_loop3A_1198 : vector<16xi32>
        %parallel_loop3A_1200 = arith.constant 47 : i32
        %parallel_loop3A_1201 = vector.broadcast %parallel_loop3A_1200 : i32 to vector<16xi32>
        %parallel_loop3A_1202 = arith.minsi %parallel_loop3A_1199, %parallel_loop3A_1201 : vector<16xi32>
        %parallel_loop3A_1203 = vector.broadcast %mul3A_913 : i32 to vector<16xi32>
        %parallel_loop3A_1204 = arith.addi %parallel_loop3A_1202, %parallel_loop3A_1203 : vector<16xi32>
        %parallel_loop3A_1205 = arith.constant 1 : i32
        %parallel_loop3A_1206 = vector.broadcast %parallel_loop3A_1205 : i32 to vector<16xi32>
        %parallel_loop3A_1207 = arith.subi %parallel_loop3A_1195, %parallel_loop3A_1206 : vector<16xi32>
        %parallel_loop3A_1208 = arith.addi %parallel_loop3A_1165, %parallel_loop3A_1207 : vector<16xi32>
        %parallel_loop3A_1209 = arith.constant 79 : i32
        %parallel_loop3A_1210 = vector.broadcast %parallel_loop3A_1209 : i32 to vector<16xi32>
        %parallel_loop3A_1211 = arith.minsi %parallel_loop3A_1208, %parallel_loop3A_1210 : vector<16xi32>
        %parallel_loop3A_1212 = vector.broadcast %mul3A_915 : i32 to vector<16xi32>
        %parallel_loop3A_1213 = arith.addi %parallel_loop3A_1211, %parallel_loop3A_1212 : vector<16xi32>
        tpu.vector_store_idx %arg15[%parallel_loop3A_1204], %parallel_loop3A_1187 masked %parallel_loop3A_1183 : memref<4112xi32, #tpu.memory_space<vmem>>[vector<16xi32>], vector<16xi32>, vector<16xi1>
        tpu.vector_store_idx %arg16[%parallel_loop3A_1213], %parallel_loop3A_1187 masked %parallel_loop3A_1185 : memref<8208xi32, #tpu.memory_space<vmem>>[vector<16xi32>], vector<16xi32>, vector<16xi1>
        %parallel_loop3A_1214 = tpu.all_reduce %parallel_loop3A_1183 {dim = 0 : i64, kind = #tpu.reduction_kind<sum>} : vector<16xi1> -> vector<16xi32>
        %parallel_loop3A_1215 = arith.addi %parallel_loop3A_1164, %parallel_loop3A_1214 : vector<16xi32>
        %parallel_loop3A_1216 = tpu.all_reduce %parallel_loop3A_1185 {dim = 0 : i64, kind = #tpu.reduction_kind<sum>} : vector<16xi1> -> vector<16xi32>
        %parallel_loop3A_1217 = arith.addi %parallel_loop3A_1165, %parallel_loop3A_1216 : vector<16xi32>
        scf.yield %parallel_loop3A_1215, %parallel_loop3A_1217 : vector<16xi32>, vector<16xi32>
      } {sc.loop_unroll_factor = 4 : i64, sc.parallel_access}
      %reduce_max3A = arith.constant true
      %reduce_max3A_921 = vector.broadcast %reduce_max3A : i1 to vector<16xi1>
      %reduce_max3A_922 = arith.constant -2147483648 : i32
      %reduce_max3A_923 = vector.broadcast %reduce_max3A_922 : i32 to vector<16xi32>
      %reduce_max3A_924 = arith.xori %parallel_loop3A_920#0, %reduce_max3A_923 : vector<16xi32>
      %reduce_max3A_925 = tpu.scan <max>, %reduce_max3A_924 masked %reduce_max3A_921 : vector<16xi32>, vector<16xi1> -> vector<16xi32>
      %reduce_max3A_926 = arith.xori %reduce_max3A_925, %reduce_max3A_923 : vector<16xi32>
      %reduce_max3A_927 = vector.extract %reduce_max3A_926[15] : i32 from vector<16xi32>
      %reduce_max3A_928 = arith.constant true
      %reduce_max3A_929 = vector.broadcast %reduce_max3A_928 : i1 to vector<16xi1>
      %reduce_max3A_930 = arith.constant -2147483648 : i32
      %reduce_max3A_931 = vector.broadcast %reduce_max3A_930 : i32 to vector<16xi32>
      %reduce_max3A_932 = arith.xori %parallel_loop3A_920#1, %reduce_max3A_931 : vector<16xi32>
      %reduce_max3A_933 = tpu.scan <max>, %reduce_max3A_932 masked %reduce_max3A_929 : vector<16xi32>, vector<16xi1> -> vector<16xi32>
      %reduce_max3A_934 = arith.xori %reduce_max3A_933, %reduce_max3A_931 : vector<16xi32>
      %reduce_max3A_935 = vector.extract %reduce_max3A_934[15] : i32 from vector<16xi32>
      %min3A = arith.constant 32 : i32
      %min3A_936 = arith.minsi %reduce_max3A_927, %min3A : i32
      %broadcast_in_dim3A_937 = vector.broadcast %mul3A_913 : i32 to vector<16xi32>
      %gather3A_938 = tpu.vector_load_idx %arg15[%broadcast_in_dim3A_937] : memref<4112xi32, #tpu.memory_space<vmem>>[vector<16xi32>], vector<16xi32>,
      %add3A_939 = arith.constant 0 : i32
      %add3A_940 = vector.broadcast %add3A_939 : i32 to vector<16xi32>
      %add3A_941 = arith.addi %iota3A, %add3A_940 : vector<16xi32>
      %add3A_942 = arith.constant 0 : i32
      %add3A_943 = arith.addi %mul3A_913, %add3A_942 : i32
      %get3A = arith.index_cast %add3A_943 : i32 to index
      %get3A_944 = tpu.vector_load %arg15[%get3A] {strides = array<i32>} : memref<4112xi32, #tpu.memory_space<vmem>>, vector<16xi32>,
      %lt3A_945 = vector.broadcast %min3A_936 : i32 to vector<16xi32>
      %lt3A_946 = arith.cmpi slt, %add3A_941, %lt3A_945 : vector<16xi32>
      %select_n3A_947 = arith.select %lt3A_946, %get3A_944, %gather3A_938 : vector<16xi1>, vector<16xi32>
      %add3A_948 = vector.broadcast %mul3A_73 : i32 to vector<16xi32>
      %add3A_949 = arith.addi %select_n3A_947, %add3A_948 : vector<16xi32>
      %add3A_950 = arith.constant 0 : i32
      %add3A_951 = arith.addi %mul3A_913, %add3A_950 : i32
      %swap3A = arith.index_cast %add3A_951 : i32 to index
      %swap3A_952 = tpu.vector_load %arg17[%swap3A] {strides = array<i32>} : memref<4096xi32, #tpu.memory_space<vmem>>, vector<16xi32>,
      tpu.vector_store %arg17[%swap3A], %add3A_949 {strides = array<i32>} : memref<4096xi32, #tpu.memory_space<vmem>>, vector<16xi32>,
      %gather3A_953 = tpu.vector_load_idx %arg9[%select_n3A_947] : memref<8192xf32, #tpu.memory_space<vmem>>[vector<16xi32>], vector<16xf32>,
      %sub3A_954 = arith.subf %gather3A_953, %gather3A : vector<16xf32>
      %gather3A_955 = tpu.vector_load_idx %arg10[%select_n3A_947] : memref<8192xf32, #tpu.memory_space<vmem>>[vector<16xi32>], vector<16xf32>,
      %sub3A_956 = arith.subf %gather3A_955, %gather3A_910 : vector<16xf32>
      %gather3A_957 = tpu.vector_load_idx %arg11[%select_n3A_947] : memref<8192xf32, #tpu.memory_space<vmem>>[vector<16xi32>], vector<16xf32>,
      %sub3A_958 = arith.subf %gather3A_957, %gather3A_911 : vector<16xf32>
      %mul3A_959 = arith.constant 3 : i32
      %mul3A_960 = vector.broadcast %mul3A_959 : i32 to vector<16xi32>
      %mul3A_961 = arith.muli %iota3A, %mul3A_960 : vector<16xi32>
      %add3A_962 = arith.constant 0 : i32
      %add3A_963 = arith.addi %mul3A_913, %add3A_962 : i32
      %mul3A_964 = arith.constant 3 : i32
      %mul3A_965 = arith.muli %add3A_963, %mul3A_964 : i32
      %add3A_966 = vector.broadcast %mul3A_965 : i32 to vector<16xi32>
      %add3A_967 = arith.addi %mul3A_961, %add3A_966 : vector<16xi32>
      tpu.vector_store_idx %arg19[%add3A_967], %sub3A_954 : memref<12288xf32, #tpu.memory_space<vmem>>[vector<16xi32>], vector<16xf32>,
      %add3A_968 = arith.constant 1 : i32
      %add3A_969 = vector.broadcast %add3A_968 : i32 to vector<16xi32>
      %add3A_970 = arith.addi %add3A_967, %add3A_969 : vector<16xi32>
      tpu.vector_store_idx %arg19[%add3A_970], %sub3A_956 : memref<12288xf32, #tpu.memory_space<vmem>>[vector<16xi32>], vector<16xf32>,
      %add3A_971 = arith.constant 2 : i32
      %add3A_972 = vector.broadcast %add3A_971 : i32 to vector<16xi32>
      %add3A_973 = arith.addi %add3A_967, %add3A_972 : vector<16xi32>
      tpu.vector_store_idx %arg19[%add3A_973], %sub3A_958 : memref<12288xf32, #tpu.memory_space<vmem>>[vector<16xi32>], vector<16xf32>,
      %add3A_974 = arith.constant 16 : i32
      %add3A_975 = vector.broadcast %add3A_974 : i32 to vector<16xi32>
      %add3A_976 = arith.addi %iota3A, %add3A_975 : vector<16xi32>
      %add3A_977 = arith.constant 16 : i32
      %add3A_978 = arith.addi %mul3A_913, %add3A_977 : i32
      %get3A_979 = arith.index_cast %add3A_978 : i32 to index
      %get3A_980 = tpu.vector_load %arg15[%get3A_979] {strides = array<i32>} : memref<4112xi32, #tpu.memory_space<vmem>>, vector<16xi32>,
      %lt3A_981 = vector.broadcast %min3A_936 : i32 to vector<16xi32>
      %lt3A_982 = arith.cmpi slt, %add3A_976, %lt3A_981 : vector<16xi32>
      %select_n3A_983 = arith.select %lt3A_982, %get3A_980, %gather3A_938 : vector<16xi1>, vector<16xi32>
      %add3A_984 = vector.broadcast %mul3A_73 : i32 to vector<16xi32>
      %add3A_985 = arith.addi %select_n3A_983, %add3A_984 : vector<16xi32>
      %add3A_986 = arith.constant 16 : i32
      %add3A_987 = arith.addi %mul3A_913, %add3A_986 : i32
      %swap3A_988 = arith.index_cast %add3A_987 : i32 to index
      %swap3A_989 = tpu.vector_load %arg17[%swap3A_988] {strides = array<i32>} : memref<4096xi32, #tpu.memory_space<vmem>>, vector<16xi32>,
      tpu.vector_store %arg17[%swap3A_988], %add3A_985 {strides = array<i32>} : memref<4096xi32, #tpu.memory_space<vmem>>, vector<16xi32>,
      %gather3A_990 = tpu.vector_load_idx %arg9[%select_n3A_983] : memref<8192xf32, #tpu.memory_space<vmem>>[vector<16xi32>], vector<16xf32>,
      %sub3A_991 = arith.subf %gather3A_990, %gather3A : vector<16xf32>
      %gather3A_992 = tpu.vector_load_idx %arg10[%select_n3A_983] : memref<8192xf32, #tpu.memory_space<vmem>>[vector<16xi32>], vector<16xf32>,
      %sub3A_993 = arith.subf %gather3A_992, %gather3A_910 : vector<16xf32>
      %gather3A_994 = tpu.vector_load_idx %arg11[%select_n3A_983] : memref<8192xf32, #tpu.memory_space<vmem>>[vector<16xi32>], vector<16xf32>,
      %sub3A_995 = arith.subf %gather3A_994, %gather3A_911 : vector<16xf32>
      %mul3A_996 = arith.constant 3 : i32
      %mul3A_997 = vector.broadcast %mul3A_996 : i32 to vector<16xi32>
      %mul3A_998 = arith.muli %iota3A, %mul3A_997 : vector<16xi32>
      %add3A_999 = arith.constant 16 : i32
      %add3A_1000 = arith.addi %mul3A_913, %add3A_999 : i32
      %mul3A_1001 = arith.constant 3 : i32
      %mul3A_1002 = arith.muli %add3A_1000, %mul3A_1001 : i32
      %add3A_1003 = vector.broadcast %mul3A_1002 : i32 to vector<16xi32>
      %add3A_1004 = arith.addi %mul3A_998, %add3A_1003 : vector<16xi32>
      tpu.vector_store_idx %arg19[%add3A_1004], %sub3A_991 : memref<12288xf32, #tpu.memory_space<vmem>>[vector<16xi32>], vector<16xf32>,
      %add3A_1005 = arith.constant 1 : i32
      %add3A_1006 = vector.broadcast %add3A_1005 : i32 to vector<16xi32>
      %add3A_1007 = arith.addi %add3A_1004, %add3A_1006 : vector<16xi32>
      tpu.vector_store_idx %arg19[%add3A_1007], %sub3A_993 : memref<12288xf32, #tpu.memory_space<vmem>>[vector<16xi32>], vector<16xf32>,
      %add3A_1008 = arith.constant 2 : i32
      %add3A_1009 = vector.broadcast %add3A_1008 : i32 to vector<16xi32>
      %add3A_1010 = arith.addi %add3A_1004, %add3A_1009 : vector<16xi32>
      tpu.vector_store_idx %arg19[%add3A_1010], %sub3A_995 : memref<12288xf32, #tpu.memory_space<vmem>>[vector<16xi32>], vector<16xf32>,
      %min3A_1011 = arith.constant 64 : i32
      %min3A_1012 = arith.minsi %reduce_max3A_935, %min3A_1011 : i32
      %broadcast_in_dim3A_1013 = vector.broadcast %mul3A_915 : i32 to vector<16xi32>
      %gather3A_1014 = tpu.vector_load_idx %arg16[%broadcast_in_dim3A_1013] : memref<8208xi32, #tpu.memory_space<vmem>>[vector<16xi32>], vector<16xi32>,
      %add3A_1015 = arith.constant 0 : i32
      %add3A_1016 = vector.broadcast %add3A_1015 : i32 to vector<16xi32>
      %add3A_1017 = arith.addi %iota3A, %add3A_1016 : vector<16xi32>
      %add3A_1018 = arith.constant 0 : i32
      %add3A_1019 = arith.addi %mul3A_915, %add3A_1018 : i32
      %get3A_1020 = arith.index_cast %add3A_1019 : i32 to index
      %get3A_1021 = tpu.vector_load %arg16[%get3A_1020] {strides = array<i32>} : memref<8208xi32, #tpu.memory_space<vmem>>, vector<16xi32>,
      %lt3A_1022 = vector.broadcast %min3A_1012 : i32 to vector<16xi32>
      %lt3A_1023 = arith.cmpi slt, %add3A_1017, %lt3A_1022 : vector<16xi32>
      %select_n3A_1024 = arith.select %lt3A_1023, %get3A_1021, %gather3A_1014 : vector<16xi1>, vector<16xi32>
      %add3A_1025 = vector.broadcast %mul3A_73 : i32 to vector<16xi32>
      %add3A_1026 = arith.addi %select_n3A_1024, %add3A_1025 : vector<16xi32>
      %add3A_1027 = arith.constant 0 : i32
      %add3A_1028 = arith.addi %mul3A_915, %add3A_1027 : i32
      %swap3A_1029 = arith.index_cast %add3A_1028 : i32 to index
      %swap3A_1030 = tpu.vector_load %arg18[%swap3A_1029] {strides = array<i32>} : memref<8192xi32, #tpu.memory_space<vmem>>, vector<16xi32>,
      tpu.vector_store %arg18[%swap3A_1029], %add3A_1026 {strides = array<i32>} : memref<8192xi32, #tpu.memory_space<vmem>>, vector<16xi32>,
      %gather3A_1031 = tpu.vector_load_idx %arg9[%select_n3A_1024] : memref<8192xf32, #tpu.memory_space<vmem>>[vector<16xi32>], vector<16xf32>,
      %sub3A_1032 = arith.subf %gather3A_1031, %gather3A : vector<16xf32>
      %gather3A_1033 = tpu.vector_load_idx %arg10[%select_n3A_1024] : memref<8192xf32, #tpu.memory_space<vmem>>[vector<16xi32>], vector<16xf32>,
      %sub3A_1034 = arith.subf %gather3A_1033, %gather3A_910 : vector<16xf32>
      %gather3A_1035 = tpu.vector_load_idx %arg11[%select_n3A_1024] : memref<8192xf32, #tpu.memory_space<vmem>>[vector<16xi32>], vector<16xf32>,
      %sub3A_1036 = arith.subf %gather3A_1035, %gather3A_911 : vector<16xf32>
      %mul3A_1037 = arith.constant 3 : i32
      %mul3A_1038 = vector.broadcast %mul3A_1037 : i32 to vector<16xi32>
      %mul3A_1039 = arith.muli %iota3A, %mul3A_1038 : vector<16xi32>
      %add3A_1040 = arith.constant 0 : i32
      %add3A_1041 = arith.addi %mul3A_915, %add3A_1040 : i32
      %mul3A_1042 = arith.constant 3 : i32
      %mul3A_1043 = arith.muli %add3A_1041, %mul3A_1042 : i32
      %add3A_1044 = vector.broadcast %mul3A_1043 : i32 to vector<16xi32>
      %add3A_1045 = arith.addi %mul3A_1039, %add3A_1044 : vector<16xi32>
      tpu.vector_store_idx %arg20[%add3A_1045], %sub3A_1032 : memref<24576xf32, #tpu.memory_space<vmem>>[vector<16xi32>], vector<16xf32>,
      %add3A_1046 = arith.constant 1 : i32
      %add3A_1047 = vector.broadcast %add3A_1046 : i32 to vector<16xi32>
      %add3A_1048 = arith.addi %add3A_1045, %add3A_1047 : vector<16xi32>
      tpu.vector_store_idx %arg20[%add3A_1048], %sub3A_1034 : memref<24576xf32, #tpu.memory_space<vmem>>[vector<16xi32>], vector<16xf32>,
      %add3A_1049 = arith.constant 2 : i32
      %add3A_1050 = vector.broadcast %add3A_1049 : i32 to vector<16xi32>
      %add3A_1051 = arith.addi %add3A_1045, %add3A_1050 : vector<16xi32>
      tpu.vector_store_idx %arg20[%add3A_1051], %sub3A_1036 : memref<24576xf32, #tpu.memory_space<vmem>>[vector<16xi32>], vector<16xf32>,
      %add3A_1052 = arith.constant 16 : i32
      %add3A_1053 = vector.broadcast %add3A_1052 : i32 to vector<16xi32>
      %add3A_1054 = arith.addi %iota3A, %add3A_1053 : vector<16xi32>
      %add3A_1055 = arith.constant 16 : i32
      %add3A_1056 = arith.addi %mul3A_915, %add3A_1055 : i32
      %get3A_1057 = arith.index_cast %add3A_1056 : i32 to index
      %get3A_1058 = tpu.vector_load %arg16[%get3A_1057] {strides = array<i32>} : memref<8208xi32, #tpu.memory_space<vmem>>, vector<16xi32>,
      %lt3A_1059 = vector.broadcast %min3A_1012 : i32 to vector<16xi32>
      %lt3A_1060 = arith.cmpi slt, %add3A_1054, %lt3A_1059 : vector<16xi32>
      %select_n3A_1061 = arith.select %lt3A_1060, %get3A_1058, %gather3A_1014 : vector<16xi1>, vector<16xi32>
      %add3A_1062 = vector.broadcast %mul3A_73 : i32 to vector<16xi32>
      %add3A_1063 = arith.addi %select_n3A_1061, %add3A_1062 : vector<16xi32>
      %add3A_1064 = arith.constant 16 : i32
      %add3A_1065 = arith.addi %mul3A_915, %add3A_1064 : i32
      %swap3A_1066 = arith.index_cast %add3A_1065 : i32 to index
      %swap3A_1067 = tpu.vector_load %arg18[%swap3A_1066] {strides = array<i32>} : memref<8192xi32, #tpu.memory_space<vmem>>, vector<16xi32>,
      tpu.vector_store %arg18[%swap3A_1066], %add3A_1063 {strides = array<i32>} : memref<8192xi32, #tpu.memory_space<vmem>>, vector<16xi32>,
      %gather3A_1068 = tpu.vector_load_idx %arg9[%select_n3A_1061] : memref<8192xf32, #tpu.memory_space<vmem>>[vector<16xi32>], vector<16xf32>,
      %sub3A_1069 = arith.subf %gather3A_1068, %gather3A : vector<16xf32>
      %gather3A_1070 = tpu.vector_load_idx %arg10[%select_n3A_1061] : memref<8192xf32, #tpu.memory_space<vmem>>[vector<16xi32>], vector<16xf32>,
      %sub3A_1071 = arith.subf %gather3A_1070, %gather3A_910 : vector<16xf32>
      %gather3A_1072 = tpu.vector_load_idx %arg11[%select_n3A_1061] : memref<8192xf32, #tpu.memory_space<vmem>>[vector<16xi32>], vector<16xf32>,
      %sub3A_1073 = arith.subf %gather3A_1072, %gather3A_911 : vector<16xf32>
      %mul3A_1074 = arith.constant 3 : i32
      %mul3A_1075 = vector.broadcast %mul3A_1074 : i32 to vector<16xi32>
      %mul3A_1076 = arith.muli %iota3A, %mul3A_1075 : vector<16xi32>
      %add3A_1077 = arith.constant 16 : i32
      %add3A_1078 = arith.addi %mul3A_915, %add3A_1077 : i32
      %mul3A_1079 = arith.constant 3 : i32
      %mul3A_1080 = arith.muli %add3A_1078, %mul3A_1079 : i32
      %add3A_1081 = vector.broadcast %mul3A_1080 : i32 to vector<16xi32>
      %add3A_1082 = arith.addi %mul3A_1076, %add3A_1081 : vector<16xi32>
      tpu.vector_store_idx %arg20[%add3A_1082], %sub3A_1069 : memref<24576xf32, #tpu.memory_space<vmem>>[vector<16xi32>], vector<16xf32>,
      %add3A_1083 = arith.constant 1 : i32
      %add3A_1084 = vector.broadcast %add3A_1083 : i32 to vector<16xi32>
      %add3A_1085 = arith.addi %add3A_1082, %add3A_1084 : vector<16xi32>
      tpu.vector_store_idx %arg20[%add3A_1085], %sub3A_1071 : memref<24576xf32, #tpu.memory_space<vmem>>[vector<16xi32>], vector<16xf32>,
      %add3A_1086 = arith.constant 2 : i32
      %add3A_1087 = vector.broadcast %add3A_1086 : i32 to vector<16xi32>
      %add3A_1088 = arith.addi %add3A_1082, %add3A_1087 : vector<16xi32>
      tpu.vector_store_idx %arg20[%add3A_1088], %sub3A_1073 : memref<24576xf32, #tpu.memory_space<vmem>>[vector<16xi32>], vector<16xf32>,
      %add3A_1089 = arith.constant 32 : i32
      %add3A_1090 = vector.broadcast %add3A_1089 : i32 to vector<16xi32>
      %add3A_1091 = arith.addi %iota3A, %add3A_1090 : vector<16xi32>
      %add3A_1092 = arith.constant 32 : i32
      %add3A_1093 = arith.addi %mul3A_915, %add3A_1092 : i32
      %get3A_1094 = arith.index_cast %add3A_1093 : i32 to index
      %get3A_1095 = tpu.vector_load %arg16[%get3A_1094] {strides = array<i32>} : memref<8208xi32, #tpu.memory_space<vmem>>, vector<16xi32>,
      %lt3A_1096 = vector.broadcast %min3A_1012 : i32 to vector<16xi32>
      %lt3A_1097 = arith.cmpi slt, %add3A_1091, %lt3A_1096 : vector<16xi32>
      %select_n3A_1098 = arith.select %lt3A_1097, %get3A_1095, %gather3A_1014 : vector<16xi1>, vector<16xi32>
      %add3A_1099 = vector.broadcast %mul3A_73 : i32 to vector<16xi32>
      %add3A_1100 = arith.addi %select_n3A_1098, %add3A_1099 : vector<16xi32>
      %add3A_1101 = arith.constant 32 : i32
      %add3A_1102 = arith.addi %mul3A_915, %add3A_1101 : i32
      %swap3A_1103 = arith.index_cast %add3A_1102 : i32 to index
      %swap3A_1104 = tpu.vector_load %arg18[%swap3A_1103] {strides = array<i32>} : memref<8192xi32, #tpu.memory_space<vmem>>, vector<16xi32>,
      tpu.vector_store %arg18[%swap3A_1103], %add3A_1100 {strides = array<i32>} : memref<8192xi32, #tpu.memory_space<vmem>>, vector<16xi32>,
      %gather3A_1105 = tpu.vector_load_idx %arg9[%select_n3A_1098] : memref<8192xf32, #tpu.memory_space<vmem>>[vector<16xi32>], vector<16xf32>,
      %sub3A_1106 = arith.subf %gather3A_1105, %gather3A : vector<16xf32>
      %gather3A_1107 = tpu.vector_load_idx %arg10[%select_n3A_1098] : memref<8192xf32, #tpu.memory_space<vmem>>[vector<16xi32>], vector<16xf32>,
      %sub3A_1108 = arith.subf %gather3A_1107, %gather3A_910 : vector<16xf32>
      %gather3A_1109 = tpu.vector_load_idx %arg11[%select_n3A_1098] : memref<8192xf32, #tpu.memory_space<vmem>>[vector<16xi32>], vector<16xf32>,
      %sub3A_1110 = arith.subf %gather3A_1109, %gather3A_911 : vector<16xf32>
      %mul3A_1111 = arith.constant 3 : i32
      %mul3A_1112 = vector.broadcast %mul3A_1111 : i32 to vector<16xi32>
      %mul3A_1113 = arith.muli %iota3A, %mul3A_1112 : vector<16xi32>
      %add3A_1114 = arith.constant 32 : i32
      %add3A_1115 = arith.addi %mul3A_915, %add3A_1114 : i32
      %mul3A_1116 = arith.constant 3 : i32
      %mul3A_1117 = arith.muli %add3A_1115, %mul3A_1116 : i32
      %add3A_1118 = vector.broadcast %mul3A_1117 : i32 to vector<16xi32>
      %add3A_1119 = arith.addi %mul3A_1113, %add3A_1118 : vector<16xi32>
      tpu.vector_store_idx %arg20[%add3A_1119], %sub3A_1106 : memref<24576xf32, #tpu.memory_space<vmem>>[vector<16xi32>], vector<16xf32>,
      %add3A_1120 = arith.constant 1 : i32
      %add3A_1121 = vector.broadcast %add3A_1120 : i32 to vector<16xi32>
      %add3A_1122 = arith.addi %add3A_1119, %add3A_1121 : vector<16xi32>
      tpu.vector_store_idx %arg20[%add3A_1122], %sub3A_1108 : memref<24576xf32, #tpu.memory_space<vmem>>[vector<16xi32>], vector<16xf32>,
      %add3A_1123 = arith.constant 2 : i32
      %add3A_1124 = vector.broadcast %add3A_1123 : i32 to vector<16xi32>
      %add3A_1125 = arith.addi %add3A_1119, %add3A_1124 : vector<16xi32>
      tpu.vector_store_idx %arg20[%add3A_1125], %sub3A_1110 : memref<24576xf32, #tpu.memory_space<vmem>>[vector<16xi32>], vector<16xf32>,
      %add3A_1126 = arith.constant 48 : i32
      %add3A_1127 = vector.broadcast %add3A_1126 : i32 to vector<16xi32>
      %add3A_1128 = arith.addi %iota3A, %add3A_1127 : vector<16xi32>
      %add3A_1129 = arith.constant 48 : i32
      %add3A_1130 = arith.addi %mul3A_915, %add3A_1129 : i32
      %get3A_1131 = arith.index_cast %add3A_1130 : i32 to index
      %get3A_1132 = tpu.vector_load %arg16[%get3A_1131] {strides = array<i32>} : memref<8208xi32, #tpu.memory_space<vmem>>, vector<16xi32>,
      %lt3A_1133 = vector.broadcast %min3A_1012 : i32 to vector<16xi32>
      %lt3A_1134 = arith.cmpi slt, %add3A_1128, %lt3A_1133 : vector<16xi32>
      %select_n3A_1135 = arith.select %lt3A_1134, %get3A_1132, %gather3A_1014 : vector<16xi1>, vector<16xi32>
      %add3A_1136 = vector.broadcast %mul3A_73 : i32 to vector<16xi32>
      %add3A_1137 = arith.addi %select_n3A_1135, %add3A_1136 : vector<16xi32>
      %add3A_1138 = arith.constant 48 : i32
      %add3A_1139 = arith.addi %mul3A_915, %add3A_1138 : i32
      %swap3A_1140 = arith.index_cast %add3A_1139 : i32 to index
      %swap3A_1141 = tpu.vector_load %arg18[%swap3A_1140] {strides = array<i32>} : memref<8192xi32, #tpu.memory_space<vmem>>, vector<16xi32>,
      tpu.vector_store %arg18[%swap3A_1140], %add3A_1137 {strides = array<i32>} : memref<8192xi32, #tpu.memory_space<vmem>>, vector<16xi32>,
      %gather3A_1142 = tpu.vector_load_idx %arg9[%select_n3A_1135] : memref<8192xf32, #tpu.memory_space<vmem>>[vector<16xi32>], vector<16xf32>,
      %sub3A_1143 = arith.subf %gather3A_1142, %gather3A : vector<16xf32>
      %gather3A_1144 = tpu.vector_load_idx %arg10[%select_n3A_1135] : memref<8192xf32, #tpu.memory_space<vmem>>[vector<16xi32>], vector<16xf32>,
      %sub3A_1145 = arith.subf %gather3A_1144, %gather3A_910 : vector<16xf32>
      %gather3A_1146 = tpu.vector_load_idx %arg11[%select_n3A_1135] : memref<8192xf32, #tpu.memory_space<vmem>>[vector<16xi32>], vector<16xf32>,
      %sub3A_1147 = arith.subf %gather3A_1146, %gather3A_911 : vector<16xf32>
      %mul3A_1148 = arith.constant 3 : i32
      %mul3A_1149 = vector.broadcast %mul3A_1148 : i32 to vector<16xi32>
      %mul3A_1150 = arith.muli %iota3A, %mul3A_1149 : vector<16xi32>
      %add3A_1151 = arith.constant 48 : i32
      %add3A_1152 = arith.addi %mul3A_915, %add3A_1151 : i32
      %mul3A_1153 = arith.constant 3 : i32
      %mul3A_1154 = arith.muli %add3A_1152, %mul3A_1153 : i32
      %add3A_1155 = vector.broadcast %mul3A_1154 : i32 to vector<16xi32>
      %add3A_1156 = arith.addi %mul3A_1150, %add3A_1155 : vector<16xi32>
      tpu.vector_store_idx %arg20[%add3A_1156], %sub3A_1143 : memref<24576xf32, #tpu.memory_space<vmem>>[vector<16xi32>], vector<16xf32>,
      %add3A_1157 = arith.constant 1 : i32
      %add3A_1158 = vector.broadcast %add3A_1157 : i32 to vector<16xi32>
      %add3A_1159 = arith.addi %add3A_1156, %add3A_1158 : vector<16xi32>
      tpu.vector_store_idx %arg20[%add3A_1159], %sub3A_1145 : memref<24576xf32, #tpu.memory_space<vmem>>[vector<16xi32>], vector<16xf32>,
      %add3A_1160 = arith.constant 2 : i32
      %add3A_1161 = vector.broadcast %add3A_1160 : i32 to vector<16xi32>
      %add3A_1162 = arith.addi %add3A_1156, %add3A_1161 : vector<16xi32>
      tpu.vector_store_idx %arg20[%add3A_1162], %sub3A_1147 : memref<24576xf32, #tpu.memory_space<vmem>>[vector<16xi32>], vector<16xf32>,
    }
    %scan3A_80 = arith.constant 128 : i32
    %dma_start3A = arith.constant 0 : i32
    %dma_start3A_81 = tpu.memref_slice %arg17[%dma_start3A] : memref<4096xi32, #tpu.memory_space<vmem>> -> memref<256xi32, #tpu.memory_space<vmem>>
    %dma_start3A_82 = arith.constant 0 : i32
    %dma_start3A_83 = arith.constant 0 : i32
    %dma_start3A_84 = tpu.memref_slice %arg4[%dma_start3A_82, %dma_start3A_83] : memref<32768x64xf32, #tpu.memory_space<hbm>> -> memref<32768x64xf32, #tpu.memory_space<hbm>>
    tpu.enqueue_indirect_dma source(%dma_start3A_84 : memref<32768x64xf32, #tpu.memory_space<hbm>>) target(%arg21 : memref<256x64xf32, #tpu.memory_space<vmem>>) offsets(%dma_start3A_81 : memref<256xi32, #tpu.memory_space<vmem>>) semaphore(%arg22 : memref<!tpu.dma_semaphore, #tpu.memory_space<semaphore_mem>>)
    %dma_wait3A = arith.constant 0 : i32
    %dma_wait3A_85 = tpu.memref_slice %arg17[%dma_wait3A] : memref<4096xi32, #tpu.memory_space<vmem>> -> memref<256xi32, #tpu.memory_space<vmem>>
    %dma_wait3A_86 = arith.constant 0 : i32
    %dma_wait3A_87 = arith.constant 0 : i32
    %dma_wait3A_88 = tpu.memref_slice %arg4[%dma_wait3A_86, %dma_wait3A_87] : memref<32768x64xf32, #tpu.memory_space<hbm>> -> memref<32768x64xf32, #tpu.memory_space<hbm>>
    tpu.wait_indirect_dma semaphore(%arg22 : memref<!tpu.dma_semaphore, #tpu.memory_space<semaphore_mem>>) src(%dma_wait3A_88 : memref<32768x64xf32, #tpu.memory_space<hbm>>) dst(%arg21 : memref<256x64xf32, #tpu.memory_space<vmem>>)
    %mul3A_89 = arith.constant 1024 : i32
    %mul3A_90 = arith.muli %select_n3A, %mul3A_89 : i32
    %add3A_91 = arith.addi %mul3A_90, %mul3A_32 : i32
    %mul3A_92 = arith.constant 32 : i32
    %mul3A_93 = arith.muli %add3A_91, %mul3A_92 : i32
    %add3A_94 = arith.constant 0 : i32
    %add3A_95 = arith.addi %mul3A_93, %add3A_94 : i32
    "tpu.region"() ({
      %run_scoped3A = tpu.sem_alloc : memref<!tpu.dma_semaphore, #tpu.memory_space<semaphore_mem>>
      %dma_start3A_909 = arith.constant 0 : i32
      %dma_start3A_910 = tpu.memref_slice %arg5[%add3A_95, %dma_start3A_909] : memref<131072x64xf32, #tpu.memory_space<hbm>> -> memref<256x64xf32, #tpu.memory_space<hbm>>
      %dma_start3A_911 = arith.constant 0 : i32
      %dma_start3A_912 = tpu.memref_slice %arg5[%add3A_95, %dma_start3A_911] : memref<131072x64xf32, #tpu.memory_space<hbm>> -> memref<256x64xf32, #tpu.memory_space<hbm>>
      tpu.enqueue_dma source(%arg21 : memref<256x64xf32, #tpu.memory_space<vmem>>) target(%dma_start3A_912 : memref<256x64xf32, #tpu.memory_space<hbm>>) target_semaphore(%run_scoped3A : memref<!tpu.dma_semaphore, #tpu.memory_space<semaphore_mem>>)
      %dma_wait3A_913 = arith.constant 0 : i32
      %dma_wait3A_914 = tpu.memref_slice %arg5[%add3A_95, %dma_wait3A_913] : memref<131072x64xf32, #tpu.memory_space<hbm>> -> memref<256x64xf32, #tpu.memory_space<hbm>>
      %dma_wait3A_915 = arith.constant 0 : i32
      %dma_wait3A_916 = tpu.memref_slice %arg5[%add3A_95, %dma_wait3A_915] : memref<131072x64xf32, #tpu.memory_space<hbm>> -> memref<256x64xf32, #tpu.memory_space<hbm>>
      tpu.wait_dma2 semaphore(%run_scoped3A : memref<!tpu.dma_semaphore, #tpu.memory_space<semaphore_mem>>) src(%arg21 : memref<256x64xf32, #tpu.memory_space<vmem>>) dst(%dma_wait3A_916 : memref<256x64xf32, #tpu.memory_space<hbm>>)
      tpu.yield
    }) : () -> ()
    %dma_start3A_96 = arith.constant 256 : i32
    %dma_start3A_97 = tpu.memref_slice %arg17[%dma_start3A_96] : memref<4096xi32, #tpu.memory_space<vmem>> -> memref<256xi32, #tpu.memory_space<vmem>>
    %dma_start3A_98 = arith.constant 0 : i32
    %dma_start3A_99 = arith.constant 0 : i32
    %dma_start3A_100 = tpu.memref_slice %arg4[%dma_start3A_98, %dma_start3A_99] : memref<32768x64xf32, #tpu.memory_space<hbm>> -> memref<32768x64xf32, #tpu.memory_space<hbm>>
    tpu.enqueue_indirect_dma source(%dma_start3A_100 : memref<32768x64xf32, #tpu.memory_space<hbm>>) target(%arg21 : memref<256x64xf32, #tpu.memory_space<vmem>>) offsets(%dma_start3A_97 : memref<256xi32, #tpu.memory_space<vmem>>) semaphore(%arg22 : memref<!tpu.dma_semaphore, #tpu.memory_space<semaphore_mem>>)
    %dma_wait3A_101 = arith.constant 256 : i32
    %dma_wait3A_102 = tpu.memref_slice %arg17[%dma_wait3A_101] : memref<4096xi32, #tpu.memory_space<vmem>> -> memref<256xi32, #tpu.memory_space<vmem>>
    %dma_wait3A_103 = arith.constant 0 : i32
    %dma_wait3A_104 = arith.constant 0 : i32
    %dma_wait3A_105 = tpu.memref_slice %arg4[%dma_wait3A_103, %dma_wait3A_104] : memref<32768x64xf32, #tpu.memory_space<hbm>> -> memref<32768x64xf32, #tpu.memory_space<hbm>>
    tpu.wait_indirect_dma semaphore(%arg22 : memref<!tpu.dma_semaphore, #tpu.memory_space<semaphore_mem>>) src(%dma_wait3A_105 : memref<32768x64xf32, #tpu.memory_space<hbm>>) dst(%arg21 : memref<256x64xf32, #tpu.memory_space<vmem>>)
    %mul3A_106 = arith.constant 1024 : i32
    %mul3A_107 = arith.muli %select_n3A, %mul3A_106 : i32
    %add3A_108 = arith.addi %mul3A_107, %mul3A_32 : i32
    %mul3A_109 = arith.constant 32 : i32
    %mul3A_110 = arith.muli %add3A_108, %mul3A_109 : i32
    %add3A_111 = arith.constant 256 : i32
    %add3A_112 = arith.addi %mul3A_110, %add3A_111 : i32
    "tpu.region"() ({
      %run_scoped3A = tpu.sem_alloc : memref<!tpu.dma_semaphore, #tpu.memory_space<semaphore_mem>>
      %dma_start3A_909 = arith.constant 0 : i32
      %dma_start3A_910 = tpu.memref_slice %arg5[%add3A_112, %dma_start3A_909] : memref<131072x64xf32, #tpu.memory_space<hbm>> -> memref<256x64xf32, #tpu.memory_space<hbm>>
      %dma_start3A_911 = arith.constant 0 : i32
      %dma_start3A_912 = tpu.memref_slice %arg5[%add3A_112, %dma_start3A_911] : memref<131072x64xf32, #tpu.memory_space<hbm>> -> memref<256x64xf32, #tpu.memory_space<hbm>>
      tpu.enqueue_dma source(%arg21 : memref<256x64xf32, #tpu.memory_space<vmem>>) target(%dma_start3A_912 : memref<256x64xf32, #tpu.memory_space<hbm>>) target_semaphore(%run_scoped3A : memref<!tpu.dma_semaphore, #tpu.memory_space<semaphore_mem>>)
      %dma_wait3A_913 = arith.constant 0 : i32
      %dma_wait3A_914 = tpu.memref_slice %arg5[%add3A_112, %dma_wait3A_913] : memref<131072x64xf32, #tpu.memory_space<hbm>> -> memref<256x64xf32, #tpu.memory_space<hbm>>
      %dma_wait3A_915 = arith.constant 0 : i32
      %dma_wait3A_916 = tpu.memref_slice %arg5[%add3A_112, %dma_wait3A_915] : memref<131072x64xf32, #tpu.memory_space<hbm>> -> memref<256x64xf32, #tpu.memory_space<hbm>>
      tpu.wait_dma2 semaphore(%run_scoped3A : memref<!tpu.dma_semaphore, #tpu.memory_space<semaphore_mem>>) src(%arg21 : memref<256x64xf32, #tpu.memory_space<vmem>>) dst(%dma_wait3A_916 : memref<256x64xf32, #tpu.memory_space<hbm>>)
      tpu.yield
    }) : () -> ()
    %dma_start3A_113 = arith.constant 512 : i32
    %dma_start3A_114 = tpu.memref_slice %arg17[%dma_start3A_113] : memref<4096xi32, #tpu.memory_space<vmem>> -> memref<256xi32, #tpu.memory_space<vmem>>
    %dma_start3A_115 = arith.constant 0 : i32
    %dma_start3A_116 = arith.constant 0 : i32
    %dma_start3A_117 = tpu.memref_slice %arg4[%dma_start3A_115, %dma_start3A_116] : memref<32768x64xf32, #tpu.memory_space<hbm>> -> memref<32768x64xf32, #tpu.memory_space<hbm>>
    tpu.enqueue_indirect_dma source(%dma_start3A_117 : memref<32768x64xf32, #tpu.memory_space<hbm>>) target(%arg21 : memref<256x64xf32, #tpu.memory_space<vmem>>) offsets(%dma_start3A_114 : memref<256xi32, #tpu.memory_space<vmem>>) semaphore(%arg22 : memref<!tpu.dma_semaphore, #tpu.memory_space<semaphore_mem>>)
    %dma_wait3A_118 = arith.constant 512 : i32
    %dma_wait3A_119 = tpu.memref_slice %arg17[%dma_wait3A_118] : memref<4096xi32, #tpu.memory_space<vmem>> -> memref<256xi32, #tpu.memory_space<vmem>>
    %dma_wait3A_120 = arith.constant 0 : i32
    %dma_wait3A_121 = arith.constant 0 : i32
    %dma_wait3A_122 = tpu.memref_slice %arg4[%dma_wait3A_120, %dma_wait3A_121] : memref<32768x64xf32, #tpu.memory_space<hbm>> -> memref<32768x64xf32, #tpu.memory_space<hbm>>
    tpu.wait_indirect_dma semaphore(%arg22 : memref<!tpu.dma_semaphore, #tpu.memory_space<semaphore_mem>>) src(%dma_wait3A_122 : memref<32768x64xf32, #tpu.memory_space<hbm>>) dst(%arg21 : memref<256x64xf32, #tpu.memory_space<vmem>>)
    %mul3A_123 = arith.constant 1024 : i32
    %mul3A_124 = arith.muli %select_n3A, %mul3A_123 : i32
    %add3A_125 = arith.addi %mul3A_124, %mul3A_32 : i32
    %mul3A_126 = arith.constant 32 : i32
    %mul3A_127 = arith.muli %add3A_125, %mul3A_126 : i32
    %add3A_128 = arith.constant 512 : i32
    %add3A_129 = arith.addi %mul3A_127, %add3A_128 : i32
    "tpu.region"() ({
      %run_scoped3A = tpu.sem_alloc : memref<!tpu.dma_semaphore, #tpu.memory_space<semaphore_mem>>
      %dma_start3A_909 = arith.constant 0 : i32
      %dma_start3A_910 = tpu.memref_slice %arg5[%add3A_129, %dma_start3A_909] : memref<131072x64xf32, #tpu.memory_space<hbm>> -> memref<256x64xf32, #tpu.memory_space<hbm>>
      %dma_start3A_911 = arith.constant 0 : i32
      %dma_start3A_912 = tpu.memref_slice %arg5[%add3A_129, %dma_start3A_911] : memref<131072x64xf32, #tpu.memory_space<hbm>> -> memref<256x64xf32, #tpu.memory_space<hbm>>
      tpu.enqueue_dma source(%arg21 : memref<256x64xf32, #tpu.memory_space<vmem>>) target(%dma_start3A_912 : memref<256x64xf32, #tpu.memory_space<hbm>>) target_semaphore(%run_scoped3A : memref<!tpu.dma_semaphore, #tpu.memory_space<semaphore_mem>>)
      %dma_wait3A_913 = arith.constant 0 : i32
      %dma_wait3A_914 = tpu.memref_slice %arg5[%add3A_129, %dma_wait3A_913] : memref<131072x64xf32, #tpu.memory_space<hbm>> -> memref<256x64xf32, #tpu.memory_space<hbm>>
      %dma_wait3A_915 = arith.constant 0 : i32
      %dma_wait3A_916 = tpu.memref_slice %arg5[%add3A_129, %dma_wait3A_915] : memref<131072x64xf32, #tpu.memory_space<hbm>> -> memref<256x64xf32, #tpu.memory_space<hbm>>
      tpu.wait_dma2 semaphore(%run_scoped3A : memref<!tpu.dma_semaphore, #tpu.memory_space<semaphore_mem>>) src(%arg21 : memref<256x64xf32, #tpu.memory_space<vmem>>) dst(%dma_wait3A_916 : memref<256x64xf32, #tpu.memory_space<hbm>>)
      tpu.yield
    }) : () -> ()
    %dma_start3A_130 = arith.constant 768 : i32
    %dma_start3A_131 = tpu.memref_slice %arg17[%dma_start3A_130] : memref<4096xi32, #tpu.memory_space<vmem>> -> memref<256xi32, #tpu.memory_space<vmem>>
    %dma_start3A_132 = arith.constant 0 : i32
    %dma_start3A_133 = arith.constant 0 : i32
    %dma_start3A_134 = tpu.memref_slice %arg4[%dma_start3A_132, %dma_start3A_133] : memref<32768x64xf32, #tpu.memory_space<hbm>> -> memref<32768x64xf32, #tpu.memory_space<hbm>>
    tpu.enqueue_indirect_dma source(%dma_start3A_134 : memref<32768x64xf32, #tpu.memory_space<hbm>>) target(%arg21 : memref<256x64xf32, #tpu.memory_space<vmem>>) offsets(%dma_start3A_131 : memref<256xi32, #tpu.memory_space<vmem>>) semaphore(%arg22 : memref<!tpu.dma_semaphore, #tpu.memory_space<semaphore_mem>>)
    %dma_wait3A_135 = arith.constant 768 : i32
    %dma_wait3A_136 = tpu.memref_slice %arg17[%dma_wait3A_135] : memref<4096xi32, #tpu.memory_space<vmem>> -> memref<256xi32, #tpu.memory_space<vmem>>
    %dma_wait3A_137 = arith.constant 0 : i32
    %dma_wait3A_138 = arith.constant 0 : i32
    %dma_wait3A_139 = tpu.memref_slice %arg4[%dma_wait3A_137, %dma_wait3A_138] : memref<32768x64xf32, #tpu.memory_space<hbm>> -> memref<32768x64xf32, #tpu.memory_space<hbm>>
    tpu.wait_indirect_dma semaphore(%arg22 : memref<!tpu.dma_semaphore, #tpu.memory_space<semaphore_mem>>) src(%dma_wait3A_139 : memref<32768x64xf32, #tpu.memory_space<hbm>>) dst(%arg21 : memref<256x64xf32, #tpu.memory_space<vmem>>)
    %mul3A_140 = arith.constant 1024 : i32
    %mul3A_141 = arith.muli %select_n3A, %mul3A_140 : i32
    %add3A_142 = arith.addi %mul3A_141, %mul3A_32 : i32
    %mul3A_143 = arith.constant 32 : i32
    %mul3A_144 = arith.muli %add3A_142, %mul3A_143 : i32
    %add3A_145 = arith.constant 768 : i32
    %add3A_146 = arith.addi %mul3A_144, %add3A_145 : i32
    "tpu.region"() ({
      %run_scoped3A = tpu.sem_alloc : memref<!tpu.dma_semaphore, #tpu.memory_space<semaphore_mem>>
      %dma_start3A_909 = arith.constant 0 : i32
      %dma_start3A_910 = tpu.memref_slice %arg5[%add3A_146, %dma_start3A_909] : memref<131072x64xf32, #tpu.memory_space<hbm>> -> memref<256x64xf32, #tpu.memory_space<hbm>>
      %dma_start3A_911 = arith.constant 0 : i32
      %dma_start3A_912 = tpu.memref_slice %arg5[%add3A_146, %dma_start3A_911] : memref<131072x64xf32, #tpu.memory_space<hbm>> -> memref<256x64xf32, #tpu.memory_space<hbm>>
      tpu.enqueue_dma source(%arg21 : memref<256x64xf32, #tpu.memory_space<vmem>>) target(%dma_start3A_912 : memref<256x64xf32, #tpu.memory_space<hbm>>) target_semaphore(%run_scoped3A : memref<!tpu.dma_semaphore, #tpu.memory_space<semaphore_mem>>)
      %dma_wait3A_913 = arith.constant 0 : i32
      %dma_wait3A_914 = tpu.memref_slice %arg5[%add3A_146, %dma_wait3A_913] : memref<131072x64xf32, #tpu.memory_space<hbm>> -> memref<256x64xf32, #tpu.memory_space<hbm>>
      %dma_wait3A_915 = arith.constant 0 : i32
      %dma_wait3A_916 = tpu.memref_slice %arg5[%add3A_146, %dma_wait3A_915] : memref<131072x64xf32, #tpu.memory_space<hbm>> -> memref<256x64xf32, #tpu.memory_space<hbm>>
      tpu.wait_dma2 semaphore(%run_scoped3A : memref<!tpu.dma_semaphore, #tpu.memory_space<semaphore_mem>>) src(%arg21 : memref<256x64xf32, #tpu.memory_space<vmem>>) dst(%dma_wait3A_916 : memref<256x64xf32, #tpu.memory_space<hbm>>)
      tpu.yield
    }) : () -> ()
    %dma_start3A_147 = arith.constant 1024 : i32
    %dma_start3A_148 = tpu.memref_slice %arg17[%dma_start3A_147] : memref<4096xi32, #tpu.memory_space<vmem>> -> memref<256xi32, #tpu.memory_space<vmem>>
    %dma_start3A_149 = arith.constant 0 : i32
    %dma_start3A_150 = arith.constant 0 : i32
    %dma_start3A_151 = tpu.memref_slice %arg4[%dma_start3A_149, %dma_start3A_150] : memref<32768x64xf32, #tpu.memory_space<hbm>> -> memref<32768x64xf32, #tpu.memory_space<hbm>>
    tpu.enqueue_indirect_dma source(%dma_start3A_151 : memref<32768x64xf32, #tpu.memory_space<hbm>>) target(%arg21 : memref<256x64xf32, #tpu.memory_space<vmem>>) offsets(%dma_start3A_148 : memref<256xi32, #tpu.memory_space<vmem>>) semaphore(%arg22 : memref<!tpu.dma_semaphore, #tpu.memory_space<semaphore_mem>>)
    %dma_wait3A_152 = arith.constant 1024 : i32
    %dma_wait3A_153 = tpu.memref_slice %arg17[%dma_wait3A_152] : memref<4096xi32, #tpu.memory_space<vmem>> -> memref<256xi32, #tpu.memory_space<vmem>>
    %dma_wait3A_154 = arith.constant 0 : i32
    %dma_wait3A_155 = arith.constant 0 : i32
    %dma_wait3A_156 = tpu.memref_slice %arg4[%dma_wait3A_154, %dma_wait3A_155] : memref<32768x64xf32, #tpu.memory_space<hbm>> -> memref<32768x64xf32, #tpu.memory_space<hbm>>
    tpu.wait_indirect_dma semaphore(%arg22 : memref<!tpu.dma_semaphore, #tpu.memory_space<semaphore_mem>>) src(%dma_wait3A_156 : memref<32768x64xf32, #tpu.memory_space<hbm>>) dst(%arg21 : memref<256x64xf32, #tpu.memory_space<vmem>>)
    %mul3A_157 = arith.constant 1024 : i32
    %mul3A_158 = arith.muli %select_n3A, %mul3A_157 : i32
    %add3A_159 = arith.addi %mul3A_158, %mul3A_32 : i32
    %mul3A_160 = arith.constant 32 : i32
    %mul3A_161 = arith.muli %add3A_159, %mul3A_160 : i32
    %add3A_162 = arith.constant 1024 : i32
    %add3A_163 = arith.addi %mul3A_161, %add3A_162 : i32
    "tpu.region"() ({
      %run_scoped3A = tpu.sem_alloc : memref<!tpu.dma_semaphore, #tpu.memory_space<semaphore_mem>>
      %dma_start3A_909 = arith.constant 0 : i32
      %dma_start3A_910 = tpu.memref_slice %arg5[%add3A_163, %dma_start3A_909] : memref<131072x64xf32, #tpu.memory_space<hbm>> -> memref<256x64xf32, #tpu.memory_space<hbm>>
      %dma_start3A_911 = arith.constant 0 : i32
      %dma_start3A_912 = tpu.memref_slice %arg5[%add3A_163, %dma_start3A_911] : memref<131072x64xf32, #tpu.memory_space<hbm>> -> memref<256x64xf32, #tpu.memory_space<hbm>>
      tpu.enqueue_dma source(%arg21 : memref<256x64xf32, #tpu.memory_space<vmem>>) target(%dma_start3A_912 : memref<256x64xf32, #tpu.memory_space<hbm>>) target_semaphore(%run_scoped3A : memref<!tpu.dma_semaphore, #tpu.memory_space<semaphore_mem>>)
      %dma_wait3A_913 = arith.constant 0 : i32
      %dma_wait3A_914 = tpu.memref_slice %arg5[%add3A_163, %dma_wait3A_913] : memref<131072x64xf32, #tpu.memory_space<hbm>> -> memref<256x64xf32, #tpu.memory_space<hbm>>
      %dma_wait3A_915 = arith.constant 0 : i32
      %dma_wait3A_916 = tpu.memref_slice %arg5[%add3A_163, %dma_wait3A_915] : memref<131072x64xf32, #tpu.memory_space<hbm>> -> memref<256x64xf32, #tpu.memory_space<hbm>>
      tpu.wait_dma2 semaphore(%run_scoped3A : memref<!tpu.dma_semaphore, #tpu.memory_space<semaphore_mem>>) src(%arg21 : memref<256x64xf32, #tpu.memory_space<vmem>>) dst(%dma_wait3A_916 : memref<256x64xf32, #tpu.memory_space<hbm>>)
      tpu.yield
    }) : () -> ()
    %dma_start3A_164 = arith.constant 1280 : i32
    %dma_start3A_165 = tpu.memref_slice %arg17[%dma_start3A_164] : memref<4096xi32, #tpu.memory_space<vmem>> -> memref<256xi32, #tpu.memory_space<vmem>>
    %dma_start3A_166 = arith.constant 0 : i32
    %dma_start3A_167 = arith.constant 0 : i32
    %dma_start3A_168 = tpu.memref_slice %arg4[%dma_start3A_166, %dma_start3A_167] : memref<32768x64xf32, #tpu.memory_space<hbm>> -> memref<32768x64xf32, #tpu.memory_space<hbm>>
    tpu.enqueue_indirect_dma source(%dma_start3A_168 : memref<32768x64xf32, #tpu.memory_space<hbm>>) target(%arg21 : memref<256x64xf32, #tpu.memory_space<vmem>>) offsets(%dma_start3A_165 : memref<256xi32, #tpu.memory_space<vmem>>) semaphore(%arg22 : memref<!tpu.dma_semaphore, #tpu.memory_space<semaphore_mem>>)
    %dma_wait3A_169 = arith.constant 1280 : i32
    %dma_wait3A_170 = tpu.memref_slice %arg17[%dma_wait3A_169] : memref<4096xi32, #tpu.memory_space<vmem>> -> memref<256xi32, #tpu.memory_space<vmem>>
    %dma_wait3A_171 = arith.constant 0 : i32
    %dma_wait3A_172 = arith.constant 0 : i32
    %dma_wait3A_173 = tpu.memref_slice %arg4[%dma_wait3A_171, %dma_wait3A_172] : memref<32768x64xf32, #tpu.memory_space<hbm>> -> memref<32768x64xf32, #tpu.memory_space<hbm>>
    tpu.wait_indirect_dma semaphore(%arg22 : memref<!tpu.dma_semaphore, #tpu.memory_space<semaphore_mem>>) src(%dma_wait3A_173 : memref<32768x64xf32, #tpu.memory_space<hbm>>) dst(%arg21 : memref<256x64xf32, #tpu.memory_space<vmem>>)
    %mul3A_174 = arith.constant 1024 : i32
    %mul3A_175 = arith.muli %select_n3A, %mul3A_174 : i32
    %add3A_176 = arith.addi %mul3A_175, %mul3A_32 : i32
    %mul3A_177 = arith.constant 32 : i32
    %mul3A_178 = arith.muli %add3A_176, %mul3A_177 : i32
    %add3A_179 = arith.constant 1280 : i32
    %add3A_180 = arith.addi %mul3A_178, %add3A_179 : i32
    "tpu.region"() ({
      %run_scoped3A = tpu.sem_alloc : memref<!tpu.dma_semaphore, #tpu.memory_space<semaphore_mem>>
      %dma_start3A_909 = arith.constant 0 : i32
      %dma_start3A_910 = tpu.memref_slice %arg5[%add3A_180, %dma_start3A_909] : memref<131072x64xf32, #tpu.memory_space<hbm>> -> memref<256x64xf32, #tpu.memory_space<hbm>>
      %dma_start3A_911 = arith.constant 0 : i32
      %dma_start3A_912 = tpu.memref_slice %arg5[%add3A_180, %dma_start3A_911] : memref<131072x64xf32, #tpu.memory_space<hbm>> -> memref<256x64xf32, #tpu.memory_space<hbm>>
      tpu.enqueue_dma source(%arg21 : memref<256x64xf32, #tpu.memory_space<vmem>>) target(%dma_start3A_912 : memref<256x64xf32, #tpu.memory_space<hbm>>) target_semaphore(%run_scoped3A : memref<!tpu.dma_semaphore, #tpu.memory_space<semaphore_mem>>)
      %dma_wait3A_913 = arith.constant 0 : i32
      %dma_wait3A_914 = tpu.memref_slice %arg5[%add3A_180, %dma_wait3A_913] : memref<131072x64xf32, #tpu.memory_space<hbm>> -> memref<256x64xf32, #tpu.memory_space<hbm>>
      %dma_wait3A_915 = arith.constant 0 : i32
      %dma_wait3A_916 = tpu.memref_slice %arg5[%add3A_180, %dma_wait3A_915] : memref<131072x64xf32, #tpu.memory_space<hbm>> -> memref<256x64xf32, #tpu.memory_space<hbm>>
      tpu.wait_dma2 semaphore(%run_scoped3A : memref<!tpu.dma_semaphore, #tpu.memory_space<semaphore_mem>>) src(%arg21 : memref<256x64xf32, #tpu.memory_space<vmem>>) dst(%dma_wait3A_916 : memref<256x64xf32, #tpu.memory_space<hbm>>)
      tpu.yield
    }) : () -> ()
    %dma_start3A_181 = arith.constant 1536 : i32
    %dma_start3A_182 = tpu.memref_slice %arg17[%dma_start3A_181] : memref<4096xi32, #tpu.memory_space<vmem>> -> memref<256xi32, #tpu.memory_space<vmem>>
    %dma_start3A_183 = arith.constant 0 : i32
    %dma_start3A_184 = arith.constant 0 : i32
    %dma_start3A_185 = tpu.memref_slice %arg4[%dma_start3A_183, %dma_start3A_184] : memref<32768x64xf32, #tpu.memory_space<hbm>> -> memref<32768x64xf32, #tpu.memory_space<hbm>>
    tpu.enqueue_indirect_dma source(%dma_start3A_185 : memref<32768x64xf32, #tpu.memory_space<hbm>>) target(%arg21 : memref<256x64xf32, #tpu.memory_space<vmem>>) offsets(%dma_start3A_182 : memref<256xi32, #tpu.memory_space<vmem>>) semaphore(%arg22 : memref<!tpu.dma_semaphore, #tpu.memory_space<semaphore_mem>>)
    %dma_wait3A_186 = arith.constant 1536 : i32
    %dma_wait3A_187 = tpu.memref_slice %arg17[%dma_wait3A_186] : memref<4096xi32, #tpu.memory_space<vmem>> -> memref<256xi32, #tpu.memory_space<vmem>>
    %dma_wait3A_188 = arith.constant 0 : i32
    %dma_wait3A_189 = arith.constant 0 : i32
    %dma_wait3A_190 = tpu.memref_slice %arg4[%dma_wait3A_188, %dma_wait3A_189] : memref<32768x64xf32, #tpu.memory_space<hbm>> -> memref<32768x64xf32, #tpu.memory_space<hbm>>
    tpu.wait_indirect_dma semaphore(%arg22 : memref<!tpu.dma_semaphore, #tpu.memory_space<semaphore_mem>>) src(%dma_wait3A_190 : memref<32768x64xf32, #tpu.memory_space<hbm>>) dst(%arg21 : memref<256x64xf32, #tpu.memory_space<vmem>>)
    %mul3A_191 = arith.constant 1024 : i32
    %mul3A_192 = arith.muli %select_n3A, %mul3A_191 : i32
    %add3A_193 = arith.addi %mul3A_192, %mul3A_32 : i32
    %mul3A_194 = arith.constant 32 : i32
    %mul3A_195 = arith.muli %add3A_193, %mul3A_194 : i32
    %add3A_196 = arith.constant 1536 : i32
    %add3A_197 = arith.addi %mul3A_195, %add3A_196 : i32
    "tpu.region"() ({
      %run_scoped3A = tpu.sem_alloc : memref<!tpu.dma_semaphore, #tpu.memory_space<semaphore_mem>>
      %dma_start3A_909 = arith.constant 0 : i32
      %dma_start3A_910 = tpu.memref_slice %arg5[%add3A_197, %dma_start3A_909] : memref<131072x64xf32, #tpu.memory_space<hbm>> -> memref<256x64xf32, #tpu.memory_space<hbm>>
      %dma_start3A_911 = arith.constant 0 : i32
      %dma_start3A_912 = tpu.memref_slice %arg5[%add3A_197, %dma_start3A_911] : memref<131072x64xf32, #tpu.memory_space<hbm>> -> memref<256x64xf32, #tpu.memory_space<hbm>>
      tpu.enqueue_dma source(%arg21 : memref<256x64xf32, #tpu.memory_space<vmem>>) target(%dma_start3A_912 : memref<256x64xf32, #tpu.memory_space<hbm>>) target_semaphore(%run_scoped3A : memref<!tpu.dma_semaphore, #tpu.memory_space<semaphore_mem>>)
      %dma_wait3A_913 = arith.constant 0 : i32
      %dma_wait3A_914 = tpu.memref_slice %arg5[%add3A_197, %dma_wait3A_913] : memref<131072x64xf32, #tpu.memory_space<hbm>> -> memref<256x64xf32, #tpu.memory_space<hbm>>
      %dma_wait3A_915 = arith.constant 0 : i32
      %dma_wait3A_916 = tpu.memref_slice %arg5[%add3A_197, %dma_wait3A_915] : memref<131072x64xf32, #tpu.memory_space<hbm>> -> memref<256x64xf32, #tpu.memory_space<hbm>>
      tpu.wait_dma2 semaphore(%run_scoped3A : memref<!tpu.dma_semaphore, #tpu.memory_space<semaphore_mem>>) src(%arg21 : memref<256x64xf32, #tpu.memory_space<vmem>>) dst(%dma_wait3A_916 : memref<256x64xf32, #tpu.memory_space<hbm>>)
      tpu.yield
    }) : () -> ()
    %dma_start3A_198 = arith.constant 1792 : i32
    %dma_start3A_199 = tpu.memref_slice %arg17[%dma_start3A_198] : memref<4096xi32, #tpu.memory_space<vmem>> -> memref<256xi32, #tpu.memory_space<vmem>>
    %dma_start3A_200 = arith.constant 0 : i32
    %dma_start3A_201 = arith.constant 0 : i32
    %dma_start3A_202 = tpu.memref_slice %arg4[%dma_start3A_200, %dma_start3A_201] : memref<32768x64xf32, #tpu.memory_space<hbm>> -> memref<32768x64xf32, #tpu.memory_space<hbm>>
    tpu.enqueue_indirect_dma source(%dma_start3A_202 : memref<32768x64xf32, #tpu.memory_space<hbm>>) target(%arg21 : memref<256x64xf32, #tpu.memory_space<vmem>>) offsets(%dma_start3A_199 : memref<256xi32, #tpu.memory_space<vmem>>) semaphore(%arg22 : memref<!tpu.dma_semaphore, #tpu.memory_space<semaphore_mem>>)
    %dma_wait3A_203 = arith.constant 1792 : i32
    %dma_wait3A_204 = tpu.memref_slice %arg17[%dma_wait3A_203] : memref<4096xi32, #tpu.memory_space<vmem>> -> memref<256xi32, #tpu.memory_space<vmem>>
    %dma_wait3A_205 = arith.constant 0 : i32
    %dma_wait3A_206 = arith.constant 0 : i32
    %dma_wait3A_207 = tpu.memref_slice %arg4[%dma_wait3A_205, %dma_wait3A_206] : memref<32768x64xf32, #tpu.memory_space<hbm>> -> memref<32768x64xf32, #tpu.memory_space<hbm>>
    tpu.wait_indirect_dma semaphore(%arg22 : memref<!tpu.dma_semaphore, #tpu.memory_space<semaphore_mem>>) src(%dma_wait3A_207 : memref<32768x64xf32, #tpu.memory_space<hbm>>) dst(%arg21 : memref<256x64xf32, #tpu.memory_space<vmem>>)
    %mul3A_208 = arith.constant 1024 : i32
    %mul3A_209 = arith.muli %select_n3A, %mul3A_208 : i32
    %add3A_210 = arith.addi %mul3A_209, %mul3A_32 : i32
    %mul3A_211 = arith.constant 32 : i32
    %mul3A_212 = arith.muli %add3A_210, %mul3A_211 : i32
    %add3A_213 = arith.constant 1792 : i32
    %add3A_214 = arith.addi %mul3A_212, %add3A_213 : i32
    "tpu.region"() ({
      %run_scoped3A = tpu.sem_alloc : memref<!tpu.dma_semaphore, #tpu.memory_space<semaphore_mem>>
      %dma_start3A_909 = arith.constant 0 : i32
      %dma_start3A_910 = tpu.memref_slice %arg5[%add3A_214, %dma_start3A_909] : memref<131072x64xf32, #tpu.memory_space<hbm>> -> memref<256x64xf32, #tpu.memory_space<hbm>>
      %dma_start3A_911 = arith.constant 0 : i32
      %dma_start3A_912 = tpu.memref_slice %arg5[%add3A_214, %dma_start3A_911] : memref<131072x64xf32, #tpu.memory_space<hbm>> -> memref<256x64xf32, #tpu.memory_space<hbm>>
      tpu.enqueue_dma source(%arg21 : memref<256x64xf32, #tpu.memory_space<vmem>>) target(%dma_start3A_912 : memref<256x64xf32, #tpu.memory_space<hbm>>) target_semaphore(%run_scoped3A : memref<!tpu.dma_semaphore, #tpu.memory_space<semaphore_mem>>)
      %dma_wait3A_913 = arith.constant 0 : i32
      %dma_wait3A_914 = tpu.memref_slice %arg5[%add3A_214, %dma_wait3A_913] : memref<131072x64xf32, #tpu.memory_space<hbm>> -> memref<256x64xf32, #tpu.memory_space<hbm>>
      %dma_wait3A_915 = arith.constant 0 : i32
      %dma_wait3A_916 = tpu.memref_slice %arg5[%add3A_214, %dma_wait3A_915] : memref<131072x64xf32, #tpu.memory_space<hbm>> -> memref<256x64xf32, #tpu.memory_space<hbm>>
      tpu.wait_dma2 semaphore(%run_scoped3A : memref<!tpu.dma_semaphore, #tpu.memory_space<semaphore_mem>>) src(%arg21 : memref<256x64xf32, #tpu.memory_space<vmem>>) dst(%dma_wait3A_916 : memref<256x64xf32, #tpu.memory_space<hbm>>)
      tpu.yield
    }) : () -> ()
    %dma_start3A_215 = arith.constant 2048 : i32
    %dma_start3A_216 = tpu.memref_slice %arg17[%dma_start3A_215] : memref<4096xi32, #tpu.memory_space<vmem>> -> memref<256xi32, #tpu.memory_space<vmem>>
    %dma_start3A_217 = arith.constant 0 : i32
    %dma_start3A_218 = arith.constant 0 : i32
    %dma_start3A_219 = tpu.memref_slice %arg4[%dma_start3A_217, %dma_start3A_218] : memref<32768x64xf32, #tpu.memory_space<hbm>> -> memref<32768x64xf32, #tpu.memory_space<hbm>>
    tpu.enqueue_indirect_dma source(%dma_start3A_219 : memref<32768x64xf32, #tpu.memory_space<hbm>>) target(%arg21 : memref<256x64xf32, #tpu.memory_space<vmem>>) offsets(%dma_start3A_216 : memref<256xi32, #tpu.memory_space<vmem>>) semaphore(%arg22 : memref<!tpu.dma_semaphore, #tpu.memory_space<semaphore_mem>>)
    %dma_wait3A_220 = arith.constant 2048 : i32
    %dma_wait3A_221 = tpu.memref_slice %arg17[%dma_wait3A_220] : memref<4096xi32, #tpu.memory_space<vmem>> -> memref<256xi32, #tpu.memory_space<vmem>>
    %dma_wait3A_222 = arith.constant 0 : i32
    %dma_wait3A_223 = arith.constant 0 : i32
    %dma_wait3A_224 = tpu.memref_slice %arg4[%dma_wait3A_222, %dma_wait3A_223] : memref<32768x64xf32, #tpu.memory_space<hbm>> -> memref<32768x64xf32, #tpu.memory_space<hbm>>
    tpu.wait_indirect_dma semaphore(%arg22 : memref<!tpu.dma_semaphore, #tpu.memory_space<semaphore_mem>>) src(%dma_wait3A_224 : memref<32768x64xf32, #tpu.memory_space<hbm>>) dst(%arg21 : memref<256x64xf32, #tpu.memory_space<vmem>>)
    %mul3A_225 = arith.constant 1024 : i32
    %mul3A_226 = arith.muli %select_n3A, %mul3A_225 : i32
    %add3A_227 = arith.addi %mul3A_226, %mul3A_32 : i32
    %mul3A_228 = arith.constant 32 : i32
    %mul3A_229 = arith.muli %add3A_227, %mul3A_228 : i32
    %add3A_230 = arith.constant 2048 : i32
    %add3A_231 = arith.addi %mul3A_229, %add3A_230 : i32
    "tpu.region"() ({
      %run_scoped3A = tpu.sem_alloc : memref<!tpu.dma_semaphore, #tpu.memory_space<semaphore_mem>>
      %dma_start3A_909 = arith.constant 0 : i32
      %dma_start3A_910 = tpu.memref_slice %arg5[%add3A_231, %dma_start3A_909] : memref<131072x64xf32, #tpu.memory_space<hbm>> -> memref<256x64xf32, #tpu.memory_space<hbm>>
      %dma_start3A_911 = arith.constant 0 : i32
      %dma_start3A_912 = tpu.memref_slice %arg5[%add3A_231, %dma_start3A_911] : memref<131072x64xf32, #tpu.memory_space<hbm>> -> memref<256x64xf32, #tpu.memory_space<hbm>>
      tpu.enqueue_dma source(%arg21 : memref<256x64xf32, #tpu.memory_space<vmem>>) target(%dma_start3A_912 : memref<256x64xf32, #tpu.memory_space<hbm>>) target_semaphore(%run_scoped3A : memref<!tpu.dma_semaphore, #tpu.memory_space<semaphore_mem>>)
      %dma_wait3A_913 = arith.constant 0 : i32
      %dma_wait3A_914 = tpu.memref_slice %arg5[%add3A_231, %dma_wait3A_913] : memref<131072x64xf32, #tpu.memory_space<hbm>> -> memref<256x64xf32, #tpu.memory_space<hbm>>
      %dma_wait3A_915 = arith.constant 0 : i32
      %dma_wait3A_916 = tpu.memref_slice %arg5[%add3A_231, %dma_wait3A_915] : memref<131072x64xf32, #tpu.memory_space<hbm>> -> memref<256x64xf32, #tpu.memory_space<hbm>>
      tpu.wait_dma2 semaphore(%run_scoped3A : memref<!tpu.dma_semaphore, #tpu.memory_space<semaphore_mem>>) src(%arg21 : memref<256x64xf32, #tpu.memory_space<vmem>>) dst(%dma_wait3A_916 : memref<256x64xf32, #tpu.memory_space<hbm>>)
      tpu.yield
    }) : () -> ()
    %dma_start3A_232 = arith.constant 2304 : i32
    %dma_start3A_233 = tpu.memref_slice %arg17[%dma_start3A_232] : memref<4096xi32, #tpu.memory_space<vmem>> -> memref<256xi32, #tpu.memory_space<vmem>>
    %dma_start3A_234 = arith.constant 0 : i32
    %dma_start3A_235 = arith.constant 0 : i32
    %dma_start3A_236 = tpu.memref_slice %arg4[%dma_start3A_234, %dma_start3A_235] : memref<32768x64xf32, #tpu.memory_space<hbm>> -> memref<32768x64xf32, #tpu.memory_space<hbm>>
    tpu.enqueue_indirect_dma source(%dma_start3A_236 : memref<32768x64xf32, #tpu.memory_space<hbm>>) target(%arg21 : memref<256x64xf32, #tpu.memory_space<vmem>>) offsets(%dma_start3A_233 : memref<256xi32, #tpu.memory_space<vmem>>) semaphore(%arg22 : memref<!tpu.dma_semaphore, #tpu.memory_space<semaphore_mem>>)
    %dma_wait3A_237 = arith.constant 2304 : i32
    %dma_wait3A_238 = tpu.memref_slice %arg17[%dma_wait3A_237] : memref<4096xi32, #tpu.memory_space<vmem>> -> memref<256xi32, #tpu.memory_space<vmem>>
    %dma_wait3A_239 = arith.constant 0 : i32
    %dma_wait3A_240 = arith.constant 0 : i32
    %dma_wait3A_241 = tpu.memref_slice %arg4[%dma_wait3A_239, %dma_wait3A_240] : memref<32768x64xf32, #tpu.memory_space<hbm>> -> memref<32768x64xf32, #tpu.memory_space<hbm>>
    tpu.wait_indirect_dma semaphore(%arg22 : memref<!tpu.dma_semaphore, #tpu.memory_space<semaphore_mem>>) src(%dma_wait3A_241 : memref<32768x64xf32, #tpu.memory_space<hbm>>) dst(%arg21 : memref<256x64xf32, #tpu.memory_space<vmem>>)
    %mul3A_242 = arith.constant 1024 : i32
    %mul3A_243 = arith.muli %select_n3A, %mul3A_242 : i32
    %add3A_244 = arith.addi %mul3A_243, %mul3A_32 : i32
    %mul3A_245 = arith.constant 32 : i32
    %mul3A_246 = arith.muli %add3A_244, %mul3A_245 : i32
    %add3A_247 = arith.constant 2304 : i32
    %add3A_248 = arith.addi %mul3A_246, %add3A_247 : i32
    "tpu.region"() ({
      %run_scoped3A = tpu.sem_alloc : memref<!tpu.dma_semaphore, #tpu.memory_space<semaphore_mem>>
      %dma_start3A_909 = arith.constant 0 : i32
      %dma_start3A_910 = tpu.memref_slice %arg5[%add3A_248, %dma_start3A_909] : memref<131072x64xf32, #tpu.memory_space<hbm>> -> memref<256x64xf32, #tpu.memory_space<hbm>>
      %dma_start3A_911 = arith.constant 0 : i32
      %dma_start3A_912 = tpu.memref_slice %arg5[%add3A_248, %dma_start3A_911] : memref<131072x64xf32, #tpu.memory_space<hbm>> -> memref<256x64xf32, #tpu.memory_space<hbm>>
      tpu.enqueue_dma source(%arg21 : memref<256x64xf32, #tpu.memory_space<vmem>>) target(%dma_start3A_912 : memref<256x64xf32, #tpu.memory_space<hbm>>) target_semaphore(%run_scoped3A : memref<!tpu.dma_semaphore, #tpu.memory_space<semaphore_mem>>)
      %dma_wait3A_913 = arith.constant 0 : i32
      %dma_wait3A_914 = tpu.memref_slice %arg5[%add3A_248, %dma_wait3A_913] : memref<131072x64xf32, #tpu.memory_space<hbm>> -> memref<256x64xf32, #tpu.memory_space<hbm>>
      %dma_wait3A_915 = arith.constant 0 : i32
      %dma_wait3A_916 = tpu.memref_slice %arg5[%add3A_248, %dma_wait3A_915] : memref<131072x64xf32, #tpu.memory_space<hbm>> -> memref<256x64xf32, #tpu.memory_space<hbm>>
      tpu.wait_dma2 semaphore(%run_scoped3A : memref<!tpu.dma_semaphore, #tpu.memory_space<semaphore_mem>>) src(%arg21 : memref<256x64xf32, #tpu.memory_space<vmem>>) dst(%dma_wait3A_916 : memref<256x64xf32, #tpu.memory_space<hbm>>)
      tpu.yield
    }) : () -> ()
    %dma_start3A_249 = arith.constant 2560 : i32
    %dma_start3A_250 = tpu.memref_slice %arg17[%dma_start3A_249] : memref<4096xi32, #tpu.memory_space<vmem>> -> memref<256xi32, #tpu.memory_space<vmem>>
    %dma_start3A_251 = arith.constant 0 : i32
    %dma_start3A_252 = arith.constant 0 : i32
    %dma_start3A_253 = tpu.memref_slice %arg4[%dma_start3A_251, %dma_start3A_252] : memref<32768x64xf32, #tpu.memory_space<hbm>> -> memref<32768x64xf32, #tpu.memory_space<hbm>>
    tpu.enqueue_indirect_dma source(%dma_start3A_253 : memref<32768x64xf32, #tpu.memory_space<hbm>>) target(%arg21 : memref<256x64xf32, #tpu.memory_space<vmem>>) offsets(%dma_start3A_250 : memref<256xi32, #tpu.memory_space<vmem>>) semaphore(%arg22 : memref<!tpu.dma_semaphore, #tpu.memory_space<semaphore_mem>>)
    %dma_wait3A_254 = arith.constant 2560 : i32
    %dma_wait3A_255 = tpu.memref_slice %arg17[%dma_wait3A_254] : memref<4096xi32, #tpu.memory_space<vmem>> -> memref<256xi32, #tpu.memory_space<vmem>>
    %dma_wait3A_256 = arith.constant 0 : i32
    %dma_wait3A_257 = arith.constant 0 : i32
    %dma_wait3A_258 = tpu.memref_slice %arg4[%dma_wait3A_256, %dma_wait3A_257] : memref<32768x64xf32, #tpu.memory_space<hbm>> -> memref<32768x64xf32, #tpu.memory_space<hbm>>
    tpu.wait_indirect_dma semaphore(%arg22 : memref<!tpu.dma_semaphore, #tpu.memory_space<semaphore_mem>>) src(%dma_wait3A_258 : memref<32768x64xf32, #tpu.memory_space<hbm>>) dst(%arg21 : memref<256x64xf32, #tpu.memory_space<vmem>>)
    %mul3A_259 = arith.constant 1024 : i32
    %mul3A_260 = arith.muli %select_n3A, %mul3A_259 : i32
    %add3A_261 = arith.addi %mul3A_260, %mul3A_32 : i32
    %mul3A_262 = arith.constant 32 : i32
    %mul3A_263 = arith.muli %add3A_261, %mul3A_262 : i32
    %add3A_264 = arith.constant 2560 : i32
    %add3A_265 = arith.addi %mul3A_263, %add3A_264 : i32
    "tpu.region"() ({
      %run_scoped3A = tpu.sem_alloc : memref<!tpu.dma_semaphore, #tpu.memory_space<semaphore_mem>>
      %dma_start3A_909 = arith.constant 0 : i32
      %dma_start3A_910 = tpu.memref_slice %arg5[%add3A_265, %dma_start3A_909] : memref<131072x64xf32, #tpu.memory_space<hbm>> -> memref<256x64xf32, #tpu.memory_space<hbm>>
      %dma_start3A_911 = arith.constant 0 : i32
      %dma_start3A_912 = tpu.memref_slice %arg5[%add3A_265, %dma_start3A_911] : memref<131072x64xf32, #tpu.memory_space<hbm>> -> memref<256x64xf32, #tpu.memory_space<hbm>>
      tpu.enqueue_dma source(%arg21 : memref<256x64xf32, #tpu.memory_space<vmem>>) target(%dma_start3A_912 : memref<256x64xf32, #tpu.memory_space<hbm>>) target_semaphore(%run_scoped3A : memref<!tpu.dma_semaphore, #tpu.memory_space<semaphore_mem>>)
      %dma_wait3A_913 = arith.constant 0 : i32
      %dma_wait3A_914 = tpu.memref_slice %arg5[%add3A_265, %dma_wait3A_913] : memref<131072x64xf32, #tpu.memory_space<hbm>> -> memref<256x64xf32, #tpu.memory_space<hbm>>
      %dma_wait3A_915 = arith.constant 0 : i32
      %dma_wait3A_916 = tpu.memref_slice %arg5[%add3A_265, %dma_wait3A_915] : memref<131072x64xf32, #tpu.memory_space<hbm>> -> memref<256x64xf32, #tpu.memory_space<hbm>>
      tpu.wait_dma2 semaphore(%run_scoped3A : memref<!tpu.dma_semaphore, #tpu.memory_space<semaphore_mem>>) src(%arg21 : memref<256x64xf32, #tpu.memory_space<vmem>>) dst(%dma_wait3A_916 : memref<256x64xf32, #tpu.memory_space<hbm>>)
      tpu.yield
    }) : () -> ()
    %dma_start3A_266 = arith.constant 2816 : i32
    %dma_start3A_267 = tpu.memref_slice %arg17[%dma_start3A_266] : memref<4096xi32, #tpu.memory_space<vmem>> -> memref<256xi32, #tpu.memory_space<vmem>>
    %dma_start3A_268 = arith.constant 0 : i32
    %dma_start3A_269 = arith.constant 0 : i32
    %dma_start3A_270 = tpu.memref_slice %arg4[%dma_start3A_268, %dma_start3A_269] : memref<32768x64xf32, #tpu.memory_space<hbm>> -> memref<32768x64xf32, #tpu.memory_space<hbm>>
    tpu.enqueue_indirect_dma source(%dma_start3A_270 : memref<32768x64xf32, #tpu.memory_space<hbm>>) target(%arg21 : memref<256x64xf32, #tpu.memory_space<vmem>>) offsets(%dma_start3A_267 : memref<256xi32, #tpu.memory_space<vmem>>) semaphore(%arg22 : memref<!tpu.dma_semaphore, #tpu.memory_space<semaphore_mem>>)
    %dma_wait3A_271 = arith.constant 2816 : i32
    %dma_wait3A_272 = tpu.memref_slice %arg17[%dma_wait3A_271] : memref<4096xi32, #tpu.memory_space<vmem>> -> memref<256xi32, #tpu.memory_space<vmem>>
    %dma_wait3A_273 = arith.constant 0 : i32
    %dma_wait3A_274 = arith.constant 0 : i32
    %dma_wait3A_275 = tpu.memref_slice %arg4[%dma_wait3A_273, %dma_wait3A_274] : memref<32768x64xf32, #tpu.memory_space<hbm>> -> memref<32768x64xf32, #tpu.memory_space<hbm>>
    tpu.wait_indirect_dma semaphore(%arg22 : memref<!tpu.dma_semaphore, #tpu.memory_space<semaphore_mem>>) src(%dma_wait3A_275 : memref<32768x64xf32, #tpu.memory_space<hbm>>) dst(%arg21 : memref<256x64xf32, #tpu.memory_space<vmem>>)
    %mul3A_276 = arith.constant 1024 : i32
    %mul3A_277 = arith.muli %select_n3A, %mul3A_276 : i32
    %add3A_278 = arith.addi %mul3A_277, %mul3A_32 : i32
    %mul3A_279 = arith.constant 32 : i32
    %mul3A_280 = arith.muli %add3A_278, %mul3A_279 : i32
    %add3A_281 = arith.constant 2816 : i32
    %add3A_282 = arith.addi %mul3A_280, %add3A_281 : i32
    "tpu.region"() ({
      %run_scoped3A = tpu.sem_alloc : memref<!tpu.dma_semaphore, #tpu.memory_space<semaphore_mem>>
      %dma_start3A_909 = arith.constant 0 : i32
      %dma_start3A_910 = tpu.memref_slice %arg5[%add3A_282, %dma_start3A_909] : memref<131072x64xf32, #tpu.memory_space<hbm>> -> memref<256x64xf32, #tpu.memory_space<hbm>>
      %dma_start3A_911 = arith.constant 0 : i32
      %dma_start3A_912 = tpu.memref_slice %arg5[%add3A_282, %dma_start3A_911] : memref<131072x64xf32, #tpu.memory_space<hbm>> -> memref<256x64xf32, #tpu.memory_space<hbm>>
      tpu.enqueue_dma source(%arg21 : memref<256x64xf32, #tpu.memory_space<vmem>>) target(%dma_start3A_912 : memref<256x64xf32, #tpu.memory_space<hbm>>) target_semaphore(%run_scoped3A : memref<!tpu.dma_semaphore, #tpu.memory_space<semaphore_mem>>)
      %dma_wait3A_913 = arith.constant 0 : i32
      %dma_wait3A_914 = tpu.memref_slice %arg5[%add3A_282, %dma_wait3A_913] : memref<131072x64xf32, #tpu.memory_space<hbm>> -> memref<256x64xf32, #tpu.memory_space<hbm>>
      %dma_wait3A_915 = arith.constant 0 : i32
      %dma_wait3A_916 = tpu.memref_slice %arg5[%add3A_282, %dma_wait3A_915] : memref<131072x64xf32, #tpu.memory_space<hbm>> -> memref<256x64xf32, #tpu.memory_space<hbm>>
      tpu.wait_dma2 semaphore(%run_scoped3A : memref<!tpu.dma_semaphore, #tpu.memory_space<semaphore_mem>>) src(%arg21 : memref<256x64xf32, #tpu.memory_space<vmem>>) dst(%dma_wait3A_916 : memref<256x64xf32, #tpu.memory_space<hbm>>)
      tpu.yield
    }) : () -> ()
    %dma_start3A_283 = arith.constant 3072 : i32
    %dma_start3A_284 = tpu.memref_slice %arg17[%dma_start3A_283] : memref<4096xi32, #tpu.memory_space<vmem>> -> memref<256xi32, #tpu.memory_space<vmem>>
    %dma_start3A_285 = arith.constant 0 : i32
    %dma_start3A_286 = arith.constant 0 : i32
    %dma_start3A_287 = tpu.memref_slice %arg4[%dma_start3A_285, %dma_start3A_286] : memref<32768x64xf32, #tpu.memory_space<hbm>> -> memref<32768x64xf32, #tpu.memory_space<hbm>>
    tpu.enqueue_indirect_dma source(%dma_start3A_287 : memref<32768x64xf32, #tpu.memory_space<hbm>>) target(%arg21 : memref<256x64xf32, #tpu.memory_space<vmem>>) offsets(%dma_start3A_284 : memref<256xi32, #tpu.memory_space<vmem>>) semaphore(%arg22 : memref<!tpu.dma_semaphore, #tpu.memory_space<semaphore_mem>>)
    %dma_wait3A_288 = arith.constant 3072 : i32
    %dma_wait3A_289 = tpu.memref_slice %arg17[%dma_wait3A_288] : memref<4096xi32, #tpu.memory_space<vmem>> -> memref<256xi32, #tpu.memory_space<vmem>>
    %dma_wait3A_290 = arith.constant 0 : i32
    %dma_wait3A_291 = arith.constant 0 : i32
    %dma_wait3A_292 = tpu.memref_slice %arg4[%dma_wait3A_290, %dma_wait3A_291] : memref<32768x64xf32, #tpu.memory_space<hbm>> -> memref<32768x64xf32, #tpu.memory_space<hbm>>
    tpu.wait_indirect_dma semaphore(%arg22 : memref<!tpu.dma_semaphore, #tpu.memory_space<semaphore_mem>>) src(%dma_wait3A_292 : memref<32768x64xf32, #tpu.memory_space<hbm>>) dst(%arg21 : memref<256x64xf32, #tpu.memory_space<vmem>>)
    %mul3A_293 = arith.constant 1024 : i32
    %mul3A_294 = arith.muli %select_n3A, %mul3A_293 : i32
    %add3A_295 = arith.addi %mul3A_294, %mul3A_32 : i32
    %mul3A_296 = arith.constant 32 : i32
    %mul3A_297 = arith.muli %add3A_295, %mul3A_296 : i32
    %add3A_298 = arith.constant 3072 : i32
    %add3A_299 = arith.addi %mul3A_297, %add3A_298 : i32
    "tpu.region"() ({
      %run_scoped3A = tpu.sem_alloc : memref<!tpu.dma_semaphore, #tpu.memory_space<semaphore_mem>>
      %dma_start3A_909 = arith.constant 0 : i32
      %dma_start3A_910 = tpu.memref_slice %arg5[%add3A_299, %dma_start3A_909] : memref<131072x64xf32, #tpu.memory_space<hbm>> -> memref<256x64xf32, #tpu.memory_space<hbm>>
      %dma_start3A_911 = arith.constant 0 : i32
      %dma_start3A_912 = tpu.memref_slice %arg5[%add3A_299, %dma_start3A_911] : memref<131072x64xf32, #tpu.memory_space<hbm>> -> memref<256x64xf32, #tpu.memory_space<hbm>>
      tpu.enqueue_dma source(%arg21 : memref<256x64xf32, #tpu.memory_space<vmem>>) target(%dma_start3A_912 : memref<256x64xf32, #tpu.memory_space<hbm>>) target_semaphore(%run_scoped3A : memref<!tpu.dma_semaphore, #tpu.memory_space<semaphore_mem>>)
      %dma_wait3A_913 = arith.constant 0 : i32
      %dma_wait3A_914 = tpu.memref_slice %arg5[%add3A_299, %dma_wait3A_913] : memref<131072x64xf32, #tpu.memory_space<hbm>> -> memref<256x64xf32, #tpu.memory_space<hbm>>
      %dma_wait3A_915 = arith.constant 0 : i32
      %dma_wait3A_916 = tpu.memref_slice %arg5[%add3A_299, %dma_wait3A_915] : memref<131072x64xf32, #tpu.memory_space<hbm>> -> memref<256x64xf32, #tpu.memory_space<hbm>>
      tpu.wait_dma2 semaphore(%run_scoped3A : memref<!tpu.dma_semaphore, #tpu.memory_space<semaphore_mem>>) src(%arg21 : memref<256x64xf32, #tpu.memory_space<vmem>>) dst(%dma_wait3A_916 : memref<256x64xf32, #tpu.memory_space<hbm>>)
      tpu.yield
    }) : () -> ()
    %dma_start3A_300 = arith.constant 3328 : i32
    %dma_start3A_301 = tpu.memref_slice %arg17[%dma_start3A_300] : memref<4096xi32, #tpu.memory_space<vmem>> -> memref<256xi32, #tpu.memory_space<vmem>>
    %dma_start3A_302 = arith.constant 0 : i32
    %dma_start3A_303 = arith.constant 0 : i32
    %dma_start3A_304 = tpu.memref_slice %arg4[%dma_start3A_302, %dma_start3A_303] : memref<32768x64xf32, #tpu.memory_space<hbm>> -> memref<32768x64xf32, #tpu.memory_space<hbm>>
    tpu.enqueue_indirect_dma source(%dma_start3A_304 : memref<32768x64xf32, #tpu.memory_space<hbm>>) target(%arg21 : memref<256x64xf32, #tpu.memory_space<vmem>>) offsets(%dma_start3A_301 : memref<256xi32, #tpu.memory_space<vmem>>) semaphore(%arg22 : memref<!tpu.dma_semaphore, #tpu.memory_space<semaphore_mem>>)
    %dma_wait3A_305 = arith.constant 3328 : i32
    %dma_wait3A_306 = tpu.memref_slice %arg17[%dma_wait3A_305] : memref<4096xi32, #tpu.memory_space<vmem>> -> memref<256xi32, #tpu.memory_space<vmem>>
    %dma_wait3A_307 = arith.constant 0 : i32
    %dma_wait3A_308 = arith.constant 0 : i32
    %dma_wait3A_309 = tpu.memref_slice %arg4[%dma_wait3A_307, %dma_wait3A_308] : memref<32768x64xf32, #tpu.memory_space<hbm>> -> memref<32768x64xf32, #tpu.memory_space<hbm>>
    tpu.wait_indirect_dma semaphore(%arg22 : memref<!tpu.dma_semaphore, #tpu.memory_space<semaphore_mem>>) src(%dma_wait3A_309 : memref<32768x64xf32, #tpu.memory_space<hbm>>) dst(%arg21 : memref<256x64xf32, #tpu.memory_space<vmem>>)
    %mul3A_310 = arith.constant 1024 : i32
    %mul3A_311 = arith.muli %select_n3A, %mul3A_310 : i32
    %add3A_312 = arith.addi %mul3A_311, %mul3A_32 : i32
    %mul3A_313 = arith.constant 32 : i32
    %mul3A_314 = arith.muli %add3A_312, %mul3A_313 : i32
    %add3A_315 = arith.constant 3328 : i32
    %add3A_316 = arith.addi %mul3A_314, %add3A_315 : i32
    "tpu.region"() ({
      %run_scoped3A = tpu.sem_alloc : memref<!tpu.dma_semaphore, #tpu.memory_space<semaphore_mem>>
      %dma_start3A_909 = arith.constant 0 : i32
      %dma_start3A_910 = tpu.memref_slice %arg5[%add3A_316, %dma_start3A_909] : memref<131072x64xf32, #tpu.memory_space<hbm>> -> memref<256x64xf32, #tpu.memory_space<hbm>>
      %dma_start3A_911 = arith.constant 0 : i32
      %dma_start3A_912 = tpu.memref_slice %arg5[%add3A_316, %dma_start3A_911] : memref<131072x64xf32, #tpu.memory_space<hbm>> -> memref<256x64xf32, #tpu.memory_space<hbm>>
      tpu.enqueue_dma source(%arg21 : memref<256x64xf32, #tpu.memory_space<vmem>>) target(%dma_start3A_912 : memref<256x64xf32, #tpu.memory_space<hbm>>) target_semaphore(%run_scoped3A : memref<!tpu.dma_semaphore, #tpu.memory_space<semaphore_mem>>)
      %dma_wait3A_913 = arith.constant 0 : i32
      %dma_wait3A_914 = tpu.memref_slice %arg5[%add3A_316, %dma_wait3A_913] : memref<131072x64xf32, #tpu.memory_space<hbm>> -> memref<256x64xf32, #tpu.memory_space<hbm>>
      %dma_wait3A_915 = arith.constant 0 : i32
      %dma_wait3A_916 = tpu.memref_slice %arg5[%add3A_316, %dma_wait3A_915] : memref<131072x64xf32, #tpu.memory_space<hbm>> -> memref<256x64xf32, #tpu.memory_space<hbm>>
      tpu.wait_dma2 semaphore(%run_scoped3A : memref<!tpu.dma_semaphore, #tpu.memory_space<semaphore_mem>>) src(%arg21 : memref<256x64xf32, #tpu.memory_space<vmem>>) dst(%dma_wait3A_916 : memref<256x64xf32, #tpu.memory_space<hbm>>)
      tpu.yield
    }) : () -> ()
    %dma_start3A_317 = arith.constant 3584 : i32
    %dma_start3A_318 = tpu.memref_slice %arg17[%dma_start3A_317] : memref<4096xi32, #tpu.memory_space<vmem>> -> memref<256xi32, #tpu.memory_space<vmem>>
    %dma_start3A_319 = arith.constant 0 : i32
    %dma_start3A_320 = arith.constant 0 : i32
    %dma_start3A_321 = tpu.memref_slice %arg4[%dma_start3A_319, %dma_start3A_320] : memref<32768x64xf32, #tpu.memory_space<hbm>> -> memref<32768x64xf32, #tpu.memory_space<hbm>>
    tpu.enqueue_indirect_dma source(%dma_start3A_321 : memref<32768x64xf32, #tpu.memory_space<hbm>>) target(%arg21 : memref<256x64xf32, #tpu.memory_space<vmem>>) offsets(%dma_start3A_318 : memref<256xi32, #tpu.memory_space<vmem>>) semaphore(%arg22 : memref<!tpu.dma_semaphore, #tpu.memory_space<semaphore_mem>>)
    %dma_wait3A_322 = arith.constant 3584 : i32
    %dma_wait3A_323 = tpu.memref_slice %arg17[%dma_wait3A_322] : memref<4096xi32, #tpu.memory_space<vmem>> -> memref<256xi32, #tpu.memory_space<vmem>>
    %dma_wait3A_324 = arith.constant 0 : i32
    %dma_wait3A_325 = arith.constant 0 : i32
    %dma_wait3A_326 = tpu.memref_slice %arg4[%dma_wait3A_324, %dma_wait3A_325] : memref<32768x64xf32, #tpu.memory_space<hbm>> -> memref<32768x64xf32, #tpu.memory_space<hbm>>
    tpu.wait_indirect_dma semaphore(%arg22 : memref<!tpu.dma_semaphore, #tpu.memory_space<semaphore_mem>>) src(%dma_wait3A_326 : memref<32768x64xf32, #tpu.memory_space<hbm>>) dst(%arg21 : memref<256x64xf32, #tpu.memory_space<vmem>>)
    %mul3A_327 = arith.constant 1024 : i32
    %mul3A_328 = arith.muli %select_n3A, %mul3A_327 : i32
    %add3A_329 = arith.addi %mul3A_328, %mul3A_32 : i32
    %mul3A_330 = arith.constant 32 : i32
    %mul3A_331 = arith.muli %add3A_329, %mul3A_330 : i32
    %add3A_332 = arith.constant 3584 : i32
    %add3A_333 = arith.addi %mul3A_331, %add3A_332 : i32
    "tpu.region"() ({
      %run_scoped3A = tpu.sem_alloc : memref<!tpu.dma_semaphore, #tpu.memory_space<semaphore_mem>>
      %dma_start3A_909 = arith.constant 0 : i32
      %dma_start3A_910 = tpu.memref_slice %arg5[%add3A_333, %dma_start3A_909] : memref<131072x64xf32, #tpu.memory_space<hbm>> -> memref<256x64xf32, #tpu.memory_space<hbm>>
      %dma_start3A_911 = arith.constant 0 : i32
      %dma_start3A_912 = tpu.memref_slice %arg5[%add3A_333, %dma_start3A_911] : memref<131072x64xf32, #tpu.memory_space<hbm>> -> memref<256x64xf32, #tpu.memory_space<hbm>>
      tpu.enqueue_dma source(%arg21 : memref<256x64xf32, #tpu.memory_space<vmem>>) target(%dma_start3A_912 : memref<256x64xf32, #tpu.memory_space<hbm>>) target_semaphore(%run_scoped3A : memref<!tpu.dma_semaphore, #tpu.memory_space<semaphore_mem>>)
      %dma_wait3A_913 = arith.constant 0 : i32
      %dma_wait3A_914 = tpu.memref_slice %arg5[%add3A_333, %dma_wait3A_913] : memref<131072x64xf32, #tpu.memory_space<hbm>> -> memref<256x64xf32, #tpu.memory_space<hbm>>
      %dma_wait3A_915 = arith.constant 0 : i32
      %dma_wait3A_916 = tpu.memref_slice %arg5[%add3A_333, %dma_wait3A_915] : memref<131072x64xf32, #tpu.memory_space<hbm>> -> memref<256x64xf32, #tpu.memory_space<hbm>>
      tpu.wait_dma2 semaphore(%run_scoped3A : memref<!tpu.dma_semaphore, #tpu.memory_space<semaphore_mem>>) src(%arg21 : memref<256x64xf32, #tpu.memory_space<vmem>>) dst(%dma_wait3A_916 : memref<256x64xf32, #tpu.memory_space<hbm>>)
      tpu.yield
    }) : () -> ()
    %dma_start3A_334 = arith.constant 3840 : i32
    %dma_start3A_335 = tpu.memref_slice %arg17[%dma_start3A_334] : memref<4096xi32, #tpu.memory_space<vmem>> -> memref<256xi32, #tpu.memory_space<vmem>>
    %dma_start3A_336 = arith.constant 0 : i32
    %dma_start3A_337 = arith.constant 0 : i32
    %dma_start3A_338 = tpu.memref_slice %arg4[%dma_start3A_336, %dma_start3A_337] : memref<32768x64xf32, #tpu.memory_space<hbm>> -> memref<32768x64xf32, #tpu.memory_space<hbm>>
    tpu.enqueue_indirect_dma source(%dma_start3A_338 : memref<32768x64xf32, #tpu.memory_space<hbm>>) target(%arg21 : memref<256x64xf32, #tpu.memory_space<vmem>>) offsets(%dma_start3A_335 : memref<256xi32, #tpu.memory_space<vmem>>) semaphore(%arg22 : memref<!tpu.dma_semaphore, #tpu.memory_space<semaphore_mem>>)
    %dma_wait3A_339 = arith.constant 3840 : i32
    %dma_wait3A_340 = tpu.memref_slice %arg17[%dma_wait3A_339] : memref<4096xi32, #tpu.memory_space<vmem>> -> memref<256xi32, #tpu.memory_space<vmem>>
    %dma_wait3A_341 = arith.constant 0 : i32
    %dma_wait3A_342 = arith.constant 0 : i32
    %dma_wait3A_343 = tpu.memref_slice %arg4[%dma_wait3A_341, %dma_wait3A_342] : memref<32768x64xf32, #tpu.memory_space<hbm>> -> memref<32768x64xf32, #tpu.memory_space<hbm>>
    tpu.wait_indirect_dma semaphore(%arg22 : memref<!tpu.dma_semaphore, #tpu.memory_space<semaphore_mem>>) src(%dma_wait3A_343 : memref<32768x64xf32, #tpu.memory_space<hbm>>) dst(%arg21 : memref<256x64xf32, #tpu.memory_space<vmem>>)
    %mul3A_344 = arith.constant 1024 : i32
    %mul3A_345 = arith.muli %select_n3A, %mul3A_344 : i32
    %add3A_346 = arith.addi %mul3A_345, %mul3A_32 : i32
    %mul3A_347 = arith.constant 32 : i32
    %mul3A_348 = arith.muli %add3A_346, %mul3A_347 : i32
    %add3A_349 = arith.constant 3840 : i32
    %add3A_350 = arith.addi %mul3A_348, %add3A_349 : i32
    "tpu.region"() ({
      %run_scoped3A = tpu.sem_alloc : memref<!tpu.dma_semaphore, #tpu.memory_space<semaphore_mem>>
      %dma_start3A_909 = arith.constant 0 : i32
      %dma_start3A_910 = tpu.memref_slice %arg5[%add3A_350, %dma_start3A_909] : memref<131072x64xf32, #tpu.memory_space<hbm>> -> memref<256x64xf32, #tpu.memory_space<hbm>>
      %dma_start3A_911 = arith.constant 0 : i32
      %dma_start3A_912 = tpu.memref_slice %arg5[%add3A_350, %dma_start3A_911] : memref<131072x64xf32, #tpu.memory_space<hbm>> -> memref<256x64xf32, #tpu.memory_space<hbm>>
      tpu.enqueue_dma source(%arg21 : memref<256x64xf32, #tpu.memory_space<vmem>>) target(%dma_start3A_912 : memref<256x64xf32, #tpu.memory_space<hbm>>) target_semaphore(%run_scoped3A : memref<!tpu.dma_semaphore, #tpu.memory_space<semaphore_mem>>)
      %dma_wait3A_913 = arith.constant 0 : i32
      %dma_wait3A_914 = tpu.memref_slice %arg5[%add3A_350, %dma_wait3A_913] : memref<131072x64xf32, #tpu.memory_space<hbm>> -> memref<256x64xf32, #tpu.memory_space<hbm>>
      %dma_wait3A_915 = arith.constant 0 : i32
      %dma_wait3A_916 = tpu.memref_slice %arg5[%add3A_350, %dma_wait3A_915] : memref<131072x64xf32, #tpu.memory_space<hbm>> -> memref<256x64xf32, #tpu.memory_space<hbm>>
      tpu.wait_dma2 semaphore(%run_scoped3A : memref<!tpu.dma_semaphore, #tpu.memory_space<semaphore_mem>>) src(%arg21 : memref<256x64xf32, #tpu.memory_space<vmem>>) dst(%dma_wait3A_916 : memref<256x64xf32, #tpu.memory_space<hbm>>)
      tpu.yield
    }) : () -> ()
    %dma_start3A_351 = arith.constant 0 : i32
    %dma_start3A_352 = tpu.memref_slice %arg18[%dma_start3A_351] : memref<8192xi32, #tpu.memory_space<vmem>> -> memref<256xi32, #tpu.memory_space<vmem>>
    %dma_start3A_353 = arith.constant 0 : i32
    %dma_start3A_354 = arith.constant 0 : i32
    %dma_start3A_355 = tpu.memref_slice %arg4[%dma_start3A_353, %dma_start3A_354] : memref<32768x64xf32, #tpu.memory_space<hbm>> -> memref<32768x64xf32, #tpu.memory_space<hbm>>
    tpu.enqueue_indirect_dma source(%dma_start3A_355 : memref<32768x64xf32, #tpu.memory_space<hbm>>) target(%arg21 : memref<256x64xf32, #tpu.memory_space<vmem>>) offsets(%dma_start3A_352 : memref<256xi32, #tpu.memory_space<vmem>>) semaphore(%arg22 : memref<!tpu.dma_semaphore, #tpu.memory_space<semaphore_mem>>)
    %dma_wait3A_356 = arith.constant 0 : i32
    %dma_wait3A_357 = tpu.memref_slice %arg18[%dma_wait3A_356] : memref<8192xi32, #tpu.memory_space<vmem>> -> memref<256xi32, #tpu.memory_space<vmem>>
    %dma_wait3A_358 = arith.constant 0 : i32
    %dma_wait3A_359 = arith.constant 0 : i32
    %dma_wait3A_360 = tpu.memref_slice %arg4[%dma_wait3A_358, %dma_wait3A_359] : memref<32768x64xf32, #tpu.memory_space<hbm>> -> memref<32768x64xf32, #tpu.memory_space<hbm>>
    tpu.wait_indirect_dma semaphore(%arg22 : memref<!tpu.dma_semaphore, #tpu.memory_space<semaphore_mem>>) src(%dma_wait3A_360 : memref<32768x64xf32, #tpu.memory_space<hbm>>) dst(%arg21 : memref<256x64xf32, #tpu.memory_space<vmem>>)
    %mul3A_361 = arith.constant 1024 : i32
    %mul3A_362 = arith.muli %select_n3A, %mul3A_361 : i32
    %add3A_363 = arith.addi %mul3A_362, %mul3A_32 : i32
    %mul3A_364 = arith.constant 64 : i32
    %mul3A_365 = arith.muli %add3A_363, %mul3A_364 : i32
    %add3A_366 = arith.constant 0 : i32
    %add3A_367 = arith.addi %mul3A_365, %add3A_366 : i32
    "tpu.region"() ({
      %run_scoped3A = tpu.sem_alloc : memref<!tpu.dma_semaphore, #tpu.memory_space<semaphore_mem>>
      %dma_start3A_909 = arith.constant 0 : i32
      %dma_start3A_910 = tpu.memref_slice %arg6[%add3A_367, %dma_start3A_909] : memref<262144x64xf32, #tpu.memory_space<hbm>> -> memref<256x64xf32, #tpu.memory_space<hbm>>
      %dma_start3A_911 = arith.constant 0 : i32
      %dma_start3A_912 = tpu.memref_slice %arg6[%add3A_367, %dma_start3A_911] : memref<262144x64xf32, #tpu.memory_space<hbm>> -> memref<256x64xf32, #tpu.memory_space<hbm>>
      tpu.enqueue_dma source(%arg21 : memref<256x64xf32, #tpu.memory_space<vmem>>) target(%dma_start3A_912 : memref<256x64xf32, #tpu.memory_space<hbm>>) target_semaphore(%run_scoped3A : memref<!tpu.dma_semaphore, #tpu.memory_space<semaphore_mem>>)
      %dma_wait3A_913 = arith.constant 0 : i32
      %dma_wait3A_914 = tpu.memref_slice %arg6[%add3A_367, %dma_wait3A_913] : memref<262144x64xf32, #tpu.memory_space<hbm>> -> memref<256x64xf32, #tpu.memory_space<hbm>>
      %dma_wait3A_915 = arith.constant 0 : i32
      %dma_wait3A_916 = tpu.memref_slice %arg6[%add3A_367, %dma_wait3A_915] : memref<262144x64xf32, #tpu.memory_space<hbm>> -> memref<256x64xf32, #tpu.memory_space<hbm>>
      tpu.wait_dma2 semaphore(%run_scoped3A : memref<!tpu.dma_semaphore, #tpu.memory_space<semaphore_mem>>) src(%arg21 : memref<256x64xf32, #tpu.memory_space<vmem>>) dst(%dma_wait3A_916 : memref<256x64xf32, #tpu.memory_space<hbm>>)
      tpu.yield
    }) : () -> ()
    %dma_start3A_368 = arith.constant 256 : i32
    %dma_start3A_369 = tpu.memref_slice %arg18[%dma_start3A_368] : memref<8192xi32, #tpu.memory_space<vmem>> -> memref<256xi32, #tpu.memory_space<vmem>>
    %dma_start3A_370 = arith.constant 0 : i32
    %dma_start3A_371 = arith.constant 0 : i32
    %dma_start3A_372 = tpu.memref_slice %arg4[%dma_start3A_370, %dma_start3A_371] : memref<32768x64xf32, #tpu.memory_space<hbm>> -> memref<32768x64xf32, #tpu.memory_space<hbm>>
    tpu.enqueue_indirect_dma source(%dma_start3A_372 : memref<32768x64xf32, #tpu.memory_space<hbm>>) target(%arg21 : memref<256x64xf32, #tpu.memory_space<vmem>>) offsets(%dma_start3A_369 : memref<256xi32, #tpu.memory_space<vmem>>) semaphore(%arg22 : memref<!tpu.dma_semaphore, #tpu.memory_space<semaphore_mem>>)
    %dma_wait3A_373 = arith.constant 256 : i32
    %dma_wait3A_374 = tpu.memref_slice %arg18[%dma_wait3A_373] : memref<8192xi32, #tpu.memory_space<vmem>> -> memref<256xi32, #tpu.memory_space<vmem>>
    %dma_wait3A_375 = arith.constant 0 : i32
    %dma_wait3A_376 = arith.constant 0 : i32
    %dma_wait3A_377 = tpu.memref_slice %arg4[%dma_wait3A_375, %dma_wait3A_376] : memref<32768x64xf32, #tpu.memory_space<hbm>> -> memref<32768x64xf32, #tpu.memory_space<hbm>>
    tpu.wait_indirect_dma semaphore(%arg22 : memref<!tpu.dma_semaphore, #tpu.memory_space<semaphore_mem>>) src(%dma_wait3A_377 : memref<32768x64xf32, #tpu.memory_space<hbm>>) dst(%arg21 : memref<256x64xf32, #tpu.memory_space<vmem>>)
    %mul3A_378 = arith.constant 1024 : i32
    %mul3A_379 = arith.muli %select_n3A, %mul3A_378 : i32
    %add3A_380 = arith.addi %mul3A_379, %mul3A_32 : i32
    %mul3A_381 = arith.constant 64 : i32
    %mul3A_382 = arith.muli %add3A_380, %mul3A_381 : i32
    %add3A_383 = arith.constant 256 : i32
    %add3A_384 = arith.addi %mul3A_382, %add3A_383 : i32
    "tpu.region"() ({
      %run_scoped3A = tpu.sem_alloc : memref<!tpu.dma_semaphore, #tpu.memory_space<semaphore_mem>>
      %dma_start3A_909 = arith.constant 0 : i32
      %dma_start3A_910 = tpu.memref_slice %arg6[%add3A_384, %dma_start3A_909] : memref<262144x64xf32, #tpu.memory_space<hbm>> -> memref<256x64xf32, #tpu.memory_space<hbm>>
      %dma_start3A_911 = arith.constant 0 : i32
      %dma_start3A_912 = tpu.memref_slice %arg6[%add3A_384, %dma_start3A_911] : memref<262144x64xf32, #tpu.memory_space<hbm>> -> memref<256x64xf32, #tpu.memory_space<hbm>>
      tpu.enqueue_dma source(%arg21 : memref<256x64xf32, #tpu.memory_space<vmem>>) target(%dma_start3A_912 : memref<256x64xf32, #tpu.memory_space<hbm>>) target_semaphore(%run_scoped3A : memref<!tpu.dma_semaphore, #tpu.memory_space<semaphore_mem>>)
      %dma_wait3A_913 = arith.constant 0 : i32
      %dma_wait3A_914 = tpu.memref_slice %arg6[%add3A_384, %dma_wait3A_913] : memref<262144x64xf32, #tpu.memory_space<hbm>> -> memref<256x64xf32, #tpu.memory_space<hbm>>
      %dma_wait3A_915 = arith.constant 0 : i32
      %dma_wait3A_916 = tpu.memref_slice %arg6[%add3A_384, %dma_wait3A_915] : memref<262144x64xf32, #tpu.memory_space<hbm>> -> memref<256x64xf32, #tpu.memory_space<hbm>>
      tpu.wait_dma2 semaphore(%run_scoped3A : memref<!tpu.dma_semaphore, #tpu.memory_space<semaphore_mem>>) src(%arg21 : memref<256x64xf32, #tpu.memory_space<vmem>>) dst(%dma_wait3A_916 : memref<256x64xf32, #tpu.memory_space<hbm>>)
      tpu.yield
    }) : () -> ()
    %dma_start3A_385 = arith.constant 512 : i32
    %dma_start3A_386 = tpu.memref_slice %arg18[%dma_start3A_385] : memref<8192xi32, #tpu.memory_space<vmem>> -> memref<256xi32, #tpu.memory_space<vmem>>
    %dma_start3A_387 = arith.constant 0 : i32
    %dma_start3A_388 = arith.constant 0 : i32
    %dma_start3A_389 = tpu.memref_slice %arg4[%dma_start3A_387, %dma_start3A_388] : memref<32768x64xf32, #tpu.memory_space<hbm>> -> memref<32768x64xf32, #tpu.memory_space<hbm>>
    tpu.enqueue_indirect_dma source(%dma_start3A_389 : memref<32768x64xf32, #tpu.memory_space<hbm>>) target(%arg21 : memref<256x64xf32, #tpu.memory_space<vmem>>) offsets(%dma_start3A_386 : memref<256xi32, #tpu.memory_space<vmem>>) semaphore(%arg22 : memref<!tpu.dma_semaphore, #tpu.memory_space<semaphore_mem>>)
    %dma_wait3A_390 = arith.constant 512 : i32
    %dma_wait3A_391 = tpu.memref_slice %arg18[%dma_wait3A_390] : memref<8192xi32, #tpu.memory_space<vmem>> -> memref<256xi32, #tpu.memory_space<vmem>>
    %dma_wait3A_392 = arith.constant 0 : i32
    %dma_wait3A_393 = arith.constant 0 : i32
    %dma_wait3A_394 = tpu.memref_slice %arg4[%dma_wait3A_392, %dma_wait3A_393] : memref<32768x64xf32, #tpu.memory_space<hbm>> -> memref<32768x64xf32, #tpu.memory_space<hbm>>
    tpu.wait_indirect_dma semaphore(%arg22 : memref<!tpu.dma_semaphore, #tpu.memory_space<semaphore_mem>>) src(%dma_wait3A_394 : memref<32768x64xf32, #tpu.memory_space<hbm>>) dst(%arg21 : memref<256x64xf32, #tpu.memory_space<vmem>>)
    %mul3A_395 = arith.constant 1024 : i32
    %mul3A_396 = arith.muli %select_n3A, %mul3A_395 : i32
    %add3A_397 = arith.addi %mul3A_396, %mul3A_32 : i32
    %mul3A_398 = arith.constant 64 : i32
    %mul3A_399 = arith.muli %add3A_397, %mul3A_398 : i32
    %add3A_400 = arith.constant 512 : i32
    %add3A_401 = arith.addi %mul3A_399, %add3A_400 : i32
    "tpu.region"() ({
      %run_scoped3A = tpu.sem_alloc : memref<!tpu.dma_semaphore, #tpu.memory_space<semaphore_mem>>
      %dma_start3A_909 = arith.constant 0 : i32
      %dma_start3A_910 = tpu.memref_slice %arg6[%add3A_401, %dma_start3A_909] : memref<262144x64xf32, #tpu.memory_space<hbm>> -> memref<256x64xf32, #tpu.memory_space<hbm>>
      %dma_start3A_911 = arith.constant 0 : i32
      %dma_start3A_912 = tpu.memref_slice %arg6[%add3A_401, %dma_start3A_911] : memref<262144x64xf32, #tpu.memory_space<hbm>> -> memref<256x64xf32, #tpu.memory_space<hbm>>
      tpu.enqueue_dma source(%arg21 : memref<256x64xf32, #tpu.memory_space<vmem>>) target(%dma_start3A_912 : memref<256x64xf32, #tpu.memory_space<hbm>>) target_semaphore(%run_scoped3A : memref<!tpu.dma_semaphore, #tpu.memory_space<semaphore_mem>>)
      %dma_wait3A_913 = arith.constant 0 : i32
      %dma_wait3A_914 = tpu.memref_slice %arg6[%add3A_401, %dma_wait3A_913] : memref<262144x64xf32, #tpu.memory_space<hbm>> -> memref<256x64xf32, #tpu.memory_space<hbm>>
      %dma_wait3A_915 = arith.constant 0 : i32
      %dma_wait3A_916 = tpu.memref_slice %arg6[%add3A_401, %dma_wait3A_915] : memref<262144x64xf32, #tpu.memory_space<hbm>> -> memref<256x64xf32, #tpu.memory_space<hbm>>
      tpu.wait_dma2 semaphore(%run_scoped3A : memref<!tpu.dma_semaphore, #tpu.memory_space<semaphore_mem>>) src(%arg21 : memref<256x64xf32, #tpu.memory_space<vmem>>) dst(%dma_wait3A_916 : memref<256x64xf32, #tpu.memory_space<hbm>>)
      tpu.yield
    }) : () -> ()
    %dma_start3A_402 = arith.constant 768 : i32
    %dma_start3A_403 = tpu.memref_slice %arg18[%dma_start3A_402] : memref<8192xi32, #tpu.memory_space<vmem>> -> memref<256xi32, #tpu.memory_space<vmem>>
    %dma_start3A_404 = arith.constant 0 : i32
    %dma_start3A_405 = arith.constant 0 : i32
    %dma_start3A_406 = tpu.memref_slice %arg4[%dma_start3A_404, %dma_start3A_405] : memref<32768x64xf32, #tpu.memory_space<hbm>> -> memref<32768x64xf32, #tpu.memory_space<hbm>>
    tpu.enqueue_indirect_dma source(%dma_start3A_406 : memref<32768x64xf32, #tpu.memory_space<hbm>>) target(%arg21 : memref<256x64xf32, #tpu.memory_space<vmem>>) offsets(%dma_start3A_403 : memref<256xi32, #tpu.memory_space<vmem>>) semaphore(%arg22 : memref<!tpu.dma_semaphore, #tpu.memory_space<semaphore_mem>>)
    %dma_wait3A_407 = arith.constant 768 : i32
    %dma_wait3A_408 = tpu.memref_slice %arg18[%dma_wait3A_407] : memref<8192xi32, #tpu.memory_space<vmem>> -> memref<256xi32, #tpu.memory_space<vmem>>
    %dma_wait3A_409 = arith.constant 0 : i32
    %dma_wait3A_410 = arith.constant 0 : i32
    %dma_wait3A_411 = tpu.memref_slice %arg4[%dma_wait3A_409, %dma_wait3A_410] : memref<32768x64xf32, #tpu.memory_space<hbm>> -> memref<32768x64xf32, #tpu.memory_space<hbm>>
    tpu.wait_indirect_dma semaphore(%arg22 : memref<!tpu.dma_semaphore, #tpu.memory_space<semaphore_mem>>) src(%dma_wait3A_411 : memref<32768x64xf32, #tpu.memory_space<hbm>>) dst(%arg21 : memref<256x64xf32, #tpu.memory_space<vmem>>)
    %mul3A_412 = arith.constant 1024 : i32
    %mul3A_413 = arith.muli %select_n3A, %mul3A_412 : i32
    %add3A_414 = arith.addi %mul3A_413, %mul3A_32 : i32
    %mul3A_415 = arith.constant 64 : i32
    %mul3A_416 = arith.muli %add3A_414, %mul3A_415 : i32
    %add3A_417 = arith.constant 768 : i32
    %add3A_418 = arith.addi %mul3A_416, %add3A_417 : i32
    "tpu.region"() ({
      %run_scoped3A = tpu.sem_alloc : memref<!tpu.dma_semaphore, #tpu.memory_space<semaphore_mem>>
      %dma_start3A_909 = arith.constant 0 : i32
      %dma_start3A_910 = tpu.memref_slice %arg6[%add3A_418, %dma_start3A_909] : memref<262144x64xf32, #tpu.memory_space<hbm>> -> memref<256x64xf32, #tpu.memory_space<hbm>>
      %dma_start3A_911 = arith.constant 0 : i32
      %dma_start3A_912 = tpu.memref_slice %arg6[%add3A_418, %dma_start3A_911] : memref<262144x64xf32, #tpu.memory_space<hbm>> -> memref<256x64xf32, #tpu.memory_space<hbm>>
      tpu.enqueue_dma source(%arg21 : memref<256x64xf32, #tpu.memory_space<vmem>>) target(%dma_start3A_912 : memref<256x64xf32, #tpu.memory_space<hbm>>) target_semaphore(%run_scoped3A : memref<!tpu.dma_semaphore, #tpu.memory_space<semaphore_mem>>)
      %dma_wait3A_913 = arith.constant 0 : i32
      %dma_wait3A_914 = tpu.memref_slice %arg6[%add3A_418, %dma_wait3A_913] : memref<262144x64xf32, #tpu.memory_space<hbm>> -> memref<256x64xf32, #tpu.memory_space<hbm>>
      %dma_wait3A_915 = arith.constant 0 : i32
      %dma_wait3A_916 = tpu.memref_slice %arg6[%add3A_418, %dma_wait3A_915] : memref<262144x64xf32, #tpu.memory_space<hbm>> -> memref<256x64xf32, #tpu.memory_space<hbm>>
      tpu.wait_dma2 semaphore(%run_scoped3A : memref<!tpu.dma_semaphore, #tpu.memory_space<semaphore_mem>>) src(%arg21 : memref<256x64xf32, #tpu.memory_space<vmem>>) dst(%dma_wait3A_916 : memref<256x64xf32, #tpu.memory_space<hbm>>)
      tpu.yield
    }) : () -> ()
    %dma_start3A_419 = arith.constant 1024 : i32
    %dma_start3A_420 = tpu.memref_slice %arg18[%dma_start3A_419] : memref<8192xi32, #tpu.memory_space<vmem>> -> memref<256xi32, #tpu.memory_space<vmem>>
    %dma_start3A_421 = arith.constant 0 : i32
    %dma_start3A_422 = arith.constant 0 : i32
    %dma_start3A_423 = tpu.memref_slice %arg4[%dma_start3A_421, %dma_start3A_422] : memref<32768x64xf32, #tpu.memory_space<hbm>> -> memref<32768x64xf32, #tpu.memory_space<hbm>>
    tpu.enqueue_indirect_dma source(%dma_start3A_423 : memref<32768x64xf32, #tpu.memory_space<hbm>>) target(%arg21 : memref<256x64xf32, #tpu.memory_space<vmem>>) offsets(%dma_start3A_420 : memref<256xi32, #tpu.memory_space<vmem>>) semaphore(%arg22 : memref<!tpu.dma_semaphore, #tpu.memory_space<semaphore_mem>>)
    %dma_wait3A_424 = arith.constant 1024 : i32
    %dma_wait3A_425 = tpu.memref_slice %arg18[%dma_wait3A_424] : memref<8192xi32, #tpu.memory_space<vmem>> -> memref<256xi32, #tpu.memory_space<vmem>>
    %dma_wait3A_426 = arith.constant 0 : i32
    %dma_wait3A_427 = arith.constant 0 : i32
    %dma_wait3A_428 = tpu.memref_slice %arg4[%dma_wait3A_426, %dma_wait3A_427] : memref<32768x64xf32, #tpu.memory_space<hbm>> -> memref<32768x64xf32, #tpu.memory_space<hbm>>
    tpu.wait_indirect_dma semaphore(%arg22 : memref<!tpu.dma_semaphore, #tpu.memory_space<semaphore_mem>>) src(%dma_wait3A_428 : memref<32768x64xf32, #tpu.memory_space<hbm>>) dst(%arg21 : memref<256x64xf32, #tpu.memory_space<vmem>>)
    %mul3A_429 = arith.constant 1024 : i32
    %mul3A_430 = arith.muli %select_n3A, %mul3A_429 : i32
    %add3A_431 = arith.addi %mul3A_430, %mul3A_32 : i32
    %mul3A_432 = arith.constant 64 : i32
    %mul3A_433 = arith.muli %add3A_431, %mul3A_432 : i32
    %add3A_434 = arith.constant 1024 : i32
    %add3A_435 = arith.addi %mul3A_433, %add3A_434 : i32
    "tpu.region"() ({
      %run_scoped3A = tpu.sem_alloc : memref<!tpu.dma_semaphore, #tpu.memory_space<semaphore_mem>>
      %dma_start3A_909 = arith.constant 0 : i32
      %dma_start3A_910 = tpu.memref_slice %arg6[%add3A_435, %dma_start3A_909] : memref<262144x64xf32, #tpu.memory_space<hbm>> -> memref<256x64xf32, #tpu.memory_space<hbm>>
      %dma_start3A_911 = arith.constant 0 : i32
      %dma_start3A_912 = tpu.memref_slice %arg6[%add3A_435, %dma_start3A_911] : memref<262144x64xf32, #tpu.memory_space<hbm>> -> memref<256x64xf32, #tpu.memory_space<hbm>>
      tpu.enqueue_dma source(%arg21 : memref<256x64xf32, #tpu.memory_space<vmem>>) target(%dma_start3A_912 : memref<256x64xf32, #tpu.memory_space<hbm>>) target_semaphore(%run_scoped3A : memref<!tpu.dma_semaphore, #tpu.memory_space<semaphore_mem>>)
      %dma_wait3A_913 = arith.constant 0 : i32
      %dma_wait3A_914 = tpu.memref_slice %arg6[%add3A_435, %dma_wait3A_913] : memref<262144x64xf32, #tpu.memory_space<hbm>> -> memref<256x64xf32, #tpu.memory_space<hbm>>
      %dma_wait3A_915 = arith.constant 0 : i32
      %dma_wait3A_916 = tpu.memref_slice %arg6[%add3A_435, %dma_wait3A_915] : memref<262144x64xf32, #tpu.memory_space<hbm>> -> memref<256x64xf32, #tpu.memory_space<hbm>>
      tpu.wait_dma2 semaphore(%run_scoped3A : memref<!tpu.dma_semaphore, #tpu.memory_space<semaphore_mem>>) src(%arg21 : memref<256x64xf32, #tpu.memory_space<vmem>>) dst(%dma_wait3A_916 : memref<256x64xf32, #tpu.memory_space<hbm>>)
      tpu.yield
    }) : () -> ()
    %dma_start3A_436 = arith.constant 1280 : i32
    %dma_start3A_437 = tpu.memref_slice %arg18[%dma_start3A_436] : memref<8192xi32, #tpu.memory_space<vmem>> -> memref<256xi32, #tpu.memory_space<vmem>>
    %dma_start3A_438 = arith.constant 0 : i32
    %dma_start3A_439 = arith.constant 0 : i32
    %dma_start3A_440 = tpu.memref_slice %arg4[%dma_start3A_438, %dma_start3A_439] : memref<32768x64xf32, #tpu.memory_space<hbm>> -> memref<32768x64xf32, #tpu.memory_space<hbm>>
    tpu.enqueue_indirect_dma source(%dma_start3A_440 : memref<32768x64xf32, #tpu.memory_space<hbm>>) target(%arg21 : memref<256x64xf32, #tpu.memory_space<vmem>>) offsets(%dma_start3A_437 : memref<256xi32, #tpu.memory_space<vmem>>) semaphore(%arg22 : memref<!tpu.dma_semaphore, #tpu.memory_space<semaphore_mem>>)
    %dma_wait3A_441 = arith.constant 1280 : i32
    %dma_wait3A_442 = tpu.memref_slice %arg18[%dma_wait3A_441] : memref<8192xi32, #tpu.memory_space<vmem>> -> memref<256xi32, #tpu.memory_space<vmem>>
    %dma_wait3A_443 = arith.constant 0 : i32
    %dma_wait3A_444 = arith.constant 0 : i32
    %dma_wait3A_445 = tpu.memref_slice %arg4[%dma_wait3A_443, %dma_wait3A_444] : memref<32768x64xf32, #tpu.memory_space<hbm>> -> memref<32768x64xf32, #tpu.memory_space<hbm>>
    tpu.wait_indirect_dma semaphore(%arg22 : memref<!tpu.dma_semaphore, #tpu.memory_space<semaphore_mem>>) src(%dma_wait3A_445 : memref<32768x64xf32, #tpu.memory_space<hbm>>) dst(%arg21 : memref<256x64xf32, #tpu.memory_space<vmem>>)
    %mul3A_446 = arith.constant 1024 : i32
    %mul3A_447 = arith.muli %select_n3A, %mul3A_446 : i32
    %add3A_448 = arith.addi %mul3A_447, %mul3A_32 : i32
    %mul3A_449 = arith.constant 64 : i32
    %mul3A_450 = arith.muli %add3A_448, %mul3A_449 : i32
    %add3A_451 = arith.constant 1280 : i32
    %add3A_452 = arith.addi %mul3A_450, %add3A_451 : i32
    "tpu.region"() ({
      %run_scoped3A = tpu.sem_alloc : memref<!tpu.dma_semaphore, #tpu.memory_space<semaphore_mem>>
      %dma_start3A_909 = arith.constant 0 : i32
      %dma_start3A_910 = tpu.memref_slice %arg6[%add3A_452, %dma_start3A_909] : memref<262144x64xf32, #tpu.memory_space<hbm>> -> memref<256x64xf32, #tpu.memory_space<hbm>>
      %dma_start3A_911 = arith.constant 0 : i32
      %dma_start3A_912 = tpu.memref_slice %arg6[%add3A_452, %dma_start3A_911] : memref<262144x64xf32, #tpu.memory_space<hbm>> -> memref<256x64xf32, #tpu.memory_space<hbm>>
      tpu.enqueue_dma source(%arg21 : memref<256x64xf32, #tpu.memory_space<vmem>>) target(%dma_start3A_912 : memref<256x64xf32, #tpu.memory_space<hbm>>) target_semaphore(%run_scoped3A : memref<!tpu.dma_semaphore, #tpu.memory_space<semaphore_mem>>)
      %dma_wait3A_913 = arith.constant 0 : i32
      %dma_wait3A_914 = tpu.memref_slice %arg6[%add3A_452, %dma_wait3A_913] : memref<262144x64xf32, #tpu.memory_space<hbm>> -> memref<256x64xf32, #tpu.memory_space<hbm>>
      %dma_wait3A_915 = arith.constant 0 : i32
      %dma_wait3A_916 = tpu.memref_slice %arg6[%add3A_452, %dma_wait3A_915] : memref<262144x64xf32, #tpu.memory_space<hbm>> -> memref<256x64xf32, #tpu.memory_space<hbm>>
      tpu.wait_dma2 semaphore(%run_scoped3A : memref<!tpu.dma_semaphore, #tpu.memory_space<semaphore_mem>>) src(%arg21 : memref<256x64xf32, #tpu.memory_space<vmem>>) dst(%dma_wait3A_916 : memref<256x64xf32, #tpu.memory_space<hbm>>)
      tpu.yield
    }) : () -> ()
    %dma_start3A_453 = arith.constant 1536 : i32
    %dma_start3A_454 = tpu.memref_slice %arg18[%dma_start3A_453] : memref<8192xi32, #tpu.memory_space<vmem>> -> memref<256xi32, #tpu.memory_space<vmem>>
    %dma_start3A_455 = arith.constant 0 : i32
    %dma_start3A_456 = arith.constant 0 : i32
    %dma_start3A_457 = tpu.memref_slice %arg4[%dma_start3A_455, %dma_start3A_456] : memref<32768x64xf32, #tpu.memory_space<hbm>> -> memref<32768x64xf32, #tpu.memory_space<hbm>>
    tpu.enqueue_indirect_dma source(%dma_start3A_457 : memref<32768x64xf32, #tpu.memory_space<hbm>>) target(%arg21 : memref<256x64xf32, #tpu.memory_space<vmem>>) offsets(%dma_start3A_454 : memref<256xi32, #tpu.memory_space<vmem>>) semaphore(%arg22 : memref<!tpu.dma_semaphore, #tpu.memory_space<semaphore_mem>>)
    %dma_wait3A_458 = arith.constant 1536 : i32
    %dma_wait3A_459 = tpu.memref_slice %arg18[%dma_wait3A_458] : memref<8192xi32, #tpu.memory_space<vmem>> -> memref<256xi32, #tpu.memory_space<vmem>>
    %dma_wait3A_460 = arith.constant 0 : i32
    %dma_wait3A_461 = arith.constant 0 : i32
    %dma_wait3A_462 = tpu.memref_slice %arg4[%dma_wait3A_460, %dma_wait3A_461] : memref<32768x64xf32, #tpu.memory_space<hbm>> -> memref<32768x64xf32, #tpu.memory_space<hbm>>
    tpu.wait_indirect_dma semaphore(%arg22 : memref<!tpu.dma_semaphore, #tpu.memory_space<semaphore_mem>>) src(%dma_wait3A_462 : memref<32768x64xf32, #tpu.memory_space<hbm>>) dst(%arg21 : memref<256x64xf32, #tpu.memory_space<vmem>>)
    %mul3A_463 = arith.constant 1024 : i32
    %mul3A_464 = arith.muli %select_n3A, %mul3A_463 : i32
    %add3A_465 = arith.addi %mul3A_464, %mul3A_32 : i32
    %mul3A_466 = arith.constant 64 : i32
    %mul3A_467 = arith.muli %add3A_465, %mul3A_466 : i32
    %add3A_468 = arith.constant 1536 : i32
    %add3A_469 = arith.addi %mul3A_467, %add3A_468 : i32
    "tpu.region"() ({
      %run_scoped3A = tpu.sem_alloc : memref<!tpu.dma_semaphore, #tpu.memory_space<semaphore_mem>>
      %dma_start3A_909 = arith.constant 0 : i32
      %dma_start3A_910 = tpu.memref_slice %arg6[%add3A_469, %dma_start3A_909] : memref<262144x64xf32, #tpu.memory_space<hbm>> -> memref<256x64xf32, #tpu.memory_space<hbm>>
      %dma_start3A_911 = arith.constant 0 : i32
      %dma_start3A_912 = tpu.memref_slice %arg6[%add3A_469, %dma_start3A_911] : memref<262144x64xf32, #tpu.memory_space<hbm>> -> memref<256x64xf32, #tpu.memory_space<hbm>>
      tpu.enqueue_dma source(%arg21 : memref<256x64xf32, #tpu.memory_space<vmem>>) target(%dma_start3A_912 : memref<256x64xf32, #tpu.memory_space<hbm>>) target_semaphore(%run_scoped3A : memref<!tpu.dma_semaphore, #tpu.memory_space<semaphore_mem>>)
      %dma_wait3A_913 = arith.constant 0 : i32
      %dma_wait3A_914 = tpu.memref_slice %arg6[%add3A_469, %dma_wait3A_913] : memref<262144x64xf32, #tpu.memory_space<hbm>> -> memref<256x64xf32, #tpu.memory_space<hbm>>
      %dma_wait3A_915 = arith.constant 0 : i32
      %dma_wait3A_916 = tpu.memref_slice %arg6[%add3A_469, %dma_wait3A_915] : memref<262144x64xf32, #tpu.memory_space<hbm>> -> memref<256x64xf32, #tpu.memory_space<hbm>>
      tpu.wait_dma2 semaphore(%run_scoped3A : memref<!tpu.dma_semaphore, #tpu.memory_space<semaphore_mem>>) src(%arg21 : memref<256x64xf32, #tpu.memory_space<vmem>>) dst(%dma_wait3A_916 : memref<256x64xf32, #tpu.memory_space<hbm>>)
      tpu.yield
    }) : () -> ()
    %dma_start3A_470 = arith.constant 1792 : i32
    %dma_start3A_471 = tpu.memref_slice %arg18[%dma_start3A_470] : memref<8192xi32, #tpu.memory_space<vmem>> -> memref<256xi32, #tpu.memory_space<vmem>>
    %dma_start3A_472 = arith.constant 0 : i32
    %dma_start3A_473 = arith.constant 0 : i32
    %dma_start3A_474 = tpu.memref_slice %arg4[%dma_start3A_472, %dma_start3A_473] : memref<32768x64xf32, #tpu.memory_space<hbm>> -> memref<32768x64xf32, #tpu.memory_space<hbm>>
    tpu.enqueue_indirect_dma source(%dma_start3A_474 : memref<32768x64xf32, #tpu.memory_space<hbm>>) target(%arg21 : memref<256x64xf32, #tpu.memory_space<vmem>>) offsets(%dma_start3A_471 : memref<256xi32, #tpu.memory_space<vmem>>) semaphore(%arg22 : memref<!tpu.dma_semaphore, #tpu.memory_space<semaphore_mem>>)
    %dma_wait3A_475 = arith.constant 1792 : i32
    %dma_wait3A_476 = tpu.memref_slice %arg18[%dma_wait3A_475] : memref<8192xi32, #tpu.memory_space<vmem>> -> memref<256xi32, #tpu.memory_space<vmem>>
    %dma_wait3A_477 = arith.constant 0 : i32
    %dma_wait3A_478 = arith.constant 0 : i32
    %dma_wait3A_479 = tpu.memref_slice %arg4[%dma_wait3A_477, %dma_wait3A_478] : memref<32768x64xf32, #tpu.memory_space<hbm>> -> memref<32768x64xf32, #tpu.memory_space<hbm>>
    tpu.wait_indirect_dma semaphore(%arg22 : memref<!tpu.dma_semaphore, #tpu.memory_space<semaphore_mem>>) src(%dma_wait3A_479 : memref<32768x64xf32, #tpu.memory_space<hbm>>) dst(%arg21 : memref<256x64xf32, #tpu.memory_space<vmem>>)
    %mul3A_480 = arith.constant 1024 : i32
    %mul3A_481 = arith.muli %select_n3A, %mul3A_480 : i32
    %add3A_482 = arith.addi %mul3A_481, %mul3A_32 : i32
    %mul3A_483 = arith.constant 64 : i32
    %mul3A_484 = arith.muli %add3A_482, %mul3A_483 : i32
    %add3A_485 = arith.constant 1792 : i32
    %add3A_486 = arith.addi %mul3A_484, %add3A_485 : i32
    "tpu.region"() ({
      %run_scoped3A = tpu.sem_alloc : memref<!tpu.dma_semaphore, #tpu.memory_space<semaphore_mem>>
      %dma_start3A_909 = arith.constant 0 : i32
      %dma_start3A_910 = tpu.memref_slice %arg6[%add3A_486, %dma_start3A_909] : memref<262144x64xf32, #tpu.memory_space<hbm>> -> memref<256x64xf32, #tpu.memory_space<hbm>>
      %dma_start3A_911 = arith.constant 0 : i32
      %dma_start3A_912 = tpu.memref_slice %arg6[%add3A_486, %dma_start3A_911] : memref<262144x64xf32, #tpu.memory_space<hbm>> -> memref<256x64xf32, #tpu.memory_space<hbm>>
      tpu.enqueue_dma source(%arg21 : memref<256x64xf32, #tpu.memory_space<vmem>>) target(%dma_start3A_912 : memref<256x64xf32, #tpu.memory_space<hbm>>) target_semaphore(%run_scoped3A : memref<!tpu.dma_semaphore, #tpu.memory_space<semaphore_mem>>)
      %dma_wait3A_913 = arith.constant 0 : i32
      %dma_wait3A_914 = tpu.memref_slice %arg6[%add3A_486, %dma_wait3A_913] : memref<262144x64xf32, #tpu.memory_space<hbm>> -> memref<256x64xf32, #tpu.memory_space<hbm>>
      %dma_wait3A_915 = arith.constant 0 : i32
      %dma_wait3A_916 = tpu.memref_slice %arg6[%add3A_486, %dma_wait3A_915] : memref<262144x64xf32, #tpu.memory_space<hbm>> -> memref<256x64xf32, #tpu.memory_space<hbm>>
      tpu.wait_dma2 semaphore(%run_scoped3A : memref<!tpu.dma_semaphore, #tpu.memory_space<semaphore_mem>>) src(%arg21 : memref<256x64xf32, #tpu.memory_space<vmem>>) dst(%dma_wait3A_916 : memref<256x64xf32, #tpu.memory_space<hbm>>)
      tpu.yield
    }) : () -> ()
    %dma_start3A_487 = arith.constant 2048 : i32
    %dma_start3A_488 = tpu.memref_slice %arg18[%dma_start3A_487] : memref<8192xi32, #tpu.memory_space<vmem>> -> memref<256xi32, #tpu.memory_space<vmem>>
    %dma_start3A_489 = arith.constant 0 : i32
    %dma_start3A_490 = arith.constant 0 : i32
    %dma_start3A_491 = tpu.memref_slice %arg4[%dma_start3A_489, %dma_start3A_490] : memref<32768x64xf32, #tpu.memory_space<hbm>> -> memref<32768x64xf32, #tpu.memory_space<hbm>>
    tpu.enqueue_indirect_dma source(%dma_start3A_491 : memref<32768x64xf32, #tpu.memory_space<hbm>>) target(%arg21 : memref<256x64xf32, #tpu.memory_space<vmem>>) offsets(%dma_start3A_488 : memref<256xi32, #tpu.memory_space<vmem>>) semaphore(%arg22 : memref<!tpu.dma_semaphore, #tpu.memory_space<semaphore_mem>>)
    %dma_wait3A_492 = arith.constant 2048 : i32
    %dma_wait3A_493 = tpu.memref_slice %arg18[%dma_wait3A_492] : memref<8192xi32, #tpu.memory_space<vmem>> -> memref<256xi32, #tpu.memory_space<vmem>>
    %dma_wait3A_494 = arith.constant 0 : i32
    %dma_wait3A_495 = arith.constant 0 : i32
    %dma_wait3A_496 = tpu.memref_slice %arg4[%dma_wait3A_494, %dma_wait3A_495] : memref<32768x64xf32, #tpu.memory_space<hbm>> -> memref<32768x64xf32, #tpu.memory_space<hbm>>
    tpu.wait_indirect_dma semaphore(%arg22 : memref<!tpu.dma_semaphore, #tpu.memory_space<semaphore_mem>>) src(%dma_wait3A_496 : memref<32768x64xf32, #tpu.memory_space<hbm>>) dst(%arg21 : memref<256x64xf32, #tpu.memory_space<vmem>>)
    %mul3A_497 = arith.constant 1024 : i32
    %mul3A_498 = arith.muli %select_n3A, %mul3A_497 : i32
    %add3A_499 = arith.addi %mul3A_498, %mul3A_32 : i32
    %mul3A_500 = arith.constant 64 : i32
    %mul3A_501 = arith.muli %add3A_499, %mul3A_500 : i32
    %add3A_502 = arith.constant 2048 : i32
    %add3A_503 = arith.addi %mul3A_501, %add3A_502 : i32
    "tpu.region"() ({
      %run_scoped3A = tpu.sem_alloc : memref<!tpu.dma_semaphore, #tpu.memory_space<semaphore_mem>>
      %dma_start3A_909 = arith.constant 0 : i32
      %dma_start3A_910 = tpu.memref_slice %arg6[%add3A_503, %dma_start3A_909] : memref<262144x64xf32, #tpu.memory_space<hbm>> -> memref<256x64xf32, #tpu.memory_space<hbm>>
      %dma_start3A_911 = arith.constant 0 : i32
      %dma_start3A_912 = tpu.memref_slice %arg6[%add3A_503, %dma_start3A_911] : memref<262144x64xf32, #tpu.memory_space<hbm>> -> memref<256x64xf32, #tpu.memory_space<hbm>>
      tpu.enqueue_dma source(%arg21 : memref<256x64xf32, #tpu.memory_space<vmem>>) target(%dma_start3A_912 : memref<256x64xf32, #tpu.memory_space<hbm>>) target_semaphore(%run_scoped3A : memref<!tpu.dma_semaphore, #tpu.memory_space<semaphore_mem>>)
      %dma_wait3A_913 = arith.constant 0 : i32
      %dma_wait3A_914 = tpu.memref_slice %arg6[%add3A_503, %dma_wait3A_913] : memref<262144x64xf32, #tpu.memory_space<hbm>> -> memref<256x64xf32, #tpu.memory_space<hbm>>
      %dma_wait3A_915 = arith.constant 0 : i32
      %dma_wait3A_916 = tpu.memref_slice %arg6[%add3A_503, %dma_wait3A_915] : memref<262144x64xf32, #tpu.memory_space<hbm>> -> memref<256x64xf32, #tpu.memory_space<hbm>>
      tpu.wait_dma2 semaphore(%run_scoped3A : memref<!tpu.dma_semaphore, #tpu.memory_space<semaphore_mem>>) src(%arg21 : memref<256x64xf32, #tpu.memory_space<vmem>>) dst(%dma_wait3A_916 : memref<256x64xf32, #tpu.memory_space<hbm>>)
      tpu.yield
    }) : () -> ()
    %dma_start3A_504 = arith.constant 2304 : i32
    %dma_start3A_505 = tpu.memref_slice %arg18[%dma_start3A_504] : memref<8192xi32, #tpu.memory_space<vmem>> -> memref<256xi32, #tpu.memory_space<vmem>>
    %dma_start3A_506 = arith.constant 0 : i32
    %dma_start3A_507 = arith.constant 0 : i32
    %dma_start3A_508 = tpu.memref_slice %arg4[%dma_start3A_506, %dma_start3A_507] : memref<32768x64xf32, #tpu.memory_space<hbm>> -> memref<32768x64xf32, #tpu.memory_space<hbm>>
    tpu.enqueue_indirect_dma source(%dma_start3A_508 : memref<32768x64xf32, #tpu.memory_space<hbm>>) target(%arg21 : memref<256x64xf32, #tpu.memory_space<vmem>>) offsets(%dma_start3A_505 : memref<256xi32, #tpu.memory_space<vmem>>) semaphore(%arg22 : memref<!tpu.dma_semaphore, #tpu.memory_space<semaphore_mem>>)
    %dma_wait3A_509 = arith.constant 2304 : i32
    %dma_wait3A_510 = tpu.memref_slice %arg18[%dma_wait3A_509] : memref<8192xi32, #tpu.memory_space<vmem>> -> memref<256xi32, #tpu.memory_space<vmem>>
    %dma_wait3A_511 = arith.constant 0 : i32
    %dma_wait3A_512 = arith.constant 0 : i32
    %dma_wait3A_513 = tpu.memref_slice %arg4[%dma_wait3A_511, %dma_wait3A_512] : memref<32768x64xf32, #tpu.memory_space<hbm>> -> memref<32768x64xf32, #tpu.memory_space<hbm>>
    tpu.wait_indirect_dma semaphore(%arg22 : memref<!tpu.dma_semaphore, #tpu.memory_space<semaphore_mem>>) src(%dma_wait3A_513 : memref<32768x64xf32, #tpu.memory_space<hbm>>) dst(%arg21 : memref<256x64xf32, #tpu.memory_space<vmem>>)
    %mul3A_514 = arith.constant 1024 : i32
    %mul3A_515 = arith.muli %select_n3A, %mul3A_514 : i32
    %add3A_516 = arith.addi %mul3A_515, %mul3A_32 : i32
    %mul3A_517 = arith.constant 64 : i32
    %mul3A_518 = arith.muli %add3A_516, %mul3A_517 : i32
    %add3A_519 = arith.constant 2304 : i32
    %add3A_520 = arith.addi %mul3A_518, %add3A_519 : i32
    "tpu.region"() ({
      %run_scoped3A = tpu.sem_alloc : memref<!tpu.dma_semaphore, #tpu.memory_space<semaphore_mem>>
      %dma_start3A_909 = arith.constant 0 : i32
      %dma_start3A_910 = tpu.memref_slice %arg6[%add3A_520, %dma_start3A_909] : memref<262144x64xf32, #tpu.memory_space<hbm>> -> memref<256x64xf32, #tpu.memory_space<hbm>>
      %dma_start3A_911 = arith.constant 0 : i32
      %dma_start3A_912 = tpu.memref_slice %arg6[%add3A_520, %dma_start3A_911] : memref<262144x64xf32, #tpu.memory_space<hbm>> -> memref<256x64xf32, #tpu.memory_space<hbm>>
      tpu.enqueue_dma source(%arg21 : memref<256x64xf32, #tpu.memory_space<vmem>>) target(%dma_start3A_912 : memref<256x64xf32, #tpu.memory_space<hbm>>) target_semaphore(%run_scoped3A : memref<!tpu.dma_semaphore, #tpu.memory_space<semaphore_mem>>)
      %dma_wait3A_913 = arith.constant 0 : i32
      %dma_wait3A_914 = tpu.memref_slice %arg6[%add3A_520, %dma_wait3A_913] : memref<262144x64xf32, #tpu.memory_space<hbm>> -> memref<256x64xf32, #tpu.memory_space<hbm>>
      %dma_wait3A_915 = arith.constant 0 : i32
      %dma_wait3A_916 = tpu.memref_slice %arg6[%add3A_520, %dma_wait3A_915] : memref<262144x64xf32, #tpu.memory_space<hbm>> -> memref<256x64xf32, #tpu.memory_space<hbm>>
      tpu.wait_dma2 semaphore(%run_scoped3A : memref<!tpu.dma_semaphore, #tpu.memory_space<semaphore_mem>>) src(%arg21 : memref<256x64xf32, #tpu.memory_space<vmem>>) dst(%dma_wait3A_916 : memref<256x64xf32, #tpu.memory_space<hbm>>)
      tpu.yield
    }) : () -> ()
    %dma_start3A_521 = arith.constant 2560 : i32
    %dma_start3A_522 = tpu.memref_slice %arg18[%dma_start3A_521] : memref<8192xi32, #tpu.memory_space<vmem>> -> memref<256xi32, #tpu.memory_space<vmem>>
    %dma_start3A_523 = arith.constant 0 : i32
    %dma_start3A_524 = arith.constant 0 : i32
    %dma_start3A_525 = tpu.memref_slice %arg4[%dma_start3A_523, %dma_start3A_524] : memref<32768x64xf32, #tpu.memory_space<hbm>> -> memref<32768x64xf32, #tpu.memory_space<hbm>>
    tpu.enqueue_indirect_dma source(%dma_start3A_525 : memref<32768x64xf32, #tpu.memory_space<hbm>>) target(%arg21 : memref<256x64xf32, #tpu.memory_space<vmem>>) offsets(%dma_start3A_522 : memref<256xi32, #tpu.memory_space<vmem>>) semaphore(%arg22 : memref<!tpu.dma_semaphore, #tpu.memory_space<semaphore_mem>>)
    %dma_wait3A_526 = arith.constant 2560 : i32
    %dma_wait3A_527 = tpu.memref_slice %arg18[%dma_wait3A_526] : memref<8192xi32, #tpu.memory_space<vmem>> -> memref<256xi32, #tpu.memory_space<vmem>>
    %dma_wait3A_528 = arith.constant 0 : i32
    %dma_wait3A_529 = arith.constant 0 : i32
    %dma_wait3A_530 = tpu.memref_slice %arg4[%dma_wait3A_528, %dma_wait3A_529] : memref<32768x64xf32, #tpu.memory_space<hbm>> -> memref<32768x64xf32, #tpu.memory_space<hbm>>
    tpu.wait_indirect_dma semaphore(%arg22 : memref<!tpu.dma_semaphore, #tpu.memory_space<semaphore_mem>>) src(%dma_wait3A_530 : memref<32768x64xf32, #tpu.memory_space<hbm>>) dst(%arg21 : memref<256x64xf32, #tpu.memory_space<vmem>>)
    %mul3A_531 = arith.constant 1024 : i32
    %mul3A_532 = arith.muli %select_n3A, %mul3A_531 : i32
    %add3A_533 = arith.addi %mul3A_532, %mul3A_32 : i32
    %mul3A_534 = arith.constant 64 : i32
    %mul3A_535 = arith.muli %add3A_533, %mul3A_534 : i32
    %add3A_536 = arith.constant 2560 : i32
    %add3A_537 = arith.addi %mul3A_535, %add3A_536 : i32
    "tpu.region"() ({
      %run_scoped3A = tpu.sem_alloc : memref<!tpu.dma_semaphore, #tpu.memory_space<semaphore_mem>>
      %dma_start3A_909 = arith.constant 0 : i32
      %dma_start3A_910 = tpu.memref_slice %arg6[%add3A_537, %dma_start3A_909] : memref<262144x64xf32, #tpu.memory_space<hbm>> -> memref<256x64xf32, #tpu.memory_space<hbm>>
      %dma_start3A_911 = arith.constant 0 : i32
      %dma_start3A_912 = tpu.memref_slice %arg6[%add3A_537, %dma_start3A_911] : memref<262144x64xf32, #tpu.memory_space<hbm>> -> memref<256x64xf32, #tpu.memory_space<hbm>>
      tpu.enqueue_dma source(%arg21 : memref<256x64xf32, #tpu.memory_space<vmem>>) target(%dma_start3A_912 : memref<256x64xf32, #tpu.memory_space<hbm>>) target_semaphore(%run_scoped3A : memref<!tpu.dma_semaphore, #tpu.memory_space<semaphore_mem>>)
      %dma_wait3A_913 = arith.constant 0 : i32
      %dma_wait3A_914 = tpu.memref_slice %arg6[%add3A_537, %dma_wait3A_913] : memref<262144x64xf32, #tpu.memory_space<hbm>> -> memref<256x64xf32, #tpu.memory_space<hbm>>
      %dma_wait3A_915 = arith.constant 0 : i32
      %dma_wait3A_916 = tpu.memref_slice %arg6[%add3A_537, %dma_wait3A_915] : memref<262144x64xf32, #tpu.memory_space<hbm>> -> memref<256x64xf32, #tpu.memory_space<hbm>>
      tpu.wait_dma2 semaphore(%run_scoped3A : memref<!tpu.dma_semaphore, #tpu.memory_space<semaphore_mem>>) src(%arg21 : memref<256x64xf32, #tpu.memory_space<vmem>>) dst(%dma_wait3A_916 : memref<256x64xf32, #tpu.memory_space<hbm>>)
      tpu.yield
    }) : () -> ()
    %dma_start3A_538 = arith.constant 2816 : i32
    %dma_start3A_539 = tpu.memref_slice %arg18[%dma_start3A_538] : memref<8192xi32, #tpu.memory_space<vmem>> -> memref<256xi32, #tpu.memory_space<vmem>>
    %dma_start3A_540 = arith.constant 0 : i32
    %dma_start3A_541 = arith.constant 0 : i32
    %dma_start3A_542 = tpu.memref_slice %arg4[%dma_start3A_540, %dma_start3A_541] : memref<32768x64xf32, #tpu.memory_space<hbm>> -> memref<32768x64xf32, #tpu.memory_space<hbm>>
    tpu.enqueue_indirect_dma source(%dma_start3A_542 : memref<32768x64xf32, #tpu.memory_space<hbm>>) target(%arg21 : memref<256x64xf32, #tpu.memory_space<vmem>>) offsets(%dma_start3A_539 : memref<256xi32, #tpu.memory_space<vmem>>) semaphore(%arg22 : memref<!tpu.dma_semaphore, #tpu.memory_space<semaphore_mem>>)
    %dma_wait3A_543 = arith.constant 2816 : i32
    %dma_wait3A_544 = tpu.memref_slice %arg18[%dma_wait3A_543] : memref<8192xi32, #tpu.memory_space<vmem>> -> memref<256xi32, #tpu.memory_space<vmem>>
    %dma_wait3A_545 = arith.constant 0 : i32
    %dma_wait3A_546 = arith.constant 0 : i32
    %dma_wait3A_547 = tpu.memref_slice %arg4[%dma_wait3A_545, %dma_wait3A_546] : memref<32768x64xf32, #tpu.memory_space<hbm>> -> memref<32768x64xf32, #tpu.memory_space<hbm>>
    tpu.wait_indirect_dma semaphore(%arg22 : memref<!tpu.dma_semaphore, #tpu.memory_space<semaphore_mem>>) src(%dma_wait3A_547 : memref<32768x64xf32, #tpu.memory_space<hbm>>) dst(%arg21 : memref<256x64xf32, #tpu.memory_space<vmem>>)
    %mul3A_548 = arith.constant 1024 : i32
    %mul3A_549 = arith.muli %select_n3A, %mul3A_548 : i32
    %add3A_550 = arith.addi %mul3A_549, %mul3A_32 : i32
    %mul3A_551 = arith.constant 64 : i32
    %mul3A_552 = arith.muli %add3A_550, %mul3A_551 : i32
    %add3A_553 = arith.constant 2816 : i32
    %add3A_554 = arith.addi %mul3A_552, %add3A_553 : i32
    "tpu.region"() ({
      %run_scoped3A = tpu.sem_alloc : memref<!tpu.dma_semaphore, #tpu.memory_space<semaphore_mem>>
      %dma_start3A_909 = arith.constant 0 : i32
      %dma_start3A_910 = tpu.memref_slice %arg6[%add3A_554, %dma_start3A_909] : memref<262144x64xf32, #tpu.memory_space<hbm>> -> memref<256x64xf32, #tpu.memory_space<hbm>>
      %dma_start3A_911 = arith.constant 0 : i32
      %dma_start3A_912 = tpu.memref_slice %arg6[%add3A_554, %dma_start3A_911] : memref<262144x64xf32, #tpu.memory_space<hbm>> -> memref<256x64xf32, #tpu.memory_space<hbm>>
      tpu.enqueue_dma source(%arg21 : memref<256x64xf32, #tpu.memory_space<vmem>>) target(%dma_start3A_912 : memref<256x64xf32, #tpu.memory_space<hbm>>) target_semaphore(%run_scoped3A : memref<!tpu.dma_semaphore, #tpu.memory_space<semaphore_mem>>)
      %dma_wait3A_913 = arith.constant 0 : i32
      %dma_wait3A_914 = tpu.memref_slice %arg6[%add3A_554, %dma_wait3A_913] : memref<262144x64xf32, #tpu.memory_space<hbm>> -> memref<256x64xf32, #tpu.memory_space<hbm>>
      %dma_wait3A_915 = arith.constant 0 : i32
      %dma_wait3A_916 = tpu.memref_slice %arg6[%add3A_554, %dma_wait3A_915] : memref<262144x64xf32, #tpu.memory_space<hbm>> -> memref<256x64xf32, #tpu.memory_space<hbm>>
      tpu.wait_dma2 semaphore(%run_scoped3A : memref<!tpu.dma_semaphore, #tpu.memory_space<semaphore_mem>>) src(%arg21 : memref<256x64xf32, #tpu.memory_space<vmem>>) dst(%dma_wait3A_916 : memref<256x64xf32, #tpu.memory_space<hbm>>)
      tpu.yield
    }) : () -> ()
    %dma_start3A_555 = arith.constant 3072 : i32
    %dma_start3A_556 = tpu.memref_slice %arg18[%dma_start3A_555] : memref<8192xi32, #tpu.memory_space<vmem>> -> memref<256xi32, #tpu.memory_space<vmem>>
    %dma_start3A_557 = arith.constant 0 : i32
    %dma_start3A_558 = arith.constant 0 : i32
    %dma_start3A_559 = tpu.memref_slice %arg4[%dma_start3A_557, %dma_start3A_558] : memref<32768x64xf32, #tpu.memory_space<hbm>> -> memref<32768x64xf32, #tpu.memory_space<hbm>>
    tpu.enqueue_indirect_dma source(%dma_start3A_559 : memref<32768x64xf32, #tpu.memory_space<hbm>>) target(%arg21 : memref<256x64xf32, #tpu.memory_space<vmem>>) offsets(%dma_start3A_556 : memref<256xi32, #tpu.memory_space<vmem>>) semaphore(%arg22 : memref<!tpu.dma_semaphore, #tpu.memory_space<semaphore_mem>>)
    %dma_wait3A_560 = arith.constant 3072 : i32
    %dma_wait3A_561 = tpu.memref_slice %arg18[%dma_wait3A_560] : memref<8192xi32, #tpu.memory_space<vmem>> -> memref<256xi32, #tpu.memory_space<vmem>>
    %dma_wait3A_562 = arith.constant 0 : i32
    %dma_wait3A_563 = arith.constant 0 : i32
    %dma_wait3A_564 = tpu.memref_slice %arg4[%dma_wait3A_562, %dma_wait3A_563] : memref<32768x64xf32, #tpu.memory_space<hbm>> -> memref<32768x64xf32, #tpu.memory_space<hbm>>
    tpu.wait_indirect_dma semaphore(%arg22 : memref<!tpu.dma_semaphore, #tpu.memory_space<semaphore_mem>>) src(%dma_wait3A_564 : memref<32768x64xf32, #tpu.memory_space<hbm>>) dst(%arg21 : memref<256x64xf32, #tpu.memory_space<vmem>>)
    %mul3A_565 = arith.constant 1024 : i32
    %mul3A_566 = arith.muli %select_n3A, %mul3A_565 : i32
    %add3A_567 = arith.addi %mul3A_566, %mul3A_32 : i32
    %mul3A_568 = arith.constant 64 : i32
    %mul3A_569 = arith.muli %add3A_567, %mul3A_568 : i32
    %add3A_570 = arith.constant 3072 : i32
    %add3A_571 = arith.addi %mul3A_569, %add3A_570 : i32
    "tpu.region"() ({
      %run_scoped3A = tpu.sem_alloc : memref<!tpu.dma_semaphore, #tpu.memory_space<semaphore_mem>>
      %dma_start3A_909 = arith.constant 0 : i32
      %dma_start3A_910 = tpu.memref_slice %arg6[%add3A_571, %dma_start3A_909] : memref<262144x64xf32, #tpu.memory_space<hbm>> -> memref<256x64xf32, #tpu.memory_space<hbm>>
      %dma_start3A_911 = arith.constant 0 : i32
      %dma_start3A_912 = tpu.memref_slice %arg6[%add3A_571, %dma_start3A_911] : memref<262144x64xf32, #tpu.memory_space<hbm>> -> memref<256x64xf32, #tpu.memory_space<hbm>>
      tpu.enqueue_dma source(%arg21 : memref<256x64xf32, #tpu.memory_space<vmem>>) target(%dma_start3A_912 : memref<256x64xf32, #tpu.memory_space<hbm>>) target_semaphore(%run_scoped3A : memref<!tpu.dma_semaphore, #tpu.memory_space<semaphore_mem>>)
      %dma_wait3A_913 = arith.constant 0 : i32
      %dma_wait3A_914 = tpu.memref_slice %arg6[%add3A_571, %dma_wait3A_913] : memref<262144x64xf32, #tpu.memory_space<hbm>> -> memref<256x64xf32, #tpu.memory_space<hbm>>
      %dma_wait3A_915 = arith.constant 0 : i32
      %dma_wait3A_916 = tpu.memref_slice %arg6[%add3A_571, %dma_wait3A_915] : memref<262144x64xf32, #tpu.memory_space<hbm>> -> memref<256x64xf32, #tpu.memory_space<hbm>>
      tpu.wait_dma2 semaphore(%run_scoped3A : memref<!tpu.dma_semaphore, #tpu.memory_space<semaphore_mem>>) src(%arg21 : memref<256x64xf32, #tpu.memory_space<vmem>>) dst(%dma_wait3A_916 : memref<256x64xf32, #tpu.memory_space<hbm>>)
      tpu.yield
    }) : () -> ()
    %dma_start3A_572 = arith.constant 3328 : i32
    %dma_start3A_573 = tpu.memref_slice %arg18[%dma_start3A_572] : memref<8192xi32, #tpu.memory_space<vmem>> -> memref<256xi32, #tpu.memory_space<vmem>>
    %dma_start3A_574 = arith.constant 0 : i32
    %dma_start3A_575 = arith.constant 0 : i32
    %dma_start3A_576 = tpu.memref_slice %arg4[%dma_start3A_574, %dma_start3A_575] : memref<32768x64xf32, #tpu.memory_space<hbm>> -> memref<32768x64xf32, #tpu.memory_space<hbm>>
    tpu.enqueue_indirect_dma source(%dma_start3A_576 : memref<32768x64xf32, #tpu.memory_space<hbm>>) target(%arg21 : memref<256x64xf32, #tpu.memory_space<vmem>>) offsets(%dma_start3A_573 : memref<256xi32, #tpu.memory_space<vmem>>) semaphore(%arg22 : memref<!tpu.dma_semaphore, #tpu.memory_space<semaphore_mem>>)
    %dma_wait3A_577 = arith.constant 3328 : i32
    %dma_wait3A_578 = tpu.memref_slice %arg18[%dma_wait3A_577] : memref<8192xi32, #tpu.memory_space<vmem>> -> memref<256xi32, #tpu.memory_space<vmem>>
    %dma_wait3A_579 = arith.constant 0 : i32
    %dma_wait3A_580 = arith.constant 0 : i32
    %dma_wait3A_581 = tpu.memref_slice %arg4[%dma_wait3A_579, %dma_wait3A_580] : memref<32768x64xf32, #tpu.memory_space<hbm>> -> memref<32768x64xf32, #tpu.memory_space<hbm>>
    tpu.wait_indirect_dma semaphore(%arg22 : memref<!tpu.dma_semaphore, #tpu.memory_space<semaphore_mem>>) src(%dma_wait3A_581 : memref<32768x64xf32, #tpu.memory_space<hbm>>) dst(%arg21 : memref<256x64xf32, #tpu.memory_space<vmem>>)
    %mul3A_582 = arith.constant 1024 : i32
    %mul3A_583 = arith.muli %select_n3A, %mul3A_582 : i32
    %add3A_584 = arith.addi %mul3A_583, %mul3A_32 : i32
    %mul3A_585 = arith.constant 64 : i32
    %mul3A_586 = arith.muli %add3A_584, %mul3A_585 : i32
    %add3A_587 = arith.constant 3328 : i32
    %add3A_588 = arith.addi %mul3A_586, %add3A_587 : i32
    "tpu.region"() ({
      %run_scoped3A = tpu.sem_alloc : memref<!tpu.dma_semaphore, #tpu.memory_space<semaphore_mem>>
      %dma_start3A_909 = arith.constant 0 : i32
      %dma_start3A_910 = tpu.memref_slice %arg6[%add3A_588, %dma_start3A_909] : memref<262144x64xf32, #tpu.memory_space<hbm>> -> memref<256x64xf32, #tpu.memory_space<hbm>>
      %dma_start3A_911 = arith.constant 0 : i32
      %dma_start3A_912 = tpu.memref_slice %arg6[%add3A_588, %dma_start3A_911] : memref<262144x64xf32, #tpu.memory_space<hbm>> -> memref<256x64xf32, #tpu.memory_space<hbm>>
      tpu.enqueue_dma source(%arg21 : memref<256x64xf32, #tpu.memory_space<vmem>>) target(%dma_start3A_912 : memref<256x64xf32, #tpu.memory_space<hbm>>) target_semaphore(%run_scoped3A : memref<!tpu.dma_semaphore, #tpu.memory_space<semaphore_mem>>)
      %dma_wait3A_913 = arith.constant 0 : i32
      %dma_wait3A_914 = tpu.memref_slice %arg6[%add3A_588, %dma_wait3A_913] : memref<262144x64xf32, #tpu.memory_space<hbm>> -> memref<256x64xf32, #tpu.memory_space<hbm>>
      %dma_wait3A_915 = arith.constant 0 : i32
      %dma_wait3A_916 = tpu.memref_slice %arg6[%add3A_588, %dma_wait3A_915] : memref<262144x64xf32, #tpu.memory_space<hbm>> -> memref<256x64xf32, #tpu.memory_space<hbm>>
      tpu.wait_dma2 semaphore(%run_scoped3A : memref<!tpu.dma_semaphore, #tpu.memory_space<semaphore_mem>>) src(%arg21 : memref<256x64xf32, #tpu.memory_space<vmem>>) dst(%dma_wait3A_916 : memref<256x64xf32, #tpu.memory_space<hbm>>)
      tpu.yield
    }) : () -> ()
    %dma_start3A_589 = arith.constant 3584 : i32
    %dma_start3A_590 = tpu.memref_slice %arg18[%dma_start3A_589] : memref<8192xi32, #tpu.memory_space<vmem>> -> memref<256xi32, #tpu.memory_space<vmem>>
    %dma_start3A_591 = arith.constant 0 : i32
    %dma_start3A_592 = arith.constant 0 : i32
    %dma_start3A_593 = tpu.memref_slice %arg4[%dma_start3A_591, %dma_start3A_592] : memref<32768x64xf32, #tpu.memory_space<hbm>> -> memref<32768x64xf32, #tpu.memory_space<hbm>>
    tpu.enqueue_indirect_dma source(%dma_start3A_593 : memref<32768x64xf32, #tpu.memory_space<hbm>>) target(%arg21 : memref<256x64xf32, #tpu.memory_space<vmem>>) offsets(%dma_start3A_590 : memref<256xi32, #tpu.memory_space<vmem>>) semaphore(%arg22 : memref<!tpu.dma_semaphore, #tpu.memory_space<semaphore_mem>>)
    %dma_wait3A_594 = arith.constant 3584 : i32
    %dma_wait3A_595 = tpu.memref_slice %arg18[%dma_wait3A_594] : memref<8192xi32, #tpu.memory_space<vmem>> -> memref<256xi32, #tpu.memory_space<vmem>>
    %dma_wait3A_596 = arith.constant 0 : i32
    %dma_wait3A_597 = arith.constant 0 : i32
    %dma_wait3A_598 = tpu.memref_slice %arg4[%dma_wait3A_596, %dma_wait3A_597] : memref<32768x64xf32, #tpu.memory_space<hbm>> -> memref<32768x64xf32, #tpu.memory_space<hbm>>
    tpu.wait_indirect_dma semaphore(%arg22 : memref<!tpu.dma_semaphore, #tpu.memory_space<semaphore_mem>>) src(%dma_wait3A_598 : memref<32768x64xf32, #tpu.memory_space<hbm>>) dst(%arg21 : memref<256x64xf32, #tpu.memory_space<vmem>>)
    %mul3A_599 = arith.constant 1024 : i32
    %mul3A_600 = arith.muli %select_n3A, %mul3A_599 : i32
    %add3A_601 = arith.addi %mul3A_600, %mul3A_32 : i32
    %mul3A_602 = arith.constant 64 : i32
    %mul3A_603 = arith.muli %add3A_601, %mul3A_602 : i32
    %add3A_604 = arith.constant 3584 : i32
    %add3A_605 = arith.addi %mul3A_603, %add3A_604 : i32
    "tpu.region"() ({
      %run_scoped3A = tpu.sem_alloc : memref<!tpu.dma_semaphore, #tpu.memory_space<semaphore_mem>>
      %dma_start3A_909 = arith.constant 0 : i32
      %dma_start3A_910 = tpu.memref_slice %arg6[%add3A_605, %dma_start3A_909] : memref<262144x64xf32, #tpu.memory_space<hbm>> -> memref<256x64xf32, #tpu.memory_space<hbm>>
      %dma_start3A_911 = arith.constant 0 : i32
      %dma_start3A_912 = tpu.memref_slice %arg6[%add3A_605, %dma_start3A_911] : memref<262144x64xf32, #tpu.memory_space<hbm>> -> memref<256x64xf32, #tpu.memory_space<hbm>>
      tpu.enqueue_dma source(%arg21 : memref<256x64xf32, #tpu.memory_space<vmem>>) target(%dma_start3A_912 : memref<256x64xf32, #tpu.memory_space<hbm>>) target_semaphore(%run_scoped3A : memref<!tpu.dma_semaphore, #tpu.memory_space<semaphore_mem>>)
      %dma_wait3A_913 = arith.constant 0 : i32
      %dma_wait3A_914 = tpu.memref_slice %arg6[%add3A_605, %dma_wait3A_913] : memref<262144x64xf32, #tpu.memory_space<hbm>> -> memref<256x64xf32, #tpu.memory_space<hbm>>
      %dma_wait3A_915 = arith.constant 0 : i32
      %dma_wait3A_916 = tpu.memref_slice %arg6[%add3A_605, %dma_wait3A_915] : memref<262144x64xf32, #tpu.memory_space<hbm>> -> memref<256x64xf32, #tpu.memory_space<hbm>>
      tpu.wait_dma2 semaphore(%run_scoped3A : memref<!tpu.dma_semaphore, #tpu.memory_space<semaphore_mem>>) src(%arg21 : memref<256x64xf32, #tpu.memory_space<vmem>>) dst(%dma_wait3A_916 : memref<256x64xf32, #tpu.memory_space<hbm>>)
      tpu.yield
    }) : () -> ()
    %dma_start3A_606 = arith.constant 3840 : i32
    %dma_start3A_607 = tpu.memref_slice %arg18[%dma_start3A_606] : memref<8192xi32, #tpu.memory_space<vmem>> -> memref<256xi32, #tpu.memory_space<vmem>>
    %dma_start3A_608 = arith.constant 0 : i32
    %dma_start3A_609 = arith.constant 0 : i32
    %dma_start3A_610 = tpu.memref_slice %arg4[%dma_start3A_608, %dma_start3A_609] : memref<32768x64xf32, #tpu.memory_space<hbm>> -> memref<32768x64xf32, #tpu.memory_space<hbm>>
    tpu.enqueue_indirect_dma source(%dma_start3A_610 : memref<32768x64xf32, #tpu.memory_space<hbm>>) target(%arg21 : memref<256x64xf32, #tpu.memory_space<vmem>>) offsets(%dma_start3A_607 : memref<256xi32, #tpu.memory_space<vmem>>) semaphore(%arg22 : memref<!tpu.dma_semaphore, #tpu.memory_space<semaphore_mem>>)
    %dma_wait3A_611 = arith.constant 3840 : i32
    %dma_wait3A_612 = tpu.memref_slice %arg18[%dma_wait3A_611] : memref<8192xi32, #tpu.memory_space<vmem>> -> memref<256xi32, #tpu.memory_space<vmem>>
    %dma_wait3A_613 = arith.constant 0 : i32
    %dma_wait3A_614 = arith.constant 0 : i32
    %dma_wait3A_615 = tpu.memref_slice %arg4[%dma_wait3A_613, %dma_wait3A_614] : memref<32768x64xf32, #tpu.memory_space<hbm>> -> memref<32768x64xf32, #tpu.memory_space<hbm>>
    tpu.wait_indirect_dma semaphore(%arg22 : memref<!tpu.dma_semaphore, #tpu.memory_space<semaphore_mem>>) src(%dma_wait3A_615 : memref<32768x64xf32, #tpu.memory_space<hbm>>) dst(%arg21 : memref<256x64xf32, #tpu.memory_space<vmem>>)
    %mul3A_616 = arith.constant 1024 : i32
    %mul3A_617 = arith.muli %select_n3A, %mul3A_616 : i32
    %add3A_618 = arith.addi %mul3A_617, %mul3A_32 : i32
    %mul3A_619 = arith.constant 64 : i32
    %mul3A_620 = arith.muli %add3A_618, %mul3A_619 : i32
    %add3A_621 = arith.constant 3840 : i32
    %add3A_622 = arith.addi %mul3A_620, %add3A_621 : i32
    "tpu.region"() ({
      %run_scoped3A = tpu.sem_alloc : memref<!tpu.dma_semaphore, #tpu.memory_space<semaphore_mem>>
      %dma_start3A_909 = arith.constant 0 : i32
      %dma_start3A_910 = tpu.memref_slice %arg6[%add3A_622, %dma_start3A_909] : memref<262144x64xf32, #tpu.memory_space<hbm>> -> memref<256x64xf32, #tpu.memory_space<hbm>>
      %dma_start3A_911 = arith.constant 0 : i32
      %dma_start3A_912 = tpu.memref_slice %arg6[%add3A_622, %dma_start3A_911] : memref<262144x64xf32, #tpu.memory_space<hbm>> -> memref<256x64xf32, #tpu.memory_space<hbm>>
      tpu.enqueue_dma source(%arg21 : memref<256x64xf32, #tpu.memory_space<vmem>>) target(%dma_start3A_912 : memref<256x64xf32, #tpu.memory_space<hbm>>) target_semaphore(%run_scoped3A : memref<!tpu.dma_semaphore, #tpu.memory_space<semaphore_mem>>)
      %dma_wait3A_913 = arith.constant 0 : i32
      %dma_wait3A_914 = tpu.memref_slice %arg6[%add3A_622, %dma_wait3A_913] : memref<262144x64xf32, #tpu.memory_space<hbm>> -> memref<256x64xf32, #tpu.memory_space<hbm>>
      %dma_wait3A_915 = arith.constant 0 : i32
      %dma_wait3A_916 = tpu.memref_slice %arg6[%add3A_622, %dma_wait3A_915] : memref<262144x64xf32, #tpu.memory_space<hbm>> -> memref<256x64xf32, #tpu.memory_space<hbm>>
      tpu.wait_dma2 semaphore(%run_scoped3A : memref<!tpu.dma_semaphore, #tpu.memory_space<semaphore_mem>>) src(%arg21 : memref<256x64xf32, #tpu.memory_space<vmem>>) dst(%dma_wait3A_916 : memref<256x64xf32, #tpu.memory_space<hbm>>)
      tpu.yield
    }) : () -> ()
    %dma_start3A_623 = arith.constant 4096 : i32
    %dma_start3A_624 = tpu.memref_slice %arg18[%dma_start3A_623] : memref<8192xi32, #tpu.memory_space<vmem>> -> memref<256xi32, #tpu.memory_space<vmem>>
    %dma_start3A_625 = arith.constant 0 : i32
    %dma_start3A_626 = arith.constant 0 : i32
    %dma_start3A_627 = tpu.memref_slice %arg4[%dma_start3A_625, %dma_start3A_626] : memref<32768x64xf32, #tpu.memory_space<hbm>> -> memref<32768x64xf32, #tpu.memory_space<hbm>>
    tpu.enqueue_indirect_dma source(%dma_start3A_627 : memref<32768x64xf32, #tpu.memory_space<hbm>>) target(%arg21 : memref<256x64xf32, #tpu.memory_space<vmem>>) offsets(%dma_start3A_624 : memref<256xi32, #tpu.memory_space<vmem>>) semaphore(%arg22 : memref<!tpu.dma_semaphore, #tpu.memory_space<semaphore_mem>>)
    %dma_wait3A_628 = arith.constant 4096 : i32
    %dma_wait3A_629 = tpu.memref_slice %arg18[%dma_wait3A_628] : memref<8192xi32, #tpu.memory_space<vmem>> -> memref<256xi32, #tpu.memory_space<vmem>>
    %dma_wait3A_630 = arith.constant 0 : i32
    %dma_wait3A_631 = arith.constant 0 : i32
    %dma_wait3A_632 = tpu.memref_slice %arg4[%dma_wait3A_630, %dma_wait3A_631] : memref<32768x64xf32, #tpu.memory_space<hbm>> -> memref<32768x64xf32, #tpu.memory_space<hbm>>
    tpu.wait_indirect_dma semaphore(%arg22 : memref<!tpu.dma_semaphore, #tpu.memory_space<semaphore_mem>>) src(%dma_wait3A_632 : memref<32768x64xf32, #tpu.memory_space<hbm>>) dst(%arg21 : memref<256x64xf32, #tpu.memory_space<vmem>>)
    %mul3A_633 = arith.constant 1024 : i32
    %mul3A_634 = arith.muli %select_n3A, %mul3A_633 : i32
    %add3A_635 = arith.addi %mul3A_634, %mul3A_32 : i32
    %mul3A_636 = arith.constant 64 : i32
    %mul3A_637 = arith.muli %add3A_635, %mul3A_636 : i32
    %add3A_638 = arith.constant 4096 : i32
    %add3A_639 = arith.addi %mul3A_637, %add3A_638 : i32
    "tpu.region"() ({
      %run_scoped3A = tpu.sem_alloc : memref<!tpu.dma_semaphore, #tpu.memory_space<semaphore_mem>>
      %dma_start3A_909 = arith.constant 0 : i32
      %dma_start3A_910 = tpu.memref_slice %arg6[%add3A_639, %dma_start3A_909] : memref<262144x64xf32, #tpu.memory_space<hbm>> -> memref<256x64xf32, #tpu.memory_space<hbm>>
      %dma_start3A_911 = arith.constant 0 : i32
      %dma_start3A_912 = tpu.memref_slice %arg6[%add3A_639, %dma_start3A_911] : memref<262144x64xf32, #tpu.memory_space<hbm>> -> memref<256x64xf32, #tpu.memory_space<hbm>>
      tpu.enqueue_dma source(%arg21 : memref<256x64xf32, #tpu.memory_space<vmem>>) target(%dma_start3A_912 : memref<256x64xf32, #tpu.memory_space<hbm>>) target_semaphore(%run_scoped3A : memref<!tpu.dma_semaphore, #tpu.memory_space<semaphore_mem>>)
      %dma_wait3A_913 = arith.constant 0 : i32
      %dma_wait3A_914 = tpu.memref_slice %arg6[%add3A_639, %dma_wait3A_913] : memref<262144x64xf32, #tpu.memory_space<hbm>> -> memref<256x64xf32, #tpu.memory_space<hbm>>
      %dma_wait3A_915 = arith.constant 0 : i32
      %dma_wait3A_916 = tpu.memref_slice %arg6[%add3A_639, %dma_wait3A_915] : memref<262144x64xf32, #tpu.memory_space<hbm>> -> memref<256x64xf32, #tpu.memory_space<hbm>>
      tpu.wait_dma2 semaphore(%run_scoped3A : memref<!tpu.dma_semaphore, #tpu.memory_space<semaphore_mem>>) src(%arg21 : memref<256x64xf32, #tpu.memory_space<vmem>>) dst(%dma_wait3A_916 : memref<256x64xf32, #tpu.memory_space<hbm>>)
      tpu.yield
    }) : () -> ()
    %dma_start3A_640 = arith.constant 4352 : i32
    %dma_start3A_641 = tpu.memref_slice %arg18[%dma_start3A_640] : memref<8192xi32, #tpu.memory_space<vmem>> -> memref<256xi32, #tpu.memory_space<vmem>>
    %dma_start3A_642 = arith.constant 0 : i32
    %dma_start3A_643 = arith.constant 0 : i32
    %dma_start3A_644 = tpu.memref_slice %arg4[%dma_start3A_642, %dma_start3A_643] : memref<32768x64xf32, #tpu.memory_space<hbm>> -> memref<32768x64xf32, #tpu.memory_space<hbm>>
    tpu.enqueue_indirect_dma source(%dma_start3A_644 : memref<32768x64xf32, #tpu.memory_space<hbm>>) target(%arg21 : memref<256x64xf32, #tpu.memory_space<vmem>>) offsets(%dma_start3A_641 : memref<256xi32, #tpu.memory_space<vmem>>) semaphore(%arg22 : memref<!tpu.dma_semaphore, #tpu.memory_space<semaphore_mem>>)
    %dma_wait3A_645 = arith.constant 4352 : i32
    %dma_wait3A_646 = tpu.memref_slice %arg18[%dma_wait3A_645] : memref<8192xi32, #tpu.memory_space<vmem>> -> memref<256xi32, #tpu.memory_space<vmem>>
    %dma_wait3A_647 = arith.constant 0 : i32
    %dma_wait3A_648 = arith.constant 0 : i32
    %dma_wait3A_649 = tpu.memref_slice %arg4[%dma_wait3A_647, %dma_wait3A_648] : memref<32768x64xf32, #tpu.memory_space<hbm>> -> memref<32768x64xf32, #tpu.memory_space<hbm>>
    tpu.wait_indirect_dma semaphore(%arg22 : memref<!tpu.dma_semaphore, #tpu.memory_space<semaphore_mem>>) src(%dma_wait3A_649 : memref<32768x64xf32, #tpu.memory_space<hbm>>) dst(%arg21 : memref<256x64xf32, #tpu.memory_space<vmem>>)
    %mul3A_650 = arith.constant 1024 : i32
    %mul3A_651 = arith.muli %select_n3A, %mul3A_650 : i32
    %add3A_652 = arith.addi %mul3A_651, %mul3A_32 : i32
    %mul3A_653 = arith.constant 64 : i32
    %mul3A_654 = arith.muli %add3A_652, %mul3A_653 : i32
    %add3A_655 = arith.constant 4352 : i32
    %add3A_656 = arith.addi %mul3A_654, %add3A_655 : i32
    "tpu.region"() ({
      %run_scoped3A = tpu.sem_alloc : memref<!tpu.dma_semaphore, #tpu.memory_space<semaphore_mem>>
      %dma_start3A_909 = arith.constant 0 : i32
      %dma_start3A_910 = tpu.memref_slice %arg6[%add3A_656, %dma_start3A_909] : memref<262144x64xf32, #tpu.memory_space<hbm>> -> memref<256x64xf32, #tpu.memory_space<hbm>>
      %dma_start3A_911 = arith.constant 0 : i32
      %dma_start3A_912 = tpu.memref_slice %arg6[%add3A_656, %dma_start3A_911] : memref<262144x64xf32, #tpu.memory_space<hbm>> -> memref<256x64xf32, #tpu.memory_space<hbm>>
      tpu.enqueue_dma source(%arg21 : memref<256x64xf32, #tpu.memory_space<vmem>>) target(%dma_start3A_912 : memref<256x64xf32, #tpu.memory_space<hbm>>) target_semaphore(%run_scoped3A : memref<!tpu.dma_semaphore, #tpu.memory_space<semaphore_mem>>)
      %dma_wait3A_913 = arith.constant 0 : i32
      %dma_wait3A_914 = tpu.memref_slice %arg6[%add3A_656, %dma_wait3A_913] : memref<262144x64xf32, #tpu.memory_space<hbm>> -> memref<256x64xf32, #tpu.memory_space<hbm>>
      %dma_wait3A_915 = arith.constant 0 : i32
      %dma_wait3A_916 = tpu.memref_slice %arg6[%add3A_656, %dma_wait3A_915] : memref<262144x64xf32, #tpu.memory_space<hbm>> -> memref<256x64xf32, #tpu.memory_space<hbm>>
      tpu.wait_dma2 semaphore(%run_scoped3A : memref<!tpu.dma_semaphore, #tpu.memory_space<semaphore_mem>>) src(%arg21 : memref<256x64xf32, #tpu.memory_space<vmem>>) dst(%dma_wait3A_916 : memref<256x64xf32, #tpu.memory_space<hbm>>)
      tpu.yield
    }) : () -> ()
    %dma_start3A_657 = arith.constant 4608 : i32
    %dma_start3A_658 = tpu.memref_slice %arg18[%dma_start3A_657] : memref<8192xi32, #tpu.memory_space<vmem>> -> memref<256xi32, #tpu.memory_space<vmem>>
    %dma_start3A_659 = arith.constant 0 : i32
    %dma_start3A_660 = arith.constant 0 : i32
    %dma_start3A_661 = tpu.memref_slice %arg4[%dma_start3A_659, %dma_start3A_660] : memref<32768x64xf32, #tpu.memory_space<hbm>> -> memref<32768x64xf32, #tpu.memory_space<hbm>>
    tpu.enqueue_indirect_dma source(%dma_start3A_661 : memref<32768x64xf32, #tpu.memory_space<hbm>>) target(%arg21 : memref<256x64xf32, #tpu.memory_space<vmem>>) offsets(%dma_start3A_658 : memref<256xi32, #tpu.memory_space<vmem>>) semaphore(%arg22 : memref<!tpu.dma_semaphore, #tpu.memory_space<semaphore_mem>>)
    %dma_wait3A_662 = arith.constant 4608 : i32
    %dma_wait3A_663 = tpu.memref_slice %arg18[%dma_wait3A_662] : memref<8192xi32, #tpu.memory_space<vmem>> -> memref<256xi32, #tpu.memory_space<vmem>>
    %dma_wait3A_664 = arith.constant 0 : i32
    %dma_wait3A_665 = arith.constant 0 : i32
    %dma_wait3A_666 = tpu.memref_slice %arg4[%dma_wait3A_664, %dma_wait3A_665] : memref<32768x64xf32, #tpu.memory_space<hbm>> -> memref<32768x64xf32, #tpu.memory_space<hbm>>
    tpu.wait_indirect_dma semaphore(%arg22 : memref<!tpu.dma_semaphore, #tpu.memory_space<semaphore_mem>>) src(%dma_wait3A_666 : memref<32768x64xf32, #tpu.memory_space<hbm>>) dst(%arg21 : memref<256x64xf32, #tpu.memory_space<vmem>>)
    %mul3A_667 = arith.constant 1024 : i32
    %mul3A_668 = arith.muli %select_n3A, %mul3A_667 : i32
    %add3A_669 = arith.addi %mul3A_668, %mul3A_32 : i32
    %mul3A_670 = arith.constant 64 : i32
    %mul3A_671 = arith.muli %add3A_669, %mul3A_670 : i32
    %add3A_672 = arith.constant 4608 : i32
    %add3A_673 = arith.addi %mul3A_671, %add3A_672 : i32
    "tpu.region"() ({
      %run_scoped3A = tpu.sem_alloc : memref<!tpu.dma_semaphore, #tpu.memory_space<semaphore_mem>>
      %dma_start3A_909 = arith.constant 0 : i32
      %dma_start3A_910 = tpu.memref_slice %arg6[%add3A_673, %dma_start3A_909] : memref<262144x64xf32, #tpu.memory_space<hbm>> -> memref<256x64xf32, #tpu.memory_space<hbm>>
      %dma_start3A_911 = arith.constant 0 : i32
      %dma_start3A_912 = tpu.memref_slice %arg6[%add3A_673, %dma_start3A_911] : memref<262144x64xf32, #tpu.memory_space<hbm>> -> memref<256x64xf32, #tpu.memory_space<hbm>>
      tpu.enqueue_dma source(%arg21 : memref<256x64xf32, #tpu.memory_space<vmem>>) target(%dma_start3A_912 : memref<256x64xf32, #tpu.memory_space<hbm>>) target_semaphore(%run_scoped3A : memref<!tpu.dma_semaphore, #tpu.memory_space<semaphore_mem>>)
      %dma_wait3A_913 = arith.constant 0 : i32
      %dma_wait3A_914 = tpu.memref_slice %arg6[%add3A_673, %dma_wait3A_913] : memref<262144x64xf32, #tpu.memory_space<hbm>> -> memref<256x64xf32, #tpu.memory_space<hbm>>
      %dma_wait3A_915 = arith.constant 0 : i32
      %dma_wait3A_916 = tpu.memref_slice %arg6[%add3A_673, %dma_wait3A_915] : memref<262144x64xf32, #tpu.memory_space<hbm>> -> memref<256x64xf32, #tpu.memory_space<hbm>>
      tpu.wait_dma2 semaphore(%run_scoped3A : memref<!tpu.dma_semaphore, #tpu.memory_space<semaphore_mem>>) src(%arg21 : memref<256x64xf32, #tpu.memory_space<vmem>>) dst(%dma_wait3A_916 : memref<256x64xf32, #tpu.memory_space<hbm>>)
      tpu.yield
    }) : () -> ()
    %dma_start3A_674 = arith.constant 4864 : i32
    %dma_start3A_675 = tpu.memref_slice %arg18[%dma_start3A_674] : memref<8192xi32, #tpu.memory_space<vmem>> -> memref<256xi32, #tpu.memory_space<vmem>>
    %dma_start3A_676 = arith.constant 0 : i32
    %dma_start3A_677 = arith.constant 0 : i32
    %dma_start3A_678 = tpu.memref_slice %arg4[%dma_start3A_676, %dma_start3A_677] : memref<32768x64xf32, #tpu.memory_space<hbm>> -> memref<32768x64xf32, #tpu.memory_space<hbm>>
    tpu.enqueue_indirect_dma source(%dma_start3A_678 : memref<32768x64xf32, #tpu.memory_space<hbm>>) target(%arg21 : memref<256x64xf32, #tpu.memory_space<vmem>>) offsets(%dma_start3A_675 : memref<256xi32, #tpu.memory_space<vmem>>) semaphore(%arg22 : memref<!tpu.dma_semaphore, #tpu.memory_space<semaphore_mem>>)
    %dma_wait3A_679 = arith.constant 4864 : i32
    %dma_wait3A_680 = tpu.memref_slice %arg18[%dma_wait3A_679] : memref<8192xi32, #tpu.memory_space<vmem>> -> memref<256xi32, #tpu.memory_space<vmem>>
    %dma_wait3A_681 = arith.constant 0 : i32
    %dma_wait3A_682 = arith.constant 0 : i32
    %dma_wait3A_683 = tpu.memref_slice %arg4[%dma_wait3A_681, %dma_wait3A_682] : memref<32768x64xf32, #tpu.memory_space<hbm>> -> memref<32768x64xf32, #tpu.memory_space<hbm>>
    tpu.wait_indirect_dma semaphore(%arg22 : memref<!tpu.dma_semaphore, #tpu.memory_space<semaphore_mem>>) src(%dma_wait3A_683 : memref<32768x64xf32, #tpu.memory_space<hbm>>) dst(%arg21 : memref<256x64xf32, #tpu.memory_space<vmem>>)
    %mul3A_684 = arith.constant 1024 : i32
    %mul3A_685 = arith.muli %select_n3A, %mul3A_684 : i32
    %add3A_686 = arith.addi %mul3A_685, %mul3A_32 : i32
    %mul3A_687 = arith.constant 64 : i32
    %mul3A_688 = arith.muli %add3A_686, %mul3A_687 : i32
    %add3A_689 = arith.constant 4864 : i32
    %add3A_690 = arith.addi %mul3A_688, %add3A_689 : i32
    "tpu.region"() ({
      %run_scoped3A = tpu.sem_alloc : memref<!tpu.dma_semaphore, #tpu.memory_space<semaphore_mem>>
      %dma_start3A_909 = arith.constant 0 : i32
      %dma_start3A_910 = tpu.memref_slice %arg6[%add3A_690, %dma_start3A_909] : memref<262144x64xf32, #tpu.memory_space<hbm>> -> memref<256x64xf32, #tpu.memory_space<hbm>>
      %dma_start3A_911 = arith.constant 0 : i32
      %dma_start3A_912 = tpu.memref_slice %arg6[%add3A_690, %dma_start3A_911] : memref<262144x64xf32, #tpu.memory_space<hbm>> -> memref<256x64xf32, #tpu.memory_space<hbm>>
      tpu.enqueue_dma source(%arg21 : memref<256x64xf32, #tpu.memory_space<vmem>>) target(%dma_start3A_912 : memref<256x64xf32, #tpu.memory_space<hbm>>) target_semaphore(%run_scoped3A : memref<!tpu.dma_semaphore, #tpu.memory_space<semaphore_mem>>)
      %dma_wait3A_913 = arith.constant 0 : i32
      %dma_wait3A_914 = tpu.memref_slice %arg6[%add3A_690, %dma_wait3A_913] : memref<262144x64xf32, #tpu.memory_space<hbm>> -> memref<256x64xf32, #tpu.memory_space<hbm>>
      %dma_wait3A_915 = arith.constant 0 : i32
      %dma_wait3A_916 = tpu.memref_slice %arg6[%add3A_690, %dma_wait3A_915] : memref<262144x64xf32, #tpu.memory_space<hbm>> -> memref<256x64xf32, #tpu.memory_space<hbm>>
      tpu.wait_dma2 semaphore(%run_scoped3A : memref<!tpu.dma_semaphore, #tpu.memory_space<semaphore_mem>>) src(%arg21 : memref<256x64xf32, #tpu.memory_space<vmem>>) dst(%dma_wait3A_916 : memref<256x64xf32, #tpu.memory_space<hbm>>)
      tpu.yield
    }) : () -> ()
    %dma_start3A_691 = arith.constant 5120 : i32
    %dma_start3A_692 = tpu.memref_slice %arg18[%dma_start3A_691] : memref<8192xi32, #tpu.memory_space<vmem>> -> memref<256xi32, #tpu.memory_space<vmem>>
    %dma_start3A_693 = arith.constant 0 : i32
    %dma_start3A_694 = arith.constant 0 : i32
    %dma_start3A_695 = tpu.memref_slice %arg4[%dma_start3A_693, %dma_start3A_694] : memref<32768x64xf32, #tpu.memory_space<hbm>> -> memref<32768x64xf32, #tpu.memory_space<hbm>>
    tpu.enqueue_indirect_dma source(%dma_start3A_695 : memref<32768x64xf32, #tpu.memory_space<hbm>>) target(%arg21 : memref<256x64xf32, #tpu.memory_space<vmem>>) offsets(%dma_start3A_692 : memref<256xi32, #tpu.memory_space<vmem>>) semaphore(%arg22 : memref<!tpu.dma_semaphore, #tpu.memory_space<semaphore_mem>>)
    %dma_wait3A_696 = arith.constant 5120 : i32
    %dma_wait3A_697 = tpu.memref_slice %arg18[%dma_wait3A_696] : memref<8192xi32, #tpu.memory_space<vmem>> -> memref<256xi32, #tpu.memory_space<vmem>>
    %dma_wait3A_698 = arith.constant 0 : i32
    %dma_wait3A_699 = arith.constant 0 : i32
    %dma_wait3A_700 = tpu.memref_slice %arg4[%dma_wait3A_698, %dma_wait3A_699] : memref<32768x64xf32, #tpu.memory_space<hbm>> -> memref<32768x64xf32, #tpu.memory_space<hbm>>
    tpu.wait_indirect_dma semaphore(%arg22 : memref<!tpu.dma_semaphore, #tpu.memory_space<semaphore_mem>>) src(%dma_wait3A_700 : memref<32768x64xf32, #tpu.memory_space<hbm>>) dst(%arg21 : memref<256x64xf32, #tpu.memory_space<vmem>>)
    %mul3A_701 = arith.constant 1024 : i32
    %mul3A_702 = arith.muli %select_n3A, %mul3A_701 : i32
    %add3A_703 = arith.addi %mul3A_702, %mul3A_32 : i32
    %mul3A_704 = arith.constant 64 : i32
    %mul3A_705 = arith.muli %add3A_703, %mul3A_704 : i32
    %add3A_706 = arith.constant 5120 : i32
    %add3A_707 = arith.addi %mul3A_705, %add3A_706 : i32
    "tpu.region"() ({
      %run_scoped3A = tpu.sem_alloc : memref<!tpu.dma_semaphore, #tpu.memory_space<semaphore_mem>>
      %dma_start3A_909 = arith.constant 0 : i32
      %dma_start3A_910 = tpu.memref_slice %arg6[%add3A_707, %dma_start3A_909] : memref<262144x64xf32, #tpu.memory_space<hbm>> -> memref<256x64xf32, #tpu.memory_space<hbm>>
      %dma_start3A_911 = arith.constant 0 : i32
      %dma_start3A_912 = tpu.memref_slice %arg6[%add3A_707, %dma_start3A_911] : memref<262144x64xf32, #tpu.memory_space<hbm>> -> memref<256x64xf32, #tpu.memory_space<hbm>>
      tpu.enqueue_dma source(%arg21 : memref<256x64xf32, #tpu.memory_space<vmem>>) target(%dma_start3A_912 : memref<256x64xf32, #tpu.memory_space<hbm>>) target_semaphore(%run_scoped3A : memref<!tpu.dma_semaphore, #tpu.memory_space<semaphore_mem>>)
      %dma_wait3A_913 = arith.constant 0 : i32
      %dma_wait3A_914 = tpu.memref_slice %arg6[%add3A_707, %dma_wait3A_913] : memref<262144x64xf32, #tpu.memory_space<hbm>> -> memref<256x64xf32, #tpu.memory_space<hbm>>
      %dma_wait3A_915 = arith.constant 0 : i32
      %dma_wait3A_916 = tpu.memref_slice %arg6[%add3A_707, %dma_wait3A_915] : memref<262144x64xf32, #tpu.memory_space<hbm>> -> memref<256x64xf32, #tpu.memory_space<hbm>>
      tpu.wait_dma2 semaphore(%run_scoped3A : memref<!tpu.dma_semaphore, #tpu.memory_space<semaphore_mem>>) src(%arg21 : memref<256x64xf32, #tpu.memory_space<vmem>>) dst(%dma_wait3A_916 : memref<256x64xf32, #tpu.memory_space<hbm>>)
      tpu.yield
    }) : () -> ()
    %dma_start3A_708 = arith.constant 5376 : i32
    %dma_start3A_709 = tpu.memref_slice %arg18[%dma_start3A_708] : memref<8192xi32, #tpu.memory_space<vmem>> -> memref<256xi32, #tpu.memory_space<vmem>>
    %dma_start3A_710 = arith.constant 0 : i32
    %dma_start3A_711 = arith.constant 0 : i32
    %dma_start3A_712 = tpu.memref_slice %arg4[%dma_start3A_710, %dma_start3A_711] : memref<32768x64xf32, #tpu.memory_space<hbm>> -> memref<32768x64xf32, #tpu.memory_space<hbm>>
    tpu.enqueue_indirect_dma source(%dma_start3A_712 : memref<32768x64xf32, #tpu.memory_space<hbm>>) target(%arg21 : memref<256x64xf32, #tpu.memory_space<vmem>>) offsets(%dma_start3A_709 : memref<256xi32, #tpu.memory_space<vmem>>) semaphore(%arg22 : memref<!tpu.dma_semaphore, #tpu.memory_space<semaphore_mem>>)
    %dma_wait3A_713 = arith.constant 5376 : i32
    %dma_wait3A_714 = tpu.memref_slice %arg18[%dma_wait3A_713] : memref<8192xi32, #tpu.memory_space<vmem>> -> memref<256xi32, #tpu.memory_space<vmem>>
    %dma_wait3A_715 = arith.constant 0 : i32
    %dma_wait3A_716 = arith.constant 0 : i32
    %dma_wait3A_717 = tpu.memref_slice %arg4[%dma_wait3A_715, %dma_wait3A_716] : memref<32768x64xf32, #tpu.memory_space<hbm>> -> memref<32768x64xf32, #tpu.memory_space<hbm>>
    tpu.wait_indirect_dma semaphore(%arg22 : memref<!tpu.dma_semaphore, #tpu.memory_space<semaphore_mem>>) src(%dma_wait3A_717 : memref<32768x64xf32, #tpu.memory_space<hbm>>) dst(%arg21 : memref<256x64xf32, #tpu.memory_space<vmem>>)
    %mul3A_718 = arith.constant 1024 : i32
    %mul3A_719 = arith.muli %select_n3A, %mul3A_718 : i32
    %add3A_720 = arith.addi %mul3A_719, %mul3A_32 : i32
    %mul3A_721 = arith.constant 64 : i32
    %mul3A_722 = arith.muli %add3A_720, %mul3A_721 : i32
    %add3A_723 = arith.constant 5376 : i32
    %add3A_724 = arith.addi %mul3A_722, %add3A_723 : i32
    "tpu.region"() ({
      %run_scoped3A = tpu.sem_alloc : memref<!tpu.dma_semaphore, #tpu.memory_space<semaphore_mem>>
      %dma_start3A_909 = arith.constant 0 : i32
      %dma_start3A_910 = tpu.memref_slice %arg6[%add3A_724, %dma_start3A_909] : memref<262144x64xf32, #tpu.memory_space<hbm>> -> memref<256x64xf32, #tpu.memory_space<hbm>>
      %dma_start3A_911 = arith.constant 0 : i32
      %dma_start3A_912 = tpu.memref_slice %arg6[%add3A_724, %dma_start3A_911] : memref<262144x64xf32, #tpu.memory_space<hbm>> -> memref<256x64xf32, #tpu.memory_space<hbm>>
      tpu.enqueue_dma source(%arg21 : memref<256x64xf32, #tpu.memory_space<vmem>>) target(%dma_start3A_912 : memref<256x64xf32, #tpu.memory_space<hbm>>) target_semaphore(%run_scoped3A : memref<!tpu.dma_semaphore, #tpu.memory_space<semaphore_mem>>)
      %dma_wait3A_913 = arith.constant 0 : i32
      %dma_wait3A_914 = tpu.memref_slice %arg6[%add3A_724, %dma_wait3A_913] : memref<262144x64xf32, #tpu.memory_space<hbm>> -> memref<256x64xf32, #tpu.memory_space<hbm>>
      %dma_wait3A_915 = arith.constant 0 : i32
      %dma_wait3A_916 = tpu.memref_slice %arg6[%add3A_724, %dma_wait3A_915] : memref<262144x64xf32, #tpu.memory_space<hbm>> -> memref<256x64xf32, #tpu.memory_space<hbm>>
      tpu.wait_dma2 semaphore(%run_scoped3A : memref<!tpu.dma_semaphore, #tpu.memory_space<semaphore_mem>>) src(%arg21 : memref<256x64xf32, #tpu.memory_space<vmem>>) dst(%dma_wait3A_916 : memref<256x64xf32, #tpu.memory_space<hbm>>)
      tpu.yield
    }) : () -> ()
    %dma_start3A_725 = arith.constant 5632 : i32
    %dma_start3A_726 = tpu.memref_slice %arg18[%dma_start3A_725] : memref<8192xi32, #tpu.memory_space<vmem>> -> memref<256xi32, #tpu.memory_space<vmem>>
    %dma_start3A_727 = arith.constant 0 : i32
    %dma_start3A_728 = arith.constant 0 : i32
    %dma_start3A_729 = tpu.memref_slice %arg4[%dma_start3A_727, %dma_start3A_728] : memref<32768x64xf32, #tpu.memory_space<hbm>> -> memref<32768x64xf32, #tpu.memory_space<hbm>>
    tpu.enqueue_indirect_dma source(%dma_start3A_729 : memref<32768x64xf32, #tpu.memory_space<hbm>>) target(%arg21 : memref<256x64xf32, #tpu.memory_space<vmem>>) offsets(%dma_start3A_726 : memref<256xi32, #tpu.memory_space<vmem>>) semaphore(%arg22 : memref<!tpu.dma_semaphore, #tpu.memory_space<semaphore_mem>>)
    %dma_wait3A_730 = arith.constant 5632 : i32
    %dma_wait3A_731 = tpu.memref_slice %arg18[%dma_wait3A_730] : memref<8192xi32, #tpu.memory_space<vmem>> -> memref<256xi32, #tpu.memory_space<vmem>>
    %dma_wait3A_732 = arith.constant 0 : i32
    %dma_wait3A_733 = arith.constant 0 : i32
    %dma_wait3A_734 = tpu.memref_slice %arg4[%dma_wait3A_732, %dma_wait3A_733] : memref<32768x64xf32, #tpu.memory_space<hbm>> -> memref<32768x64xf32, #tpu.memory_space<hbm>>
    tpu.wait_indirect_dma semaphore(%arg22 : memref<!tpu.dma_semaphore, #tpu.memory_space<semaphore_mem>>) src(%dma_wait3A_734 : memref<32768x64xf32, #tpu.memory_space<hbm>>) dst(%arg21 : memref<256x64xf32, #tpu.memory_space<vmem>>)
    %mul3A_735 = arith.constant 1024 : i32
    %mul3A_736 = arith.muli %select_n3A, %mul3A_735 : i32
    %add3A_737 = arith.addi %mul3A_736, %mul3A_32 : i32
    %mul3A_738 = arith.constant 64 : i32
    %mul3A_739 = arith.muli %add3A_737, %mul3A_738 : i32
    %add3A_740 = arith.constant 5632 : i32
    %add3A_741 = arith.addi %mul3A_739, %add3A_740 : i32
    "tpu.region"() ({
      %run_scoped3A = tpu.sem_alloc : memref<!tpu.dma_semaphore, #tpu.memory_space<semaphore_mem>>
      %dma_start3A_909 = arith.constant 0 : i32
      %dma_start3A_910 = tpu.memref_slice %arg6[%add3A_741, %dma_start3A_909] : memref<262144x64xf32, #tpu.memory_space<hbm>> -> memref<256x64xf32, #tpu.memory_space<hbm>>
      %dma_start3A_911 = arith.constant 0 : i32
      %dma_start3A_912 = tpu.memref_slice %arg6[%add3A_741, %dma_start3A_911] : memref<262144x64xf32, #tpu.memory_space<hbm>> -> memref<256x64xf32, #tpu.memory_space<hbm>>
      tpu.enqueue_dma source(%arg21 : memref<256x64xf32, #tpu.memory_space<vmem>>) target(%dma_start3A_912 : memref<256x64xf32, #tpu.memory_space<hbm>>) target_semaphore(%run_scoped3A : memref<!tpu.dma_semaphore, #tpu.memory_space<semaphore_mem>>)
      %dma_wait3A_913 = arith.constant 0 : i32
      %dma_wait3A_914 = tpu.memref_slice %arg6[%add3A_741, %dma_wait3A_913] : memref<262144x64xf32, #tpu.memory_space<hbm>> -> memref<256x64xf32, #tpu.memory_space<hbm>>
      %dma_wait3A_915 = arith.constant 0 : i32
      %dma_wait3A_916 = tpu.memref_slice %arg6[%add3A_741, %dma_wait3A_915] : memref<262144x64xf32, #tpu.memory_space<hbm>> -> memref<256x64xf32, #tpu.memory_space<hbm>>
      tpu.wait_dma2 semaphore(%run_scoped3A : memref<!tpu.dma_semaphore, #tpu.memory_space<semaphore_mem>>) src(%arg21 : memref<256x64xf32, #tpu.memory_space<vmem>>) dst(%dma_wait3A_916 : memref<256x64xf32, #tpu.memory_space<hbm>>)
      tpu.yield
    }) : () -> ()
    %dma_start3A_742 = arith.constant 5888 : i32
    %dma_start3A_743 = tpu.memref_slice %arg18[%dma_start3A_742] : memref<8192xi32, #tpu.memory_space<vmem>> -> memref<256xi32, #tpu.memory_space<vmem>>
    %dma_start3A_744 = arith.constant 0 : i32
    %dma_start3A_745 = arith.constant 0 : i32
    %dma_start3A_746 = tpu.memref_slice %arg4[%dma_start3A_744, %dma_start3A_745] : memref<32768x64xf32, #tpu.memory_space<hbm>> -> memref<32768x64xf32, #tpu.memory_space<hbm>>
    tpu.enqueue_indirect_dma source(%dma_start3A_746 : memref<32768x64xf32, #tpu.memory_space<hbm>>) target(%arg21 : memref<256x64xf32, #tpu.memory_space<vmem>>) offsets(%dma_start3A_743 : memref<256xi32, #tpu.memory_space<vmem>>) semaphore(%arg22 : memref<!tpu.dma_semaphore, #tpu.memory_space<semaphore_mem>>)
    %dma_wait3A_747 = arith.constant 5888 : i32
    %dma_wait3A_748 = tpu.memref_slice %arg18[%dma_wait3A_747] : memref<8192xi32, #tpu.memory_space<vmem>> -> memref<256xi32, #tpu.memory_space<vmem>>
    %dma_wait3A_749 = arith.constant 0 : i32
    %dma_wait3A_750 = arith.constant 0 : i32
    %dma_wait3A_751 = tpu.memref_slice %arg4[%dma_wait3A_749, %dma_wait3A_750] : memref<32768x64xf32, #tpu.memory_space<hbm>> -> memref<32768x64xf32, #tpu.memory_space<hbm>>
    tpu.wait_indirect_dma semaphore(%arg22 : memref<!tpu.dma_semaphore, #tpu.memory_space<semaphore_mem>>) src(%dma_wait3A_751 : memref<32768x64xf32, #tpu.memory_space<hbm>>) dst(%arg21 : memref<256x64xf32, #tpu.memory_space<vmem>>)
    %mul3A_752 = arith.constant 1024 : i32
    %mul3A_753 = arith.muli %select_n3A, %mul3A_752 : i32
    %add3A_754 = arith.addi %mul3A_753, %mul3A_32 : i32
    %mul3A_755 = arith.constant 64 : i32
    %mul3A_756 = arith.muli %add3A_754, %mul3A_755 : i32
    %add3A_757 = arith.constant 5888 : i32
    %add3A_758 = arith.addi %mul3A_756, %add3A_757 : i32
    "tpu.region"() ({
      %run_scoped3A = tpu.sem_alloc : memref<!tpu.dma_semaphore, #tpu.memory_space<semaphore_mem>>
      %dma_start3A_909 = arith.constant 0 : i32
      %dma_start3A_910 = tpu.memref_slice %arg6[%add3A_758, %dma_start3A_909] : memref<262144x64xf32, #tpu.memory_space<hbm>> -> memref<256x64xf32, #tpu.memory_space<hbm>>
      %dma_start3A_911 = arith.constant 0 : i32
      %dma_start3A_912 = tpu.memref_slice %arg6[%add3A_758, %dma_start3A_911] : memref<262144x64xf32, #tpu.memory_space<hbm>> -> memref<256x64xf32, #tpu.memory_space<hbm>>
      tpu.enqueue_dma source(%arg21 : memref<256x64xf32, #tpu.memory_space<vmem>>) target(%dma_start3A_912 : memref<256x64xf32, #tpu.memory_space<hbm>>) target_semaphore(%run_scoped3A : memref<!tpu.dma_semaphore, #tpu.memory_space<semaphore_mem>>)
      %dma_wait3A_913 = arith.constant 0 : i32
      %dma_wait3A_914 = tpu.memref_slice %arg6[%add3A_758, %dma_wait3A_913] : memref<262144x64xf32, #tpu.memory_space<hbm>> -> memref<256x64xf32, #tpu.memory_space<hbm>>
      %dma_wait3A_915 = arith.constant 0 : i32
      %dma_wait3A_916 = tpu.memref_slice %arg6[%add3A_758, %dma_wait3A_915] : memref<262144x64xf32, #tpu.memory_space<hbm>> -> memref<256x64xf32, #tpu.memory_space<hbm>>
      tpu.wait_dma2 semaphore(%run_scoped3A : memref<!tpu.dma_semaphore, #tpu.memory_space<semaphore_mem>>) src(%arg21 : memref<256x64xf32, #tpu.memory_space<vmem>>) dst(%dma_wait3A_916 : memref<256x64xf32, #tpu.memory_space<hbm>>)
      tpu.yield
    }) : () -> ()
    %dma_start3A_759 = arith.constant 6144 : i32
    %dma_start3A_760 = tpu.memref_slice %arg18[%dma_start3A_759] : memref<8192xi32, #tpu.memory_space<vmem>> -> memref<256xi32, #tpu.memory_space<vmem>>
    %dma_start3A_761 = arith.constant 0 : i32
    %dma_start3A_762 = arith.constant 0 : i32
    %dma_start3A_763 = tpu.memref_slice %arg4[%dma_start3A_761, %dma_start3A_762] : memref<32768x64xf32, #tpu.memory_space<hbm>> -> memref<32768x64xf32, #tpu.memory_space<hbm>>
    tpu.enqueue_indirect_dma source(%dma_start3A_763 : memref<32768x64xf32, #tpu.memory_space<hbm>>) target(%arg21 : memref<256x64xf32, #tpu.memory_space<vmem>>) offsets(%dma_start3A_760 : memref<256xi32, #tpu.memory_space<vmem>>) semaphore(%arg22 : memref<!tpu.dma_semaphore, #tpu.memory_space<semaphore_mem>>)
    %dma_wait3A_764 = arith.constant 6144 : i32
    %dma_wait3A_765 = tpu.memref_slice %arg18[%dma_wait3A_764] : memref<8192xi32, #tpu.memory_space<vmem>> -> memref<256xi32, #tpu.memory_space<vmem>>
    %dma_wait3A_766 = arith.constant 0 : i32
    %dma_wait3A_767 = arith.constant 0 : i32
    %dma_wait3A_768 = tpu.memref_slice %arg4[%dma_wait3A_766, %dma_wait3A_767] : memref<32768x64xf32, #tpu.memory_space<hbm>> -> memref<32768x64xf32, #tpu.memory_space<hbm>>
    tpu.wait_indirect_dma semaphore(%arg22 : memref<!tpu.dma_semaphore, #tpu.memory_space<semaphore_mem>>) src(%dma_wait3A_768 : memref<32768x64xf32, #tpu.memory_space<hbm>>) dst(%arg21 : memref<256x64xf32, #tpu.memory_space<vmem>>)
    %mul3A_769 = arith.constant 1024 : i32
    %mul3A_770 = arith.muli %select_n3A, %mul3A_769 : i32
    %add3A_771 = arith.addi %mul3A_770, %mul3A_32 : i32
    %mul3A_772 = arith.constant 64 : i32
    %mul3A_773 = arith.muli %add3A_771, %mul3A_772 : i32
    %add3A_774 = arith.constant 6144 : i32
    %add3A_775 = arith.addi %mul3A_773, %add3A_774 : i32
    "tpu.region"() ({
      %run_scoped3A = tpu.sem_alloc : memref<!tpu.dma_semaphore, #tpu.memory_space<semaphore_mem>>
      %dma_start3A_909 = arith.constant 0 : i32
      %dma_start3A_910 = tpu.memref_slice %arg6[%add3A_775, %dma_start3A_909] : memref<262144x64xf32, #tpu.memory_space<hbm>> -> memref<256x64xf32, #tpu.memory_space<hbm>>
      %dma_start3A_911 = arith.constant 0 : i32
      %dma_start3A_912 = tpu.memref_slice %arg6[%add3A_775, %dma_start3A_911] : memref<262144x64xf32, #tpu.memory_space<hbm>> -> memref<256x64xf32, #tpu.memory_space<hbm>>
      tpu.enqueue_dma source(%arg21 : memref<256x64xf32, #tpu.memory_space<vmem>>) target(%dma_start3A_912 : memref<256x64xf32, #tpu.memory_space<hbm>>) target_semaphore(%run_scoped3A : memref<!tpu.dma_semaphore, #tpu.memory_space<semaphore_mem>>)
      %dma_wait3A_913 = arith.constant 0 : i32
      %dma_wait3A_914 = tpu.memref_slice %arg6[%add3A_775, %dma_wait3A_913] : memref<262144x64xf32, #tpu.memory_space<hbm>> -> memref<256x64xf32, #tpu.memory_space<hbm>>
      %dma_wait3A_915 = arith.constant 0 : i32
      %dma_wait3A_916 = tpu.memref_slice %arg6[%add3A_775, %dma_wait3A_915] : memref<262144x64xf32, #tpu.memory_space<hbm>> -> memref<256x64xf32, #tpu.memory_space<hbm>>
      tpu.wait_dma2 semaphore(%run_scoped3A : memref<!tpu.dma_semaphore, #tpu.memory_space<semaphore_mem>>) src(%arg21 : memref<256x64xf32, #tpu.memory_space<vmem>>) dst(%dma_wait3A_916 : memref<256x64xf32, #tpu.memory_space<hbm>>)
      tpu.yield
    }) : () -> ()
    %dma_start3A_776 = arith.constant 6400 : i32
    %dma_start3A_777 = tpu.memref_slice %arg18[%dma_start3A_776] : memref<8192xi32, #tpu.memory_space<vmem>> -> memref<256xi32, #tpu.memory_space<vmem>>
    %dma_start3A_778 = arith.constant 0 : i32
    %dma_start3A_779 = arith.constant 0 : i32
    %dma_start3A_780 = tpu.memref_slice %arg4[%dma_start3A_778, %dma_start3A_779] : memref<32768x64xf32, #tpu.memory_space<hbm>> -> memref<32768x64xf32, #tpu.memory_space<hbm>>
    tpu.enqueue_indirect_dma source(%dma_start3A_780 : memref<32768x64xf32, #tpu.memory_space<hbm>>) target(%arg21 : memref<256x64xf32, #tpu.memory_space<vmem>>) offsets(%dma_start3A_777 : memref<256xi32, #tpu.memory_space<vmem>>) semaphore(%arg22 : memref<!tpu.dma_semaphore, #tpu.memory_space<semaphore_mem>>)
    %dma_wait3A_781 = arith.constant 6400 : i32
    %dma_wait3A_782 = tpu.memref_slice %arg18[%dma_wait3A_781] : memref<8192xi32, #tpu.memory_space<vmem>> -> memref<256xi32, #tpu.memory_space<vmem>>
    %dma_wait3A_783 = arith.constant 0 : i32
    %dma_wait3A_784 = arith.constant 0 : i32
    %dma_wait3A_785 = tpu.memref_slice %arg4[%dma_wait3A_783, %dma_wait3A_784] : memref<32768x64xf32, #tpu.memory_space<hbm>> -> memref<32768x64xf32, #tpu.memory_space<hbm>>
    tpu.wait_indirect_dma semaphore(%arg22 : memref<!tpu.dma_semaphore, #tpu.memory_space<semaphore_mem>>) src(%dma_wait3A_785 : memref<32768x64xf32, #tpu.memory_space<hbm>>) dst(%arg21 : memref<256x64xf32, #tpu.memory_space<vmem>>)
    %mul3A_786 = arith.constant 1024 : i32
    %mul3A_787 = arith.muli %select_n3A, %mul3A_786 : i32
    %add3A_788 = arith.addi %mul3A_787, %mul3A_32 : i32
    %mul3A_789 = arith.constant 64 : i32
    %mul3A_790 = arith.muli %add3A_788, %mul3A_789 : i32
    %add3A_791 = arith.constant 6400 : i32
    %add3A_792 = arith.addi %mul3A_790, %add3A_791 : i32
    "tpu.region"() ({
      %run_scoped3A = tpu.sem_alloc : memref<!tpu.dma_semaphore, #tpu.memory_space<semaphore_mem>>
      %dma_start3A_909 = arith.constant 0 : i32
      %dma_start3A_910 = tpu.memref_slice %arg6[%add3A_792, %dma_start3A_909] : memref<262144x64xf32, #tpu.memory_space<hbm>> -> memref<256x64xf32, #tpu.memory_space<hbm>>
      %dma_start3A_911 = arith.constant 0 : i32
      %dma_start3A_912 = tpu.memref_slice %arg6[%add3A_792, %dma_start3A_911] : memref<262144x64xf32, #tpu.memory_space<hbm>> -> memref<256x64xf32, #tpu.memory_space<hbm>>
      tpu.enqueue_dma source(%arg21 : memref<256x64xf32, #tpu.memory_space<vmem>>) target(%dma_start3A_912 : memref<256x64xf32, #tpu.memory_space<hbm>>) target_semaphore(%run_scoped3A : memref<!tpu.dma_semaphore, #tpu.memory_space<semaphore_mem>>)
      %dma_wait3A_913 = arith.constant 0 : i32
      %dma_wait3A_914 = tpu.memref_slice %arg6[%add3A_792, %dma_wait3A_913] : memref<262144x64xf32, #tpu.memory_space<hbm>> -> memref<256x64xf32, #tpu.memory_space<hbm>>
      %dma_wait3A_915 = arith.constant 0 : i32
      %dma_wait3A_916 = tpu.memref_slice %arg6[%add3A_792, %dma_wait3A_915] : memref<262144x64xf32, #tpu.memory_space<hbm>> -> memref<256x64xf32, #tpu.memory_space<hbm>>
      tpu.wait_dma2 semaphore(%run_scoped3A : memref<!tpu.dma_semaphore, #tpu.memory_space<semaphore_mem>>) src(%arg21 : memref<256x64xf32, #tpu.memory_space<vmem>>) dst(%dma_wait3A_916 : memref<256x64xf32, #tpu.memory_space<hbm>>)
      tpu.yield
    }) : () -> ()
    %dma_start3A_793 = arith.constant 6656 : i32
    %dma_start3A_794 = tpu.memref_slice %arg18[%dma_start3A_793] : memref<8192xi32, #tpu.memory_space<vmem>> -> memref<256xi32, #tpu.memory_space<vmem>>
    %dma_start3A_795 = arith.constant 0 : i32
    %dma_start3A_796 = arith.constant 0 : i32
    %dma_start3A_797 = tpu.memref_slice %arg4[%dma_start3A_795, %dma_start3A_796] : memref<32768x64xf32, #tpu.memory_space<hbm>> -> memref<32768x64xf32, #tpu.memory_space<hbm>>
    tpu.enqueue_indirect_dma source(%dma_start3A_797 : memref<32768x64xf32, #tpu.memory_space<hbm>>) target(%arg21 : memref<256x64xf32, #tpu.memory_space<vmem>>) offsets(%dma_start3A_794 : memref<256xi32, #tpu.memory_space<vmem>>) semaphore(%arg22 : memref<!tpu.dma_semaphore, #tpu.memory_space<semaphore_mem>>)
    %dma_wait3A_798 = arith.constant 6656 : i32
    %dma_wait3A_799 = tpu.memref_slice %arg18[%dma_wait3A_798] : memref<8192xi32, #tpu.memory_space<vmem>> -> memref<256xi32, #tpu.memory_space<vmem>>
    %dma_wait3A_800 = arith.constant 0 : i32
    %dma_wait3A_801 = arith.constant 0 : i32
    %dma_wait3A_802 = tpu.memref_slice %arg4[%dma_wait3A_800, %dma_wait3A_801] : memref<32768x64xf32, #tpu.memory_space<hbm>> -> memref<32768x64xf32, #tpu.memory_space<hbm>>
    tpu.wait_indirect_dma semaphore(%arg22 : memref<!tpu.dma_semaphore, #tpu.memory_space<semaphore_mem>>) src(%dma_wait3A_802 : memref<32768x64xf32, #tpu.memory_space<hbm>>) dst(%arg21 : memref<256x64xf32, #tpu.memory_space<vmem>>)
    %mul3A_803 = arith.constant 1024 : i32
    %mul3A_804 = arith.muli %select_n3A, %mul3A_803 : i32
    %add3A_805 = arith.addi %mul3A_804, %mul3A_32 : i32
    %mul3A_806 = arith.constant 64 : i32
    %mul3A_807 = arith.muli %add3A_805, %mul3A_806 : i32
    %add3A_808 = arith.constant 6656 : i32
    %add3A_809 = arith.addi %mul3A_807, %add3A_808 : i32
    "tpu.region"() ({
      %run_scoped3A = tpu.sem_alloc : memref<!tpu.dma_semaphore, #tpu.memory_space<semaphore_mem>>
      %dma_start3A_909 = arith.constant 0 : i32
      %dma_start3A_910 = tpu.memref_slice %arg6[%add3A_809, %dma_start3A_909] : memref<262144x64xf32, #tpu.memory_space<hbm>> -> memref<256x64xf32, #tpu.memory_space<hbm>>
      %dma_start3A_911 = arith.constant 0 : i32
      %dma_start3A_912 = tpu.memref_slice %arg6[%add3A_809, %dma_start3A_911] : memref<262144x64xf32, #tpu.memory_space<hbm>> -> memref<256x64xf32, #tpu.memory_space<hbm>>
      tpu.enqueue_dma source(%arg21 : memref<256x64xf32, #tpu.memory_space<vmem>>) target(%dma_start3A_912 : memref<256x64xf32, #tpu.memory_space<hbm>>) target_semaphore(%run_scoped3A : memref<!tpu.dma_semaphore, #tpu.memory_space<semaphore_mem>>)
      %dma_wait3A_913 = arith.constant 0 : i32
      %dma_wait3A_914 = tpu.memref_slice %arg6[%add3A_809, %dma_wait3A_913] : memref<262144x64xf32, #tpu.memory_space<hbm>> -> memref<256x64xf32, #tpu.memory_space<hbm>>
      %dma_wait3A_915 = arith.constant 0 : i32
      %dma_wait3A_916 = tpu.memref_slice %arg6[%add3A_809, %dma_wait3A_915] : memref<262144x64xf32, #tpu.memory_space<hbm>> -> memref<256x64xf32, #tpu.memory_space<hbm>>
      tpu.wait_dma2 semaphore(%run_scoped3A : memref<!tpu.dma_semaphore, #tpu.memory_space<semaphore_mem>>) src(%arg21 : memref<256x64xf32, #tpu.memory_space<vmem>>) dst(%dma_wait3A_916 : memref<256x64xf32, #tpu.memory_space<hbm>>)
      tpu.yield
    }) : () -> ()
    %dma_start3A_810 = arith.constant 6912 : i32
    %dma_start3A_811 = tpu.memref_slice %arg18[%dma_start3A_810] : memref<8192xi32, #tpu.memory_space<vmem>> -> memref<256xi32, #tpu.memory_space<vmem>>
    %dma_start3A_812 = arith.constant 0 : i32
    %dma_start3A_813 = arith.constant 0 : i32
    %dma_start3A_814 = tpu.memref_slice %arg4[%dma_start3A_812, %dma_start3A_813] : memref<32768x64xf32, #tpu.memory_space<hbm>> -> memref<32768x64xf32, #tpu.memory_space<hbm>>
    tpu.enqueue_indirect_dma source(%dma_start3A_814 : memref<32768x64xf32, #tpu.memory_space<hbm>>) target(%arg21 : memref<256x64xf32, #tpu.memory_space<vmem>>) offsets(%dma_start3A_811 : memref<256xi32, #tpu.memory_space<vmem>>) semaphore(%arg22 : memref<!tpu.dma_semaphore, #tpu.memory_space<semaphore_mem>>)
    %dma_wait3A_815 = arith.constant 6912 : i32
    %dma_wait3A_816 = tpu.memref_slice %arg18[%dma_wait3A_815] : memref<8192xi32, #tpu.memory_space<vmem>> -> memref<256xi32, #tpu.memory_space<vmem>>
    %dma_wait3A_817 = arith.constant 0 : i32
    %dma_wait3A_818 = arith.constant 0 : i32
    %dma_wait3A_819 = tpu.memref_slice %arg4[%dma_wait3A_817, %dma_wait3A_818] : memref<32768x64xf32, #tpu.memory_space<hbm>> -> memref<32768x64xf32, #tpu.memory_space<hbm>>
    tpu.wait_indirect_dma semaphore(%arg22 : memref<!tpu.dma_semaphore, #tpu.memory_space<semaphore_mem>>) src(%dma_wait3A_819 : memref<32768x64xf32, #tpu.memory_space<hbm>>) dst(%arg21 : memref<256x64xf32, #tpu.memory_space<vmem>>)
    %mul3A_820 = arith.constant 1024 : i32
    %mul3A_821 = arith.muli %select_n3A, %mul3A_820 : i32
    %add3A_822 = arith.addi %mul3A_821, %mul3A_32 : i32
    %mul3A_823 = arith.constant 64 : i32
    %mul3A_824 = arith.muli %add3A_822, %mul3A_823 : i32
    %add3A_825 = arith.constant 6912 : i32
    %add3A_826 = arith.addi %mul3A_824, %add3A_825 : i32
    "tpu.region"() ({
      %run_scoped3A = tpu.sem_alloc : memref<!tpu.dma_semaphore, #tpu.memory_space<semaphore_mem>>
      %dma_start3A_909 = arith.constant 0 : i32
      %dma_start3A_910 = tpu.memref_slice %arg6[%add3A_826, %dma_start3A_909] : memref<262144x64xf32, #tpu.memory_space<hbm>> -> memref<256x64xf32, #tpu.memory_space<hbm>>
      %dma_start3A_911 = arith.constant 0 : i32
      %dma_start3A_912 = tpu.memref_slice %arg6[%add3A_826, %dma_start3A_911] : memref<262144x64xf32, #tpu.memory_space<hbm>> -> memref<256x64xf32, #tpu.memory_space<hbm>>
      tpu.enqueue_dma source(%arg21 : memref<256x64xf32, #tpu.memory_space<vmem>>) target(%dma_start3A_912 : memref<256x64xf32, #tpu.memory_space<hbm>>) target_semaphore(%run_scoped3A : memref<!tpu.dma_semaphore, #tpu.memory_space<semaphore_mem>>)
      %dma_wait3A_913 = arith.constant 0 : i32
      %dma_wait3A_914 = tpu.memref_slice %arg6[%add3A_826, %dma_wait3A_913] : memref<262144x64xf32, #tpu.memory_space<hbm>> -> memref<256x64xf32, #tpu.memory_space<hbm>>
      %dma_wait3A_915 = arith.constant 0 : i32
      %dma_wait3A_916 = tpu.memref_slice %arg6[%add3A_826, %dma_wait3A_915] : memref<262144x64xf32, #tpu.memory_space<hbm>> -> memref<256x64xf32, #tpu.memory_space<hbm>>
      tpu.wait_dma2 semaphore(%run_scoped3A : memref<!tpu.dma_semaphore, #tpu.memory_space<semaphore_mem>>) src(%arg21 : memref<256x64xf32, #tpu.memory_space<vmem>>) dst(%dma_wait3A_916 : memref<256x64xf32, #tpu.memory_space<hbm>>)
      tpu.yield
    }) : () -> ()
    %dma_start3A_827 = arith.constant 7168 : i32
    %dma_start3A_828 = tpu.memref_slice %arg18[%dma_start3A_827] : memref<8192xi32, #tpu.memory_space<vmem>> -> memref<256xi32, #tpu.memory_space<vmem>>
    %dma_start3A_829 = arith.constant 0 : i32
    %dma_start3A_830 = arith.constant 0 : i32
    %dma_start3A_831 = tpu.memref_slice %arg4[%dma_start3A_829, %dma_start3A_830] : memref<32768x64xf32, #tpu.memory_space<hbm>> -> memref<32768x64xf32, #tpu.memory_space<hbm>>
    tpu.enqueue_indirect_dma source(%dma_start3A_831 : memref<32768x64xf32, #tpu.memory_space<hbm>>) target(%arg21 : memref<256x64xf32, #tpu.memory_space<vmem>>) offsets(%dma_start3A_828 : memref<256xi32, #tpu.memory_space<vmem>>) semaphore(%arg22 : memref<!tpu.dma_semaphore, #tpu.memory_space<semaphore_mem>>)
    %dma_wait3A_832 = arith.constant 7168 : i32
    %dma_wait3A_833 = tpu.memref_slice %arg18[%dma_wait3A_832] : memref<8192xi32, #tpu.memory_space<vmem>> -> memref<256xi32, #tpu.memory_space<vmem>>
    %dma_wait3A_834 = arith.constant 0 : i32
    %dma_wait3A_835 = arith.constant 0 : i32
    %dma_wait3A_836 = tpu.memref_slice %arg4[%dma_wait3A_834, %dma_wait3A_835] : memref<32768x64xf32, #tpu.memory_space<hbm>> -> memref<32768x64xf32, #tpu.memory_space<hbm>>
    tpu.wait_indirect_dma semaphore(%arg22 : memref<!tpu.dma_semaphore, #tpu.memory_space<semaphore_mem>>) src(%dma_wait3A_836 : memref<32768x64xf32, #tpu.memory_space<hbm>>) dst(%arg21 : memref<256x64xf32, #tpu.memory_space<vmem>>)
    %mul3A_837 = arith.constant 1024 : i32
    %mul3A_838 = arith.muli %select_n3A, %mul3A_837 : i32
    %add3A_839 = arith.addi %mul3A_838, %mul3A_32 : i32
    %mul3A_840 = arith.constant 64 : i32
    %mul3A_841 = arith.muli %add3A_839, %mul3A_840 : i32
    %add3A_842 = arith.constant 7168 : i32
    %add3A_843 = arith.addi %mul3A_841, %add3A_842 : i32
    "tpu.region"() ({
      %run_scoped3A = tpu.sem_alloc : memref<!tpu.dma_semaphore, #tpu.memory_space<semaphore_mem>>
      %dma_start3A_909 = arith.constant 0 : i32
      %dma_start3A_910 = tpu.memref_slice %arg6[%add3A_843, %dma_start3A_909] : memref<262144x64xf32, #tpu.memory_space<hbm>> -> memref<256x64xf32, #tpu.memory_space<hbm>>
      %dma_start3A_911 = arith.constant 0 : i32
      %dma_start3A_912 = tpu.memref_slice %arg6[%add3A_843, %dma_start3A_911] : memref<262144x64xf32, #tpu.memory_space<hbm>> -> memref<256x64xf32, #tpu.memory_space<hbm>>
      tpu.enqueue_dma source(%arg21 : memref<256x64xf32, #tpu.memory_space<vmem>>) target(%dma_start3A_912 : memref<256x64xf32, #tpu.memory_space<hbm>>) target_semaphore(%run_scoped3A : memref<!tpu.dma_semaphore, #tpu.memory_space<semaphore_mem>>)
      %dma_wait3A_913 = arith.constant 0 : i32
      %dma_wait3A_914 = tpu.memref_slice %arg6[%add3A_843, %dma_wait3A_913] : memref<262144x64xf32, #tpu.memory_space<hbm>> -> memref<256x64xf32, #tpu.memory_space<hbm>>
      %dma_wait3A_915 = arith.constant 0 : i32
      %dma_wait3A_916 = tpu.memref_slice %arg6[%add3A_843, %dma_wait3A_915] : memref<262144x64xf32, #tpu.memory_space<hbm>> -> memref<256x64xf32, #tpu.memory_space<hbm>>
      tpu.wait_dma2 semaphore(%run_scoped3A : memref<!tpu.dma_semaphore, #tpu.memory_space<semaphore_mem>>) src(%arg21 : memref<256x64xf32, #tpu.memory_space<vmem>>) dst(%dma_wait3A_916 : memref<256x64xf32, #tpu.memory_space<hbm>>)
      tpu.yield
    }) : () -> ()
    %dma_start3A_844 = arith.constant 7424 : i32
    %dma_start3A_845 = tpu.memref_slice %arg18[%dma_start3A_844] : memref<8192xi32, #tpu.memory_space<vmem>> -> memref<256xi32, #tpu.memory_space<vmem>>
    %dma_start3A_846 = arith.constant 0 : i32
    %dma_start3A_847 = arith.constant 0 : i32
    %dma_start3A_848 = tpu.memref_slice %arg4[%dma_start3A_846, %dma_start3A_847] : memref<32768x64xf32, #tpu.memory_space<hbm>> -> memref<32768x64xf32, #tpu.memory_space<hbm>>
    tpu.enqueue_indirect_dma source(%dma_start3A_848 : memref<32768x64xf32, #tpu.memory_space<hbm>>) target(%arg21 : memref<256x64xf32, #tpu.memory_space<vmem>>) offsets(%dma_start3A_845 : memref<256xi32, #tpu.memory_space<vmem>>) semaphore(%arg22 : memref<!tpu.dma_semaphore, #tpu.memory_space<semaphore_mem>>)
    %dma_wait3A_849 = arith.constant 7424 : i32
    %dma_wait3A_850 = tpu.memref_slice %arg18[%dma_wait3A_849] : memref<8192xi32, #tpu.memory_space<vmem>> -> memref<256xi32, #tpu.memory_space<vmem>>
    %dma_wait3A_851 = arith.constant 0 : i32
    %dma_wait3A_852 = arith.constant 0 : i32
    %dma_wait3A_853 = tpu.memref_slice %arg4[%dma_wait3A_851, %dma_wait3A_852] : memref<32768x64xf32, #tpu.memory_space<hbm>> -> memref<32768x64xf32, #tpu.memory_space<hbm>>
    tpu.wait_indirect_dma semaphore(%arg22 : memref<!tpu.dma_semaphore, #tpu.memory_space<semaphore_mem>>) src(%dma_wait3A_853 : memref<32768x64xf32, #tpu.memory_space<hbm>>) dst(%arg21 : memref<256x64xf32, #tpu.memory_space<vmem>>)
    %mul3A_854 = arith.constant 1024 : i32
    %mul3A_855 = arith.muli %select_n3A, %mul3A_854 : i32
    %add3A_856 = arith.addi %mul3A_855, %mul3A_32 : i32
    %mul3A_857 = arith.constant 64 : i32
    %mul3A_858 = arith.muli %add3A_856, %mul3A_857 : i32
    %add3A_859 = arith.constant 7424 : i32
    %add3A_860 = arith.addi %mul3A_858, %add3A_859 : i32
    "tpu.region"() ({
      %run_scoped3A = tpu.sem_alloc : memref<!tpu.dma_semaphore, #tpu.memory_space<semaphore_mem>>
      %dma_start3A_909 = arith.constant 0 : i32
      %dma_start3A_910 = tpu.memref_slice %arg6[%add3A_860, %dma_start3A_909] : memref<262144x64xf32, #tpu.memory_space<hbm>> -> memref<256x64xf32, #tpu.memory_space<hbm>>
      %dma_start3A_911 = arith.constant 0 : i32
      %dma_start3A_912 = tpu.memref_slice %arg6[%add3A_860, %dma_start3A_911] : memref<262144x64xf32, #tpu.memory_space<hbm>> -> memref<256x64xf32, #tpu.memory_space<hbm>>
      tpu.enqueue_dma source(%arg21 : memref<256x64xf32, #tpu.memory_space<vmem>>) target(%dma_start3A_912 : memref<256x64xf32, #tpu.memory_space<hbm>>) target_semaphore(%run_scoped3A : memref<!tpu.dma_semaphore, #tpu.memory_space<semaphore_mem>>)
      %dma_wait3A_913 = arith.constant 0 : i32
      %dma_wait3A_914 = tpu.memref_slice %arg6[%add3A_860, %dma_wait3A_913] : memref<262144x64xf32, #tpu.memory_space<hbm>> -> memref<256x64xf32, #tpu.memory_space<hbm>>
      %dma_wait3A_915 = arith.constant 0 : i32
      %dma_wait3A_916 = tpu.memref_slice %arg6[%add3A_860, %dma_wait3A_915] : memref<262144x64xf32, #tpu.memory_space<hbm>> -> memref<256x64xf32, #tpu.memory_space<hbm>>
      tpu.wait_dma2 semaphore(%run_scoped3A : memref<!tpu.dma_semaphore, #tpu.memory_space<semaphore_mem>>) src(%arg21 : memref<256x64xf32, #tpu.memory_space<vmem>>) dst(%dma_wait3A_916 : memref<256x64xf32, #tpu.memory_space<hbm>>)
      tpu.yield
    }) : () -> ()
    %dma_start3A_861 = arith.constant 7680 : i32
    %dma_start3A_862 = tpu.memref_slice %arg18[%dma_start3A_861] : memref<8192xi32, #tpu.memory_space<vmem>> -> memref<256xi32, #tpu.memory_space<vmem>>
    %dma_start3A_863 = arith.constant 0 : i32
    %dma_start3A_864 = arith.constant 0 : i32
    %dma_start3A_865 = tpu.memref_slice %arg4[%dma_start3A_863, %dma_start3A_864] : memref<32768x64xf32, #tpu.memory_space<hbm>> -> memref<32768x64xf32, #tpu.memory_space<hbm>>
    tpu.enqueue_indirect_dma source(%dma_start3A_865 : memref<32768x64xf32, #tpu.memory_space<hbm>>) target(%arg21 : memref<256x64xf32, #tpu.memory_space<vmem>>) offsets(%dma_start3A_862 : memref<256xi32, #tpu.memory_space<vmem>>) semaphore(%arg22 : memref<!tpu.dma_semaphore, #tpu.memory_space<semaphore_mem>>)
    %dma_wait3A_866 = arith.constant 7680 : i32
    %dma_wait3A_867 = tpu.memref_slice %arg18[%dma_wait3A_866] : memref<8192xi32, #tpu.memory_space<vmem>> -> memref<256xi32, #tpu.memory_space<vmem>>
    %dma_wait3A_868 = arith.constant 0 : i32
    %dma_wait3A_869 = arith.constant 0 : i32
    %dma_wait3A_870 = tpu.memref_slice %arg4[%dma_wait3A_868, %dma_wait3A_869] : memref<32768x64xf32, #tpu.memory_space<hbm>> -> memref<32768x64xf32, #tpu.memory_space<hbm>>
    tpu.wait_indirect_dma semaphore(%arg22 : memref<!tpu.dma_semaphore, #tpu.memory_space<semaphore_mem>>) src(%dma_wait3A_870 : memref<32768x64xf32, #tpu.memory_space<hbm>>) dst(%arg21 : memref<256x64xf32, #tpu.memory_space<vmem>>)
    %mul3A_871 = arith.constant 1024 : i32
    %mul3A_872 = arith.muli %select_n3A, %mul3A_871 : i32
    %add3A_873 = arith.addi %mul3A_872, %mul3A_32 : i32
    %mul3A_874 = arith.constant 64 : i32
    %mul3A_875 = arith.muli %add3A_873, %mul3A_874 : i32
    %add3A_876 = arith.constant 7680 : i32
    %add3A_877 = arith.addi %mul3A_875, %add3A_876 : i32
    "tpu.region"() ({
      %run_scoped3A = tpu.sem_alloc : memref<!tpu.dma_semaphore, #tpu.memory_space<semaphore_mem>>
      %dma_start3A_909 = arith.constant 0 : i32
      %dma_start3A_910 = tpu.memref_slice %arg6[%add3A_877, %dma_start3A_909] : memref<262144x64xf32, #tpu.memory_space<hbm>> -> memref<256x64xf32, #tpu.memory_space<hbm>>
      %dma_start3A_911 = arith.constant 0 : i32
      %dma_start3A_912 = tpu.memref_slice %arg6[%add3A_877, %dma_start3A_911] : memref<262144x64xf32, #tpu.memory_space<hbm>> -> memref<256x64xf32, #tpu.memory_space<hbm>>
      tpu.enqueue_dma source(%arg21 : memref<256x64xf32, #tpu.memory_space<vmem>>) target(%dma_start3A_912 : memref<256x64xf32, #tpu.memory_space<hbm>>) target_semaphore(%run_scoped3A : memref<!tpu.dma_semaphore, #tpu.memory_space<semaphore_mem>>)
      %dma_wait3A_913 = arith.constant 0 : i32
      %dma_wait3A_914 = tpu.memref_slice %arg6[%add3A_877, %dma_wait3A_913] : memref<262144x64xf32, #tpu.memory_space<hbm>> -> memref<256x64xf32, #tpu.memory_space<hbm>>
      %dma_wait3A_915 = arith.constant 0 : i32
      %dma_wait3A_916 = tpu.memref_slice %arg6[%add3A_877, %dma_wait3A_915] : memref<262144x64xf32, #tpu.memory_space<hbm>> -> memref<256x64xf32, #tpu.memory_space<hbm>>
      tpu.wait_dma2 semaphore(%run_scoped3A : memref<!tpu.dma_semaphore, #tpu.memory_space<semaphore_mem>>) src(%arg21 : memref<256x64xf32, #tpu.memory_space<vmem>>) dst(%dma_wait3A_916 : memref<256x64xf32, #tpu.memory_space<hbm>>)
      tpu.yield
    }) : () -> ()
    %dma_start3A_878 = arith.constant 7936 : i32
    %dma_start3A_879 = tpu.memref_slice %arg18[%dma_start3A_878] : memref<8192xi32, #tpu.memory_space<vmem>> -> memref<256xi32, #tpu.memory_space<vmem>>
    %dma_start3A_880 = arith.constant 0 : i32
    %dma_start3A_881 = arith.constant 0 : i32
    %dma_start3A_882 = tpu.memref_slice %arg4[%dma_start3A_880, %dma_start3A_881] : memref<32768x64xf32, #tpu.memory_space<hbm>> -> memref<32768x64xf32, #tpu.memory_space<hbm>>
    tpu.enqueue_indirect_dma source(%dma_start3A_882 : memref<32768x64xf32, #tpu.memory_space<hbm>>) target(%arg21 : memref<256x64xf32, #tpu.memory_space<vmem>>) offsets(%dma_start3A_879 : memref<256xi32, #tpu.memory_space<vmem>>) semaphore(%arg22 : memref<!tpu.dma_semaphore, #tpu.memory_space<semaphore_mem>>)
    %dma_wait3A_883 = arith.constant 7936 : i32
    %dma_wait3A_884 = tpu.memref_slice %arg18[%dma_wait3A_883] : memref<8192xi32, #tpu.memory_space<vmem>> -> memref<256xi32, #tpu.memory_space<vmem>>
    %dma_wait3A_885 = arith.constant 0 : i32
    %dma_wait3A_886 = arith.constant 0 : i32
    %dma_wait3A_887 = tpu.memref_slice %arg4[%dma_wait3A_885, %dma_wait3A_886] : memref<32768x64xf32, #tpu.memory_space<hbm>> -> memref<32768x64xf32, #tpu.memory_space<hbm>>
    tpu.wait_indirect_dma semaphore(%arg22 : memref<!tpu.dma_semaphore, #tpu.memory_space<semaphore_mem>>) src(%dma_wait3A_887 : memref<32768x64xf32, #tpu.memory_space<hbm>>) dst(%arg21 : memref<256x64xf32, #tpu.memory_space<vmem>>)
    %mul3A_888 = arith.constant 1024 : i32
    %mul3A_889 = arith.muli %select_n3A, %mul3A_888 : i32
    %add3A_890 = arith.addi %mul3A_889, %mul3A_32 : i32
    %mul3A_891 = arith.constant 64 : i32
    %mul3A_892 = arith.muli %add3A_890, %mul3A_891 : i32
    %add3A_893 = arith.constant 7936 : i32
    %add3A_894 = arith.addi %mul3A_892, %add3A_893 : i32
    "tpu.region"() ({
      %run_scoped3A = tpu.sem_alloc : memref<!tpu.dma_semaphore, #tpu.memory_space<semaphore_mem>>
      %dma_start3A_909 = arith.constant 0 : i32
      %dma_start3A_910 = tpu.memref_slice %arg6[%add3A_894, %dma_start3A_909] : memref<262144x64xf32, #tpu.memory_space<hbm>> -> memref<256x64xf32, #tpu.memory_space<hbm>>
      %dma_start3A_911 = arith.constant 0 : i32
      %dma_start3A_912 = tpu.memref_slice %arg6[%add3A_894, %dma_start3A_911] : memref<262144x64xf32, #tpu.memory_space<hbm>> -> memref<256x64xf32, #tpu.memory_space<hbm>>
      tpu.enqueue_dma source(%arg21 : memref<256x64xf32, #tpu.memory_space<vmem>>) target(%dma_start3A_912 : memref<256x64xf32, #tpu.memory_space<hbm>>) target_semaphore(%run_scoped3A : memref<!tpu.dma_semaphore, #tpu.memory_space<semaphore_mem>>)
      %dma_wait3A_913 = arith.constant 0 : i32
      %dma_wait3A_914 = tpu.memref_slice %arg6[%add3A_894, %dma_wait3A_913] : memref<262144x64xf32, #tpu.memory_space<hbm>> -> memref<256x64xf32, #tpu.memory_space<hbm>>
      %dma_wait3A_915 = arith.constant 0 : i32
      %dma_wait3A_916 = tpu.memref_slice %arg6[%add3A_894, %dma_wait3A_915] : memref<262144x64xf32, #tpu.memory_space<hbm>> -> memref<256x64xf32, #tpu.memory_space<hbm>>
      tpu.wait_dma2 semaphore(%run_scoped3A : memref<!tpu.dma_semaphore, #tpu.memory_space<semaphore_mem>>) src(%arg21 : memref<256x64xf32, #tpu.memory_space<vmem>>) dst(%dma_wait3A_916 : memref<256x64xf32, #tpu.memory_space<hbm>>)
      tpu.yield
    }) : () -> ()
    %mul3A_895 = arith.constant 1024 : i32
    %mul3A_896 = arith.muli %select_n3A, %mul3A_895 : i32
    %add3A_897 = arith.addi %mul3A_896, %mul3A_32 : i32
    %mul3A_898 = arith.constant 32 : i32
    %mul3A_899 = arith.muli %add3A_897, %mul3A_898 : i32
    %mul3A_900 = arith.constant 3 : i32
    %mul3A_901 = arith.muli %mul3A_899, %mul3A_900 : i32
    "tpu.region"() ({
      %run_scoped3A = tpu.sem_alloc : memref<!tpu.dma_semaphore, #tpu.memory_space<semaphore_mem>>
      %dma_start3A_909 = tpu.memref_slice %arg7[%mul3A_901] : memref<393216xf32, #tpu.memory_space<hbm>> -> memref<12288xf32, #tpu.memory_space<hbm>>
      %dma_start3A_910 = tpu.memref_slice %arg7[%mul3A_901] : memref<393216xf32, #tpu.memory_space<hbm>> -> memref<12288xf32, #tpu.memory_space<hbm>>
      tpu.enqueue_dma source(%arg19 : memref<12288xf32, #tpu.memory_space<vmem>>) target(%dma_start3A_910 : memref<12288xf32, #tpu.memory_space<hbm>>) target_semaphore(%run_scoped3A : memref<!tpu.dma_semaphore, #tpu.memory_space<semaphore_mem>>)
      %dma_wait3A_911 = tpu.memref_slice %arg7[%mul3A_901] : memref<393216xf32, #tpu.memory_space<hbm>> -> memref<12288xf32, #tpu.memory_space<hbm>>
      %dma_wait3A_912 = tpu.memref_slice %arg7[%mul3A_901] : memref<393216xf32, #tpu.memory_space<hbm>> -> memref<12288xf32, #tpu.memory_space<hbm>>
      tpu.wait_dma2 semaphore(%run_scoped3A : memref<!tpu.dma_semaphore, #tpu.memory_space<semaphore_mem>>) src(%arg19 : memref<12288xf32, #tpu.memory_space<vmem>>) dst(%dma_wait3A_912 : memref<12288xf32, #tpu.memory_space<hbm>>)
      tpu.yield
    }) : () -> ()
    %mul3A_902 = arith.constant 1024 : i32
    %mul3A_903 = arith.muli %select_n3A, %mul3A_902 : i32
    %add3A_904 = arith.addi %mul3A_903, %mul3A_32 : i32
    %mul3A_905 = arith.constant 64 : i32
    %mul3A_906 = arith.muli %add3A_904, %mul3A_905 : i32
    %mul3A_907 = arith.constant 3 : i32
    %mul3A_908 = arith.muli %mul3A_906, %mul3A_907 : i32
    "tpu.region"() ({
      %run_scoped3A = tpu.sem_alloc : memref<!tpu.dma_semaphore, #tpu.memory_space<semaphore_mem>>
      %dma_start3A_909 = tpu.memref_slice %arg8[%mul3A_908] : memref<786432xf32, #tpu.memory_space<hbm>> -> memref<24576xf32, #tpu.memory_space<hbm>>
      %dma_start3A_910 = tpu.memref_slice %arg8[%mul3A_908] : memref<786432xf32, #tpu.memory_space<hbm>> -> memref<24576xf32, #tpu.memory_space<hbm>>
      tpu.enqueue_dma source(%arg20 : memref<24576xf32, #tpu.memory_space<vmem>>) target(%dma_start3A_910 : memref<24576xf32, #tpu.memory_space<hbm>>) target_semaphore(%run_scoped3A : memref<!tpu.dma_semaphore, #tpu.memory_space<semaphore_mem>>)
      %dma_wait3A_911 = tpu.memref_slice %arg8[%mul3A_908] : memref<786432xf32, #tpu.memory_space<hbm>> -> memref<24576xf32, #tpu.memory_space<hbm>>
      %dma_wait3A_912 = tpu.memref_slice %arg8[%mul3A_908] : memref<786432xf32, #tpu.memory_space<hbm>> -> memref<24576xf32, #tpu.memory_space<hbm>>
      tpu.wait_dma2 semaphore(%run_scoped3A : memref<!tpu.dma_semaphore, #tpu.memory_space<semaphore_mem>>) src(%arg20 : memref<24576xf32, #tpu.memory_space<vmem>>) dst(%dma_wait3A_912 : memref<24576xf32, #tpu.memory_space<hbm>>)
      tpu.yield
    }) : () -> ()
    return
  }
}

module attributes {stable_mosaic.version = 14 : i64} {
  func.func @_fps_kernel(%arg0: memref<4x3x8x1024xf32, #tpu.memory_space<vmem>>, %arg1: memref<4x3x8x128xf32, #tpu.memory_space<vmem>>) attributes {dimension_semantics = [], scalar_prefetch = 0 : i64, scratch_operands = 0 : i64, tpu.core_type = #tpu.core_type<tc>} {
    %iota3A = tpu.iota {dimensions = array<i32: 0>} : vector<8x1024xi32>
    %mul3A = arith.constant 1024 : i32
    %mul3A_0 = vector.broadcast %mul3A : i32 to vector<8x1024xi32>
    %mul3A_1 = arith.muli %iota3A, %mul3A_0 : vector<8x1024xi32>
    %iota3A_2 = tpu.iota {dimensions = array<i32: 1>} : vector<8x1024xi32>
    %add3A = arith.addi %mul3A_1, %iota3A_2 : vector<8x1024xi32>
    %iota3A_3 = tpu.iota {dimensions = array<i32: 0>} : vector<8x128xi32>
    %mul3A_4 = arith.constant 128 : i32
    %mul3A_5 = vector.broadcast %mul3A_4 : i32 to vector<8x128xi32>
    %mul3A_6 = arith.muli %iota3A_3, %mul3A_5 : vector<8x128xi32>
    %iota3A_7 = tpu.iota {dimensions = array<i32: 1>} : vector<8x128xi32>
    %add3A_8 = arith.addi %mul3A_6, %iota3A_7 : vector<8x128xi32>
    %eq3A = arith.constant 0 : i32
    %eq3A_9 = vector.broadcast %eq3A : i32 to vector<8x1024xi32>
    %eq3A_10 = arith.cmpi eq, %add3A, %eq3A_9 : vector<8x1024xi32>
    %eq3A_11 = arith.constant 0 : i32
    %eq3A_12 = vector.broadcast %eq3A_11 : i32 to vector<8x128xi32>
    %eq3A_13 = arith.cmpi eq, %add3A_8, %eq3A_12 : vector<8x128xi32>
    %broadcast_in_dim3A = arith.constant 0.000000e+00 : f32
    %broadcast_in_dim3A_14 = vector.broadcast %broadcast_in_dim3A : f32 to vector<8x128xf32>
    %get3A = arith.constant 0 : index
    %get3A_15 = arith.constant 0 : index
    %get3A_16 = arith.constant 0 : index
    %get3A_17 = arith.constant 0 : index
    %get3A_18 = vector.load %arg0[%get3A, %get3A_15, %get3A_16, %get3A_17] : memref<4x3x8x1024xf32, #tpu.memory_space<vmem>>, vector<1x1x8x1024xf32>
    %get3A_19 = vector.shape_cast %get3A_18 : vector<1x1x8x1024xf32> to vector<8x1024xf32>
    %jit3A = arith.constant -1.000000e+00 : f32
    %broadcast_in_dim3A_20 = vector.broadcast %jit3A : f32 to vector<8x1024xf32>
    %select_n3A = arith.select %eq3A_10, %get3A_19, %broadcast_in_dim3A_20 : vector<8x1024xi1>, vector<8x1024xf32>
    %reduce_max3A = vector.shape_cast %select_n3A : vector<8x1024xf32> to vector<1x8x1024xf32>
    %reduce_max3A_21 = arith.constant dense<0xFF800000> : vector<1xf32>
    %reduce_max3A_22 = vector.multi_reduction <maximumf>, %reduce_max3A, %reduce_max3A_21 [1, 2] : vector<1x8x1024xf32> to vector<1xf32>
    %reduce_max3A_23 = vector.shape_cast %reduce_max3A_22 : vector<1xf32> to vector<1x1x1xf32>
    %reduce_max3A_24 = vector.extract %reduce_max3A_23[0, 0, 0] : f32 from vector<1x1x1xf32>
    %get3A_25 = arith.constant 0 : index
    %get3A_26 = arith.constant 1 : index
    %get3A_27 = arith.constant 0 : index
    %get3A_28 = arith.constant 0 : index
    %get3A_29 = vector.load %arg0[%get3A_25, %get3A_26, %get3A_27, %get3A_28] : memref<4x3x8x1024xf32, #tpu.memory_space<vmem>>, vector<1x1x8x1024xf32>
    %get3A_30 = vector.shape_cast %get3A_29 : vector<1x1x8x1024xf32> to vector<8x1024xf32>
    %jit3A_31 = arith.constant -1.000000e+00 : f32
    %broadcast_in_dim3A_32 = vector.broadcast %jit3A_31 : f32 to vector<8x1024xf32>
    %select_n3A_33 = arith.select %eq3A_10, %get3A_30, %broadcast_in_dim3A_32 : vector<8x1024xi1>, vector<8x1024xf32>
    %reduce_max3A_34 = vector.shape_cast %select_n3A_33 : vector<8x1024xf32> to vector<1x8x1024xf32>
    %reduce_max3A_35 = arith.constant dense<0xFF800000> : vector<1xf32>
    %reduce_max3A_36 = vector.multi_reduction <maximumf>, %reduce_max3A_34, %reduce_max3A_35 [1, 2] : vector<1x8x1024xf32> to vector<1xf32>
    %reduce_max3A_37 = vector.shape_cast %reduce_max3A_36 : vector<1xf32> to vector<1x1x1xf32>
    %reduce_max3A_38 = vector.extract %reduce_max3A_37[0, 0, 0] : f32 from vector<1x1x1xf32>
    %get3A_39 = arith.constant 0 : index
    %get3A_40 = arith.constant 2 : index
    %get3A_41 = arith.constant 0 : index
    %get3A_42 = arith.constant 0 : index
    %get3A_43 = vector.load %arg0[%get3A_39, %get3A_40, %get3A_41, %get3A_42] : memref<4x3x8x1024xf32, #tpu.memory_space<vmem>>, vector<1x1x8x1024xf32>
    %get3A_44 = vector.shape_cast %get3A_43 : vector<1x1x8x1024xf32> to vector<8x1024xf32>
    %jit3A_45 = arith.constant -1.000000e+00 : f32
    %broadcast_in_dim3A_46 = vector.broadcast %jit3A_45 : f32 to vector<8x1024xf32>
    %select_n3A_47 = arith.select %eq3A_10, %get3A_44, %broadcast_in_dim3A_46 : vector<8x1024xi1>, vector<8x1024xf32>
    %reduce_max3A_48 = vector.shape_cast %select_n3A_47 : vector<8x1024xf32> to vector<1x8x1024xf32>
    %reduce_max3A_49 = arith.constant dense<0xFF800000> : vector<1xf32>
    %reduce_max3A_50 = vector.multi_reduction <maximumf>, %reduce_max3A_48, %reduce_max3A_49 [1, 2] : vector<1x8x1024xf32> to vector<1xf32>
    %reduce_max3A_51 = vector.shape_cast %reduce_max3A_50 : vector<1xf32> to vector<1x1x1xf32>
    %reduce_max3A_52 = vector.extract %reduce_max3A_51[0, 0, 0] : f32 from vector<1x1x1xf32>
    %broadcast_in_dim3A_53 = arith.constant 1.000000e+10 : f32
    %broadcast_in_dim3A_54 = vector.broadcast %broadcast_in_dim3A_53 : f32 to vector<8x1024xf32>
    %broadcast_in_dim3A_55 = vector.broadcast %reduce_max3A_24 : f32 to vector<8x128xf32>
    %select_n3A_56 = arith.select %eq3A_13, %broadcast_in_dim3A_55, %broadcast_in_dim3A_14 : vector<8x128xi1>, vector<8x128xf32>
    %broadcast_in_dim3A_57 = vector.broadcast %reduce_max3A_38 : f32 to vector<8x128xf32>
    %select_n3A_58 = arith.select %eq3A_13, %broadcast_in_dim3A_57, %broadcast_in_dim3A_14 : vector<8x128xi1>, vector<8x128xf32>
    %broadcast_in_dim3A_59 = vector.broadcast %reduce_max3A_52 : f32 to vector<8x128xf32>
    %select_n3A_60 = arith.select %eq3A_13, %broadcast_in_dim3A_59, %broadcast_in_dim3A_14 : vector<8x128xi1>, vector<8x128xf32>
    %get3A_61 = arith.constant 1 : index
    %get3A_62 = arith.constant 0 : index
    %get3A_63 = arith.constant 0 : index
    %get3A_64 = arith.constant 0 : index
    %get3A_65 = vector.load %arg0[%get3A_61, %get3A_62, %get3A_63, %get3A_64] : memref<4x3x8x1024xf32, #tpu.memory_space<vmem>>, vector<1x1x8x1024xf32>
    %get3A_66 = vector.shape_cast %get3A_65 : vector<1x1x8x1024xf32> to vector<8x1024xf32>
    %jit3A_67 = arith.constant -1.000000e+00 : f32
    %broadcast_in_dim3A_68 = vector.broadcast %jit3A_67 : f32 to vector<8x1024xf32>
    %select_n3A_69 = arith.select %eq3A_10, %get3A_66, %broadcast_in_dim3A_68 : vector<8x1024xi1>, vector<8x1024xf32>
    %reduce_max3A_70 = vector.shape_cast %select_n3A_69 : vector<8x1024xf32> to vector<1x8x1024xf32>
    %reduce_max3A_71 = arith.constant dense<0xFF800000> : vector<1xf32>
    %reduce_max3A_72 = vector.multi_reduction <maximumf>, %reduce_max3A_70, %reduce_max3A_71 [1, 2] : vector<1x8x1024xf32> to vector<1xf32>
    %reduce_max3A_73 = vector.shape_cast %reduce_max3A_72 : vector<1xf32> to vector<1x1x1xf32>
    %reduce_max3A_74 = vector.extract %reduce_max3A_73[0, 0, 0] : f32 from vector<1x1x1xf32>
    %get3A_75 = arith.constant 1 : index
    %get3A_76 = arith.constant 1 : index
    %get3A_77 = arith.constant 0 : index
    %get3A_78 = arith.constant 0 : index
    %get3A_79 = vector.load %arg0[%get3A_75, %get3A_76, %get3A_77, %get3A_78] : memref<4x3x8x1024xf32, #tpu.memory_space<vmem>>, vector<1x1x8x1024xf32>
    %get3A_80 = vector.shape_cast %get3A_79 : vector<1x1x8x1024xf32> to vector<8x1024xf32>
    %jit3A_81 = arith.constant -1.000000e+00 : f32
    %broadcast_in_dim3A_82 = vector.broadcast %jit3A_81 : f32 to vector<8x1024xf32>
    %select_n3A_83 = arith.select %eq3A_10, %get3A_80, %broadcast_in_dim3A_82 : vector<8x1024xi1>, vector<8x1024xf32>
    %reduce_max3A_84 = vector.shape_cast %select_n3A_83 : vector<8x1024xf32> to vector<1x8x1024xf32>
    %reduce_max3A_85 = arith.constant dense<0xFF800000> : vector<1xf32>
    %reduce_max3A_86 = vector.multi_reduction <maximumf>, %reduce_max3A_84, %reduce_max3A_85 [1, 2] : vector<1x8x1024xf32> to vector<1xf32>
    %reduce_max3A_87 = vector.shape_cast %reduce_max3A_86 : vector<1xf32> to vector<1x1x1xf32>
    %reduce_max3A_88 = vector.extract %reduce_max3A_87[0, 0, 0] : f32 from vector<1x1x1xf32>
    %get3A_89 = arith.constant 1 : index
    %get3A_90 = arith.constant 2 : index
    %get3A_91 = arith.constant 0 : index
    %get3A_92 = arith.constant 0 : index
    %get3A_93 = vector.load %arg0[%get3A_89, %get3A_90, %get3A_91, %get3A_92] : memref<4x3x8x1024xf32, #tpu.memory_space<vmem>>, vector<1x1x8x1024xf32>
    %get3A_94 = vector.shape_cast %get3A_93 : vector<1x1x8x1024xf32> to vector<8x1024xf32>
    %jit3A_95 = arith.constant -1.000000e+00 : f32
    %broadcast_in_dim3A_96 = vector.broadcast %jit3A_95 : f32 to vector<8x1024xf32>
    %select_n3A_97 = arith.select %eq3A_10, %get3A_94, %broadcast_in_dim3A_96 : vector<8x1024xi1>, vector<8x1024xf32>
    %reduce_max3A_98 = vector.shape_cast %select_n3A_97 : vector<8x1024xf32> to vector<1x8x1024xf32>
    %reduce_max3A_99 = arith.constant dense<0xFF800000> : vector<1xf32>
    %reduce_max3A_100 = vector.multi_reduction <maximumf>, %reduce_max3A_98, %reduce_max3A_99 [1, 2] : vector<1x8x1024xf32> to vector<1xf32>
    %reduce_max3A_101 = vector.shape_cast %reduce_max3A_100 : vector<1xf32> to vector<1x1x1xf32>
    %reduce_max3A_102 = vector.extract %reduce_max3A_101[0, 0, 0] : f32 from vector<1x1x1xf32>
    %broadcast_in_dim3A_103 = arith.constant 1.000000e+10 : f32
    %broadcast_in_dim3A_104 = vector.broadcast %broadcast_in_dim3A_103 : f32 to vector<8x1024xf32>
    %broadcast_in_dim3A_105 = vector.broadcast %reduce_max3A_74 : f32 to vector<8x128xf32>
    %select_n3A_106 = arith.select %eq3A_13, %broadcast_in_dim3A_105, %broadcast_in_dim3A_14 : vector<8x128xi1>, vector<8x128xf32>
    %broadcast_in_dim3A_107 = vector.broadcast %reduce_max3A_88 : f32 to vector<8x128xf32>
    %select_n3A_108 = arith.select %eq3A_13, %broadcast_in_dim3A_107, %broadcast_in_dim3A_14 : vector<8x128xi1>, vector<8x128xf32>
    %broadcast_in_dim3A_109 = vector.broadcast %reduce_max3A_102 : f32 to vector<8x128xf32>
    %select_n3A_110 = arith.select %eq3A_13, %broadcast_in_dim3A_109, %broadcast_in_dim3A_14 : vector<8x128xi1>, vector<8x128xf32>
    %get3A_111 = arith.constant 2 : index
    %get3A_112 = arith.constant 0 : index
    %get3A_113 = arith.constant 0 : index
    %get3A_114 = arith.constant 0 : index
    %get3A_115 = vector.load %arg0[%get3A_111, %get3A_112, %get3A_113, %get3A_114] : memref<4x3x8x1024xf32, #tpu.memory_space<vmem>>, vector<1x1x8x1024xf32>
    %get3A_116 = vector.shape_cast %get3A_115 : vector<1x1x8x1024xf32> to vector<8x1024xf32>
    %jit3A_117 = arith.constant -1.000000e+00 : f32
    %broadcast_in_dim3A_118 = vector.broadcast %jit3A_117 : f32 to vector<8x1024xf32>
    %select_n3A_119 = arith.select %eq3A_10, %get3A_116, %broadcast_in_dim3A_118 : vector<8x1024xi1>, vector<8x1024xf32>
    %reduce_max3A_120 = vector.shape_cast %select_n3A_119 : vector<8x1024xf32> to vector<1x8x1024xf32>
    %reduce_max3A_121 = arith.constant dense<0xFF800000> : vector<1xf32>
    %reduce_max3A_122 = vector.multi_reduction <maximumf>, %reduce_max3A_120, %reduce_max3A_121 [1, 2] : vector<1x8x1024xf32> to vector<1xf32>
    %reduce_max3A_123 = vector.shape_cast %reduce_max3A_122 : vector<1xf32> to vector<1x1x1xf32>
    %reduce_max3A_124 = vector.extract %reduce_max3A_123[0, 0, 0] : f32 from vector<1x1x1xf32>
    %get3A_125 = arith.constant 2 : index
    %get3A_126 = arith.constant 1 : index
    %get3A_127 = arith.constant 0 : index
    %get3A_128 = arith.constant 0 : index
    %get3A_129 = vector.load %arg0[%get3A_125, %get3A_126, %get3A_127, %get3A_128] : memref<4x3x8x1024xf32, #tpu.memory_space<vmem>>, vector<1x1x8x1024xf32>
    %get3A_130 = vector.shape_cast %get3A_129 : vector<1x1x8x1024xf32> to vector<8x1024xf32>
    %jit3A_131 = arith.constant -1.000000e+00 : f32
    %broadcast_in_dim3A_132 = vector.broadcast %jit3A_131 : f32 to vector<8x1024xf32>
    %select_n3A_133 = arith.select %eq3A_10, %get3A_130, %broadcast_in_dim3A_132 : vector<8x1024xi1>, vector<8x1024xf32>
    %reduce_max3A_134 = vector.shape_cast %select_n3A_133 : vector<8x1024xf32> to vector<1x8x1024xf32>
    %reduce_max3A_135 = arith.constant dense<0xFF800000> : vector<1xf32>
    %reduce_max3A_136 = vector.multi_reduction <maximumf>, %reduce_max3A_134, %reduce_max3A_135 [1, 2] : vector<1x8x1024xf32> to vector<1xf32>
    %reduce_max3A_137 = vector.shape_cast %reduce_max3A_136 : vector<1xf32> to vector<1x1x1xf32>
    %reduce_max3A_138 = vector.extract %reduce_max3A_137[0, 0, 0] : f32 from vector<1x1x1xf32>
    %get3A_139 = arith.constant 2 : index
    %get3A_140 = arith.constant 2 : index
    %get3A_141 = arith.constant 0 : index
    %get3A_142 = arith.constant 0 : index
    %get3A_143 = vector.load %arg0[%get3A_139, %get3A_140, %get3A_141, %get3A_142] : memref<4x3x8x1024xf32, #tpu.memory_space<vmem>>, vector<1x1x8x1024xf32>
    %get3A_144 = vector.shape_cast %get3A_143 : vector<1x1x8x1024xf32> to vector<8x1024xf32>
    %jit3A_145 = arith.constant -1.000000e+00 : f32
    %broadcast_in_dim3A_146 = vector.broadcast %jit3A_145 : f32 to vector<8x1024xf32>
    %select_n3A_147 = arith.select %eq3A_10, %get3A_144, %broadcast_in_dim3A_146 : vector<8x1024xi1>, vector<8x1024xf32>
    %reduce_max3A_148 = vector.shape_cast %select_n3A_147 : vector<8x1024xf32> to vector<1x8x1024xf32>
    %reduce_max3A_149 = arith.constant dense<0xFF800000> : vector<1xf32>
    %reduce_max3A_150 = vector.multi_reduction <maximumf>, %reduce_max3A_148, %reduce_max3A_149 [1, 2] : vector<1x8x1024xf32> to vector<1xf32>
    %reduce_max3A_151 = vector.shape_cast %reduce_max3A_150 : vector<1xf32> to vector<1x1x1xf32>
    %reduce_max3A_152 = vector.extract %reduce_max3A_151[0, 0, 0] : f32 from vector<1x1x1xf32>
    %broadcast_in_dim3A_153 = arith.constant 1.000000e+10 : f32
    %broadcast_in_dim3A_154 = vector.broadcast %broadcast_in_dim3A_153 : f32 to vector<8x1024xf32>
    %broadcast_in_dim3A_155 = vector.broadcast %reduce_max3A_124 : f32 to vector<8x128xf32>
    %select_n3A_156 = arith.select %eq3A_13, %broadcast_in_dim3A_155, %broadcast_in_dim3A_14 : vector<8x128xi1>, vector<8x128xf32>
    %broadcast_in_dim3A_157 = vector.broadcast %reduce_max3A_138 : f32 to vector<8x128xf32>
    %select_n3A_158 = arith.select %eq3A_13, %broadcast_in_dim3A_157, %broadcast_in_dim3A_14 : vector<8x128xi1>, vector<8x128xf32>
    %broadcast_in_dim3A_159 = vector.broadcast %reduce_max3A_152 : f32 to vector<8x128xf32>
    %select_n3A_160 = arith.select %eq3A_13, %broadcast_in_dim3A_159, %broadcast_in_dim3A_14 : vector<8x128xi1>, vector<8x128xf32>
    %get3A_161 = arith.constant 3 : index
    %get3A_162 = arith.constant 0 : index
    %get3A_163 = arith.constant 0 : index
    %get3A_164 = arith.constant 0 : index
    %get3A_165 = vector.load %arg0[%get3A_161, %get3A_162, %get3A_163, %get3A_164] : memref<4x3x8x1024xf32, #tpu.memory_space<vmem>>, vector<1x1x8x1024xf32>
    %get3A_166 = vector.shape_cast %get3A_165 : vector<1x1x8x1024xf32> to vector<8x1024xf32>
    %jit3A_167 = arith.constant -1.000000e+00 : f32
    %broadcast_in_dim3A_168 = vector.broadcast %jit3A_167 : f32 to vector<8x1024xf32>
    %select_n3A_169 = arith.select %eq3A_10, %get3A_166, %broadcast_in_dim3A_168 : vector<8x1024xi1>, vector<8x1024xf32>
    %reduce_max3A_170 = vector.shape_cast %select_n3A_169 : vector<8x1024xf32> to vector<1x8x1024xf32>
    %reduce_max3A_171 = arith.constant dense<0xFF800000> : vector<1xf32>
    %reduce_max3A_172 = vector.multi_reduction <maximumf>, %reduce_max3A_170, %reduce_max3A_171 [1, 2] : vector<1x8x1024xf32> to vector<1xf32>
    %reduce_max3A_173 = vector.shape_cast %reduce_max3A_172 : vector<1xf32> to vector<1x1x1xf32>
    %reduce_max3A_174 = vector.extract %reduce_max3A_173[0, 0, 0] : f32 from vector<1x1x1xf32>
    %get3A_175 = arith.constant 3 : index
    %get3A_176 = arith.constant 1 : index
    %get3A_177 = arith.constant 0 : index
    %get3A_178 = arith.constant 0 : index
    %get3A_179 = vector.load %arg0[%get3A_175, %get3A_176, %get3A_177, %get3A_178] : memref<4x3x8x1024xf32, #tpu.memory_space<vmem>>, vector<1x1x8x1024xf32>
    %get3A_180 = vector.shape_cast %get3A_179 : vector<1x1x8x1024xf32> to vector<8x1024xf32>
    %jit3A_181 = arith.constant -1.000000e+00 : f32
    %broadcast_in_dim3A_182 = vector.broadcast %jit3A_181 : f32 to vector<8x1024xf32>
    %select_n3A_183 = arith.select %eq3A_10, %get3A_180, %broadcast_in_dim3A_182 : vector<8x1024xi1>, vector<8x1024xf32>
    %reduce_max3A_184 = vector.shape_cast %select_n3A_183 : vector<8x1024xf32> to vector<1x8x1024xf32>
    %reduce_max3A_185 = arith.constant dense<0xFF800000> : vector<1xf32>
    %reduce_max3A_186 = vector.multi_reduction <maximumf>, %reduce_max3A_184, %reduce_max3A_185 [1, 2] : vector<1x8x1024xf32> to vector<1xf32>
    %reduce_max3A_187 = vector.shape_cast %reduce_max3A_186 : vector<1xf32> to vector<1x1x1xf32>
    %reduce_max3A_188 = vector.extract %reduce_max3A_187[0, 0, 0] : f32 from vector<1x1x1xf32>
    %get3A_189 = arith.constant 3 : index
    %get3A_190 = arith.constant 2 : index
    %get3A_191 = arith.constant 0 : index
    %get3A_192 = arith.constant 0 : index
    %get3A_193 = vector.load %arg0[%get3A_189, %get3A_190, %get3A_191, %get3A_192] : memref<4x3x8x1024xf32, #tpu.memory_space<vmem>>, vector<1x1x8x1024xf32>
    %get3A_194 = vector.shape_cast %get3A_193 : vector<1x1x8x1024xf32> to vector<8x1024xf32>
    %jit3A_195 = arith.constant -1.000000e+00 : f32
    %broadcast_in_dim3A_196 = vector.broadcast %jit3A_195 : f32 to vector<8x1024xf32>
    %select_n3A_197 = arith.select %eq3A_10, %get3A_194, %broadcast_in_dim3A_196 : vector<8x1024xi1>, vector<8x1024xf32>
    %reduce_max3A_198 = vector.shape_cast %select_n3A_197 : vector<8x1024xf32> to vector<1x8x1024xf32>
    %reduce_max3A_199 = arith.constant dense<0xFF800000> : vector<1xf32>
    %reduce_max3A_200 = vector.multi_reduction <maximumf>, %reduce_max3A_198, %reduce_max3A_199 [1, 2] : vector<1x8x1024xf32> to vector<1xf32>
    %reduce_max3A_201 = vector.shape_cast %reduce_max3A_200 : vector<1xf32> to vector<1x1x1xf32>
    %reduce_max3A_202 = vector.extract %reduce_max3A_201[0, 0, 0] : f32 from vector<1x1x1xf32>
    %broadcast_in_dim3A_203 = arith.constant 1.000000e+10 : f32
    %broadcast_in_dim3A_204 = vector.broadcast %broadcast_in_dim3A_203 : f32 to vector<8x1024xf32>
    %broadcast_in_dim3A_205 = vector.broadcast %reduce_max3A_174 : f32 to vector<8x128xf32>
    %select_n3A_206 = arith.select %eq3A_13, %broadcast_in_dim3A_205, %broadcast_in_dim3A_14 : vector<8x128xi1>, vector<8x128xf32>
    %broadcast_in_dim3A_207 = vector.broadcast %reduce_max3A_188 : f32 to vector<8x128xf32>
    %select_n3A_208 = arith.select %eq3A_13, %broadcast_in_dim3A_207, %broadcast_in_dim3A_14 : vector<8x128xi1>, vector<8x128xf32>
    %broadcast_in_dim3A_209 = vector.broadcast %reduce_max3A_202 : f32 to vector<8x128xf32>
    %select_n3A_210 = arith.select %eq3A_13, %broadcast_in_dim3A_209, %broadcast_in_dim3A_14 : vector<8x128xi1>, vector<8x128xf32>
    %scan3A = arith.constant 1 : i32
    %scan3A_211 = arith.constant 1023 : i32
    %scan3A_212 = arith.addi %scan3A, %scan3A_211 : i32
    %scan3A_213 = arith.constant 1 : i32
    %scan3A_214:28 = scf.for %scan3A_299 = %scan3A to %scan3A_212 step %scan3A_213 iter_args(%scan3A_300 = %broadcast_in_dim3A_54, %scan3A_301 = %reduce_max3A_24, %scan3A_302 = %reduce_max3A_38, %scan3A_303 = %reduce_max3A_52, %scan3A_304 = %select_n3A_56, %scan3A_305 = %select_n3A_58, %scan3A_306 = %select_n3A_60, %scan3A_307 = %broadcast_in_dim3A_104, %scan3A_308 = %reduce_max3A_74, %scan3A_309 = %reduce_max3A_88, %scan3A_310 = %reduce_max3A_102, %scan3A_311 = %select_n3A_106, %scan3A_312 = %select_n3A_108, %scan3A_313 = %select_n3A_110, %scan3A_314 = %broadcast_in_dim3A_154, %scan3A_315 = %reduce_max3A_124, %scan3A_316 = %reduce_max3A_138, %scan3A_317 = %reduce_max3A_152, %scan3A_318 = %select_n3A_156, %scan3A_319 = %select_n3A_158, %scan3A_320 = %select_n3A_160, %scan3A_321 = %broadcast_in_dim3A_204, %scan3A_322 = %reduce_max3A_174, %scan3A_323 = %reduce_max3A_188, %scan3A_324 = %reduce_max3A_202, %scan3A_325 = %select_n3A_206, %scan3A_326 = %select_n3A_208, %scan3A_327 = %select_n3A_210) -> (vector<8x1024xf32>, f32, f32, f32, vector<8x128xf32>, vector<8x128xf32>, vector<8x128xf32>, vector<8x1024xf32>, f32, f32, f32, vector<8x128xf32>, vector<8x128xf32>, vector<8x128xf32>, vector<8x1024xf32>, f32, f32, f32, vector<8x128xf32>, vector<8x128xf32>, vector<8x128xf32>, vector<8x1024xf32>, f32, f32, f32, vector<8x128xf32>, vector<8x128xf32>, vector<8x128xf32>)  : i32 {
      %eq3A_328 = vector.broadcast %scan3A_299 : i32 to vector<8x128xi32>
      %eq3A_329 = arith.cmpi eq, %add3A_8, %eq3A_328 : vector<8x128xi32>
      %get3A_330 = arith.constant 0 : index
      %get3A_331 = arith.constant 0 : index
      %get3A_332 = arith.constant 0 : index
      %get3A_333 = arith.constant 0 : index
      %get3A_334 = vector.load %arg0[%get3A_330, %get3A_331, %get3A_332, %get3A_333] : memref<4x3x8x1024xf32, #tpu.memory_space<vmem>>, vector<1x1x8x1024xf32>
      %get3A_335 = vector.shape_cast %get3A_334 : vector<1x1x8x1024xf32> to vector<8x1024xf32>
      %get3A_336 = arith.constant 0 : index
      %get3A_337 = arith.constant 1 : index
      %get3A_338 = arith.constant 0 : index
      %get3A_339 = arith.constant 0 : index
      %get3A_340 = vector.load %arg0[%get3A_336, %get3A_337, %get3A_338, %get3A_339] : memref<4x3x8x1024xf32, #tpu.memory_space<vmem>>, vector<1x1x8x1024xf32>
      %get3A_341 = vector.shape_cast %get3A_340 : vector<1x1x8x1024xf32> to vector<8x1024xf32>
      %get3A_342 = arith.constant 0 : index
      %get3A_343 = arith.constant 2 : index
      %get3A_344 = arith.constant 0 : index
      %get3A_345 = arith.constant 0 : index
      %get3A_346 = vector.load %arg0[%get3A_342, %get3A_343, %get3A_344, %get3A_345] : memref<4x3x8x1024xf32, #tpu.memory_space<vmem>>, vector<1x1x8x1024xf32>
      %get3A_347 = vector.shape_cast %get3A_346 : vector<1x1x8x1024xf32> to vector<8x1024xf32>
      %sub3A = vector.broadcast %scan3A_301 : f32 to vector<8x1024xf32>
      %sub3A_348 = arith.subf %get3A_335, %sub3A : vector<8x1024xf32>
      %sub3A_349 = vector.broadcast %scan3A_302 : f32 to vector<8x1024xf32>
      %sub3A_350 = arith.subf %get3A_341, %sub3A_349 : vector<8x1024xf32>
      %sub3A_351 = vector.broadcast %scan3A_303 : f32 to vector<8x1024xf32>
      %sub3A_352 = arith.subf %get3A_347, %sub3A_351 : vector<8x1024xf32>
      %mul3A_353 = arith.mulf %sub3A_348, %sub3A_348 : vector<8x1024xf32>
      %mul3A_354 = arith.mulf %sub3A_350, %sub3A_350 : vector<8x1024xf32>
      %add3A_355 = arith.addf %mul3A_353, %mul3A_354 : vector<8x1024xf32>
      %mul3A_356 = arith.mulf %sub3A_352, %sub3A_352 : vector<8x1024xf32>
      %add3A_357 = arith.addf %add3A_355, %mul3A_356 : vector<8x1024xf32>
      %min3A = arith.minimumf %scan3A_300, %add3A_357 : vector<8x1024xf32>
      %reduce_max3A_358 = vector.shape_cast %min3A : vector<8x1024xf32> to vector<1x8x1024xf32>
      %reduce_max3A_359 = arith.constant dense<0xFF800000> : vector<1xf32>
      %reduce_max3A_360 = vector.multi_reduction <maximumf>, %reduce_max3A_358, %reduce_max3A_359 [1, 2] : vector<1x8x1024xf32> to vector<1xf32>
      %reduce_max3A_361 = vector.shape_cast %reduce_max3A_360 : vector<1xf32> to vector<1x1x1xf32>
      %reduce_max3A_362 = vector.extract %reduce_max3A_361[0, 0, 0] : f32 from vector<1x1x1xf32>
      %eq3A_363 = vector.broadcast %reduce_max3A_362 : f32 to vector<8x1024xf32>
      %eq3A_364 = arith.cmpf oeq, %min3A, %eq3A_363 : vector<8x1024xf32>
      %jit3A_365 = arith.constant 8192 : i32
      %broadcast_in_dim3A_366 = vector.broadcast %jit3A_365 : i32 to vector<8x1024xi32>
      %select_n3A_367 = arith.select %eq3A_364, %add3A, %broadcast_in_dim3A_366 : vector<8x1024xi1>, vector<8x1024xi32>
      %reduce_min3A = vector.shape_cast %select_n3A_367 : vector<8x1024xi32> to vector<1x8x1024xi32>
      %reduce_min3A_368 = arith.constant dense<2147483647> : vector<1xi32>
      %reduce_min3A_369 = vector.multi_reduction <minsi>, %reduce_min3A, %reduce_min3A_368 [1, 2] : vector<1x8x1024xi32> to vector<1xi32>
      %reduce_min3A_370 = vector.shape_cast %reduce_min3A_369 : vector<1xi32> to vector<1x1x1xi32>
      %reduce_min3A_371 = vector.extract %reduce_min3A_370[0, 0, 0] : i32 from vector<1x1x1xi32>
      %eq3A_372 = vector.broadcast %reduce_min3A_371 : i32 to vector<8x1024xi32>
      %eq3A_373 = arith.cmpi eq, %add3A, %eq3A_372 : vector<8x1024xi32>
      %jit3A_374 = arith.constant -1.000000e+00 : f32
      %broadcast_in_dim3A_375 = vector.broadcast %jit3A_374 : f32 to vector<8x1024xf32>
      %select_n3A_376 = arith.select %eq3A_373, %get3A_335, %broadcast_in_dim3A_375 : vector<8x1024xi1>, vector<8x1024xf32>
      %reduce_max3A_377 = vector.shape_cast %select_n3A_376 : vector<8x1024xf32> to vector<1x8x1024xf32>
      %reduce_max3A_378 = arith.constant dense<0xFF800000> : vector<1xf32>
      %reduce_max3A_379 = vector.multi_reduction <maximumf>, %reduce_max3A_377, %reduce_max3A_378 [1, 2] : vector<1x8x1024xf32> to vector<1xf32>
      %reduce_max3A_380 = vector.shape_cast %reduce_max3A_379 : vector<1xf32> to vector<1x1x1xf32>
      %reduce_max3A_381 = vector.extract %reduce_max3A_380[0, 0, 0] : f32 from vector<1x1x1xf32>
      %jit3A_382 = arith.constant -1.000000e+00 : f32
      %broadcast_in_dim3A_383 = vector.broadcast %jit3A_382 : f32 to vector<8x1024xf32>
      %select_n3A_384 = arith.select %eq3A_373, %get3A_341, %broadcast_in_dim3A_383 : vector<8x1024xi1>, vector<8x1024xf32>
      %reduce_max3A_385 = vector.shape_cast %select_n3A_384 : vector<8x1024xf32> to vector<1x8x1024xf32>
      %reduce_max3A_386 = arith.constant dense<0xFF800000> : vector<1xf32>
      %reduce_max3A_387 = vector.multi_reduction <maximumf>, %reduce_max3A_385, %reduce_max3A_386 [1, 2] : vector<1x8x1024xf32> to vector<1xf32>
      %reduce_max3A_388 = vector.shape_cast %reduce_max3A_387 : vector<1xf32> to vector<1x1x1xf32>
      %reduce_max3A_389 = vector.extract %reduce_max3A_388[0, 0, 0] : f32 from vector<1x1x1xf32>
      %jit3A_390 = arith.constant -1.000000e+00 : f32
      %broadcast_in_dim3A_391 = vector.broadcast %jit3A_390 : f32 to vector<8x1024xf32>
      %select_n3A_392 = arith.select %eq3A_373, %get3A_347, %broadcast_in_dim3A_391 : vector<8x1024xi1>, vector<8x1024xf32>
      %reduce_max3A_393 = vector.shape_cast %select_n3A_392 : vector<8x1024xf32> to vector<1x8x1024xf32>
      %reduce_max3A_394 = arith.constant dense<0xFF800000> : vector<1xf32>
      %reduce_max3A_395 = vector.multi_reduction <maximumf>, %reduce_max3A_393, %reduce_max3A_394 [1, 2] : vector<1x8x1024xf32> to vector<1xf32>
      %reduce_max3A_396 = vector.shape_cast %reduce_max3A_395 : vector<1xf32> to vector<1x1x1xf32>
      %reduce_max3A_397 = vector.extract %reduce_max3A_396[0, 0, 0] : f32 from vector<1x1x1xf32>
      %broadcast_in_dim3A_398 = vector.broadcast %reduce_max3A_381 : f32 to vector<8x128xf32>
      %select_n3A_399 = arith.select %eq3A_329, %broadcast_in_dim3A_398, %scan3A_304 : vector<8x128xi1>, vector<8x128xf32>
      %broadcast_in_dim3A_400 = vector.broadcast %reduce_max3A_389 : f32 to vector<8x128xf32>
      %select_n3A_401 = arith.select %eq3A_329, %broadcast_in_dim3A_400, %scan3A_305 : vector<8x128xi1>, vector<8x128xf32>
      %broadcast_in_dim3A_402 = vector.broadcast %reduce_max3A_397 : f32 to vector<8x128xf32>
      %select_n3A_403 = arith.select %eq3A_329, %broadcast_in_dim3A_402, %scan3A_306 : vector<8x128xi1>, vector<8x128xf32>
      %get3A_404 = arith.constant 1 : index
      %get3A_405 = arith.constant 0 : index
      %get3A_406 = arith.constant 0 : index
      %get3A_407 = arith.constant 0 : index
      %get3A_408 = vector.load %arg0[%get3A_404, %get3A_405, %get3A_406, %get3A_407] : memref<4x3x8x1024xf32, #tpu.memory_space<vmem>>, vector<1x1x8x1024xf32>
      %get3A_409 = vector.shape_cast %get3A_408 : vector<1x1x8x1024xf32> to vector<8x1024xf32>
      %get3A_410 = arith.constant 1 : index
      %get3A_411 = arith.constant 1 : index
      %get3A_412 = arith.constant 0 : index
      %get3A_413 = arith.constant 0 : index
      %get3A_414 = vector.load %arg0[%get3A_410, %get3A_411, %get3A_412, %get3A_413] : memref<4x3x8x1024xf32, #tpu.memory_space<vmem>>, vector<1x1x8x1024xf32>
      %get3A_415 = vector.shape_cast %get3A_414 : vector<1x1x8x1024xf32> to vector<8x1024xf32>
      %get3A_416 = arith.constant 1 : index
      %get3A_417 = arith.constant 2 : index
      %get3A_418 = arith.constant 0 : index
      %get3A_419 = arith.constant 0 : index
      %get3A_420 = vector.load %arg0[%get3A_416, %get3A_417, %get3A_418, %get3A_419] : memref<4x3x8x1024xf32, #tpu.memory_space<vmem>>, vector<1x1x8x1024xf32>
      %get3A_421 = vector.shape_cast %get3A_420 : vector<1x1x8x1024xf32> to vector<8x1024xf32>
      %sub3A_422 = vector.broadcast %scan3A_308 : f32 to vector<8x1024xf32>
      %sub3A_423 = arith.subf %get3A_409, %sub3A_422 : vector<8x1024xf32>
      %sub3A_424 = vector.broadcast %scan3A_309 : f32 to vector<8x1024xf32>
      %sub3A_425 = arith.subf %get3A_415, %sub3A_424 : vector<8x1024xf32>
      %sub3A_426 = vector.broadcast %scan3A_310 : f32 to vector<8x1024xf32>
      %sub3A_427 = arith.subf %get3A_421, %sub3A_426 : vector<8x1024xf32>
      %mul3A_428 = arith.mulf %sub3A_423, %sub3A_423 : vector<8x1024xf32>
      %mul3A_429 = arith.mulf %sub3A_425, %sub3A_425 : vector<8x1024xf32>
      %add3A_430 = arith.addf %mul3A_428, %mul3A_429 : vector<8x1024xf32>
      %mul3A_431 = arith.mulf %sub3A_427, %sub3A_427 : vector<8x1024xf32>
      %add3A_432 = arith.addf %add3A_430, %mul3A_431 : vector<8x1024xf32>
      %min3A_433 = arith.minimumf %scan3A_307, %add3A_432 : vector<8x1024xf32>
      %reduce_max3A_434 = vector.shape_cast %min3A_433 : vector<8x1024xf32> to vector<1x8x1024xf32>
      %reduce_max3A_435 = arith.constant dense<0xFF800000> : vector<1xf32>
      %reduce_max3A_436 = vector.multi_reduction <maximumf>, %reduce_max3A_434, %reduce_max3A_435 [1, 2] : vector<1x8x1024xf32> to vector<1xf32>
      %reduce_max3A_437 = vector.shape_cast %reduce_max3A_436 : vector<1xf32> to vector<1x1x1xf32>
      %reduce_max3A_438 = vector.extract %reduce_max3A_437[0, 0, 0] : f32 from vector<1x1x1xf32>
      %eq3A_439 = vector.broadcast %reduce_max3A_438 : f32 to vector<8x1024xf32>
      %eq3A_440 = arith.cmpf oeq, %min3A_433, %eq3A_439 : vector<8x1024xf32>
      %jit3A_441 = arith.constant 8192 : i32
      %broadcast_in_dim3A_442 = vector.broadcast %jit3A_441 : i32 to vector<8x1024xi32>
      %select_n3A_443 = arith.select %eq3A_440, %add3A, %broadcast_in_dim3A_442 : vector<8x1024xi1>, vector<8x1024xi32>
      %reduce_min3A_444 = vector.shape_cast %select_n3A_443 : vector<8x1024xi32> to vector<1x8x1024xi32>
      %reduce_min3A_445 = arith.constant dense<2147483647> : vector<1xi32>
      %reduce_min3A_446 = vector.multi_reduction <minsi>, %reduce_min3A_444, %reduce_min3A_445 [1, 2] : vector<1x8x1024xi32> to vector<1xi32>
      %reduce_min3A_447 = vector.shape_cast %reduce_min3A_446 : vector<1xi32> to vector<1x1x1xi32>
      %reduce_min3A_448 = vector.extract %reduce_min3A_447[0, 0, 0] : i32 from vector<1x1x1xi32>
      %eq3A_449 = vector.broadcast %reduce_min3A_448 : i32 to vector<8x1024xi32>
      %eq3A_450 = arith.cmpi eq, %add3A, %eq3A_449 : vector<8x1024xi32>
      %jit3A_451 = arith.constant -1.000000e+00 : f32
      %broadcast_in_dim3A_452 = vector.broadcast %jit3A_451 : f32 to vector<8x1024xf32>
      %select_n3A_453 = arith.select %eq3A_450, %get3A_409, %broadcast_in_dim3A_452 : vector<8x1024xi1>, vector<8x1024xf32>
      %reduce_max3A_454 = vector.shape_cast %select_n3A_453 : vector<8x1024xf32> to vector<1x8x1024xf32>
      %reduce_max3A_455 = arith.constant dense<0xFF800000> : vector<1xf32>
      %reduce_max3A_456 = vector.multi_reduction <maximumf>, %reduce_max3A_454, %reduce_max3A_455 [1, 2] : vector<1x8x1024xf32> to vector<1xf32>
      %reduce_max3A_457 = vector.shape_cast %reduce_max3A_456 : vector<1xf32> to vector<1x1x1xf32>
      %reduce_max3A_458 = vector.extract %reduce_max3A_457[0, 0, 0] : f32 from vector<1x1x1xf32>
      %jit3A_459 = arith.constant -1.000000e+00 : f32
      %broadcast_in_dim3A_460 = vector.broadcast %jit3A_459 : f32 to vector<8x1024xf32>
      %select_n3A_461 = arith.select %eq3A_450, %get3A_415, %broadcast_in_dim3A_460 : vector<8x1024xi1>, vector<8x1024xf32>
      %reduce_max3A_462 = vector.shape_cast %select_n3A_461 : vector<8x1024xf32> to vector<1x8x1024xf32>
      %reduce_max3A_463 = arith.constant dense<0xFF800000> : vector<1xf32>
      %reduce_max3A_464 = vector.multi_reduction <maximumf>, %reduce_max3A_462, %reduce_max3A_463 [1, 2] : vector<1x8x1024xf32> to vector<1xf32>
      %reduce_max3A_465 = vector.shape_cast %reduce_max3A_464 : vector<1xf32> to vector<1x1x1xf32>
      %reduce_max3A_466 = vector.extract %reduce_max3A_465[0, 0, 0] : f32 from vector<1x1x1xf32>
      %jit3A_467 = arith.constant -1.000000e+00 : f32
      %broadcast_in_dim3A_468 = vector.broadcast %jit3A_467 : f32 to vector<8x1024xf32>
      %select_n3A_469 = arith.select %eq3A_450, %get3A_421, %broadcast_in_dim3A_468 : vector<8x1024xi1>, vector<8x1024xf32>
      %reduce_max3A_470 = vector.shape_cast %select_n3A_469 : vector<8x1024xf32> to vector<1x8x1024xf32>
      %reduce_max3A_471 = arith.constant dense<0xFF800000> : vector<1xf32>
      %reduce_max3A_472 = vector.multi_reduction <maximumf>, %reduce_max3A_470, %reduce_max3A_471 [1, 2] : vector<1x8x1024xf32> to vector<1xf32>
      %reduce_max3A_473 = vector.shape_cast %reduce_max3A_472 : vector<1xf32> to vector<1x1x1xf32>
      %reduce_max3A_474 = vector.extract %reduce_max3A_473[0, 0, 0] : f32 from vector<1x1x1xf32>
      %broadcast_in_dim3A_475 = vector.broadcast %reduce_max3A_458 : f32 to vector<8x128xf32>
      %select_n3A_476 = arith.select %eq3A_329, %broadcast_in_dim3A_475, %scan3A_311 : vector<8x128xi1>, vector<8x128xf32>
      %broadcast_in_dim3A_477 = vector.broadcast %reduce_max3A_466 : f32 to vector<8x128xf32>
      %select_n3A_478 = arith.select %eq3A_329, %broadcast_in_dim3A_477, %scan3A_312 : vector<8x128xi1>, vector<8x128xf32>
      %broadcast_in_dim3A_479 = vector.broadcast %reduce_max3A_474 : f32 to vector<8x128xf32>
      %select_n3A_480 = arith.select %eq3A_329, %broadcast_in_dim3A_479, %scan3A_313 : vector<8x128xi1>, vector<8x128xf32>
      %get3A_481 = arith.constant 2 : index
      %get3A_482 = arith.constant 0 : index
      %get3A_483 = arith.constant 0 : index
      %get3A_484 = arith.constant 0 : index
      %get3A_485 = vector.load %arg0[%get3A_481, %get3A_482, %get3A_483, %get3A_484] : memref<4x3x8x1024xf32, #tpu.memory_space<vmem>>, vector<1x1x8x1024xf32>
      %get3A_486 = vector.shape_cast %get3A_485 : vector<1x1x8x1024xf32> to vector<8x1024xf32>
      %get3A_487 = arith.constant 2 : index
      %get3A_488 = arith.constant 1 : index
      %get3A_489 = arith.constant 0 : index
      %get3A_490 = arith.constant 0 : index
      %get3A_491 = vector.load %arg0[%get3A_487, %get3A_488, %get3A_489, %get3A_490] : memref<4x3x8x1024xf32, #tpu.memory_space<vmem>>, vector<1x1x8x1024xf32>
      %get3A_492 = vector.shape_cast %get3A_491 : vector<1x1x8x1024xf32> to vector<8x1024xf32>
      %get3A_493 = arith.constant 2 : index
      %get3A_494 = arith.constant 2 : index
      %get3A_495 = arith.constant 0 : index
      %get3A_496 = arith.constant 0 : index
      %get3A_497 = vector.load %arg0[%get3A_493, %get3A_494, %get3A_495, %get3A_496] : memref<4x3x8x1024xf32, #tpu.memory_space<vmem>>, vector<1x1x8x1024xf32>
      %get3A_498 = vector.shape_cast %get3A_497 : vector<1x1x8x1024xf32> to vector<8x1024xf32>
      %sub3A_499 = vector.broadcast %scan3A_315 : f32 to vector<8x1024xf32>
      %sub3A_500 = arith.subf %get3A_486, %sub3A_499 : vector<8x1024xf32>
      %sub3A_501 = vector.broadcast %scan3A_316 : f32 to vector<8x1024xf32>
      %sub3A_502 = arith.subf %get3A_492, %sub3A_501 : vector<8x1024xf32>
      %sub3A_503 = vector.broadcast %scan3A_317 : f32 to vector<8x1024xf32>
      %sub3A_504 = arith.subf %get3A_498, %sub3A_503 : vector<8x1024xf32>
      %mul3A_505 = arith.mulf %sub3A_500, %sub3A_500 : vector<8x1024xf32>
      %mul3A_506 = arith.mulf %sub3A_502, %sub3A_502 : vector<8x1024xf32>
      %add3A_507 = arith.addf %mul3A_505, %mul3A_506 : vector<8x1024xf32>
      %mul3A_508 = arith.mulf %sub3A_504, %sub3A_504 : vector<8x1024xf32>
      %add3A_509 = arith.addf %add3A_507, %mul3A_508 : vector<8x1024xf32>
      %min3A_510 = arith.minimumf %scan3A_314, %add3A_509 : vector<8x1024xf32>
      %reduce_max3A_511 = vector.shape_cast %min3A_510 : vector<8x1024xf32> to vector<1x8x1024xf32>
      %reduce_max3A_512 = arith.constant dense<0xFF800000> : vector<1xf32>
      %reduce_max3A_513 = vector.multi_reduction <maximumf>, %reduce_max3A_511, %reduce_max3A_512 [1, 2] : vector<1x8x1024xf32> to vector<1xf32>
      %reduce_max3A_514 = vector.shape_cast %reduce_max3A_513 : vector<1xf32> to vector<1x1x1xf32>
      %reduce_max3A_515 = vector.extract %reduce_max3A_514[0, 0, 0] : f32 from vector<1x1x1xf32>
      %eq3A_516 = vector.broadcast %reduce_max3A_515 : f32 to vector<8x1024xf32>
      %eq3A_517 = arith.cmpf oeq, %min3A_510, %eq3A_516 : vector<8x1024xf32>
      %jit3A_518 = arith.constant 8192 : i32
      %broadcast_in_dim3A_519 = vector.broadcast %jit3A_518 : i32 to vector<8x1024xi32>
      %select_n3A_520 = arith.select %eq3A_517, %add3A, %broadcast_in_dim3A_519 : vector<8x1024xi1>, vector<8x1024xi32>
      %reduce_min3A_521 = vector.shape_cast %select_n3A_520 : vector<8x1024xi32> to vector<1x8x1024xi32>
      %reduce_min3A_522 = arith.constant dense<2147483647> : vector<1xi32>
      %reduce_min3A_523 = vector.multi_reduction <minsi>, %reduce_min3A_521, %reduce_min3A_522 [1, 2] : vector<1x8x1024xi32> to vector<1xi32>
      %reduce_min3A_524 = vector.shape_cast %reduce_min3A_523 : vector<1xi32> to vector<1x1x1xi32>
      %reduce_min3A_525 = vector.extract %reduce_min3A_524[0, 0, 0] : i32 from vector<1x1x1xi32>
      %eq3A_526 = vector.broadcast %reduce_min3A_525 : i32 to vector<8x1024xi32>
      %eq3A_527 = arith.cmpi eq, %add3A, %eq3A_526 : vector<8x1024xi32>
      %jit3A_528 = arith.constant -1.000000e+00 : f32
      %broadcast_in_dim3A_529 = vector.broadcast %jit3A_528 : f32 to vector<8x1024xf32>
      %select_n3A_530 = arith.select %eq3A_527, %get3A_486, %broadcast_in_dim3A_529 : vector<8x1024xi1>, vector<8x1024xf32>
      %reduce_max3A_531 = vector.shape_cast %select_n3A_530 : vector<8x1024xf32> to vector<1x8x1024xf32>
      %reduce_max3A_532 = arith.constant dense<0xFF800000> : vector<1xf32>
      %reduce_max3A_533 = vector.multi_reduction <maximumf>, %reduce_max3A_531, %reduce_max3A_532 [1, 2] : vector<1x8x1024xf32> to vector<1xf32>
      %reduce_max3A_534 = vector.shape_cast %reduce_max3A_533 : vector<1xf32> to vector<1x1x1xf32>
      %reduce_max3A_535 = vector.extract %reduce_max3A_534[0, 0, 0] : f32 from vector<1x1x1xf32>
      %jit3A_536 = arith.constant -1.000000e+00 : f32
      %broadcast_in_dim3A_537 = vector.broadcast %jit3A_536 : f32 to vector<8x1024xf32>
      %select_n3A_538 = arith.select %eq3A_527, %get3A_492, %broadcast_in_dim3A_537 : vector<8x1024xi1>, vector<8x1024xf32>
      %reduce_max3A_539 = vector.shape_cast %select_n3A_538 : vector<8x1024xf32> to vector<1x8x1024xf32>
      %reduce_max3A_540 = arith.constant dense<0xFF800000> : vector<1xf32>
      %reduce_max3A_541 = vector.multi_reduction <maximumf>, %reduce_max3A_539, %reduce_max3A_540 [1, 2] : vector<1x8x1024xf32> to vector<1xf32>
      %reduce_max3A_542 = vector.shape_cast %reduce_max3A_541 : vector<1xf32> to vector<1x1x1xf32>
      %reduce_max3A_543 = vector.extract %reduce_max3A_542[0, 0, 0] : f32 from vector<1x1x1xf32>
      %jit3A_544 = arith.constant -1.000000e+00 : f32
      %broadcast_in_dim3A_545 = vector.broadcast %jit3A_544 : f32 to vector<8x1024xf32>
      %select_n3A_546 = arith.select %eq3A_527, %get3A_498, %broadcast_in_dim3A_545 : vector<8x1024xi1>, vector<8x1024xf32>
      %reduce_max3A_547 = vector.shape_cast %select_n3A_546 : vector<8x1024xf32> to vector<1x8x1024xf32>
      %reduce_max3A_548 = arith.constant dense<0xFF800000> : vector<1xf32>
      %reduce_max3A_549 = vector.multi_reduction <maximumf>, %reduce_max3A_547, %reduce_max3A_548 [1, 2] : vector<1x8x1024xf32> to vector<1xf32>
      %reduce_max3A_550 = vector.shape_cast %reduce_max3A_549 : vector<1xf32> to vector<1x1x1xf32>
      %reduce_max3A_551 = vector.extract %reduce_max3A_550[0, 0, 0] : f32 from vector<1x1x1xf32>
      %broadcast_in_dim3A_552 = vector.broadcast %reduce_max3A_535 : f32 to vector<8x128xf32>
      %select_n3A_553 = arith.select %eq3A_329, %broadcast_in_dim3A_552, %scan3A_318 : vector<8x128xi1>, vector<8x128xf32>
      %broadcast_in_dim3A_554 = vector.broadcast %reduce_max3A_543 : f32 to vector<8x128xf32>
      %select_n3A_555 = arith.select %eq3A_329, %broadcast_in_dim3A_554, %scan3A_319 : vector<8x128xi1>, vector<8x128xf32>
      %broadcast_in_dim3A_556 = vector.broadcast %reduce_max3A_551 : f32 to vector<8x128xf32>
      %select_n3A_557 = arith.select %eq3A_329, %broadcast_in_dim3A_556, %scan3A_320 : vector<8x128xi1>, vector<8x128xf32>
      %get3A_558 = arith.constant 3 : index
      %get3A_559 = arith.constant 0 : index
      %get3A_560 = arith.constant 0 : index
      %get3A_561 = arith.constant 0 : index
      %get3A_562 = vector.load %arg0[%get3A_558, %get3A_559, %get3A_560, %get3A_561] : memref<4x3x8x1024xf32, #tpu.memory_space<vmem>>, vector<1x1x8x1024xf32>
      %get3A_563 = vector.shape_cast %get3A_562 : vector<1x1x8x1024xf32> to vector<8x1024xf32>
      %get3A_564 = arith.constant 3 : index
      %get3A_565 = arith.constant 1 : index
      %get3A_566 = arith.constant 0 : index
      %get3A_567 = arith.constant 0 : index
      %get3A_568 = vector.load %arg0[%get3A_564, %get3A_565, %get3A_566, %get3A_567] : memref<4x3x8x1024xf32, #tpu.memory_space<vmem>>, vector<1x1x8x1024xf32>
      %get3A_569 = vector.shape_cast %get3A_568 : vector<1x1x8x1024xf32> to vector<8x1024xf32>
      %get3A_570 = arith.constant 3 : index
      %get3A_571 = arith.constant 2 : index
      %get3A_572 = arith.constant 0 : index
      %get3A_573 = arith.constant 0 : index
      %get3A_574 = vector.load %arg0[%get3A_570, %get3A_571, %get3A_572, %get3A_573] : memref<4x3x8x1024xf32, #tpu.memory_space<vmem>>, vector<1x1x8x1024xf32>
      %get3A_575 = vector.shape_cast %get3A_574 : vector<1x1x8x1024xf32> to vector<8x1024xf32>
      %sub3A_576 = vector.broadcast %scan3A_322 : f32 to vector<8x1024xf32>
      %sub3A_577 = arith.subf %get3A_563, %sub3A_576 : vector<8x1024xf32>
      %sub3A_578 = vector.broadcast %scan3A_323 : f32 to vector<8x1024xf32>
      %sub3A_579 = arith.subf %get3A_569, %sub3A_578 : vector<8x1024xf32>
      %sub3A_580 = vector.broadcast %scan3A_324 : f32 to vector<8x1024xf32>
      %sub3A_581 = arith.subf %get3A_575, %sub3A_580 : vector<8x1024xf32>
      %mul3A_582 = arith.mulf %sub3A_577, %sub3A_577 : vector<8x1024xf32>
      %mul3A_583 = arith.mulf %sub3A_579, %sub3A_579 : vector<8x1024xf32>
      %add3A_584 = arith.addf %mul3A_582, %mul3A_583 : vector<8x1024xf32>
      %mul3A_585 = arith.mulf %sub3A_581, %sub3A_581 : vector<8x1024xf32>
      %add3A_586 = arith.addf %add3A_584, %mul3A_585 : vector<8x1024xf32>
      %min3A_587 = arith.minimumf %scan3A_321, %add3A_586 : vector<8x1024xf32>
      %reduce_max3A_588 = vector.shape_cast %min3A_587 : vector<8x1024xf32> to vector<1x8x1024xf32>
      %reduce_max3A_589 = arith.constant dense<0xFF800000> : vector<1xf32>
      %reduce_max3A_590 = vector.multi_reduction <maximumf>, %reduce_max3A_588, %reduce_max3A_589 [1, 2] : vector<1x8x1024xf32> to vector<1xf32>
      %reduce_max3A_591 = vector.shape_cast %reduce_max3A_590 : vector<1xf32> to vector<1x1x1xf32>
      %reduce_max3A_592 = vector.extract %reduce_max3A_591[0, 0, 0] : f32 from vector<1x1x1xf32>
      %eq3A_593 = vector.broadcast %reduce_max3A_592 : f32 to vector<8x1024xf32>
      %eq3A_594 = arith.cmpf oeq, %min3A_587, %eq3A_593 : vector<8x1024xf32>
      %jit3A_595 = arith.constant 8192 : i32
      %broadcast_in_dim3A_596 = vector.broadcast %jit3A_595 : i32 to vector<8x1024xi32>
      %select_n3A_597 = arith.select %eq3A_594, %add3A, %broadcast_in_dim3A_596 : vector<8x1024xi1>, vector<8x1024xi32>
      %reduce_min3A_598 = vector.shape_cast %select_n3A_597 : vector<8x1024xi32> to vector<1x8x1024xi32>
      %reduce_min3A_599 = arith.constant dense<2147483647> : vector<1xi32>
      %reduce_min3A_600 = vector.multi_reduction <minsi>, %reduce_min3A_598, %reduce_min3A_599 [1, 2] : vector<1x8x1024xi32> to vector<1xi32>
      %reduce_min3A_601 = vector.shape_cast %reduce_min3A_600 : vector<1xi32> to vector<1x1x1xi32>
      %reduce_min3A_602 = vector.extract %reduce_min3A_601[0, 0, 0] : i32 from vector<1x1x1xi32>
      %eq3A_603 = vector.broadcast %reduce_min3A_602 : i32 to vector<8x1024xi32>
      %eq3A_604 = arith.cmpi eq, %add3A, %eq3A_603 : vector<8x1024xi32>
      %jit3A_605 = arith.constant -1.000000e+00 : f32
      %broadcast_in_dim3A_606 = vector.broadcast %jit3A_605 : f32 to vector<8x1024xf32>
      %select_n3A_607 = arith.select %eq3A_604, %get3A_563, %broadcast_in_dim3A_606 : vector<8x1024xi1>, vector<8x1024xf32>
      %reduce_max3A_608 = vector.shape_cast %select_n3A_607 : vector<8x1024xf32> to vector<1x8x1024xf32>
      %reduce_max3A_609 = arith.constant dense<0xFF800000> : vector<1xf32>
      %reduce_max3A_610 = vector.multi_reduction <maximumf>, %reduce_max3A_608, %reduce_max3A_609 [1, 2] : vector<1x8x1024xf32> to vector<1xf32>
      %reduce_max3A_611 = vector.shape_cast %reduce_max3A_610 : vector<1xf32> to vector<1x1x1xf32>
      %reduce_max3A_612 = vector.extract %reduce_max3A_611[0, 0, 0] : f32 from vector<1x1x1xf32>
      %jit3A_613 = arith.constant -1.000000e+00 : f32
      %broadcast_in_dim3A_614 = vector.broadcast %jit3A_613 : f32 to vector<8x1024xf32>
      %select_n3A_615 = arith.select %eq3A_604, %get3A_569, %broadcast_in_dim3A_614 : vector<8x1024xi1>, vector<8x1024xf32>
      %reduce_max3A_616 = vector.shape_cast %select_n3A_615 : vector<8x1024xf32> to vector<1x8x1024xf32>
      %reduce_max3A_617 = arith.constant dense<0xFF800000> : vector<1xf32>
      %reduce_max3A_618 = vector.multi_reduction <maximumf>, %reduce_max3A_616, %reduce_max3A_617 [1, 2] : vector<1x8x1024xf32> to vector<1xf32>
      %reduce_max3A_619 = vector.shape_cast %reduce_max3A_618 : vector<1xf32> to vector<1x1x1xf32>
      %reduce_max3A_620 = vector.extract %reduce_max3A_619[0, 0, 0] : f32 from vector<1x1x1xf32>
      %jit3A_621 = arith.constant -1.000000e+00 : f32
      %broadcast_in_dim3A_622 = vector.broadcast %jit3A_621 : f32 to vector<8x1024xf32>
      %select_n3A_623 = arith.select %eq3A_604, %get3A_575, %broadcast_in_dim3A_622 : vector<8x1024xi1>, vector<8x1024xf32>
      %reduce_max3A_624 = vector.shape_cast %select_n3A_623 : vector<8x1024xf32> to vector<1x8x1024xf32>
      %reduce_max3A_625 = arith.constant dense<0xFF800000> : vector<1xf32>
      %reduce_max3A_626 = vector.multi_reduction <maximumf>, %reduce_max3A_624, %reduce_max3A_625 [1, 2] : vector<1x8x1024xf32> to vector<1xf32>
      %reduce_max3A_627 = vector.shape_cast %reduce_max3A_626 : vector<1xf32> to vector<1x1x1xf32>
      %reduce_max3A_628 = vector.extract %reduce_max3A_627[0, 0, 0] : f32 from vector<1x1x1xf32>
      %broadcast_in_dim3A_629 = vector.broadcast %reduce_max3A_612 : f32 to vector<8x128xf32>
      %select_n3A_630 = arith.select %eq3A_329, %broadcast_in_dim3A_629, %scan3A_325 : vector<8x128xi1>, vector<8x128xf32>
      %broadcast_in_dim3A_631 = vector.broadcast %reduce_max3A_620 : f32 to vector<8x128xf32>
      %select_n3A_632 = arith.select %eq3A_329, %broadcast_in_dim3A_631, %scan3A_326 : vector<8x128xi1>, vector<8x128xf32>
      %broadcast_in_dim3A_633 = vector.broadcast %reduce_max3A_628 : f32 to vector<8x128xf32>
      %select_n3A_634 = arith.select %eq3A_329, %broadcast_in_dim3A_633, %scan3A_327 : vector<8x128xi1>, vector<8x128xf32>
      scf.yield %min3A, %reduce_max3A_381, %reduce_max3A_389, %reduce_max3A_397, %select_n3A_399, %select_n3A_401, %select_n3A_403, %min3A_433, %reduce_max3A_458, %reduce_max3A_466, %reduce_max3A_474, %select_n3A_476, %select_n3A_478, %select_n3A_480, %min3A_510, %reduce_max3A_535, %reduce_max3A_543, %reduce_max3A_551, %select_n3A_553, %select_n3A_555, %select_n3A_557, %min3A_587, %reduce_max3A_612, %reduce_max3A_620, %reduce_max3A_628, %select_n3A_630, %select_n3A_632, %select_n3A_634 : vector<8x1024xf32>, f32, f32, f32, vector<8x128xf32>, vector<8x128xf32>, vector<8x128xf32>, vector<8x1024xf32>, f32, f32, f32, vector<8x128xf32>, vector<8x128xf32>, vector<8x128xf32>, vector<8x1024xf32>, f32, f32, f32, vector<8x128xf32>, vector<8x128xf32>, vector<8x128xf32>, vector<8x1024xf32>, f32, f32, f32, vector<8x128xf32>, vector<8x128xf32>, vector<8x128xf32>
    }
    %scan3A_215 = arith.constant 1023 : i32
    %swap3A = arith.constant 0 : index
    %swap3A_216 = arith.constant 0 : index
    %swap3A_217 = arith.constant 0 : index
    %swap3A_218 = arith.constant 0 : index
    %swap3A_219 = vector.load %arg1[%swap3A, %swap3A_216, %swap3A_217, %swap3A_218] : memref<4x3x8x128xf32, #tpu.memory_space<vmem>>, vector<1x1x8x128xf32>
    %swap3A_220 = vector.shape_cast %swap3A_219 : vector<1x1x8x128xf32> to vector<8x128xf32>
    %swap3A_221 = vector.shape_cast %scan3A_214#4 : vector<8x128xf32> to vector<1x1x8x128xf32>
    tpu.vector_store %arg1[%swap3A, %swap3A_216, %swap3A_217, %swap3A_218], %swap3A_221 {strides = array<i32>} : memref<4x3x8x128xf32, #tpu.memory_space<vmem>>, vector<1x1x8x128xf32>,
    %swap3A_222 = arith.constant 0 : index
    %swap3A_223 = arith.constant 1 : index
    %swap3A_224 = arith.constant 0 : index
    %swap3A_225 = arith.constant 0 : index
    %swap3A_226 = vector.load %arg1[%swap3A_222, %swap3A_223, %swap3A_224, %swap3A_225] : memref<4x3x8x128xf32, #tpu.memory_space<vmem>>, vector<1x1x8x128xf32>
    %swap3A_227 = vector.shape_cast %swap3A_226 : vector<1x1x8x128xf32> to vector<8x128xf32>
    %swap3A_228 = vector.shape_cast %scan3A_214#5 : vector<8x128xf32> to vector<1x1x8x128xf32>
    tpu.vector_store %arg1[%swap3A_222, %swap3A_223, %swap3A_224, %swap3A_225], %swap3A_228 {strides = array<i32>} : memref<4x3x8x128xf32, #tpu.memory_space<vmem>>, vector<1x1x8x128xf32>,
    %swap3A_229 = arith.constant 0 : index
    %swap3A_230 = arith.constant 2 : index
    %swap3A_231 = arith.constant 0 : index
    %swap3A_232 = arith.constant 0 : index
    %swap3A_233 = vector.load %arg1[%swap3A_229, %swap3A_230, %swap3A_231, %swap3A_232] : memref<4x3x8x128xf32, #tpu.memory_space<vmem>>, vector<1x1x8x128xf32>
    %swap3A_234 = vector.shape_cast %swap3A_233 : vector<1x1x8x128xf32> to vector<8x128xf32>
    %swap3A_235 = vector.shape_cast %scan3A_214#6 : vector<8x128xf32> to vector<1x1x8x128xf32>
    tpu.vector_store %arg1[%swap3A_229, %swap3A_230, %swap3A_231, %swap3A_232], %swap3A_235 {strides = array<i32>} : memref<4x3x8x128xf32, #tpu.memory_space<vmem>>, vector<1x1x8x128xf32>,
    %swap3A_236 = arith.constant 1 : index
    %swap3A_237 = arith.constant 0 : index
    %swap3A_238 = arith.constant 0 : index
    %swap3A_239 = arith.constant 0 : index
    %swap3A_240 = vector.load %arg1[%swap3A_236, %swap3A_237, %swap3A_238, %swap3A_239] : memref<4x3x8x128xf32, #tpu.memory_space<vmem>>, vector<1x1x8x128xf32>
    %swap3A_241 = vector.shape_cast %swap3A_240 : vector<1x1x8x128xf32> to vector<8x128xf32>
    %swap3A_242 = vector.shape_cast %scan3A_214#11 : vector<8x128xf32> to vector<1x1x8x128xf32>
    tpu.vector_store %arg1[%swap3A_236, %swap3A_237, %swap3A_238, %swap3A_239], %swap3A_242 {strides = array<i32>} : memref<4x3x8x128xf32, #tpu.memory_space<vmem>>, vector<1x1x8x128xf32>,
    %swap3A_243 = arith.constant 1 : index
    %swap3A_244 = arith.constant 1 : index
    %swap3A_245 = arith.constant 0 : index
    %swap3A_246 = arith.constant 0 : index
    %swap3A_247 = vector.load %arg1[%swap3A_243, %swap3A_244, %swap3A_245, %swap3A_246] : memref<4x3x8x128xf32, #tpu.memory_space<vmem>>, vector<1x1x8x128xf32>
    %swap3A_248 = vector.shape_cast %swap3A_247 : vector<1x1x8x128xf32> to vector<8x128xf32>
    %swap3A_249 = vector.shape_cast %scan3A_214#12 : vector<8x128xf32> to vector<1x1x8x128xf32>
    tpu.vector_store %arg1[%swap3A_243, %swap3A_244, %swap3A_245, %swap3A_246], %swap3A_249 {strides = array<i32>} : memref<4x3x8x128xf32, #tpu.memory_space<vmem>>, vector<1x1x8x128xf32>,
    %swap3A_250 = arith.constant 1 : index
    %swap3A_251 = arith.constant 2 : index
    %swap3A_252 = arith.constant 0 : index
    %swap3A_253 = arith.constant 0 : index
    %swap3A_254 = vector.load %arg1[%swap3A_250, %swap3A_251, %swap3A_252, %swap3A_253] : memref<4x3x8x128xf32, #tpu.memory_space<vmem>>, vector<1x1x8x128xf32>
    %swap3A_255 = vector.shape_cast %swap3A_254 : vector<1x1x8x128xf32> to vector<8x128xf32>
    %swap3A_256 = vector.shape_cast %scan3A_214#13 : vector<8x128xf32> to vector<1x1x8x128xf32>
    tpu.vector_store %arg1[%swap3A_250, %swap3A_251, %swap3A_252, %swap3A_253], %swap3A_256 {strides = array<i32>} : memref<4x3x8x128xf32, #tpu.memory_space<vmem>>, vector<1x1x8x128xf32>,
    %swap3A_257 = arith.constant 2 : index
    %swap3A_258 = arith.constant 0 : index
    %swap3A_259 = arith.constant 0 : index
    %swap3A_260 = arith.constant 0 : index
    %swap3A_261 = vector.load %arg1[%swap3A_257, %swap3A_258, %swap3A_259, %swap3A_260] : memref<4x3x8x128xf32, #tpu.memory_space<vmem>>, vector<1x1x8x128xf32>
    %swap3A_262 = vector.shape_cast %swap3A_261 : vector<1x1x8x128xf32> to vector<8x128xf32>
    %swap3A_263 = vector.shape_cast %scan3A_214#18 : vector<8x128xf32> to vector<1x1x8x128xf32>
    tpu.vector_store %arg1[%swap3A_257, %swap3A_258, %swap3A_259, %swap3A_260], %swap3A_263 {strides = array<i32>} : memref<4x3x8x128xf32, #tpu.memory_space<vmem>>, vector<1x1x8x128xf32>,
    %swap3A_264 = arith.constant 2 : index
    %swap3A_265 = arith.constant 1 : index
    %swap3A_266 = arith.constant 0 : index
    %swap3A_267 = arith.constant 0 : index
    %swap3A_268 = vector.load %arg1[%swap3A_264, %swap3A_265, %swap3A_266, %swap3A_267] : memref<4x3x8x128xf32, #tpu.memory_space<vmem>>, vector<1x1x8x128xf32>
    %swap3A_269 = vector.shape_cast %swap3A_268 : vector<1x1x8x128xf32> to vector<8x128xf32>
    %swap3A_270 = vector.shape_cast %scan3A_214#19 : vector<8x128xf32> to vector<1x1x8x128xf32>
    tpu.vector_store %arg1[%swap3A_264, %swap3A_265, %swap3A_266, %swap3A_267], %swap3A_270 {strides = array<i32>} : memref<4x3x8x128xf32, #tpu.memory_space<vmem>>, vector<1x1x8x128xf32>,
    %swap3A_271 = arith.constant 2 : index
    %swap3A_272 = arith.constant 2 : index
    %swap3A_273 = arith.constant 0 : index
    %swap3A_274 = arith.constant 0 : index
    %swap3A_275 = vector.load %arg1[%swap3A_271, %swap3A_272, %swap3A_273, %swap3A_274] : memref<4x3x8x128xf32, #tpu.memory_space<vmem>>, vector<1x1x8x128xf32>
    %swap3A_276 = vector.shape_cast %swap3A_275 : vector<1x1x8x128xf32> to vector<8x128xf32>
    %swap3A_277 = vector.shape_cast %scan3A_214#20 : vector<8x128xf32> to vector<1x1x8x128xf32>
    tpu.vector_store %arg1[%swap3A_271, %swap3A_272, %swap3A_273, %swap3A_274], %swap3A_277 {strides = array<i32>} : memref<4x3x8x128xf32, #tpu.memory_space<vmem>>, vector<1x1x8x128xf32>,
    %swap3A_278 = arith.constant 3 : index
    %swap3A_279 = arith.constant 0 : index
    %swap3A_280 = arith.constant 0 : index
    %swap3A_281 = arith.constant 0 : index
    %swap3A_282 = vector.load %arg1[%swap3A_278, %swap3A_279, %swap3A_280, %swap3A_281] : memref<4x3x8x128xf32, #tpu.memory_space<vmem>>, vector<1x1x8x128xf32>
    %swap3A_283 = vector.shape_cast %swap3A_282 : vector<1x1x8x128xf32> to vector<8x128xf32>
    %swap3A_284 = vector.shape_cast %scan3A_214#25 : vector<8x128xf32> to vector<1x1x8x128xf32>
    tpu.vector_store %arg1[%swap3A_278, %swap3A_279, %swap3A_280, %swap3A_281], %swap3A_284 {strides = array<i32>} : memref<4x3x8x128xf32, #tpu.memory_space<vmem>>, vector<1x1x8x128xf32>,
    %swap3A_285 = arith.constant 3 : index
    %swap3A_286 = arith.constant 1 : index
    %swap3A_287 = arith.constant 0 : index
    %swap3A_288 = arith.constant 0 : index
    %swap3A_289 = vector.load %arg1[%swap3A_285, %swap3A_286, %swap3A_287, %swap3A_288] : memref<4x3x8x128xf32, #tpu.memory_space<vmem>>, vector<1x1x8x128xf32>
    %swap3A_290 = vector.shape_cast %swap3A_289 : vector<1x1x8x128xf32> to vector<8x128xf32>
    %swap3A_291 = vector.shape_cast %scan3A_214#26 : vector<8x128xf32> to vector<1x1x8x128xf32>
    tpu.vector_store %arg1[%swap3A_285, %swap3A_286, %swap3A_287, %swap3A_288], %swap3A_291 {strides = array<i32>} : memref<4x3x8x128xf32, #tpu.memory_space<vmem>>, vector<1x1x8x128xf32>,
    %swap3A_292 = arith.constant 3 : index
    %swap3A_293 = arith.constant 2 : index
    %swap3A_294 = arith.constant 0 : index
    %swap3A_295 = arith.constant 0 : index
    %swap3A_296 = vector.load %arg1[%swap3A_292, %swap3A_293, %swap3A_294, %swap3A_295] : memref<4x3x8x128xf32, #tpu.memory_space<vmem>>, vector<1x1x8x128xf32>
    %swap3A_297 = vector.shape_cast %swap3A_296 : vector<1x1x8x128xf32> to vector<8x128xf32>
    %swap3A_298 = vector.shape_cast %scan3A_214#27 : vector<8x128xf32> to vector<1x1x8x128xf32>
    tpu.vector_store %arg1[%swap3A_292, %swap3A_293, %swap3A_294, %swap3A_295], %swap3A_298 {strides = array<i32>} : memref<4x3x8x128xf32, #tpu.memory_space<vmem>>, vector<1x1x8x128xf32>,
    return
  }
}

module attributes {stable_mosaic.version = 14 : i64} {
  func.func @_p1_kernel(%arg0: i32, %arg1: memref<4096x64xf32, #tpu.memory_space<vmem>>, %arg2: memref<4096x3xf32, #tpu.memory_space<vmem>>, %arg3: memref<3x64xf32, #tpu.memory_space<vmem>>, %arg4: memref<64x64xf32, #tpu.memory_space<vmem>>, %arg5: memref<2x64xf32, #tpu.memory_space<vmem>>) attributes {dimension_semantics = [#tpu.dimension_semantics<arbitrary>], iteration_bounds = array<i64: 32>, scalar_prefetch = 0 : i64, scratch_operands = 0 : i64, tpu.core_type = #tpu.core_type<tc>, window_params = [{transform_indices = @transform_0, window_bounds = array<i64: 4096, 64>}, {transform_indices = @transform_1, window_bounds = array<i64: 4096, 3>}, {pipeline_mode = #tpu.pipeline_mode<synchronous>, transform_indices = @transform_2, window_bounds = array<i64: 3, 64>}, {pipeline_mode = #tpu.pipeline_mode<synchronous>, transform_indices = @transform_3, window_bounds = array<i64: 64, 64>}, {pipeline_mode = #tpu.pipeline_mode<synchronous>, transform_indices = @transform_4, window_bounds = array<i64: 2, 64>}]} {
    %get3A = arith.constant 0 : index
    %get3A_0 = arith.constant 0 : index
    %get3A_1 = vector.load %arg1[%get3A, %get3A_0] : memref<4096x64xf32, #tpu.memory_space<vmem>>, vector<4096x64xf32>
    %get3A_2 = arith.constant 0 : index
    %get3A_3 = arith.constant 0 : index
    %get3A_4 = vector.load %arg2[%get3A_2, %get3A_3] : memref<4096x3xf32, #tpu.memory_space<vmem>>, vector<4096x3xf32>
    %get3A_5 = arith.constant 0 : index
    %get3A_6 = arith.constant 0 : index
    %get3A_7 = vector.load %arg4[%get3A_5, %get3A_6] : memref<64x64xf32, #tpu.memory_space<vmem>>, vector<64x64xf32>
    %dot_general3A = arith.constant dense<0.000000e+00> : vector<4096x64xf32>
    %dot_general3A_8 = tpu.matmul %get3A_1, %get3A_7, %dot_general3A {dimension_numbers = #tpu.dot_dimension_numbers<[1], [0], [0], [1], [0, 0, 1, 1], [], []>, transpose_lhs_hint = false} : vector<4096x64xf32>, vector<64x64xf32>, vector<4096x64xf32> -> vector<4096x64xf32>
    %slice3A = vector.extract_strided_slice %get3A_4 {offsets = [0, 0], sizes = [4096, 1], strides = [1, 1]} : vector<4096x3xf32> to vector<4096x1xf32>
    %get3A_9 = arith.constant 0 : index
    %get3A_10 = arith.constant 0 : index
    %get3A_11 = vector.load %arg3[%get3A_9, %get3A_10] : memref<3x64xf32, #tpu.memory_space<vmem>>, vector<1x64xf32>
    %mul3A = vector.broadcast %slice3A : vector<4096x1xf32> to vector<4096x64xf32>
    %mul3A_12 = vector.broadcast %get3A_11 : vector<1x64xf32> to vector<4096x64xf32>
    %mul3A_13 = arith.mulf %mul3A, %mul3A_12 : vector<4096x64xf32>
    %add3A = arith.addf %dot_general3A_8, %mul3A_13 : vector<4096x64xf32>
    %slice3A_14 = vector.extract_strided_slice %get3A_4 {offsets = [0, 1], sizes = [4096, 1], strides = [1, 1]} : vector<4096x3xf32> to vector<4096x1xf32>
    %get3A_15 = arith.constant 1 : index
    %get3A_16 = arith.constant 0 : index
    %get3A_17 = vector.load %arg3[%get3A_15, %get3A_16] : memref<3x64xf32, #tpu.memory_space<vmem>>, vector<1x64xf32>
    %mul3A_18 = vector.broadcast %slice3A_14 : vector<4096x1xf32> to vector<4096x64xf32>
    %mul3A_19 = vector.broadcast %get3A_17 : vector<1x64xf32> to vector<4096x64xf32>
    %mul3A_20 = arith.mulf %mul3A_18, %mul3A_19 : vector<4096x64xf32>
    %add3A_21 = arith.addf %add3A, %mul3A_20 : vector<4096x64xf32>
    %slice3A_22 = vector.extract_strided_slice %get3A_4 {offsets = [0, 2], sizes = [4096, 1], strides = [1, 1]} : vector<4096x3xf32> to vector<4096x1xf32>
    %get3A_23 = arith.constant 2 : index
    %get3A_24 = arith.constant 0 : index
    %get3A_25 = vector.load %arg3[%get3A_23, %get3A_24] : memref<3x64xf32, #tpu.memory_space<vmem>>, vector<1x64xf32>
    %mul3A_26 = vector.broadcast %slice3A_22 : vector<4096x1xf32> to vector<4096x64xf32>
    %mul3A_27 = vector.broadcast %get3A_25 : vector<1x64xf32> to vector<4096x64xf32>
    %mul3A_28 = arith.mulf %mul3A_26, %mul3A_27 : vector<4096x64xf32>
    %add3A_29 = arith.addf %add3A_21, %mul3A_28 : vector<4096x64xf32>
    %reduce_sum3A = arith.constant dense<0.000000e+00> : vector<64xf32>
    %reduce_sum3A_30 = vector.multi_reduction <add>, %add3A_29, %reduce_sum3A [0] : vector<4096x64xf32> to vector<64xf32>
    %broadcast_in_dim3A = vector.shape_cast %reduce_sum3A_30 : vector<64xf32> to vector<1x64xf32>
    %div3A = arith.constant 4.096000e+03 : f32
    %div3A_31 = vector.broadcast %div3A : f32 to vector<1x64xf32>
    %div3A_32 = arith.divf %broadcast_in_dim3A, %div3A_31 : vector<1x64xf32>
    %sub3A = vector.broadcast %div3A_32 : vector<1x64xf32> to vector<4096x64xf32>
    %sub3A_33 = arith.subf %add3A_29, %sub3A : vector<4096x64xf32>
    %integer_pow3A = arith.mulf %sub3A_33, %sub3A_33 : vector<4096x64xf32>
    %reduce_sum3A_34 = arith.constant dense<0.000000e+00> : vector<64xf32>
    %reduce_sum3A_35 = vector.multi_reduction <add>, %integer_pow3A, %reduce_sum3A_34 [0] : vector<4096x64xf32> to vector<64xf32>
    %broadcast_in_dim3A_36 = vector.shape_cast %reduce_sum3A_35 : vector<64xf32> to vector<1x64xf32>
    %eq3A = arith.constant 0 : i32
    %eq3A_37 = arith.cmpi eq, %arg0, %eq3A : i32
    %convert_element_type3A = arith.extui %eq3A_37 : i1 to i32
    %cond3A = arith.constant 0 : i32
    %cond3A_38 = arith.cmpi ne, %convert_element_type3A, %cond3A : i32
    scf.if %cond3A_38 {
      %swap3A = arith.constant 0 : index
      %swap3A_43 = arith.constant 0 : index
      %swap3A_44 = vector.load %arg5[%swap3A, %swap3A_43] : memref<2x64xf32, #tpu.memory_space<vmem>>, vector<1x64xf32>
      tpu.vector_store %arg5[%swap3A, %swap3A_43], %div3A_32 {strides = array<i32>} : memref<2x64xf32, #tpu.memory_space<vmem>>, vector<1x64xf32>,
      %swap3A_45 = arith.constant 1 : index
      %swap3A_46 = arith.constant 0 : index
      %swap3A_47 = vector.load %arg5[%swap3A_45, %swap3A_46] : memref<2x64xf32, #tpu.memory_space<vmem>>, vector<1x64xf32>
      tpu.vector_store %arg5[%swap3A_45, %swap3A_46], %broadcast_in_dim3A_36 {strides = array<i32>} : memref<2x64xf32, #tpu.memory_space<vmem>>, vector<1x64xf32>,
    } else {
    }
    %gt3A = arith.constant 0 : i32
    %gt3A_39 = arith.cmpi sgt, %arg0, %gt3A : i32
    %convert_element_type3A_40 = arith.extui %gt3A_39 : i1 to i32
    %cond3A_41 = arith.constant 0 : i32
    %cond3A_42 = arith.cmpi ne, %convert_element_type3A_40, %cond3A_41 : i32
    scf.if %cond3A_42 {
      %convert_element_type3A_43 = arith.sitofp %arg0 : i32 to f32
      %mul3A_44 = arith.constant 4.096000e+03 : f32
      %mul3A_45 = arith.mulf %convert_element_type3A_43, %mul3A_44 : f32
      %add3A_46 = arith.constant 4.096000e+03 : f32
      %add3A_47 = arith.addf %mul3A_45, %add3A_46 : f32
      %get3A_48 = arith.constant 0 : index
      %get3A_49 = arith.constant 0 : index
      %get3A_50 = vector.load %arg5[%get3A_48, %get3A_49] : memref<2x64xf32, #tpu.memory_space<vmem>>, vector<1x64xf32>
      %sub3A_51 = arith.subf %div3A_32, %get3A_50 : vector<1x64xf32>
      %div3A_52 = arith.constant 4.096000e+03 : f32
      %div3A_53 = arith.divf %div3A_52, %add3A_47 : f32
      %mul3A_54 = vector.broadcast %div3A_53 : f32 to vector<1x64xf32>
      %mul3A_55 = arith.mulf %sub3A_51, %mul3A_54 : vector<1x64xf32>
      %add3A_56 = arith.addf %get3A_50, %mul3A_55 : vector<1x64xf32>
      %swap3A = arith.constant 0 : index
      %swap3A_57 = arith.constant 0 : index
      %swap3A_58 = vector.load %arg5[%swap3A, %swap3A_57] : memref<2x64xf32, #tpu.memory_space<vmem>>, vector<1x64xf32>
      tpu.vector_store %arg5[%swap3A, %swap3A_57], %add3A_56 {strides = array<i32>} : memref<2x64xf32, #tpu.memory_space<vmem>>, vector<1x64xf32>,
      %get3A_59 = arith.constant 1 : index
      %get3A_60 = arith.constant 0 : index
      %get3A_61 = vector.load %arg5[%get3A_59, %get3A_60] : memref<2x64xf32, #tpu.memory_space<vmem>>, vector<1x64xf32>
      %mul3A_62 = arith.mulf %sub3A_51, %sub3A_51 : vector<1x64xf32>
      %mul3A_63 = arith.constant 4.096000e+03 : f32
      %mul3A_64 = arith.mulf %mul3A_45, %mul3A_63 : f32
      %div3A_65 = arith.divf %mul3A_64, %add3A_47 : f32
      %mul3A_66 = vector.broadcast %div3A_65 : f32 to vector<1x64xf32>
      %mul3A_67 = arith.mulf %mul3A_62, %mul3A_66 : vector<1x64xf32>
      %add3A_68 = arith.addf %broadcast_in_dim3A_36, %mul3A_67 : vector<1x64xf32>
      %add3A_69 = arith.addf %get3A_61, %add3A_68 : vector<1x64xf32>
      %swap3A_70 = arith.constant 1 : index
      %swap3A_71 = arith.constant 0 : index
      %swap3A_72 = vector.load %arg5[%swap3A_70, %swap3A_71] : memref<2x64xf32, #tpu.memory_space<vmem>>, vector<1x64xf32>
      tpu.vector_store %arg5[%swap3A_70, %swap3A_71], %add3A_69 {strides = array<i32>} : memref<2x64xf32, #tpu.memory_space<vmem>>, vector<1x64xf32>,
    } else {
    }
    return
  }
  func.func @transform_0(%arg0: i32) -> (i32, i32) {
    %c0_i32 = arith.constant 0 : i32
    %c0_i32_0 = arith.constant 0 : i32
    return %arg0, %c0_i32 : i32, i32
  }
  func.func @transform_1(%arg0: i32) -> (i32, i32) {
    %c0_i32 = arith.constant 0 : i32
    %c0_i32_0 = arith.constant 0 : i32
    return %arg0, %c0_i32 : i32, i32
  }
  func.func @transform_2(%arg0: i32) -> (i32, i32) {
    %c0_i32 = arith.constant 0 : i32
    %c0_i32_0 = arith.constant 0 : i32
    %c0_i32_1 = arith.constant 0 : i32
    return %c0_i32, %c0_i32_0 : i32, i32
  }
  func.func @transform_3(%arg0: i32) -> (i32, i32) {
    %c0_i32 = arith.constant 0 : i32
    %c0_i32_0 = arith.constant 0 : i32
    %c0_i32_1 = arith.constant 0 : i32
    return %c0_i32, %c0_i32_0 : i32, i32
  }
  func.func @transform_4(%arg0: i32) -> (i32, i32) {
    %c0_i32 = arith.constant 0 : i32
    %c0_i32_0 = arith.constant 0 : i32
    %c0_i32_1 = arith.constant 0 : i32
    return %c0_i32, %c0_i32_0 : i32, i32
  }
}

module attributes {stable_mosaic.version = 14 : i64} {
  func.func @_p2_kernel(%arg0: i32, %arg1: memref<4096x64xf32, #tpu.memory_space<vmem>>, %arg2: memref<4096x3xf32, #tpu.memory_space<vmem>>, %arg3: memref<3x64xf32, #tpu.memory_space<vmem>>, %arg4: memref<64x64xf32, #tpu.memory_space<vmem>>, %arg5: memref<1x64xf32, #tpu.memory_space<vmem>>, %arg6: memref<1x64xf32, #tpu.memory_space<vmem>>, %arg7: memref<64x128xf32, #tpu.memory_space<vmem>>, %arg8: memref<2x128xf32, #tpu.memory_space<vmem>>) attributes {dimension_semantics = [#tpu.dimension_semantics<arbitrary>], iteration_bounds = array<i64: 32>, scalar_prefetch = 0 : i64, scratch_operands = 0 : i64, tpu.core_type = #tpu.core_type<tc>, window_params = [{transform_indices = @transform_0, window_bounds = array<i64: 4096, 64>}, {transform_indices = @transform_1, window_bounds = array<i64: 4096, 3>}, {pipeline_mode = #tpu.pipeline_mode<synchronous>, transform_indices = @transform_2, window_bounds = array<i64: 3, 64>}, {pipeline_mode = #tpu.pipeline_mode<synchronous>, transform_indices = @transform_3, window_bounds = array<i64: 64, 64>}, {pipeline_mode = #tpu.pipeline_mode<synchronous>, transform_indices = @transform_4, window_bounds = array<i64: 1, 64>}, {pipeline_mode = #tpu.pipeline_mode<synchronous>, transform_indices = @transform_5, window_bounds = array<i64: 1, 64>}, {pipeline_mode = #tpu.pipeline_mode<synchronous>, transform_indices = @transform_6, window_bounds = array<i64: 64, 128>}, {pipeline_mode = #tpu.pipeline_mode<synchronous>, transform_indices = @transform_7, window_bounds = array<i64: 2, 128>}]} {
    %get3A = arith.constant 0 : index
    %get3A_0 = arith.constant 0 : index
    %get3A_1 = vector.load %arg1[%get3A, %get3A_0] : memref<4096x64xf32, #tpu.memory_space<vmem>>, vector<4096x64xf32>
    %get3A_2 = arith.constant 0 : index
    %get3A_3 = arith.constant 0 : index
    %get3A_4 = vector.load %arg2[%get3A_2, %get3A_3] : memref<4096x3xf32, #tpu.memory_space<vmem>>, vector<4096x3xf32>
    %get3A_5 = arith.constant 0 : index
    %get3A_6 = arith.constant 0 : index
    %get3A_7 = vector.load %arg4[%get3A_5, %get3A_6] : memref<64x64xf32, #tpu.memory_space<vmem>>, vector<64x64xf32>
    %dot_general3A = arith.constant dense<0.000000e+00> : vector<4096x64xf32>
    %dot_general3A_8 = tpu.matmul %get3A_1, %get3A_7, %dot_general3A {dimension_numbers = #tpu.dot_dimension_numbers<[1], [0], [0], [1], [0, 0, 1, 1], [], []>, transpose_lhs_hint = false} : vector<4096x64xf32>, vector<64x64xf32>, vector<4096x64xf32> -> vector<4096x64xf32>
    %slice3A = vector.extract_strided_slice %get3A_4 {offsets = [0, 0], sizes = [4096, 1], strides = [1, 1]} : vector<4096x3xf32> to vector<4096x1xf32>
    %get3A_9 = arith.constant 0 : index
    %get3A_10 = arith.constant 0 : index
    %get3A_11 = vector.load %arg3[%get3A_9, %get3A_10] : memref<3x64xf32, #tpu.memory_space<vmem>>, vector<1x64xf32>
    %mul3A = vector.broadcast %slice3A : vector<4096x1xf32> to vector<4096x64xf32>
    %mul3A_12 = vector.broadcast %get3A_11 : vector<1x64xf32> to vector<4096x64xf32>
    %mul3A_13 = arith.mulf %mul3A, %mul3A_12 : vector<4096x64xf32>
    %add3A = arith.addf %dot_general3A_8, %mul3A_13 : vector<4096x64xf32>
    %slice3A_14 = vector.extract_strided_slice %get3A_4 {offsets = [0, 1], sizes = [4096, 1], strides = [1, 1]} : vector<4096x3xf32> to vector<4096x1xf32>
    %get3A_15 = arith.constant 1 : index
    %get3A_16 = arith.constant 0 : index
    %get3A_17 = vector.load %arg3[%get3A_15, %get3A_16] : memref<3x64xf32, #tpu.memory_space<vmem>>, vector<1x64xf32>
    %mul3A_18 = vector.broadcast %slice3A_14 : vector<4096x1xf32> to vector<4096x64xf32>
    %mul3A_19 = vector.broadcast %get3A_17 : vector<1x64xf32> to vector<4096x64xf32>
    %mul3A_20 = arith.mulf %mul3A_18, %mul3A_19 : vector<4096x64xf32>
    %add3A_21 = arith.addf %add3A, %mul3A_20 : vector<4096x64xf32>
    %slice3A_22 = vector.extract_strided_slice %get3A_4 {offsets = [0, 2], sizes = [4096, 1], strides = [1, 1]} : vector<4096x3xf32> to vector<4096x1xf32>
    %get3A_23 = arith.constant 2 : index
    %get3A_24 = arith.constant 0 : index
    %get3A_25 = vector.load %arg3[%get3A_23, %get3A_24] : memref<3x64xf32, #tpu.memory_space<vmem>>, vector<1x64xf32>
    %mul3A_26 = vector.broadcast %slice3A_22 : vector<4096x1xf32> to vector<4096x64xf32>
    %mul3A_27 = vector.broadcast %get3A_25 : vector<1x64xf32> to vector<4096x64xf32>
    %mul3A_28 = arith.mulf %mul3A_26, %mul3A_27 : vector<4096x64xf32>
    %add3A_29 = arith.addf %add3A_21, %mul3A_28 : vector<4096x64xf32>
    %get3A_30 = arith.constant 0 : index
    %get3A_31 = arith.constant 0 : index
    %get3A_32 = vector.load %arg5[%get3A_30, %get3A_31] : memref<1x64xf32, #tpu.memory_space<vmem>>, vector<1x64xf32>
    %mul3A_33 = vector.broadcast %get3A_32 : vector<1x64xf32> to vector<4096x64xf32>
    %mul3A_34 = arith.mulf %add3A_29, %mul3A_33 : vector<4096x64xf32>
    %get3A_35 = arith.constant 0 : index
    %get3A_36 = arith.constant 0 : index
    %get3A_37 = vector.load %arg6[%get3A_35, %get3A_36] : memref<1x64xf32, #tpu.memory_space<vmem>>, vector<1x64xf32>
    %add3A_38 = vector.broadcast %get3A_37 : vector<1x64xf32> to vector<4096x64xf32>
    %add3A_39 = arith.addf %mul3A_34, %add3A_38 : vector<4096x64xf32>
    %max3A = arith.constant 0.000000e+00 : f32
    %max3A_40 = vector.broadcast %max3A : f32 to vector<4096x64xf32>
    %max3A_41 = arith.maximumf %add3A_39, %max3A_40 : vector<4096x64xf32>
    %get3A_42 = arith.constant 0 : index
    %get3A_43 = arith.constant 0 : index
    %get3A_44 = vector.load %arg7[%get3A_42, %get3A_43] : memref<64x128xf32, #tpu.memory_space<vmem>>, vector<64x128xf32>
    %dot_general3A_45 = arith.constant dense<0.000000e+00> : vector<4096x128xf32>
    %dot_general3A_46 = tpu.matmul %max3A_41, %get3A_44, %dot_general3A_45 {dimension_numbers = #tpu.dot_dimension_numbers<[1], [0], [0], [1], [0, 0, 1, 1], [], []>, transpose_lhs_hint = false} : vector<4096x64xf32>, vector<64x128xf32>, vector<4096x128xf32> -> vector<4096x128xf32>
    %reduce_sum3A = arith.constant dense<0.000000e+00> : vector<128xf32>
    %reduce_sum3A_47 = vector.multi_reduction <add>, %dot_general3A_46, %reduce_sum3A [0] : vector<4096x128xf32> to vector<128xf32>
    %broadcast_in_dim3A = vector.shape_cast %reduce_sum3A_47 : vector<128xf32> to vector<1x128xf32>
    %div3A = arith.constant 4.096000e+03 : f32
    %div3A_48 = vector.broadcast %div3A : f32 to vector<1x128xf32>
    %div3A_49 = arith.divf %broadcast_in_dim3A, %div3A_48 : vector<1x128xf32>
    %sub3A = vector.broadcast %div3A_49 : vector<1x128xf32> to vector<4096x128xf32>
    %sub3A_50 = arith.subf %dot_general3A_46, %sub3A : vector<4096x128xf32>
    %integer_pow3A = arith.mulf %sub3A_50, %sub3A_50 : vector<4096x128xf32>
    %reduce_sum3A_51 = arith.constant dense<0.000000e+00> : vector<128xf32>
    %reduce_sum3A_52 = vector.multi_reduction <add>, %integer_pow3A, %reduce_sum3A_51 [0] : vector<4096x128xf32> to vector<128xf32>
    %broadcast_in_dim3A_53 = vector.shape_cast %reduce_sum3A_52 : vector<128xf32> to vector<1x128xf32>
    %eq3A = arith.constant 0 : i32
    %eq3A_54 = arith.cmpi eq, %arg0, %eq3A : i32
    %convert_element_type3A = arith.extui %eq3A_54 : i1 to i32
    %cond3A = arith.constant 0 : i32
    %cond3A_55 = arith.cmpi ne, %convert_element_type3A, %cond3A : i32
    scf.if %cond3A_55 {
      %swap3A = arith.constant 0 : index
      %swap3A_60 = arith.constant 0 : index
      %swap3A_61 = vector.load %arg8[%swap3A, %swap3A_60] : memref<2x128xf32, #tpu.memory_space<vmem>>, vector<1x128xf32>
      tpu.vector_store %arg8[%swap3A, %swap3A_60], %div3A_49 {strides = array<i32>} : memref<2x128xf32, #tpu.memory_space<vmem>>, vector<1x128xf32>,
      %swap3A_62 = arith.constant 1 : index
      %swap3A_63 = arith.constant 0 : index
      %swap3A_64 = vector.load %arg8[%swap3A_62, %swap3A_63] : memref<2x128xf32, #tpu.memory_space<vmem>>, vector<1x128xf32>
      tpu.vector_store %arg8[%swap3A_62, %swap3A_63], %broadcast_in_dim3A_53 {strides = array<i32>} : memref<2x128xf32, #tpu.memory_space<vmem>>, vector<1x128xf32>,
    } else {
    }
    %gt3A = arith.constant 0 : i32
    %gt3A_56 = arith.cmpi sgt, %arg0, %gt3A : i32
    %convert_element_type3A_57 = arith.extui %gt3A_56 : i1 to i32
    %cond3A_58 = arith.constant 0 : i32
    %cond3A_59 = arith.cmpi ne, %convert_element_type3A_57, %cond3A_58 : i32
    scf.if %cond3A_59 {
      %convert_element_type3A_60 = arith.sitofp %arg0 : i32 to f32
      %mul3A_61 = arith.constant 4.096000e+03 : f32
      %mul3A_62 = arith.mulf %convert_element_type3A_60, %mul3A_61 : f32
      %add3A_63 = arith.constant 4.096000e+03 : f32
      %add3A_64 = arith.addf %mul3A_62, %add3A_63 : f32
      %get3A_65 = arith.constant 0 : index
      %get3A_66 = arith.constant 0 : index
      %get3A_67 = vector.load %arg8[%get3A_65, %get3A_66] : memref<2x128xf32, #tpu.memory_space<vmem>>, vector<1x128xf32>
      %sub3A_68 = arith.subf %div3A_49, %get3A_67 : vector<1x128xf32>
      %div3A_69 = arith.constant 4.096000e+03 : f32
      %div3A_70 = arith.divf %div3A_69, %add3A_64 : f32
      %mul3A_71 = vector.broadcast %div3A_70 : f32 to vector<1x128xf32>
      %mul3A_72 = arith.mulf %sub3A_68, %mul3A_71 : vector<1x128xf32>
      %add3A_73 = arith.addf %get3A_67, %mul3A_72 : vector<1x128xf32>
      %swap3A = arith.constant 0 : index
      %swap3A_74 = arith.constant 0 : index
      %swap3A_75 = vector.load %arg8[%swap3A, %swap3A_74] : memref<2x128xf32, #tpu.memory_space<vmem>>, vector<1x128xf32>
      tpu.vector_store %arg8[%swap3A, %swap3A_74], %add3A_73 {strides = array<i32>} : memref<2x128xf32, #tpu.memory_space<vmem>>, vector<1x128xf32>,
      %get3A_76 = arith.constant 1 : index
      %get3A_77 = arith.constant 0 : index
      %get3A_78 = vector.load %arg8[%get3A_76, %get3A_77] : memref<2x128xf32, #tpu.memory_space<vmem>>, vector<1x128xf32>
      %mul3A_79 = arith.mulf %sub3A_68, %sub3A_68 : vector<1x128xf32>
      %mul3A_80 = arith.constant 4.096000e+03 : f32
      %mul3A_81 = arith.mulf %mul3A_62, %mul3A_80 : f32
      %div3A_82 = arith.divf %mul3A_81, %add3A_64 : f32
      %mul3A_83 = vector.broadcast %div3A_82 : f32 to vector<1x128xf32>
      %mul3A_84 = arith.mulf %mul3A_79, %mul3A_83 : vector<1x128xf32>
      %add3A_85 = arith.addf %broadcast_in_dim3A_53, %mul3A_84 : vector<1x128xf32>
      %add3A_86 = arith.addf %get3A_78, %add3A_85 : vector<1x128xf32>
      %swap3A_87 = arith.constant 1 : index
      %swap3A_88 = arith.constant 0 : index
      %swap3A_89 = vector.load %arg8[%swap3A_87, %swap3A_88] : memref<2x128xf32, #tpu.memory_space<vmem>>, vector<1x128xf32>
      tpu.vector_store %arg8[%swap3A_87, %swap3A_88], %add3A_86 {strides = array<i32>} : memref<2x128xf32, #tpu.memory_space<vmem>>, vector<1x128xf32>,
    } else {
    }
    return
  }
  func.func @transform_0(%arg0: i32) -> (i32, i32) {
    %c0_i32 = arith.constant 0 : i32
    %c0_i32_0 = arith.constant 0 : i32
    return %arg0, %c0_i32 : i32, i32
  }
  func.func @transform_1(%arg0: i32) -> (i32, i32) {
    %c0_i32 = arith.constant 0 : i32
    %c0_i32_0 = arith.constant 0 : i32
    return %arg0, %c0_i32 : i32, i32
  }
  func.func @transform_2(%arg0: i32) -> (i32, i32) {
    %c0_i32 = arith.constant 0 : i32
    %c0_i32_0 = arith.constant 0 : i32
    %c0_i32_1 = arith.constant 0 : i32
    return %c0_i32, %c0_i32_0 : i32, i32
  }
  func.func @transform_3(%arg0: i32) -> (i32, i32) {
    %c0_i32 = arith.constant 0 : i32
    %c0_i32_0 = arith.constant 0 : i32
    %c0_i32_1 = arith.constant 0 : i32
    return %c0_i32, %c0_i32_0 : i32, i32
  }
  func.func @transform_4(%arg0: i32) -> (i32, i32) {
    %c0_i32 = arith.constant 0 : i32
    %c0_i32_0 = arith.constant 0 : i32
    %c0_i32_1 = arith.constant 0 : i32
    return %c0_i32, %c0_i32_0 : i32, i32
  }
  func.func @transform_5(%arg0: i32) -> (i32, i32) {
    %c0_i32 = arith.constant 0 : i32
    %c0_i32_0 = arith.constant 0 : i32
    %c0_i32_1 = arith.constant 0 : i32
    return %c0_i32, %c0_i32_0 : i32, i32
  }
  func.func @transform_6(%arg0: i32) -> (i32, i32) {
    %c0_i32 = arith.constant 0 : i32
    %c0_i32_0 = arith.constant 0 : i32
    %c0_i32_1 = arith.constant 0 : i32
    return %c0_i32, %c0_i32_0 : i32, i32
  }
  func.func @transform_7(%arg0: i32) -> (i32, i32) {
    %c0_i32 = arith.constant 0 : i32
    %c0_i32_0 = arith.constant 0 : i32
    %c0_i32_1 = arith.constant 0 : i32
    return %c0_i32, %c0_i32_0 : i32, i32
  }
}

module attributes {stable_mosaic.version = 14 : i64} {
  func.func @_p3_kernel(%arg0: i32, %arg1: memref<4096x64xf32, #tpu.memory_space<vmem>>, %arg2: memref<4096x3xf32, #tpu.memory_space<vmem>>, %arg3: memref<3x64xf32, #tpu.memory_space<vmem>>, %arg4: memref<64x64xf32, #tpu.memory_space<vmem>>, %arg5: memref<1x64xf32, #tpu.memory_space<vmem>>, %arg6: memref<1x64xf32, #tpu.memory_space<vmem>>, %arg7: memref<64x128xf32, #tpu.memory_space<vmem>>, %arg8: memref<1x128xf32, #tpu.memory_space<vmem>>, %arg9: memref<1x128xf32, #tpu.memory_space<vmem>>, %arg10: memref<128x128xf32, #tpu.memory_space<vmem>>) attributes {dimension_semantics = [#tpu.dimension_semantics<arbitrary>], iteration_bounds = array<i64: 32>, scalar_prefetch = 0 : i64, scratch_operands = 0 : i64, tpu.core_type = #tpu.core_type<tc>, window_params = [{transform_indices = @transform_0, window_bounds = array<i64: 4096, 64>}, {transform_indices = @transform_1, window_bounds = array<i64: 4096, 3>}, {pipeline_mode = #tpu.pipeline_mode<synchronous>, transform_indices = @transform_2, window_bounds = array<i64: 3, 64>}, {pipeline_mode = #tpu.pipeline_mode<synchronous>, transform_indices = @transform_3, window_bounds = array<i64: 64, 64>}, {pipeline_mode = #tpu.pipeline_mode<synchronous>, transform_indices = @transform_4, window_bounds = array<i64: 1, 64>}, {pipeline_mode = #tpu.pipeline_mode<synchronous>, transform_indices = @transform_5, window_bounds = array<i64: 1, 64>}, {pipeline_mode = #tpu.pipeline_mode<synchronous>, transform_indices = @transform_6, window_bounds = array<i64: 64, 128>}, {pipeline_mode = #tpu.pipeline_mode<synchronous>, transform_indices = @transform_7, window_bounds = array<i64: 1, 128>}, {pipeline_mode = #tpu.pipeline_mode<synchronous>, transform_indices = @transform_8, window_bounds = array<i64: 1, 128>}, {transform_indices = @transform_9, window_bounds = array<i64: 128, 128>}]} {
    %get3A = arith.constant 0 : index
    %get3A_0 = arith.constant 0 : index
    %get3A_1 = vector.load %arg1[%get3A, %get3A_0] : memref<4096x64xf32, #tpu.memory_space<vmem>>, vector<4096x64xf32>
    %get3A_2 = arith.constant 0 : index
    %get3A_3 = arith.constant 0 : index
    %get3A_4 = vector.load %arg2[%get3A_2, %get3A_3] : memref<4096x3xf32, #tpu.memory_space<vmem>>, vector<4096x3xf32>
    %get3A_5 = arith.constant 0 : index
    %get3A_6 = arith.constant 0 : index
    %get3A_7 = vector.load %arg4[%get3A_5, %get3A_6] : memref<64x64xf32, #tpu.memory_space<vmem>>, vector<64x64xf32>
    %dot_general3A = arith.constant dense<0.000000e+00> : vector<4096x64xf32>
    %dot_general3A_8 = tpu.matmul %get3A_1, %get3A_7, %dot_general3A {dimension_numbers = #tpu.dot_dimension_numbers<[1], [0], [0], [1], [0, 0, 1, 1], [], []>, transpose_lhs_hint = false} : vector<4096x64xf32>, vector<64x64xf32>, vector<4096x64xf32> -> vector<4096x64xf32>
    %slice3A = vector.extract_strided_slice %get3A_4 {offsets = [0, 0], sizes = [4096, 1], strides = [1, 1]} : vector<4096x3xf32> to vector<4096x1xf32>
    %get3A_9 = arith.constant 0 : index
    %get3A_10 = arith.constant 0 : index
    %get3A_11 = vector.load %arg3[%get3A_9, %get3A_10] : memref<3x64xf32, #tpu.memory_space<vmem>>, vector<1x64xf32>
    %mul3A = vector.broadcast %slice3A : vector<4096x1xf32> to vector<4096x64xf32>
    %mul3A_12 = vector.broadcast %get3A_11 : vector<1x64xf32> to vector<4096x64xf32>
    %mul3A_13 = arith.mulf %mul3A, %mul3A_12 : vector<4096x64xf32>
    %add3A = arith.addf %dot_general3A_8, %mul3A_13 : vector<4096x64xf32>
    %slice3A_14 = vector.extract_strided_slice %get3A_4 {offsets = [0, 1], sizes = [4096, 1], strides = [1, 1]} : vector<4096x3xf32> to vector<4096x1xf32>
    %get3A_15 = arith.constant 1 : index
    %get3A_16 = arith.constant 0 : index
    %get3A_17 = vector.load %arg3[%get3A_15, %get3A_16] : memref<3x64xf32, #tpu.memory_space<vmem>>, vector<1x64xf32>
    %mul3A_18 = vector.broadcast %slice3A_14 : vector<4096x1xf32> to vector<4096x64xf32>
    %mul3A_19 = vector.broadcast %get3A_17 : vector<1x64xf32> to vector<4096x64xf32>
    %mul3A_20 = arith.mulf %mul3A_18, %mul3A_19 : vector<4096x64xf32>
    %add3A_21 = arith.addf %add3A, %mul3A_20 : vector<4096x64xf32>
    %slice3A_22 = vector.extract_strided_slice %get3A_4 {offsets = [0, 2], sizes = [4096, 1], strides = [1, 1]} : vector<4096x3xf32> to vector<4096x1xf32>
    %get3A_23 = arith.constant 2 : index
    %get3A_24 = arith.constant 0 : index
    %get3A_25 = vector.load %arg3[%get3A_23, %get3A_24] : memref<3x64xf32, #tpu.memory_space<vmem>>, vector<1x64xf32>
    %mul3A_26 = vector.broadcast %slice3A_22 : vector<4096x1xf32> to vector<4096x64xf32>
    %mul3A_27 = vector.broadcast %get3A_25 : vector<1x64xf32> to vector<4096x64xf32>
    %mul3A_28 = arith.mulf %mul3A_26, %mul3A_27 : vector<4096x64xf32>
    %add3A_29 = arith.addf %add3A_21, %mul3A_28 : vector<4096x64xf32>
    %get3A_30 = arith.constant 0 : index
    %get3A_31 = arith.constant 0 : index
    %get3A_32 = vector.load %arg5[%get3A_30, %get3A_31] : memref<1x64xf32, #tpu.memory_space<vmem>>, vector<1x64xf32>
    %mul3A_33 = vector.broadcast %get3A_32 : vector<1x64xf32> to vector<4096x64xf32>
    %mul3A_34 = arith.mulf %add3A_29, %mul3A_33 : vector<4096x64xf32>
    %get3A_35 = arith.constant 0 : index
    %get3A_36 = arith.constant 0 : index
    %get3A_37 = vector.load %arg6[%get3A_35, %get3A_36] : memref<1x64xf32, #tpu.memory_space<vmem>>, vector<1x64xf32>
    %add3A_38 = vector.broadcast %get3A_37 : vector<1x64xf32> to vector<4096x64xf32>
    %add3A_39 = arith.addf %mul3A_34, %add3A_38 : vector<4096x64xf32>
    %max3A = arith.constant 0.000000e+00 : f32
    %max3A_40 = vector.broadcast %max3A : f32 to vector<4096x64xf32>
    %max3A_41 = arith.maximumf %add3A_39, %max3A_40 : vector<4096x64xf32>
    %get3A_42 = arith.constant 0 : index
    %get3A_43 = arith.constant 0 : index
    %get3A_44 = vector.load %arg7[%get3A_42, %get3A_43] : memref<64x128xf32, #tpu.memory_space<vmem>>, vector<64x128xf32>
    %dot_general3A_45 = arith.constant dense<0.000000e+00> : vector<4096x128xf32>
    %dot_general3A_46 = tpu.matmul %max3A_41, %get3A_44, %dot_general3A_45 {dimension_numbers = #tpu.dot_dimension_numbers<[1], [0], [0], [1], [0, 0, 1, 1], [], []>, transpose_lhs_hint = false} : vector<4096x64xf32>, vector<64x128xf32>, vector<4096x128xf32> -> vector<4096x128xf32>
    %get3A_47 = arith.constant 0 : index
    %get3A_48 = arith.constant 0 : index
    %get3A_49 = vector.load %arg8[%get3A_47, %get3A_48] : memref<1x128xf32, #tpu.memory_space<vmem>>, vector<1x128xf32>
    %mul3A_50 = vector.broadcast %get3A_49 : vector<1x128xf32> to vector<4096x128xf32>
    %mul3A_51 = arith.mulf %dot_general3A_46, %mul3A_50 : vector<4096x128xf32>
    %get3A_52 = arith.constant 0 : index
    %get3A_53 = arith.constant 0 : index
    %get3A_54 = vector.load %arg9[%get3A_52, %get3A_53] : memref<1x128xf32, #tpu.memory_space<vmem>>, vector<1x128xf32>
    %add3A_55 = vector.broadcast %get3A_54 : vector<1x128xf32> to vector<4096x128xf32>
    %add3A_56 = arith.addf %mul3A_51, %add3A_55 : vector<4096x128xf32>
    %max3A_57 = arith.constant 0.000000e+00 : f32
    %max3A_58 = vector.broadcast %max3A_57 : f32 to vector<4096x128xf32>
    %max3A_59 = arith.maximumf %add3A_56, %max3A_58 : vector<4096x128xf32>
    %reshape3A = vector.shape_cast %max3A_59 : vector<4096x128xf32> to vector<128x32x128xf32>
    %reduce_max3A = arith.constant dense<0xFF800000> : vector<128x128xf32>
    %reduce_max3A_60 = vector.multi_reduction <maximumf>, %reshape3A, %reduce_max3A [1] : vector<128x32x128xf32> to vector<128x128xf32>
    %swap3A = arith.constant 0 : index
    %swap3A_61 = arith.constant 0 : index
    %swap3A_62 = vector.load %arg10[%swap3A, %swap3A_61] : memref<128x128xf32, #tpu.memory_space<vmem>>, vector<128x128xf32>
    tpu.vector_store %arg10[%swap3A, %swap3A_61], %reduce_max3A_60 {strides = array<i32>} : memref<128x128xf32, #tpu.memory_space<vmem>>, vector<128x128xf32>,
    return
  }
  func.func @transform_0(%arg0: i32) -> (i32, i32) {
    %c0_i32 = arith.constant 0 : i32
    %c0_i32_0 = arith.constant 0 : i32
    return %arg0, %c0_i32 : i32, i32
  }
  func.func @transform_1(%arg0: i32) -> (i32, i32) {
    %c0_i32 = arith.constant 0 : i32
    %c0_i32_0 = arith.constant 0 : i32
    return %arg0, %c0_i32 : i32, i32
  }
  func.func @transform_2(%arg0: i32) -> (i32, i32) {
    %c0_i32 = arith.constant 0 : i32
    %c0_i32_0 = arith.constant 0 : i32
    %c0_i32_1 = arith.constant 0 : i32
    return %c0_i32, %c0_i32_0 : i32, i32
  }
  func.func @transform_3(%arg0: i32) -> (i32, i32) {
    %c0_i32 = arith.constant 0 : i32
    %c0_i32_0 = arith.constant 0 : i32
    %c0_i32_1 = arith.constant 0 : i32
    return %c0_i32, %c0_i32_0 : i32, i32
  }
  func.func @transform_4(%arg0: i32) -> (i32, i32) {
    %c0_i32 = arith.constant 0 : i32
    %c0_i32_0 = arith.constant 0 : i32
    %c0_i32_1 = arith.constant 0 : i32
    return %c0_i32, %c0_i32_0 : i32, i32
  }
  func.func @transform_5(%arg0: i32) -> (i32, i32) {
    %c0_i32 = arith.constant 0 : i32
    %c0_i32_0 = arith.constant 0 : i32
    %c0_i32_1 = arith.constant 0 : i32
    return %c0_i32, %c0_i32_0 : i32, i32
  }
  func.func @transform_6(%arg0: i32) -> (i32, i32) {
    %c0_i32 = arith.constant 0 : i32
    %c0_i32_0 = arith.constant 0 : i32
    %c0_i32_1 = arith.constant 0 : i32
    return %c0_i32, %c0_i32_0 : i32, i32
  }
  func.func @transform_7(%arg0: i32) -> (i32, i32) {
    %c0_i32 = arith.constant 0 : i32
    %c0_i32_0 = arith.constant 0 : i32
    %c0_i32_1 = arith.constant 0 : i32
    return %c0_i32, %c0_i32_0 : i32, i32
  }
  func.func @transform_8(%arg0: i32) -> (i32, i32) {
    %c0_i32 = arith.constant 0 : i32
    %c0_i32_0 = arith.constant 0 : i32
    %c0_i32_1 = arith.constant 0 : i32
    return %c0_i32, %c0_i32_0 : i32, i32
  }
  func.func @transform_9(%arg0: i32) -> (i32, i32) {
    %c0_i32 = arith.constant 0 : i32
    %c0_i32_0 = arith.constant 0 : i32
    return %arg0, %c0_i32 : i32, i32
  }
}

module attributes {stable_mosaic.version = 14 : i64} {
  func.func @_p1_kernel(%arg0: i32, %arg1: memref<4096x64xf32, #tpu.memory_space<vmem>>, %arg2: memref<4096x3xf32, #tpu.memory_space<vmem>>, %arg3: memref<3x64xf32, #tpu.memory_space<vmem>>, %arg4: memref<64x64xf32, #tpu.memory_space<vmem>>, %arg5: memref<2x64xf32, #tpu.memory_space<vmem>>) attributes {dimension_semantics = [#tpu.dimension_semantics<arbitrary>], iteration_bounds = array<i64: 64>, scalar_prefetch = 0 : i64, scratch_operands = 0 : i64, tpu.core_type = #tpu.core_type<tc>, window_params = [{transform_indices = @transform_0, window_bounds = array<i64: 4096, 64>}, {transform_indices = @transform_1, window_bounds = array<i64: 4096, 3>}, {pipeline_mode = #tpu.pipeline_mode<synchronous>, transform_indices = @transform_2, window_bounds = array<i64: 3, 64>}, {pipeline_mode = #tpu.pipeline_mode<synchronous>, transform_indices = @transform_3, window_bounds = array<i64: 64, 64>}, {pipeline_mode = #tpu.pipeline_mode<synchronous>, transform_indices = @transform_4, window_bounds = array<i64: 2, 64>}]} {
    %get3A = arith.constant 0 : index
    %get3A_0 = arith.constant 0 : index
    %get3A_1 = vector.load %arg1[%get3A, %get3A_0] : memref<4096x64xf32, #tpu.memory_space<vmem>>, vector<4096x64xf32>
    %get3A_2 = arith.constant 0 : index
    %get3A_3 = arith.constant 0 : index
    %get3A_4 = vector.load %arg2[%get3A_2, %get3A_3] : memref<4096x3xf32, #tpu.memory_space<vmem>>, vector<4096x3xf32>
    %get3A_5 = arith.constant 0 : index
    %get3A_6 = arith.constant 0 : index
    %get3A_7 = vector.load %arg4[%get3A_5, %get3A_6] : memref<64x64xf32, #tpu.memory_space<vmem>>, vector<64x64xf32>
    %dot_general3A = arith.constant dense<0.000000e+00> : vector<4096x64xf32>
    %dot_general3A_8 = tpu.matmul %get3A_1, %get3A_7, %dot_general3A {dimension_numbers = #tpu.dot_dimension_numbers<[1], [0], [0], [1], [0, 0, 1, 1], [], []>, transpose_lhs_hint = false} : vector<4096x64xf32>, vector<64x64xf32>, vector<4096x64xf32> -> vector<4096x64xf32>
    %slice3A = vector.extract_strided_slice %get3A_4 {offsets = [0, 0], sizes = [4096, 1], strides = [1, 1]} : vector<4096x3xf32> to vector<4096x1xf32>
    %get3A_9 = arith.constant 0 : index
    %get3A_10 = arith.constant 0 : index
    %get3A_11 = vector.load %arg3[%get3A_9, %get3A_10] : memref<3x64xf32, #tpu.memory_space<vmem>>, vector<1x64xf32>
    %mul3A = vector.broadcast %slice3A : vector<4096x1xf32> to vector<4096x64xf32>
    %mul3A_12 = vector.broadcast %get3A_11 : vector<1x64xf32> to vector<4096x64xf32>
    %mul3A_13 = arith.mulf %mul3A, %mul3A_12 : vector<4096x64xf32>
    %add3A = arith.addf %dot_general3A_8, %mul3A_13 : vector<4096x64xf32>
    %slice3A_14 = vector.extract_strided_slice %get3A_4 {offsets = [0, 1], sizes = [4096, 1], strides = [1, 1]} : vector<4096x3xf32> to vector<4096x1xf32>
    %get3A_15 = arith.constant 1 : index
    %get3A_16 = arith.constant 0 : index
    %get3A_17 = vector.load %arg3[%get3A_15, %get3A_16] : memref<3x64xf32, #tpu.memory_space<vmem>>, vector<1x64xf32>
    %mul3A_18 = vector.broadcast %slice3A_14 : vector<4096x1xf32> to vector<4096x64xf32>
    %mul3A_19 = vector.broadcast %get3A_17 : vector<1x64xf32> to vector<4096x64xf32>
    %mul3A_20 = arith.mulf %mul3A_18, %mul3A_19 : vector<4096x64xf32>
    %add3A_21 = arith.addf %add3A, %mul3A_20 : vector<4096x64xf32>
    %slice3A_22 = vector.extract_strided_slice %get3A_4 {offsets = [0, 2], sizes = [4096, 1], strides = [1, 1]} : vector<4096x3xf32> to vector<4096x1xf32>
    %get3A_23 = arith.constant 2 : index
    %get3A_24 = arith.constant 0 : index
    %get3A_25 = vector.load %arg3[%get3A_23, %get3A_24] : memref<3x64xf32, #tpu.memory_space<vmem>>, vector<1x64xf32>
    %mul3A_26 = vector.broadcast %slice3A_22 : vector<4096x1xf32> to vector<4096x64xf32>
    %mul3A_27 = vector.broadcast %get3A_25 : vector<1x64xf32> to vector<4096x64xf32>
    %mul3A_28 = arith.mulf %mul3A_26, %mul3A_27 : vector<4096x64xf32>
    %add3A_29 = arith.addf %add3A_21, %mul3A_28 : vector<4096x64xf32>
    %reduce_sum3A = arith.constant dense<0.000000e+00> : vector<64xf32>
    %reduce_sum3A_30 = vector.multi_reduction <add>, %add3A_29, %reduce_sum3A [0] : vector<4096x64xf32> to vector<64xf32>
    %broadcast_in_dim3A = vector.shape_cast %reduce_sum3A_30 : vector<64xf32> to vector<1x64xf32>
    %div3A = arith.constant 4.096000e+03 : f32
    %div3A_31 = vector.broadcast %div3A : f32 to vector<1x64xf32>
    %div3A_32 = arith.divf %broadcast_in_dim3A, %div3A_31 : vector<1x64xf32>
    %sub3A = vector.broadcast %div3A_32 : vector<1x64xf32> to vector<4096x64xf32>
    %sub3A_33 = arith.subf %add3A_29, %sub3A : vector<4096x64xf32>
    %integer_pow3A = arith.mulf %sub3A_33, %sub3A_33 : vector<4096x64xf32>
    %reduce_sum3A_34 = arith.constant dense<0.000000e+00> : vector<64xf32>
    %reduce_sum3A_35 = vector.multi_reduction <add>, %integer_pow3A, %reduce_sum3A_34 [0] : vector<4096x64xf32> to vector<64xf32>
    %broadcast_in_dim3A_36 = vector.shape_cast %reduce_sum3A_35 : vector<64xf32> to vector<1x64xf32>
    %eq3A = arith.constant 0 : i32
    %eq3A_37 = arith.cmpi eq, %arg0, %eq3A : i32
    %convert_element_type3A = arith.extui %eq3A_37 : i1 to i32
    %cond3A = arith.constant 0 : i32
    %cond3A_38 = arith.cmpi ne, %convert_element_type3A, %cond3A : i32
    scf.if %cond3A_38 {
      %swap3A = arith.constant 0 : index
      %swap3A_43 = arith.constant 0 : index
      %swap3A_44 = vector.load %arg5[%swap3A, %swap3A_43] : memref<2x64xf32, #tpu.memory_space<vmem>>, vector<1x64xf32>
      tpu.vector_store %arg5[%swap3A, %swap3A_43], %div3A_32 {strides = array<i32>} : memref<2x64xf32, #tpu.memory_space<vmem>>, vector<1x64xf32>,
      %swap3A_45 = arith.constant 1 : index
      %swap3A_46 = arith.constant 0 : index
      %swap3A_47 = vector.load %arg5[%swap3A_45, %swap3A_46] : memref<2x64xf32, #tpu.memory_space<vmem>>, vector<1x64xf32>
      tpu.vector_store %arg5[%swap3A_45, %swap3A_46], %broadcast_in_dim3A_36 {strides = array<i32>} : memref<2x64xf32, #tpu.memory_space<vmem>>, vector<1x64xf32>,
    } else {
    }
    %gt3A = arith.constant 0 : i32
    %gt3A_39 = arith.cmpi sgt, %arg0, %gt3A : i32
    %convert_element_type3A_40 = arith.extui %gt3A_39 : i1 to i32
    %cond3A_41 = arith.constant 0 : i32
    %cond3A_42 = arith.cmpi ne, %convert_element_type3A_40, %cond3A_41 : i32
    scf.if %cond3A_42 {
      %convert_element_type3A_43 = arith.sitofp %arg0 : i32 to f32
      %mul3A_44 = arith.constant 4.096000e+03 : f32
      %mul3A_45 = arith.mulf %convert_element_type3A_43, %mul3A_44 : f32
      %add3A_46 = arith.constant 4.096000e+03 : f32
      %add3A_47 = arith.addf %mul3A_45, %add3A_46 : f32
      %get3A_48 = arith.constant 0 : index
      %get3A_49 = arith.constant 0 : index
      %get3A_50 = vector.load %arg5[%get3A_48, %get3A_49] : memref<2x64xf32, #tpu.memory_space<vmem>>, vector<1x64xf32>
      %sub3A_51 = arith.subf %div3A_32, %get3A_50 : vector<1x64xf32>
      %div3A_52 = arith.constant 4.096000e+03 : f32
      %div3A_53 = arith.divf %div3A_52, %add3A_47 : f32
      %mul3A_54 = vector.broadcast %div3A_53 : f32 to vector<1x64xf32>
      %mul3A_55 = arith.mulf %sub3A_51, %mul3A_54 : vector<1x64xf32>
      %add3A_56 = arith.addf %get3A_50, %mul3A_55 : vector<1x64xf32>
      %swap3A = arith.constant 0 : index
      %swap3A_57 = arith.constant 0 : index
      %swap3A_58 = vector.load %arg5[%swap3A, %swap3A_57] : memref<2x64xf32, #tpu.memory_space<vmem>>, vector<1x64xf32>
      tpu.vector_store %arg5[%swap3A, %swap3A_57], %add3A_56 {strides = array<i32>} : memref<2x64xf32, #tpu.memory_space<vmem>>, vector<1x64xf32>,
      %get3A_59 = arith.constant 1 : index
      %get3A_60 = arith.constant 0 : index
      %get3A_61 = vector.load %arg5[%get3A_59, %get3A_60] : memref<2x64xf32, #tpu.memory_space<vmem>>, vector<1x64xf32>
      %mul3A_62 = arith.mulf %sub3A_51, %sub3A_51 : vector<1x64xf32>
      %mul3A_63 = arith.constant 4.096000e+03 : f32
      %mul3A_64 = arith.mulf %mul3A_45, %mul3A_63 : f32
      %div3A_65 = arith.divf %mul3A_64, %add3A_47 : f32
      %mul3A_66 = vector.broadcast %div3A_65 : f32 to vector<1x64xf32>
      %mul3A_67 = arith.mulf %mul3A_62, %mul3A_66 : vector<1x64xf32>
      %add3A_68 = arith.addf %broadcast_in_dim3A_36, %mul3A_67 : vector<1x64xf32>
      %add3A_69 = arith.addf %get3A_61, %add3A_68 : vector<1x64xf32>
      %swap3A_70 = arith.constant 1 : index
      %swap3A_71 = arith.constant 0 : index
      %swap3A_72 = vector.load %arg5[%swap3A_70, %swap3A_71] : memref<2x64xf32, #tpu.memory_space<vmem>>, vector<1x64xf32>
      tpu.vector_store %arg5[%swap3A_70, %swap3A_71], %add3A_69 {strides = array<i32>} : memref<2x64xf32, #tpu.memory_space<vmem>>, vector<1x64xf32>,
    } else {
    }
    return
  }
  func.func @transform_0(%arg0: i32) -> (i32, i32) {
    %c0_i32 = arith.constant 0 : i32
    %c0_i32_0 = arith.constant 0 : i32
    return %arg0, %c0_i32 : i32, i32
  }
  func.func @transform_1(%arg0: i32) -> (i32, i32) {
    %c0_i32 = arith.constant 0 : i32
    %c0_i32_0 = arith.constant 0 : i32
    return %arg0, %c0_i32 : i32, i32
  }
  func.func @transform_2(%arg0: i32) -> (i32, i32) {
    %c0_i32 = arith.constant 0 : i32
    %c0_i32_0 = arith.constant 0 : i32
    %c0_i32_1 = arith.constant 0 : i32
    return %c0_i32, %c0_i32_0 : i32, i32
  }
  func.func @transform_3(%arg0: i32) -> (i32, i32) {
    %c0_i32 = arith.constant 0 : i32
    %c0_i32_0 = arith.constant 0 : i32
    %c0_i32_1 = arith.constant 0 : i32
    return %c0_i32, %c0_i32_0 : i32, i32
  }
  func.func @transform_4(%arg0: i32) -> (i32, i32) {
    %c0_i32 = arith.constant 0 : i32
    %c0_i32_0 = arith.constant 0 : i32
    %c0_i32_1 = arith.constant 0 : i32
    return %c0_i32, %c0_i32_0 : i32, i32
  }
}

module attributes {stable_mosaic.version = 14 : i64} {
  func.func @_p2_kernel(%arg0: i32, %arg1: memref<4096x64xf32, #tpu.memory_space<vmem>>, %arg2: memref<4096x3xf32, #tpu.memory_space<vmem>>, %arg3: memref<3x64xf32, #tpu.memory_space<vmem>>, %arg4: memref<64x64xf32, #tpu.memory_space<vmem>>, %arg5: memref<1x64xf32, #tpu.memory_space<vmem>>, %arg6: memref<1x64xf32, #tpu.memory_space<vmem>>, %arg7: memref<64x128xf32, #tpu.memory_space<vmem>>, %arg8: memref<2x128xf32, #tpu.memory_space<vmem>>) attributes {dimension_semantics = [#tpu.dimension_semantics<arbitrary>], iteration_bounds = array<i64: 64>, scalar_prefetch = 0 : i64, scratch_operands = 0 : i64, tpu.core_type = #tpu.core_type<tc>, window_params = [{transform_indices = @transform_0, window_bounds = array<i64: 4096, 64>}, {transform_indices = @transform_1, window_bounds = array<i64: 4096, 3>}, {pipeline_mode = #tpu.pipeline_mode<synchronous>, transform_indices = @transform_2, window_bounds = array<i64: 3, 64>}, {pipeline_mode = #tpu.pipeline_mode<synchronous>, transform_indices = @transform_3, window_bounds = array<i64: 64, 64>}, {pipeline_mode = #tpu.pipeline_mode<synchronous>, transform_indices = @transform_4, window_bounds = array<i64: 1, 64>}, {pipeline_mode = #tpu.pipeline_mode<synchronous>, transform_indices = @transform_5, window_bounds = array<i64: 1, 64>}, {pipeline_mode = #tpu.pipeline_mode<synchronous>, transform_indices = @transform_6, window_bounds = array<i64: 64, 128>}, {pipeline_mode = #tpu.pipeline_mode<synchronous>, transform_indices = @transform_7, window_bounds = array<i64: 2, 128>}]} {
    %get3A = arith.constant 0 : index
    %get3A_0 = arith.constant 0 : index
    %get3A_1 = vector.load %arg1[%get3A, %get3A_0] : memref<4096x64xf32, #tpu.memory_space<vmem>>, vector<4096x64xf32>
    %get3A_2 = arith.constant 0 : index
    %get3A_3 = arith.constant 0 : index
    %get3A_4 = vector.load %arg2[%get3A_2, %get3A_3] : memref<4096x3xf32, #tpu.memory_space<vmem>>, vector<4096x3xf32>
    %get3A_5 = arith.constant 0 : index
    %get3A_6 = arith.constant 0 : index
    %get3A_7 = vector.load %arg4[%get3A_5, %get3A_6] : memref<64x64xf32, #tpu.memory_space<vmem>>, vector<64x64xf32>
    %dot_general3A = arith.constant dense<0.000000e+00> : vector<4096x64xf32>
    %dot_general3A_8 = tpu.matmul %get3A_1, %get3A_7, %dot_general3A {dimension_numbers = #tpu.dot_dimension_numbers<[1], [0], [0], [1], [0, 0, 1, 1], [], []>, transpose_lhs_hint = false} : vector<4096x64xf32>, vector<64x64xf32>, vector<4096x64xf32> -> vector<4096x64xf32>
    %slice3A = vector.extract_strided_slice %get3A_4 {offsets = [0, 0], sizes = [4096, 1], strides = [1, 1]} : vector<4096x3xf32> to vector<4096x1xf32>
    %get3A_9 = arith.constant 0 : index
    %get3A_10 = arith.constant 0 : index
    %get3A_11 = vector.load %arg3[%get3A_9, %get3A_10] : memref<3x64xf32, #tpu.memory_space<vmem>>, vector<1x64xf32>
    %mul3A = vector.broadcast %slice3A : vector<4096x1xf32> to vector<4096x64xf32>
    %mul3A_12 = vector.broadcast %get3A_11 : vector<1x64xf32> to vector<4096x64xf32>
    %mul3A_13 = arith.mulf %mul3A, %mul3A_12 : vector<4096x64xf32>
    %add3A = arith.addf %dot_general3A_8, %mul3A_13 : vector<4096x64xf32>
    %slice3A_14 = vector.extract_strided_slice %get3A_4 {offsets = [0, 1], sizes = [4096, 1], strides = [1, 1]} : vector<4096x3xf32> to vector<4096x1xf32>
    %get3A_15 = arith.constant 1 : index
    %get3A_16 = arith.constant 0 : index
    %get3A_17 = vector.load %arg3[%get3A_15, %get3A_16] : memref<3x64xf32, #tpu.memory_space<vmem>>, vector<1x64xf32>
    %mul3A_18 = vector.broadcast %slice3A_14 : vector<4096x1xf32> to vector<4096x64xf32>
    %mul3A_19 = vector.broadcast %get3A_17 : vector<1x64xf32> to vector<4096x64xf32>
    %mul3A_20 = arith.mulf %mul3A_18, %mul3A_19 : vector<4096x64xf32>
    %add3A_21 = arith.addf %add3A, %mul3A_20 : vector<4096x64xf32>
    %slice3A_22 = vector.extract_strided_slice %get3A_4 {offsets = [0, 2], sizes = [4096, 1], strides = [1, 1]} : vector<4096x3xf32> to vector<4096x1xf32>
    %get3A_23 = arith.constant 2 : index
    %get3A_24 = arith.constant 0 : index
    %get3A_25 = vector.load %arg3[%get3A_23, %get3A_24] : memref<3x64xf32, #tpu.memory_space<vmem>>, vector<1x64xf32>
    %mul3A_26 = vector.broadcast %slice3A_22 : vector<4096x1xf32> to vector<4096x64xf32>
    %mul3A_27 = vector.broadcast %get3A_25 : vector<1x64xf32> to vector<4096x64xf32>
    %mul3A_28 = arith.mulf %mul3A_26, %mul3A_27 : vector<4096x64xf32>
    %add3A_29 = arith.addf %add3A_21, %mul3A_28 : vector<4096x64xf32>
    %get3A_30 = arith.constant 0 : index
    %get3A_31 = arith.constant 0 : index
    %get3A_32 = vector.load %arg5[%get3A_30, %get3A_31] : memref<1x64xf32, #tpu.memory_space<vmem>>, vector<1x64xf32>
    %mul3A_33 = vector.broadcast %get3A_32 : vector<1x64xf32> to vector<4096x64xf32>
    %mul3A_34 = arith.mulf %add3A_29, %mul3A_33 : vector<4096x64xf32>
    %get3A_35 = arith.constant 0 : index
    %get3A_36 = arith.constant 0 : index
    %get3A_37 = vector.load %arg6[%get3A_35, %get3A_36] : memref<1x64xf32, #tpu.memory_space<vmem>>, vector<1x64xf32>
    %add3A_38 = vector.broadcast %get3A_37 : vector<1x64xf32> to vector<4096x64xf32>
    %add3A_39 = arith.addf %mul3A_34, %add3A_38 : vector<4096x64xf32>
    %max3A = arith.constant 0.000000e+00 : f32
    %max3A_40 = vector.broadcast %max3A : f32 to vector<4096x64xf32>
    %max3A_41 = arith.maximumf %add3A_39, %max3A_40 : vector<4096x64xf32>
    %get3A_42 = arith.constant 0 : index
    %get3A_43 = arith.constant 0 : index
    %get3A_44 = vector.load %arg7[%get3A_42, %get3A_43] : memref<64x128xf32, #tpu.memory_space<vmem>>, vector<64x128xf32>
    %dot_general3A_45 = arith.constant dense<0.000000e+00> : vector<4096x128xf32>
    %dot_general3A_46 = tpu.matmul %max3A_41, %get3A_44, %dot_general3A_45 {dimension_numbers = #tpu.dot_dimension_numbers<[1], [0], [0], [1], [0, 0, 1, 1], [], []>, transpose_lhs_hint = false} : vector<4096x64xf32>, vector<64x128xf32>, vector<4096x128xf32> -> vector<4096x128xf32>
    %reduce_sum3A = arith.constant dense<0.000000e+00> : vector<128xf32>
    %reduce_sum3A_47 = vector.multi_reduction <add>, %dot_general3A_46, %reduce_sum3A [0] : vector<4096x128xf32> to vector<128xf32>
    %broadcast_in_dim3A = vector.shape_cast %reduce_sum3A_47 : vector<128xf32> to vector<1x128xf32>
    %div3A = arith.constant 4.096000e+03 : f32
    %div3A_48 = vector.broadcast %div3A : f32 to vector<1x128xf32>
    %div3A_49 = arith.divf %broadcast_in_dim3A, %div3A_48 : vector<1x128xf32>
    %sub3A = vector.broadcast %div3A_49 : vector<1x128xf32> to vector<4096x128xf32>
    %sub3A_50 = arith.subf %dot_general3A_46, %sub3A : vector<4096x128xf32>
    %integer_pow3A = arith.mulf %sub3A_50, %sub3A_50 : vector<4096x128xf32>
    %reduce_sum3A_51 = arith.constant dense<0.000000e+00> : vector<128xf32>
    %reduce_sum3A_52 = vector.multi_reduction <add>, %integer_pow3A, %reduce_sum3A_51 [0] : vector<4096x128xf32> to vector<128xf32>
    %broadcast_in_dim3A_53 = vector.shape_cast %reduce_sum3A_52 : vector<128xf32> to vector<1x128xf32>
    %eq3A = arith.constant 0 : i32
    %eq3A_54 = arith.cmpi eq, %arg0, %eq3A : i32
    %convert_element_type3A = arith.extui %eq3A_54 : i1 to i32
    %cond3A = arith.constant 0 : i32
    %cond3A_55 = arith.cmpi ne, %convert_element_type3A, %cond3A : i32
    scf.if %cond3A_55 {
      %swap3A = arith.constant 0 : index
      %swap3A_60 = arith.constant 0 : index
      %swap3A_61 = vector.load %arg8[%swap3A, %swap3A_60] : memref<2x128xf32, #tpu.memory_space<vmem>>, vector<1x128xf32>
      tpu.vector_store %arg8[%swap3A, %swap3A_60], %div3A_49 {strides = array<i32>} : memref<2x128xf32, #tpu.memory_space<vmem>>, vector<1x128xf32>,
      %swap3A_62 = arith.constant 1 : index
      %swap3A_63 = arith.constant 0 : index
      %swap3A_64 = vector.load %arg8[%swap3A_62, %swap3A_63] : memref<2x128xf32, #tpu.memory_space<vmem>>, vector<1x128xf32>
      tpu.vector_store %arg8[%swap3A_62, %swap3A_63], %broadcast_in_dim3A_53 {strides = array<i32>} : memref<2x128xf32, #tpu.memory_space<vmem>>, vector<1x128xf32>,
    } else {
    }
    %gt3A = arith.constant 0 : i32
    %gt3A_56 = arith.cmpi sgt, %arg0, %gt3A : i32
    %convert_element_type3A_57 = arith.extui %gt3A_56 : i1 to i32
    %cond3A_58 = arith.constant 0 : i32
    %cond3A_59 = arith.cmpi ne, %convert_element_type3A_57, %cond3A_58 : i32
    scf.if %cond3A_59 {
      %convert_element_type3A_60 = arith.sitofp %arg0 : i32 to f32
      %mul3A_61 = arith.constant 4.096000e+03 : f32
      %mul3A_62 = arith.mulf %convert_element_type3A_60, %mul3A_61 : f32
      %add3A_63 = arith.constant 4.096000e+03 : f32
      %add3A_64 = arith.addf %mul3A_62, %add3A_63 : f32
      %get3A_65 = arith.constant 0 : index
      %get3A_66 = arith.constant 0 : index
      %get3A_67 = vector.load %arg8[%get3A_65, %get3A_66] : memref<2x128xf32, #tpu.memory_space<vmem>>, vector<1x128xf32>
      %sub3A_68 = arith.subf %div3A_49, %get3A_67 : vector<1x128xf32>
      %div3A_69 = arith.constant 4.096000e+03 : f32
      %div3A_70 = arith.divf %div3A_69, %add3A_64 : f32
      %mul3A_71 = vector.broadcast %div3A_70 : f32 to vector<1x128xf32>
      %mul3A_72 = arith.mulf %sub3A_68, %mul3A_71 : vector<1x128xf32>
      %add3A_73 = arith.addf %get3A_67, %mul3A_72 : vector<1x128xf32>
      %swap3A = arith.constant 0 : index
      %swap3A_74 = arith.constant 0 : index
      %swap3A_75 = vector.load %arg8[%swap3A, %swap3A_74] : memref<2x128xf32, #tpu.memory_space<vmem>>, vector<1x128xf32>
      tpu.vector_store %arg8[%swap3A, %swap3A_74], %add3A_73 {strides = array<i32>} : memref<2x128xf32, #tpu.memory_space<vmem>>, vector<1x128xf32>,
      %get3A_76 = arith.constant 1 : index
      %get3A_77 = arith.constant 0 : index
      %get3A_78 = vector.load %arg8[%get3A_76, %get3A_77] : memref<2x128xf32, #tpu.memory_space<vmem>>, vector<1x128xf32>
      %mul3A_79 = arith.mulf %sub3A_68, %sub3A_68 : vector<1x128xf32>
      %mul3A_80 = arith.constant 4.096000e+03 : f32
      %mul3A_81 = arith.mulf %mul3A_62, %mul3A_80 : f32
      %div3A_82 = arith.divf %mul3A_81, %add3A_64 : f32
      %mul3A_83 = vector.broadcast %div3A_82 : f32 to vector<1x128xf32>
      %mul3A_84 = arith.mulf %mul3A_79, %mul3A_83 : vector<1x128xf32>
      %add3A_85 = arith.addf %broadcast_in_dim3A_53, %mul3A_84 : vector<1x128xf32>
      %add3A_86 = arith.addf %get3A_78, %add3A_85 : vector<1x128xf32>
      %swap3A_87 = arith.constant 1 : index
      %swap3A_88 = arith.constant 0 : index
      %swap3A_89 = vector.load %arg8[%swap3A_87, %swap3A_88] : memref<2x128xf32, #tpu.memory_space<vmem>>, vector<1x128xf32>
      tpu.vector_store %arg8[%swap3A_87, %swap3A_88], %add3A_86 {strides = array<i32>} : memref<2x128xf32, #tpu.memory_space<vmem>>, vector<1x128xf32>,
    } else {
    }
    return
  }
  func.func @transform_0(%arg0: i32) -> (i32, i32) {
    %c0_i32 = arith.constant 0 : i32
    %c0_i32_0 = arith.constant 0 : i32
    return %arg0, %c0_i32 : i32, i32
  }
  func.func @transform_1(%arg0: i32) -> (i32, i32) {
    %c0_i32 = arith.constant 0 : i32
    %c0_i32_0 = arith.constant 0 : i32
    return %arg0, %c0_i32 : i32, i32
  }
  func.func @transform_2(%arg0: i32) -> (i32, i32) {
    %c0_i32 = arith.constant 0 : i32
    %c0_i32_0 = arith.constant 0 : i32
    %c0_i32_1 = arith.constant 0 : i32
    return %c0_i32, %c0_i32_0 : i32, i32
  }
  func.func @transform_3(%arg0: i32) -> (i32, i32) {
    %c0_i32 = arith.constant 0 : i32
    %c0_i32_0 = arith.constant 0 : i32
    %c0_i32_1 = arith.constant 0 : i32
    return %c0_i32, %c0_i32_0 : i32, i32
  }
  func.func @transform_4(%arg0: i32) -> (i32, i32) {
    %c0_i32 = arith.constant 0 : i32
    %c0_i32_0 = arith.constant 0 : i32
    %c0_i32_1 = arith.constant 0 : i32
    return %c0_i32, %c0_i32_0 : i32, i32
  }
  func.func @transform_5(%arg0: i32) -> (i32, i32) {
    %c0_i32 = arith.constant 0 : i32
    %c0_i32_0 = arith.constant 0 : i32
    %c0_i32_1 = arith.constant 0 : i32
    return %c0_i32, %c0_i32_0 : i32, i32
  }
  func.func @transform_6(%arg0: i32) -> (i32, i32) {
    %c0_i32 = arith.constant 0 : i32
    %c0_i32_0 = arith.constant 0 : i32
    %c0_i32_1 = arith.constant 0 : i32
    return %c0_i32, %c0_i32_0 : i32, i32
  }
  func.func @transform_7(%arg0: i32) -> (i32, i32) {
    %c0_i32 = arith.constant 0 : i32
    %c0_i32_0 = arith.constant 0 : i32
    %c0_i32_1 = arith.constant 0 : i32
    return %c0_i32, %c0_i32_0 : i32, i32
  }
}

module attributes {stable_mosaic.version = 14 : i64} {
  func.func @_p3_kernel(%arg0: i32, %arg1: memref<4096x64xf32, #tpu.memory_space<vmem>>, %arg2: memref<4096x3xf32, #tpu.memory_space<vmem>>, %arg3: memref<3x64xf32, #tpu.memory_space<vmem>>, %arg4: memref<64x64xf32, #tpu.memory_space<vmem>>, %arg5: memref<1x64xf32, #tpu.memory_space<vmem>>, %arg6: memref<1x64xf32, #tpu.memory_space<vmem>>, %arg7: memref<64x128xf32, #tpu.memory_space<vmem>>, %arg8: memref<1x128xf32, #tpu.memory_space<vmem>>, %arg9: memref<1x128xf32, #tpu.memory_space<vmem>>, %arg10: memref<64x128xf32, #tpu.memory_space<vmem>>) attributes {dimension_semantics = [#tpu.dimension_semantics<arbitrary>], iteration_bounds = array<i64: 64>, scalar_prefetch = 0 : i64, scratch_operands = 0 : i64, tpu.core_type = #tpu.core_type<tc>, window_params = [{transform_indices = @transform_0, window_bounds = array<i64: 4096, 64>}, {transform_indices = @transform_1, window_bounds = array<i64: 4096, 3>}, {pipeline_mode = #tpu.pipeline_mode<synchronous>, transform_indices = @transform_2, window_bounds = array<i64: 3, 64>}, {pipeline_mode = #tpu.pipeline_mode<synchronous>, transform_indices = @transform_3, window_bounds = array<i64: 64, 64>}, {pipeline_mode = #tpu.pipeline_mode<synchronous>, transform_indices = @transform_4, window_bounds = array<i64: 1, 64>}, {pipeline_mode = #tpu.pipeline_mode<synchronous>, transform_indices = @transform_5, window_bounds = array<i64: 1, 64>}, {pipeline_mode = #tpu.pipeline_mode<synchronous>, transform_indices = @transform_6, window_bounds = array<i64: 64, 128>}, {pipeline_mode = #tpu.pipeline_mode<synchronous>, transform_indices = @transform_7, window_bounds = array<i64: 1, 128>}, {pipeline_mode = #tpu.pipeline_mode<synchronous>, transform_indices = @transform_8, window_bounds = array<i64: 1, 128>}, {transform_indices = @transform_9, window_bounds = array<i64: 64, 128>}]} {
    %get3A = arith.constant 0 : index
    %get3A_0 = arith.constant 0 : index
    %get3A_1 = vector.load %arg1[%get3A, %get3A_0] : memref<4096x64xf32, #tpu.memory_space<vmem>>, vector<4096x64xf32>
    %get3A_2 = arith.constant 0 : index
    %get3A_3 = arith.constant 0 : index
    %get3A_4 = vector.load %arg2[%get3A_2, %get3A_3] : memref<4096x3xf32, #tpu.memory_space<vmem>>, vector<4096x3xf32>
    %get3A_5 = arith.constant 0 : index
    %get3A_6 = arith.constant 0 : index
    %get3A_7 = vector.load %arg4[%get3A_5, %get3A_6] : memref<64x64xf32, #tpu.memory_space<vmem>>, vector<64x64xf32>
    %dot_general3A = arith.constant dense<0.000000e+00> : vector<4096x64xf32>
    %dot_general3A_8 = tpu.matmul %get3A_1, %get3A_7, %dot_general3A {dimension_numbers = #tpu.dot_dimension_numbers<[1], [0], [0], [1], [0, 0, 1, 1], [], []>, transpose_lhs_hint = false} : vector<4096x64xf32>, vector<64x64xf32>, vector<4096x64xf32> -> vector<4096x64xf32>
    %slice3A = vector.extract_strided_slice %get3A_4 {offsets = [0, 0], sizes = [4096, 1], strides = [1, 1]} : vector<4096x3xf32> to vector<4096x1xf32>
    %get3A_9 = arith.constant 0 : index
    %get3A_10 = arith.constant 0 : index
    %get3A_11 = vector.load %arg3[%get3A_9, %get3A_10] : memref<3x64xf32, #tpu.memory_space<vmem>>, vector<1x64xf32>
    %mul3A = vector.broadcast %slice3A : vector<4096x1xf32> to vector<4096x64xf32>
    %mul3A_12 = vector.broadcast %get3A_11 : vector<1x64xf32> to vector<4096x64xf32>
    %mul3A_13 = arith.mulf %mul3A, %mul3A_12 : vector<4096x64xf32>
    %add3A = arith.addf %dot_general3A_8, %mul3A_13 : vector<4096x64xf32>
    %slice3A_14 = vector.extract_strided_slice %get3A_4 {offsets = [0, 1], sizes = [4096, 1], strides = [1, 1]} : vector<4096x3xf32> to vector<4096x1xf32>
    %get3A_15 = arith.constant 1 : index
    %get3A_16 = arith.constant 0 : index
    %get3A_17 = vector.load %arg3[%get3A_15, %get3A_16] : memref<3x64xf32, #tpu.memory_space<vmem>>, vector<1x64xf32>
    %mul3A_18 = vector.broadcast %slice3A_14 : vector<4096x1xf32> to vector<4096x64xf32>
    %mul3A_19 = vector.broadcast %get3A_17 : vector<1x64xf32> to vector<4096x64xf32>
    %mul3A_20 = arith.mulf %mul3A_18, %mul3A_19 : vector<4096x64xf32>
    %add3A_21 = arith.addf %add3A, %mul3A_20 : vector<4096x64xf32>
    %slice3A_22 = vector.extract_strided_slice %get3A_4 {offsets = [0, 2], sizes = [4096, 1], strides = [1, 1]} : vector<4096x3xf32> to vector<4096x1xf32>
    %get3A_23 = arith.constant 2 : index
    %get3A_24 = arith.constant 0 : index
    %get3A_25 = vector.load %arg3[%get3A_23, %get3A_24] : memref<3x64xf32, #tpu.memory_space<vmem>>, vector<1x64xf32>
    %mul3A_26 = vector.broadcast %slice3A_22 : vector<4096x1xf32> to vector<4096x64xf32>
    %mul3A_27 = vector.broadcast %get3A_25 : vector<1x64xf32> to vector<4096x64xf32>
    %mul3A_28 = arith.mulf %mul3A_26, %mul3A_27 : vector<4096x64xf32>
    %add3A_29 = arith.addf %add3A_21, %mul3A_28 : vector<4096x64xf32>
    %get3A_30 = arith.constant 0 : index
    %get3A_31 = arith.constant 0 : index
    %get3A_32 = vector.load %arg5[%get3A_30, %get3A_31] : memref<1x64xf32, #tpu.memory_space<vmem>>, vector<1x64xf32>
    %mul3A_33 = vector.broadcast %get3A_32 : vector<1x64xf32> to vector<4096x64xf32>
    %mul3A_34 = arith.mulf %add3A_29, %mul3A_33 : vector<4096x64xf32>
    %get3A_35 = arith.constant 0 : index
    %get3A_36 = arith.constant 0 : index
    %get3A_37 = vector.load %arg6[%get3A_35, %get3A_36] : memref<1x64xf32, #tpu.memory_space<vmem>>, vector<1x64xf32>
    %add3A_38 = vector.broadcast %get3A_37 : vector<1x64xf32> to vector<4096x64xf32>
    %add3A_39 = arith.addf %mul3A_34, %add3A_38 : vector<4096x64xf32>
    %max3A = arith.constant 0.000000e+00 : f32
    %max3A_40 = vector.broadcast %max3A : f32 to vector<4096x64xf32>
    %max3A_41 = arith.maximumf %add3A_39, %max3A_40 : vector<4096x64xf32>
    %get3A_42 = arith.constant 0 : index
    %get3A_43 = arith.constant 0 : index
    %get3A_44 = vector.load %arg7[%get3A_42, %get3A_43] : memref<64x128xf32, #tpu.memory_space<vmem>>, vector<64x128xf32>
    %dot_general3A_45 = arith.constant dense<0.000000e+00> : vector<4096x128xf32>
    %dot_general3A_46 = tpu.matmul %max3A_41, %get3A_44, %dot_general3A_45 {dimension_numbers = #tpu.dot_dimension_numbers<[1], [0], [0], [1], [0, 0, 1, 1], [], []>, transpose_lhs_hint = false} : vector<4096x64xf32>, vector<64x128xf32>, vector<4096x128xf32> -> vector<4096x128xf32>
    %get3A_47 = arith.constant 0 : index
    %get3A_48 = arith.constant 0 : index
    %get3A_49 = vector.load %arg8[%get3A_47, %get3A_48] : memref<1x128xf32, #tpu.memory_space<vmem>>, vector<1x128xf32>
    %mul3A_50 = vector.broadcast %get3A_49 : vector<1x128xf32> to vector<4096x128xf32>
    %mul3A_51 = arith.mulf %dot_general3A_46, %mul3A_50 : vector<4096x128xf32>
    %get3A_52 = arith.constant 0 : index
    %get3A_53 = arith.constant 0 : index
    %get3A_54 = vector.load %arg9[%get3A_52, %get3A_53] : memref<1x128xf32, #tpu.memory_space<vmem>>, vector<1x128xf32>
    %add3A_55 = vector.broadcast %get3A_54 : vector<1x128xf32> to vector<4096x128xf32>
    %add3A_56 = arith.addf %mul3A_51, %add3A_55 : vector<4096x128xf32>
    %max3A_57 = arith.constant 0.000000e+00 : f32
    %max3A_58 = vector.broadcast %max3A_57 : f32 to vector<4096x128xf32>
    %max3A_59 = arith.maximumf %add3A_56, %max3A_58 : vector<4096x128xf32>
    %reshape3A = vector.shape_cast %max3A_59 : vector<4096x128xf32> to vector<64x64x128xf32>
    %reduce_max3A = arith.constant dense<0xFF800000> : vector<64x128xf32>
    %reduce_max3A_60 = vector.multi_reduction <maximumf>, %reshape3A, %reduce_max3A [1] : vector<64x64x128xf32> to vector<64x128xf32>
    %swap3A = arith.constant 0 : index
    %swap3A_61 = arith.constant 0 : index
    %swap3A_62 = vector.load %arg10[%swap3A, %swap3A_61] : memref<64x128xf32, #tpu.memory_space<vmem>>, vector<64x128xf32>
    tpu.vector_store %arg10[%swap3A, %swap3A_61], %reduce_max3A_60 {strides = array<i32>} : memref<64x128xf32, #tpu.memory_space<vmem>>, vector<64x128xf32>,
    return
  }
  func.func @transform_0(%arg0: i32) -> (i32, i32) {
    %c0_i32 = arith.constant 0 : i32
    %c0_i32_0 = arith.constant 0 : i32
    return %arg0, %c0_i32 : i32, i32
  }
  func.func @transform_1(%arg0: i32) -> (i32, i32) {
    %c0_i32 = arith.constant 0 : i32
    %c0_i32_0 = arith.constant 0 : i32
    return %arg0, %c0_i32 : i32, i32
  }
  func.func @transform_2(%arg0: i32) -> (i32, i32) {
    %c0_i32 = arith.constant 0 : i32
    %c0_i32_0 = arith.constant 0 : i32
    %c0_i32_1 = arith.constant 0 : i32
    return %c0_i32, %c0_i32_0 : i32, i32
  }
  func.func @transform_3(%arg0: i32) -> (i32, i32) {
    %c0_i32 = arith.constant 0 : i32
    %c0_i32_0 = arith.constant 0 : i32
    %c0_i32_1 = arith.constant 0 : i32
    return %c0_i32, %c0_i32_0 : i32, i32
  }
  func.func @transform_4(%arg0: i32) -> (i32, i32) {
    %c0_i32 = arith.constant 0 : i32
    %c0_i32_0 = arith.constant 0 : i32
    %c0_i32_1 = arith.constant 0 : i32
    return %c0_i32, %c0_i32_0 : i32, i32
  }
  func.func @transform_5(%arg0: i32) -> (i32, i32) {
    %c0_i32 = arith.constant 0 : i32
    %c0_i32_0 = arith.constant 0 : i32
    %c0_i32_1 = arith.constant 0 : i32
    return %c0_i32, %c0_i32_0 : i32, i32
  }
  func.func @transform_6(%arg0: i32) -> (i32, i32) {
    %c0_i32 = arith.constant 0 : i32
    %c0_i32_0 = arith.constant 0 : i32
    %c0_i32_1 = arith.constant 0 : i32
    return %c0_i32, %c0_i32_0 : i32, i32
  }
  func.func @transform_7(%arg0: i32) -> (i32, i32) {
    %c0_i32 = arith.constant 0 : i32
    %c0_i32_0 = arith.constant 0 : i32
    %c0_i32_1 = arith.constant 0 : i32
    return %c0_i32, %c0_i32_0 : i32, i32
  }
  func.func @transform_8(%arg0: i32) -> (i32, i32) {
    %c0_i32 = arith.constant 0 : i32
    %c0_i32_0 = arith.constant 0 : i32
    %c0_i32_1 = arith.constant 0 : i32
    return %c0_i32, %c0_i32_0 : i32, i32
  }
  func.func @transform_9(%arg0: i32) -> (i32, i32) {
    %c0_i32 = arith.constant 0 : i32
    %c0_i32_0 = arith.constant 0 : i32
    return %arg0, %c0_i32 : i32, i32
  }
}

module attributes {stable_mosaic.version = 14 : i64} {
  func.func @_final_mlp_kernel(%arg0: memref<4096x256xf32, #tpu.memory_space<vmem>>, %arg1: memref<128x256xf32, #tpu.memory_space<vmem>>, %arg2: memref<1x128xf32, #tpu.memory_space<vmem>>, %arg3: memref<1x128xf32, #tpu.memory_space<vmem>>, %arg4: memref<128x128xf32, #tpu.memory_space<vmem>>, %arg5: memref<1x128xf32, #tpu.memory_space<vmem>>, %arg6: memref<1x128xf32, #tpu.memory_space<vmem>>, %arg7: memref<4096x128xf32, #tpu.memory_space<vmem>>) attributes {dimension_semantics = [], scalar_prefetch = 0 : i64, scratch_operands = 0 : i64, tpu.core_type = #tpu.core_type<tc>} {
    %get3A = arith.constant 0 : index
    %get3A_0 = arith.constant 0 : index
    %get3A_1 = vector.load %arg0[%get3A, %get3A_0] : memref<4096x256xf32, #tpu.memory_space<vmem>>, vector<4096x256xf32>
    %get3A_2 = arith.constant 0 : index
    %get3A_3 = arith.constant 0 : index
    %get3A_4 = vector.load %arg1[%get3A_2, %get3A_3] : memref<128x256xf32, #tpu.memory_space<vmem>>, vector<128x256xf32>
    %dot_general3A = arith.constant dense<0.000000e+00> : vector<4096x128xf32>
    %dot_general3A_5 = tpu.matmul %get3A_1, %get3A_4, %dot_general3A {dimension_numbers = #tpu.dot_dimension_numbers<[1], [1], [0], [0], [0, 0, 1, 0], [], []>, transpose_lhs_hint = false} : vector<4096x256xf32>, vector<128x256xf32>, vector<4096x128xf32> -> vector<4096x128xf32>
    %reduce_sum3A = arith.constant dense<0.000000e+00> : vector<128xf32>
    %reduce_sum3A_6 = vector.multi_reduction <add>, %dot_general3A_5, %reduce_sum3A [0] : vector<4096x128xf32> to vector<128xf32>
    %broadcast_in_dim3A = vector.shape_cast %reduce_sum3A_6 : vector<128xf32> to vector<1x128xf32>
    %div3A = arith.constant 4.096000e+03 : f32
    %div3A_7 = vector.broadcast %div3A : f32 to vector<1x128xf32>
    %div3A_8 = arith.divf %broadcast_in_dim3A, %div3A_7 : vector<1x128xf32>
    %sub3A = vector.broadcast %div3A_8 : vector<1x128xf32> to vector<4096x128xf32>
    %sub3A_9 = arith.subf %dot_general3A_5, %sub3A : vector<4096x128xf32>
    %integer_pow3A = arith.mulf %sub3A_9, %sub3A_9 : vector<4096x128xf32>
    %reduce_sum3A_10 = arith.constant dense<0.000000e+00> : vector<128xf32>
    %reduce_sum3A_11 = vector.multi_reduction <add>, %integer_pow3A, %reduce_sum3A_10 [0] : vector<4096x128xf32> to vector<128xf32>
    %broadcast_in_dim3A_12 = vector.shape_cast %reduce_sum3A_11 : vector<128xf32> to vector<1x128xf32>
    %div3A_13 = arith.constant 4.096000e+03 : f32
    %div3A_14 = vector.broadcast %div3A_13 : f32 to vector<1x128xf32>
    %div3A_15 = arith.divf %broadcast_in_dim3A_12, %div3A_14 : vector<1x128xf32>
    %sub3A_16 = vector.broadcast %div3A_8 : vector<1x128xf32> to vector<4096x128xf32>
    %sub3A_17 = arith.subf %dot_general3A_5, %sub3A_16 : vector<4096x128xf32>
    %add3A = arith.constant 9.99999974E-6 : f32
    %add3A_18 = vector.broadcast %add3A : f32 to vector<1x128xf32>
    %add3A_19 = arith.addf %div3A_15, %add3A_18 : vector<1x128xf32>
    %sqrt3A = math.sqrt %add3A_19 : vector<1x128xf32>
    %div3A_20 = vector.broadcast %sqrt3A : vector<1x128xf32> to vector<4096x128xf32>
    %div3A_21 = arith.divf %sub3A_17, %div3A_20 : vector<4096x128xf32>
    %get3A_22 = arith.constant 0 : index
    %get3A_23 = arith.constant 0 : index
    %get3A_24 = vector.load %arg2[%get3A_22, %get3A_23] : memref<1x128xf32, #tpu.memory_space<vmem>>, vector<1x128xf32>
    %mul3A = vector.broadcast %get3A_24 : vector<1x128xf32> to vector<4096x128xf32>
    %mul3A_25 = arith.mulf %div3A_21, %mul3A : vector<4096x128xf32>
    %get3A_26 = arith.constant 0 : index
    %get3A_27 = arith.constant 0 : index
    %get3A_28 = vector.load %arg3[%get3A_26, %get3A_27] : memref<1x128xf32, #tpu.memory_space<vmem>>, vector<1x128xf32>
    %add3A_29 = vector.broadcast %get3A_28 : vector<1x128xf32> to vector<4096x128xf32>
    %add3A_30 = arith.addf %mul3A_25, %add3A_29 : vector<4096x128xf32>
    %max3A = arith.constant 0.000000e+00 : f32
    %max3A_31 = vector.broadcast %max3A : f32 to vector<4096x128xf32>
    %max3A_32 = arith.maximumf %add3A_30, %max3A_31 : vector<4096x128xf32>
    %get3A_33 = arith.constant 0 : index
    %get3A_34 = arith.constant 0 : index
    %get3A_35 = vector.load %arg4[%get3A_33, %get3A_34] : memref<128x128xf32, #tpu.memory_space<vmem>>, vector<128x128xf32>
    %dot_general3A_36 = arith.constant dense<0.000000e+00> : vector<4096x128xf32>
    %dot_general3A_37 = tpu.matmul %max3A_32, %get3A_35, %dot_general3A_36 {dimension_numbers = #tpu.dot_dimension_numbers<[1], [1], [0], [0], [0, 0, 1, 0], [], []>, transpose_lhs_hint = false} : vector<4096x128xf32>, vector<128x128xf32>, vector<4096x128xf32> -> vector<4096x128xf32>
    %reduce_sum3A_38 = arith.constant dense<0.000000e+00> : vector<128xf32>
    %reduce_sum3A_39 = vector.multi_reduction <add>, %dot_general3A_37, %reduce_sum3A_38 [0] : vector<4096x128xf32> to vector<128xf32>
    %broadcast_in_dim3A_40 = vector.shape_cast %reduce_sum3A_39 : vector<128xf32> to vector<1x128xf32>
    %div3A_41 = arith.constant 4.096000e+03 : f32
    %div3A_42 = vector.broadcast %div3A_41 : f32 to vector<1x128xf32>
    %div3A_43 = arith.divf %broadcast_in_dim3A_40, %div3A_42 : vector<1x128xf32>
    %sub3A_44 = vector.broadcast %div3A_43 : vector<1x128xf32> to vector<4096x128xf32>
    %sub3A_45 = arith.subf %dot_general3A_37, %sub3A_44 : vector<4096x128xf32>
    %integer_pow3A_46 = arith.mulf %sub3A_45, %sub3A_45 : vector<4096x128xf32>
    %reduce_sum3A_47 = arith.constant dense<0.000000e+00> : vector<128xf32>
    %reduce_sum3A_48 = vector.multi_reduction <add>, %integer_pow3A_46, %reduce_sum3A_47 [0] : vector<4096x128xf32> to vector<128xf32>
    %broadcast_in_dim3A_49 = vector.shape_cast %reduce_sum3A_48 : vector<128xf32> to vector<1x128xf32>
    %div3A_50 = arith.constant 4.096000e+03 : f32
    %div3A_51 = vector.broadcast %div3A_50 : f32 to vector<1x128xf32>
    %div3A_52 = arith.divf %broadcast_in_dim3A_49, %div3A_51 : vector<1x128xf32>
    %sub3A_53 = vector.broadcast %div3A_43 : vector<1x128xf32> to vector<4096x128xf32>
    %sub3A_54 = arith.subf %dot_general3A_37, %sub3A_53 : vector<4096x128xf32>
    %add3A_55 = arith.constant 9.99999974E-6 : f32
    %add3A_56 = vector.broadcast %add3A_55 : f32 to vector<1x128xf32>
    %add3A_57 = arith.addf %div3A_52, %add3A_56 : vector<1x128xf32>
    %sqrt3A_58 = math.sqrt %add3A_57 : vector<1x128xf32>
    %div3A_59 = vector.broadcast %sqrt3A_58 : vector<1x128xf32> to vector<4096x128xf32>
    %div3A_60 = arith.divf %sub3A_54, %div3A_59 : vector<4096x128xf32>
    %get3A_61 = arith.constant 0 : index
    %get3A_62 = arith.constant 0 : index
    %get3A_63 = vector.load %arg5[%get3A_61, %get3A_62] : memref<1x128xf32, #tpu.memory_space<vmem>>, vector<1x128xf32>
    %mul3A_64 = vector.broadcast %get3A_63 : vector<1x128xf32> to vector<4096x128xf32>
    %mul3A_65 = arith.mulf %div3A_60, %mul3A_64 : vector<4096x128xf32>
    %get3A_66 = arith.constant 0 : index
    %get3A_67 = arith.constant 0 : index
    %get3A_68 = vector.load %arg6[%get3A_66, %get3A_67] : memref<1x128xf32, #tpu.memory_space<vmem>>, vector<1x128xf32>
    %add3A_69 = vector.broadcast %get3A_68 : vector<1x128xf32> to vector<4096x128xf32>
    %add3A_70 = arith.addf %mul3A_65, %add3A_69 : vector<4096x128xf32>
    %max3A_71 = arith.constant 0.000000e+00 : f32
    %max3A_72 = vector.broadcast %max3A_71 : f32 to vector<4096x128xf32>
    %max3A_73 = arith.maximumf %add3A_70, %max3A_72 : vector<4096x128xf32>
    %swap3A = arith.constant 0 : index
    %swap3A_74 = arith.constant 0 : index
    %swap3A_75 = vector.load %arg7[%swap3A, %swap3A_74] : memref<4096x128xf32, #tpu.memory_space<vmem>>, vector<4096x128xf32>
    tpu.vector_store %arg7[%swap3A, %swap3A_74], %max3A_73 {strides = array<i32>} : memref<4096x128xf32, #tpu.memory_space<vmem>>, vector<4096x128xf32>,
    return
  }
}

</mosaic_0001>

<sc_bundles>
// kernel: kernel.11.cloned.1.call-start
scs
__scs_entry_jumppad:
0x0: {  	(pc) =	sbr.rel $0x88, $3  }
0x1: {  	(tag) =	ssettag $0x0;
	lr =	simm.s32 $0x1  }
0x2: {  	[smem:$0x3F8D] =	sst lr;
	_ =	strace $0xD0000000  }
0x3: {  	_ = 	snop  }
0x4: {  	_ = 	snop  }
0x5: {  	_ = 	snop  }
0x6: {  	_ = 	snop  }
0x7: {  	_ = 	snop  }
__scs_overlays_trampoline_lowered:
0x8: {  	[smem:$0x3F9C] =	sst s0  }
0x9: {  	[smem:$0x3F9D] =	sst s1  }
0xa: {  	[smem:$0x3F9E] =	sst s2  }
0xb: {  	[smem:$0x3F9F] =	sst s3  }
0xc: {  	[smem:$0x3FA0] =	sst s4  }
0xd: {  	[smem:$0x3FA1] =	sst s5  }
0xe: {  	[smem:$0x3FA2] =	sst s6  }
0xf: {  	[smem:$0x3FA3] =	sst s7  }
0x10: {  	[smem:$0x3FA4] =	sst s8  }
0x11: {  	[smem:$0x3FA5] =	sst s9;
	s0 =	simm.s32 @!p0 $0x0  }
0x12: {  	s1 =	sld [smem:$0x3F8B];
	s0 =	simm.s32 @p0 $0x1  }
0x13: {  	[smem:$0x3FA6] =	sst s0;
	s0 =	simm.s32 @!p1 $0x0  }
0x14: {  	s2 =	sld [smem:$0x3F8A];
	s0 =	simm.s32 @p1 $0x1  }
0x15: {  	[smem:$0x3FA7] =	sst s0;
	s0 =	simm.s32 @!p2 $0x0  }
0x16: {  	s3 =	sld [smem:$0x3FDB];
	s0 =	simm.s32 @p2 $0x1  }
0x17: {  	s4 =	simm.s32 $0x1BF5;
	[smem:$0x3FA9] =	sst s0  }
0x18: {  	s0 =	sld [smem:$0x3F8C];
	_ =	swait.ge [sflag:s4], $0x0  }
0x19: {  	s7 =	sld [smem:$0x3F8D]  }
0x1a: {  	s8 =	sadd.s32 $0xFFFFE003, lr  }
0x1b: {  	s9 =	sadd.s32 $0xFFFFFEF7, lr;
	s5 =	simm.s32 $0xFFFFFFFF;
	p2 =	slt.u32 s8, $0xFFFFF086  }
0x1c: {  	p1 =	slt.u32 s9, $0xF7A;
	s5 =	simm.s32 @!p2 $0x0  }
0x1d: {  	s5 =	simm.s32 @p1 $0x1;
	p0 =	seq.s32 s7, s2  }
0x1e: {  	s7 =	smul.u32 @!p0 $0xF7A, s2;
	p2 =	seq.s32 @!p0 s5, $0x0  }
0x1f: {  	s9 =	smul.u32 $0xF7A, s1;
	s8 =	simm.s32 @!p0 $0x1BF5;
	p2 =	por !p2, p0  }
0x20: {  	[sflag:s8] =	ssyncset.s32 @!p0 $0xFFFFF086;
	s6 =	sadd.s32 @!p0 s3, s7;
	s7 =	simm.s32 @!p0 $0x108  }
0x21: {  	s3 =	sadd.s32 s3, s9;
	s6 =	sadd.s32 @!p0 $0x88, s6;
	s7 =	simm.s32 @p2 $0x1082  }
0x22: {  	[simem:s7], [sflag:s8] =	dma.local @!p0 [hbm:s6], $0xF7A  }
0x23: {  	s9 =	sor.u32 $0xD0000000, s2;
	s6 =	simm.s32 $0x108;
	_ =	swait.ge @!p0 [sflag:s8], $0x0  }
0x24: {  	s3 =	sadd.s32 $0x88, s3;
	s6 =	simm.s32 @!p1 $0x1082;
	[sflag:s4] =	ssyncset.s32 $0xFFFFF086  }
0x25: {  	[simem:s6], [sflag:s4] =	dma.local [hbm:s3], $0xF7A  }
0x26: {  	[smem:$0x3F8D] =	sst s1;
	(tag) =	ssettag s2;
	_ =	strace s9  }
0x27: {  	s1 =	sld [smem:$0x3F9D]  }
0x28: {  	s2 =	sld [smem:$0x3F9E]  }
0x29: {  	s4 =	sld [smem:$0x3FA0]  }
0x2a: {  	p0 =	seq.s32 s5, $0x0;
	s5 =	sld [smem:$0x3FA1]  }
0x2b: {  	s6 =	sld [smem:$0x3FA2]  }
0x2c: {  	s7 =	sld [smem:$0x3FA3]  }
0x2d: {  	s3 =	simm.s32 $0x108;
	s8 =	sld [smem:$0x3FA4]  }
0x2e: {  	s3 =	simm.s32 @!p0 $0x1082;
	s9 =	sld [smem:$0x3FA5]  }
0x2f: {  	lr =	sadd.s32 s0, s3;
	s0 =	sld [smem:$0x3F9C]  }
0x30: {  	s3 =	sld [smem:$0x3F9F]  }
0x31: {  	[smem:$0x3FA8] =	sst s10  }
0x32: {  	s10 =	sld [smem:$0x3FA6];
	_ =	sdelay $0x3  }
0x33: {  	p0 =	seq.s32 s10, $0x1;
	s10 =	sld [smem:$0x3FA8];
	_ =	sdelay $0x3  }
0x34: {  	[smem:$0x3FA8] =	sst s10  }
0x35: {  	s10 =	sld [smem:$0x3FA7];
	_ =	sdelay $0x3  }
0x36: {  	p1 =	seq.s32 s10, $0x1;
	s10 =	sld [smem:$0x3FA8];
	_ =	sdelay $0x3  }
0x37: {  	[smem:$0x3FA8] =	sst s10  }
0x38: {  	s10 =	sld [smem:$0x3FA9]  }
0x39: {  	_ = 	snop;
	(pc) =	sbr.ind lr, $3  }
0x3a: {  	_ = 	snop  }
0x3b: {  	_ = 	snop  }
0x3c: {  	p2 =	seq.s32 s10, $0x1;
	s10 =	sld [smem:$0x3FA8]  }
0x3d: {  	_ =	shalt  }
0x3e: {  	_ =	shalt  }
0x3f: {  	_ =	shalt  }
0x40: {  	_ =	shalt  }
0x41: {  	_ =	shalt  }
0x42: {  	_ =	shalt  }
0x43: {  	_ =	shalt  }
0x44: {  	_ =	shalt  }
0x45: {  	_ =	shalt  }
0x46: {  	_ =	shalt  }
0x47: {  	_ =	shalt  }
0x48: {  	_ =	shalt  }
0x49: {  	_ =	shalt  }
0x4a: {  	_ =	shalt  }
0x4b: {  	_ =	shalt  }
0x4c: {  	_ =	shalt  }
0x4d: {  	_ =	shalt  }
0x4e: {  	_ =	shalt  }
0x4f: {  	_ =	shalt  }
0x50: {  	_ =	shalt  }
0x51: {  	_ =	shalt  }
0x52: {  	_ =	shalt  }
0x53: {  	_ =	shalt  }
0x54: {  	_ =	shalt  }
0x55: {  	_ =	shalt  }
0x56: {  	_ =	shalt  }
0x57: {  	_ =	shalt  }
0x58: {  	_ =	shalt  }
0x59: {  	_ =	shalt  }
0x5a: {  	_ =	shalt  }
0x5b: {  	_ =	shalt  }
0x5c: {  	_ =	shalt  }
0x5d: {  	_ =	shalt  }
0x5e: {  	_ =	shalt  }
0x5f: {  	_ =	shalt  }
0x60: {  	_ =	shalt  }
0x61: {  	_ =	shalt  }
0x62: {  	_ =	shalt  }
0x63: {  	_ =	shalt  }
0x64: {  	_ =	shalt  }
0x65: {  	_ =	shalt  }
0x66: {  	_ =	shalt  }
0x67: {  	_ =	shalt  }
0x68: {  	_ =	shalt  }
0x69: {  	_ =	shalt  }
0x6a: {  	_ =	shalt  }
0x6b: {  	_ =	shalt  }
0x6c: {  	_ =	shalt  }
0x6d: {  	_ =	shalt  }
0x6e: {  	_ =	shalt  }
0x6f: {  	_ =	shalt  }
0x70: {  	_ =	shalt  }
0x71: {  	_ =	shalt  }
0x72: {  	_ =	shalt  }
0x73: {  	_ =	shalt  }
0x74: {  	_ =	shalt  }
0x75: {  	_ =	shalt  }
0x76: {  	_ =	shalt  }
0x77: {  	_ =	shalt  }
0x78: {  	_ =	shalt  }
0x79: {  	_ =	shalt  }
0x7a: {  	_ =	shalt  }
0x7b: {  	_ =	shalt  }
0x7c: {  	_ =	shalt  }
0x7d: {  	_ =	shalt  }
0x7e: {  	_ =	shalt  }
0x7f: {  	_ =	shalt  }
0x80: {  	_ =	shalt  }
0x81: {  	_ =	shalt  }
0x82: {  	_ =	shalt  }
0x83: {  	_ =	shalt  }
0x84: {  	_ =	shalt  }
0x85: {  	_ =	shalt  }
0x86: {  	_ =	shalt  }
0x87: {  	_ =	shalt  }
.Lfunc_end0:
.L_simem_size_0:
called_computation_lowered:
.L_overlay_start_0:
0x88: {  	s2 =	sld [smem:$0x3FD9]  }
0x89: {  	s3 =	sld [smem:$0x3FFE];
	_ =	sdelay $0x1  }
0x8a: {  	s1 =	srdreg.scid  }
0x8b: {  	s0 =	sand.u32 $0x1, s1  }
0x8c: {  	s14 =	sshll.u32 s0, $0xA;
	s2 =	sadd.s32 s3, s2  }
0x8d: {  	s2 =	sadd.s32 s2, s14  }
0x8e: {  	[smem:$0x3FB4] =	sst s2  }
0x8f: {  	_ = 	snop  }
0x90: {  	s2 =	sld [smem:$0x3FD0];
	_ =	sdelay $0x2  }
0x91: {  	s15 =	simm.s32 $0xA;
	s4 =	simm.s32 $0x10  }
0x92: {  	[smem:s4], [sflag:s15] =	dma.local [hbm:s2], $0x1  }
0x93: {  	_ =	swait.eq [sflag:s15], $0x1  }
0x94: {  	[sflag:s15] =	ssyncset.done $0x0  }
0x95: {  	[sflag:s15] =	ssyncadd.s32 $0xFFFFFFFF  }
0x96: {  	s16 =	sld [smem:$0x11];
	(tm) =	ssettm $0x1  }
0x97: {  	s17 =	sld [smem:$0x3FFB];
	_ =	sdelay $0x3  }
0x98: {  	_ =	strace s17  }
0x99: {  	s3 =	sld [smem:$0x3FFC];
	_ =	sdelay $0x3  }
0x9a: {  	_ =	strace s3  }
0x9b: {  	s3 =	sld [smem:$0x3FFD];
	_ =	sdelay $0x3  }
0x9c: {  	_ =	strace s3  }
0x9d: {  	_ =	strace $0x8FFFFFFF  }
0x9e: {  	s18 =	sld [smem:$0x3FDB];
	_ =	sdelay $0x1  }
0x9f: {  	s19 =	simm.s32 $_scs_section_size  }
0xa0: {  	s5 =	simm.s32 $_size__tile_overlayer_lowered;
	s6 =	simm.s32 $_tile_overlayer_lowered  }
0xa1: {  	s22 =	simm.s32 $0x1BFF;
	s21 =	sshll.u32 s6, $0x1;
	s3 =	sadd.s32 s19, s18  }
0xa2: {  	s7 =	simm.s32 $0x0;
	s20 =	sshll.u32 s5, $0x1;
	s5 =	sadd.s32 s21, s3  }
0xa3: {  	[timem:s7], [sflag:s22] =	dma.local [hbm:s5], s20  }
0xa4: {  	_ =	swait.ge [sflag:s22], s20  }
0xa5: {  	s4 =	ssub.s32 $0x0, s20;
	[sflag:s22] =	ssyncset.done $0x0  }
0xa6: {  	[sflag:s22] =	ssyncadd.s32 s4;
	_ =	sdelay $0x1  }
0xa7: {  	s23 =	simm.s32 $0x1B8B  }
0xa8: {  	_ =	swait.ge [sflag:s23], $0x1  }
0xa9: {  	[sflag:s23] =	ssyncset.done $0x0  }
0xaa: {  	s25 =	simm.s32 $0x1B8E;
	s24 =	sld [smem:$0x3FFE];
	[sflag:s23] =	ssyncadd.s32 $0xFFFFFFFF  }
0xab: {  	s26 =	simm.s32 $execute0_lowered;
	[smem:$0x3FD2] =	sst s25  }
0xac: {  	s5 =	sshll.u32 s26, $0x1;
	_ =	strace $0x80000046;
	[dreg:$0x1] =	wrdreg $0xFFFFFFFF  }
0xad: {  	s28 =	simm.s32 $_size_execute0_lowered;
	s3 =	sadd.s32 s3, s5;
	[dreg:$0x0] =	wrdreg $0x0  }
0xae: {  	s5 =	sshll.u32 s28, $0x1;
	[dreg:$0x2] =	wrdreg s3  }
0xaf: {  	[dreg:$0x3] =	wrdreg s5  }
0xb0: {  	[dreg:$0x4] =	wrdreg $0xC0  }
0xb1: {  	_ =	task [dreg:s7], $0x5FFFF  }
0xb2: {  	[dreg:$0x1] =	wrdreg $0xFFFFFFFF  }
0xb3: {  	[dreg:$0x0] =	wrdreg $0x60  }
0xb4: {  	[dreg:$0x2] =	wrdreg s24  }
0xb5: {  	[dreg:$0x3] =	wrdreg s16  }
0xb6: {  	[dreg:$0x4] =	wrdreg $0x9  }
0xb7: {  	_ =	task.clear_ibuf [dreg:s7], $0x5FFFF;
	_ =	strace $0x90000046  }
0xb8: {  	s29 =	simm.s32 $0x9;
	_ =	strace $0x80000048  }
0xb9: {  	_ =	swait.ge [sflag:s29], $0x1  }
0xba: {  	[sflag:s29] =	ssyncadd.s32 $0xFFFFFFFF  }
0xbb: {  	_ =	strace $0x90000048  }
0xbc: {  	_ =	sfence  }
0xbd: {  	s30 =	sld [smem:$0x0];
	_ =	sdelay $0x2  }
0xbe: {  	s31 =	sshll.u32 s1, $0xD;
	s1 =	sshrl.u32 s1, $0x2  }
0xbf: {  	s3 =	sand.u32 $0x4000, s31;
	s1 =	sadd.s32 s1, s30  }
0xc0: {  	s0 =	sor.u32 s3, s0;
	s1 =	sshll.u32 s1, $0x11  }
0xc1: {  	s0 =	sor.u32 s1, s0  }
0xc2: {  	s0 =	sadd.s32 $0x8F2B, s0  }
0xc3: {  	[sflag:s0] =	ssyncadd.remote.s32 $0x1  }
0xc4: {  	_ =	sfence.sel $0xFFFF  }
0xc5: {  	[dreg:$0x0] =	wrdreg $0xFFFFFFFF;
	(pc) =	sbr.abs _section_cstart, $3  }
0xc6: {  	[dreg:$0x1] =	wrdreg $0xFFFFFFFF  }
0xc7: {  	_ =	task.clear_ibuf [dreg:s7], $0x2FFFF;
	_ =	strace $0x9FFFFFFF  }
0xc8: {  	(tm) =	ssettm $0x7FFFFFFF  }
0xc9: {  	_ =	shalt  }
tec
execute0_lowered:
.L_overlay_start_1:
0x0: {  	(tag) =	ssettag $0x1  }
0x1: {  	s5 =	stileid.u32  }
0x2: {  	s2 =	srdreg.scid;
	s3 =	sshll.u32 s5, $0x1  }
0x3: {  	s4 =	sand.u32 $0x1, s2;
	s3 =	sand.u32 $0x6, s3  }
0x4: {  	s6 =	sshrl.u32 s5, $0x2;
	s3 =	sor.u32 s4, s3  }
0x5: {  	s23 =	sshll.u32 s6, $0xA;
	s7 =	sshll.u32 s3, $0x7  }
0x6: {  	s5 =	sor.u32 s23, s7  }
0x7: {  	s0 =	rddreg [dreg:$0x0];
	s3 =	sshll.u32 s5, $0x8  }
0x8: {  	s1 =	rddreg [dreg:$0x1];
	s2 =	simm.s32 $0x0;
	s13 =	sadd.s32 s3, s0  }
0x9: {  	[smem:$0x7FF] =	sst s2;
	s25 =	sadd.s32 $0x47A00, s13  }
0xa: {  	_ =	strace $0x80000047;
	s26 =	sadd.s32 $0x48200, s13;
	[dreg:$0x3] =	wrdreg s25  }
0xb: {  	s15 =	sadd.s32 $0x48A00, s13;
	[dreg:$0x4] =	wrdreg s26  }
0xc: {  	s16 =	sadd.s32 $0x49200, s13;
	[dreg:$0x5] =	wrdreg s15  }
0xd: {  	s17 =	sadd.s32 $0x49A00, s13;
	[dreg:$0x6] =	wrdreg s16  }
0xe: {  	s18 =	sadd.s32 $0x4A200, s13;
	[dreg:$0x7] =	wrdreg s17  }
0xf: {  	s19 =	sadd.s32 $0x4AA00, s13;
	[dreg:$0x8] =	wrdreg s18  }
0x10: {  	s20 =	sadd.s32 $0x4B200, s13;
	[dreg:$0x9] =	wrdreg s19  }
0x11: {  	s21 =	sadd.s32 $0x4BA00, s13;
	[dreg:$0xa] =	wrdreg s20  }
0x12: {  	s10 =	ssub.s32 $0x2, s4;
	s22 =	sadd.s32 $0x4C200, s13;
	[dreg:$0xb] =	wrdreg s21  }
0x13: {  	s24 =	sshll.u32 s5, $0x9;
	s23 =	sadd.s32 $0x4CA00, s13;
	[dreg:$0xc] =	wrdreg s22  }
0x14: {  	s4 =	sadd.s32 s24, s0;
	s24 =	sadd.s32 $0x4D200, s13;
	[dreg:$0xd] =	wrdreg s23  }
0x15: {  	[dreg:$0xe] =	wrdreg s24;
	s25 =	sadd.s32 $0x4DA00, s13  }
0x16: {  	s12 =	smul.u32 $0xC00, s6;
	s26 =	sadd.s32 $0x4E200, s13;
	[dreg:$0xf] =	wrdreg s25  }
0x17: {  	s8 =	sadd.s32 $0x4A00, s0;
	s15 =	sadd.s32 $0x4EA00, s13;
	[dreg:$0x10] =	wrdreg s26  }
0x18: {  	s11 =	sshrl.u32 s10, $0x1;
	s16 =	sadd.s32 s8, s12;
	[dreg:$0x11] =	wrdreg s15  }
0x19: {  	s3 =	ssub.s32 s10, s11;
	s17 =	sadd.s32 $0x147A00, s4;
	[dreg:$0x12] =	wrdreg s16  }
0x1a: {  	s10 =	sadd.s32 $0x400, s12;
	s18 =	sadd.s32 $0x148200, s4;
	[dreg:$0x13] =	wrdreg s17  }
0x1b: {  	s19 =	sadd.s32 s8, s10;
	[dreg:$0x14] =	wrdreg s18  }
0x1c: {  	s20 =	sadd.s32 $0x148A00, s4;
	[dreg:$0x15] =	wrdreg s19  }
0x1d: {  	s11 =	sadd.s32 $0x800, s12;
	s21 =	sadd.s32 $0x149200, s4;
	[dreg:$0x16] =	wrdreg s20  }
0x1e: {  	s22 =	sadd.s32 s8, s11;
	[dreg:$0x17] =	wrdreg s21  }
0x1f: {  	s23 =	sadd.s32 $0x149A00, s4;
	[dreg:$0x18] =	wrdreg s22  }
0x20: {  	s24 =	sadd.s32 $0x14A200, s4;
	[dreg:$0x19] =	wrdreg s23  }
0x21: {  	s8 =	sadd.s32 $0x150A00, s4;
	[dreg:$0x1a] =	wrdreg s24  }
0x22: {  	s26 =	sadd.s32 $0x14AA00, s4;
	[smem:$0x7EF] =	sst s8  }
0x23: {  	s25 =	sor.u32 s12, s7;
	s12 =	sadd.s32 $0x14B200, s4;
	[dreg:$0x1b] =	wrdreg s26  }
0x24: {  	s16 =	sadd.s32 $0x14BA00, s4;
	[dreg:$0x1c] =	wrdreg s12  }
0x25: {  	s17 =	sadd.s32 $0x14C200, s4;
	[dreg:$0x1d] =	wrdreg s16  }
0x26: {  	s9 =	sadd.s32 $0x4400, s0;
	s18 =	sadd.s32 $0x14CA00, s4;
	[dreg:$0x1e] =	wrdreg s17  }
0x27: {  	s29 =	sadd.s32 $0x157200, s4;
	s19 =	sadd.s32 $0x14D200, s4;
	[dreg:$0x1f] =	wrdreg s18  }
0x28: {  	s28 =	sadd.s32 $0x7A00, s0;
	s20 =	sadd.s32 $0x14DA00, s4;
	[smem:$0x7E6] =	sst s19  }
0x29: {  	s14 =	sshll.u32 s6, $0xD;
	s21 =	sadd.s32 $0x14E200, s4;
	[smem:$0x7E7] =	sst s20  }
0x2a: {  	v0 =	vmov s14;
	s14 =	simm.s32 $0x0;
	s22 =	sadd.s32 $0x14EA00, s4;
	[smem:$0x7E8] =	sst s21  }
0x2b: {  	s31 =	smax.u32 s3, $0x1;
	s23 =	sadd.s32 $0x14F200, s4;
	[smem:$0x7EA] =	sst s22  }
0x2c: {  	s15 =	sor.u32 s10, s7;
	s10 =	sadd.s32 $0x151200, s4;
	[smem:$0x7EB] =	sst s23  }
0x2d: {  	s6 =	sshrl.u32 s25, $0x3;
	s25 =	sadd.s32 $0x14FA00, s4;
	[smem:$0x7F0] =	sst s10  }
0x2e: {  	s3 =	simm.s32 $0x4000;
	s26 =	sadd.s32 $0x150200, s4;
	[smem:$0x7EC] =	sst s25  }
0x2f: {  	s7 =	sor.u32 s11, s7;
	s12 =	sadd.s32 $0x151A00, s4;
	[smem:$0x7ED] =	sst s26  }
0x30: {  	s24 =	sshrl.u32 s15, $0x3;
	s15 =	sadd.s32 $0x152200, s4;
	[smem:$0x7F1] =	sst s12  }
0x31: {  	s8 =	simm.s32 $0x7190;
	s16 =	sadd.s32 $0x152A00, s4;
	[smem:$0x7F2] =	sst s15  }
0x32: {  	s11 =	sshrl.u32 s7, $0x3;
	s17 =	sadd.s32 $0x153200, s4;
	[smem:$0x7F4] =	sst s16  }
0x33: {  	s18 =	sadd.s32 $0x4F200, s13;
	s19 =	sadd.s32 $0x153A00, s4;
	[smem:$0x7F5] =	sst s17  }
0x34: {  	s20 =	smul.u32 $0xC, s5;
	s21 =	sadd.s32 $0x154200, s4;
	[smem:$0x7F6] =	sst s18  }
0x35: {  	s5 =	smul.u32 $0x18, s5;
	s22 =	sadd.s32 $0x154A00, s4;
	[smem:$0x7F7] =	sst s19  }
0x36: {  	s23 =	sadd.s32 $0x155200, s4;
	s7 =	simm.s32 $0x6180;
	[smem:$0x7F8] =	sst s21  }
0x37: {  	s10 =	simm.s32 $0xF1A0;
	s13 =	simm.s32 $0x1;
	[smem:$0x7F9] =	sst s22  }
0x38: {  	s6 =	sadd.s32 s9, s6;
	[smem:$0x7FB] =	sst s23;
	s26 =	sadd.s32 $0x156200, s4  }
0x39: {  	v4 =	vimm.s32 $0x52741630;
	v5 =	vimm.s32 $0x63052741;
	s12 =	simm.s32 $0x151A0;
	[smem:$0x7E9] =	sst s6;
	s6 =	sadd.s32 s9, s24  }
0x3a: {  	v1 =	vlaneseq.u32;
	v2 =	vimm.s32 $0x0;
	v7 =	vimm.s32 $0x74163052;
	s1 =	sadd.s32 s1, s20;
	s24 =	sadd.s32 $0x155A00, s4;
	[smem:$0x7FD] =	sst s26  }
0x3b: {  	vm0 =	vcmask $0x300;
	v9 =	vimm.s32 $0xDAFC9EB8;
	v6 =	vunpack.c.l.s4.s8 v4;
	s25 =	sadd.s32 s5, s0;
	s26 =	sadd.s32 $0x156A00, s4;
	[smem:$0x7EE] =	sst s6  }
0x3c: {  	v3 =	vsel vm0, $0x3, v2;
	v4 =	vmul.u32 $0x3, v1;
	v8 =	vunpack.c.l.s4.s8 v5;
	s0 =	simm.s32 $0x2000;
	s4 =	simm.s32 $0x6000;
	[smem:$0x7FA] =	sst s1  }
0x3d: {  	v10 =	vunpack.c.l.s4.s8 v7;
	v11 =	vunpack.c.l.s4.s8 v9;
	v5 =	vunpack.c.0.s8.s32 v6;
	s5 =	simm.s32 $0x6080;
	s6 =	sadd.s32 s9, s11;
	[smem:$0x7FC] =	sst s24  }
0x3e: {  	v6 =	vadd.s32 $0x1, v4;
	v7 =	vunpack.c.0.s8.s32 v8;
	v8 =	vadd.s32 $0x2, v4;
	s30 =	sadd.s32 $0x347A00, s25;
	s1 =	simm.s32 $0x2;
	s9 =	simm.s32 $0xC1A0  }
0x3f: {  	v9 =	vunpack.c.0.s8.s32 v10;
	v10 =	vor.u32 $0x10, v1;
	v11 =	vunpack.c.0.s8.s32 v11;
	s11 =	simm.s32 $0x100;
	[smem:$0x7F3] =	sst s6;
	s6 =	simm.s32 $0x6100  }
.LBB2_1:
0x40: {  	s15 =	rddreg [dreg:$0x12]  }
0x41: {  	[tilespmem:s2], [sflag:$0x2] =	stream.linear.gather [hbm4b:s15+s2], $0x2000, $0x38;
	[tilespmem:$0x191A0] =	vst v63  }
0x42: {  	_ =	swait.ge [sflag:s1], $0x2000  }
0x43: {  	[sflag:s1] =	ssyncset.done $0x0  }
0x44: {  	s21 =	rddreg [dreg:$0x15];
	[sflag:s1] =	ssyncadd.s32 $0xFFFFE000  }
0x45: {  	[tilespmem:s0], [sflag:$0x2] =	stream.linear.gather [hbm4b:s21+s2], $0x2000, $0x38;
	[tilespmem:$0x191A0] =	vst v63  }
0x46: {  	_ =	swait.ge [sflag:s1], $0x2000  }
0x47: {  	[sflag:s1] =	ssyncset.done $0x0  }
0x48: {  	s22 =	rddreg [dreg:$0x18];
	[sflag:s1] =	ssyncadd.s32 $0xFFFFE000  }
0x49: {  	[tilespmem:s3], [sflag:$0x2] =	stream.linear.gather [hbm4b:s22+s2], $0x2000, $0x38;
	[tilespmem:$0x191A0] =	vst v63  }
0x4a: {  	_ =	swait.ge [sflag:s1], $0x2000  }
0x4b: {  	s23 =	sld [smem:$0x7E9]  }
0x4c: {  	[sflag:s1] =	ssyncset.done $0x0  }
0x4d: {  	[sflag:s1] =	ssyncadd.s32 $0xFFFFE000  }
0x4e: {  	[tilespmem:s4], [sflag:$0x2] =	stream.linear.gather [hbm4b:s23+s2], $0x80, $0x38;
	[tilespmem:$0x191A0] =	vst v63  }
0x4f: {  	_ =	swait.ge [sflag:s1], $0x80  }
0x50: {  	s24 =	sld [smem:$0x7EE]  }
0x51: {  	[sflag:s1] =	ssyncset.done $0x0  }
0x52: {  	[sflag:s1] =	ssyncadd.s32 $0xFFFFFF80  }
0x53: {  	[tilespmem:s5], [sflag:$0x2] =	stream.linear.gather [hbm4b:s24+s2], $0x80, $0x38;
	[tilespmem:$0x191A0] =	vst v63  }
0x54: {  	_ =	swait.ge [sflag:s1], $0x80  }
0x55: {  	s25 =	sld [smem:$0x7F3]  }
0x56: {  	[sflag:s1] =	ssyncset.done $0x0  }
0x57: {  	[sflag:s1] =	ssyncadd.s32 $0xFFFFFF80  }
0x58: {  	[tilespmem:s6], [sflag:$0x2] =	stream.linear.gather [hbm4b:s25+s2], $0x80, $0x38;
	[tilespmem:$0x191A0] =	vst v63  }
0x59: {  	_ =	swait.ge [sflag:s1], $0x80  }
0x5a: {  	[sflag:s1] =	ssyncset.done $0x0  }
0x5b: {  	s15 =	simm.s32 $0x0;
	[sflag:s1] =	ssyncadd.s32 $0xFFFFFF80  }
.LBB2_2:
0x5c: {  	s18 =	simm.s32 $0x20  }
0x5d: {  	v14 =	vmov s15;
	s19 =	simm.s32 $0x4020;
	v15 =	vld [tilespmem:s18+$0xFFFFFFE0]  }
0x5e: {  	v17 =	vld [tilespmem:s19+$0xFFFFFFF0]  }
0x5f: {  	s16 =	simm.s32 $0x2020;
	v18 =	vld [tilespmem:s19+$0xFFFFFFE0]  }
0x60: {  	v19 =	vld [tilespmem:s16+$0x0]  }
0x61: {  	v20 =	vld [tilespmem:s16+$0xFFFFFFF0]  }
0x62: {  	v12 =	vld.idx.msk [tilespmem:v14+s4+$0x0], $0xffff  }
0x63: {  	v13 =	vld.idx.msk [tilespmem:v14+s5+$0x0], $0xffff  }
0x64: {  	v14 =	vld.idx.msk [tilespmem:v14+s6+$0x0], $0xffff  }
0x65: {  	v21 =	vld [tilespmem:s16+$0xFFFFFFE0]  }
0x66: {  	v22 =	vld [tilespmem:s16+$0x10]  }
0x67: {  	v25 =	vld [tilespmem:s18+$0x0]  }
0x68: {  	v26 =	vld [tilespmem:s18+$0xFFFFFFF0]  }
0x69: {  	v23 =	vld [tilespmem:s19+$0x10];
	v24 =	vsub.f32 v15, v12;
	v17 =	vsub.f32 v17, v14  }
0x6a: {  	s17 =	sshll.u32 s15, $0x5;
	v27 =	vld [tilespmem:s19+$0x0];
	v18 =	vsub.f32 v18, v14;
	v20 =	vsub.f32 v20, v13  }
0x6b: {  	v16 =	vmov s17;
	v28 =	vld [tilespmem:s18+$0x10];
	v21 =	vsub.f32 v21, v13;
	v22 =	vsub.f32 v22, v13  }
0x6c: {  	v19 =	vsub.f32 v19, v13;
	v25 =	vsub.f32 v25, v12;
	v24 =	vmul.f32 v24, v24  }
0x6d: {  	v26 =	vsub.f32 v26, v12;
	v18 =	vmul.f32 v18, v18;
	v21 =	vmul.f32 v21, v21  }
0x6e: {  	v23 =	vsub.f32 v23, v14;
	v20 =	vmul.f32 v20, v20;
	v22 =	vmul.f32 v22, v22  }
0x6f: {  	v25 =	vmul.f32 v25, v25;
	v26 =	vmul.f32 v26, v26;
	v21 =	vadd.f32 v21, v24  }
0x70: {  	v19 =	vmul.f32 v19, v19;
	v24 =	vsub.f32 v27, v14;
	v27 =	vsub.f32 v28, v12  }
0x71: {  	v17 =	vmul.f32 v17, v17;
	v20 =	vadd.f32 v20, v26;
	v18 =	vadd.f32 v18, v21  }
0x72: {  	v19 =	vadd.f32 v19, v25;
	v21 =	vmul.f32 v23, v23;
	v23 =	vmul.f32 v24, v24  }
0x73: {  	v24 =	vmul.f32 v27, v27;
	v17 =	vadd.f32 v17, v20;
	vm4 =	vlt.f32 v18, $9.999999770e-03  }
0x74: {  	s16 =	sshll.u32 s15, $0x6;
	vm2 =	vlt.f32 v18, $3.999999910e-02;
	v19 =	vadd.f32 v23, v19;
	v18 =	vsel vm4, $0x1, v2  }
0x75: {  	v15 =	vmov s16;
	v22 =	vadd.f32 v22, v24;
	v24 =	vimm.s32 $0x0;
	(xrf0) =	vadd.scan.msk.s32 $0xffff, v18  }
0x76: {  	vm8 =	vlt.f32 v17, $3.999999910e-02;
	v20 =	vsel vm2, $0x1, v2;
	vm1 =	vlt.f32 v19, $9.999999770e-03  }
0x77: {  	vm3 =	vlt.f32 v17, $9.999999770e-03;
	v21 =	vadd.f32 v21, v22;
	(xrf0) =	vadd.scan.msk.s32 $0xffff, v20;
	v20 =	vsel vm1, $0x1, v2  }
0x78: {  	v26 =	vmpcnt.ones.xlane vm2;
	v29 =	vmpcnt.ones.xlane vm8;
	v22 =	vsel vm8, $0x1, v2;
	(xrf0) =	vadd.scan.msk.s32 $0xffff, v20  }
0x79: {  	vm5 =	vlt.f32 v21, $9.999999770e-03;
	vm0 =	vlt.f32 v21, $3.999999910e-02;
	v21 =	vmpcnt.ones.xlane vm4;
	(xrf0) =	vadd.scan.msk.s32 $0xffff, v22  }
0x7a: {  	s19 =	simm.s32 $0x0;
	v27 =	vmpcnt.ones.xlane vm3;
	v31 =	vsel vm3, $0x1, v2;
	vm9 =	vlt.f32 v19, $3.999999910e-02  }
0x7b: {  	v18 =	vor.u32 s19, v1;
	v20 =	vmpcnt.ones.xlane vm1;
	v22 =	vsel vm5, $0x1, v2;
	v17, _, _ =	vpop (xrf0)  }
0x7c: {  	v19 =	vsel vm9, $0x1, v2;
	v23 =	vadd.s32 v24, v21;
	(xrf0) =	vadd.scan.msk.s32 $0xffff, v22;
	v17 =	vadd.s32 v17, v24  }
0x7d: {  	v25 =	vmpcnt.ones.xlane vm5;
	v27 =	vadd.s32 v23, v27;
	v21, _, _ =	vpop (xrf0);
	v30 =	vadd.s32 $0xFFFFFFFF, v17  }
0x7e: {  	v21 =	vadd.s32 v21, v24;
	v17 =	vmpcnt.ones.xlane vm0;
	v28, _, _ =	vpop (xrf0);
	vm6 =	vlt.s32 v30, $0x2F  }
0x7f: {  	s20 =	simm.s32 $0x0;
	s21 =	simm.s32 $0x60;
	v22 =	vnsel vm6, $0x2F, v30;
	v30 =	vadd.s32 v24, v26;
	v26 =	vadd.s32 v27, v20;
	v20, _, _ =	vpop (xrf0)  }
0x80: {  	s22 =	simm.s32 $0x2060;
	s23 =	simm.s32 $0x4060;
	s18 =	simm.s32 $0x0;
	(xrf0) =	vadd.scan.msk.s32 $0xffff, v31;
	v24 =	vadd.s32 v16, v22;
	v22 =	vadd.s32 v20, v30;
	v20 =	vadd.s32 v30, v29  }
.LBB2_3:
0x81: {  	v30 =	vadd.s32 $0xFFFFFFFF, v21;
	v27 =	vadd.s32 v28, v27  }
0x82: {  	v29 =	vld [tilespmem:s21+$0xFFFFFFE0];
	s20 =	sadd.s32 $0x4, s20;
	v21 =	vadd.s32 v26, v25;
	s19 =	sadd.s32 $0x40, s19;
	v25, _, _ =	vpop (xrf0);
	vm6 =	vmmov vm8;
	vm7 =	vmmov vm9  }
0x83: {  	v28 =	vld [tilespmem:s23+$0xFFFFFFF0];
	p0 =	slt.u32 s20, $0x1FC;
	vm8 =	vlt.s32 v30, $0x4F;
	v27 =	vadd.s32 $0xFFFFFFFF, v27;
	v25 =	vadd.s32 v25, v26  }
0x84: {  	v26 =	vld [tilespmem:s23+$0xFFFFFFE0];
	v30 =	vnsel vm8, $0x4F, v30;
	vm8 =	vlt.s32 v27, $0x2F;
	v25 =	vadd.s32 $0xFFFFFFFF, v25  }
0x85: {  	v32 =	vsel vm0, $0x1, v2;
	v31 =	vld [tilespmem:s22+$0x0];
	v30 =	vadd.s32 v15, v30;
	vm9 =	vlt.s32 v25, $0x2F  }
0x86: {  	v33 =	vld [tilespmem:s22+$0x10];
	[tilespmem:v24+s7+$0x0] =	vst.idx.msk vm4, v18;
	v24 =	vnsel vm8, $0x2F, v27;
	v25 =	vnsel vm9, $0x2F, v25;
	v27, _, _ =	vpop (xrf0);
	(xrf0) =	vadd.scan.msk.s32 $0xffff, v32  }
0x87: {  	v29 =	vsub.f32 v29, v12;
	v32 =	vld [tilespmem:s22+$0xFFFFFFF0];
	v23 =	vadd.s32 v27, v23;
	v25 =	vadd.s32 v16, v25  }
0x88: {  	v24 =	vadd.s32 v16, v24;
	v27 =	vsub.f32 v28, v14;
	v28 =	vld [tilespmem:s23+$0x10];
	v23 =	vadd.s32 $0xFFFFFFFF, v23  }
0x89: {  	s24 =	sadd.s32 $0x10, s18;
	v26 =	vsub.f32 v26, v14;
	v29 =	vmul.f32 v29, v29;
	v34 =	vld [tilespmem:s21+$0x0];
	vm4 =	vlt.s32 v23, $0x2F  }
0x8a: {  	v35 =	vld [tilespmem:s22+$0xFFFFFFE0];
	[tilespmem:v30+s8+$0x0] =	vst.idx.msk vm2, v18;
	v30 =	vor.u32 s24, v1;
	v18 =	vnsel vm4, $0x2F, v23;
	v23 =	vmpcnt.ones.xlane vm7;
	s24 =	sadd.s32 $0x30, s18  }
0x8b: {  	s25 =	sadd.s32 $0x20, s18;
	s18 =	smov.u32 s19;
	v36 =	vld [tilespmem:s23+$0x0];
	v33 =	vsub.f32 v33, v13;
	v18 =	vadd.s32 v16, v18;
	v37 =	vor.u32 s24, v1  }
0x8c: {  	v39 =	vor.u32 s25, v1;
	v38 =	vld [tilespmem:s21+$0xFFFFFFF0];
	v32 =	vsub.f32 v32, v13;
	v23 =	vadd.s32 v20, v23;
	[tilespmem:v25+s7+$0x0] =	vst.idx.msk vm5, v37;
	v25, _, _ =	vpop (xrf0)  }
0x8d: {  	v31 =	vsub.f32 v31, v13;
	v26 =	vmul.f32 v26, v26;
	v25 =	vadd.s32 v25, v23  }
0x8e: {  	v33 =	vmul.f32 v33, v33;
	v32 =	vmul.f32 v32, v32;
	v40 =	vld [tilespmem:s21+$0x10];
	[tilespmem:v24+s7+$0x0] =	vst.idx.msk vm1, v39;
	v24 =	vadd.s32 $0xFFFFFFFF, v25  }
0x8f: {  	v28 =	vsub.f32 v28, v14;
	v25 =	vsub.f32 v34, v12;
	vm1 =	vlt.s32 v24, $0x4F;
	(xrf0) =	vadd.scan.msk.s32 $0xffff, v19  }
0x90: {  	v27 =	vmul.f32 v27, v27;
	v19 =	vsub.f32 v35, v13;
	v34 =	vsub.f32 v36, v14  }
0x91: {  	v35 =	vsub.f32 v38, v12;
	[tilespmem:v18+s7+$0x0] =	vst.idx.msk vm3, v30;
	v18 =	vnsel vm1, $0x4F, v24;
	v24 =	vadd.s32 v23, v17  }
0x92: {  	v17 =	vmul.f32 v19, v19;
	v19 =	vmul.f32 v28, v28;
	v18 =	vadd.s32 v15, v18  }
0x93: {  	v22 =	vadd.s32 $0xFFFFFFFF, v22;
	v23 =	vmul.f32 v25, v25;
	v25 =	vsub.f32 v40, v12  }
0x94: {  	v28 =	vmul.f32 v31, v31;
	vm1 =	vlt.s32 v22, $0x4F;
	v17 =	vadd.f32 v17, v29  }
0x95: {  	v22 =	vnsel vm1, $0x4F, v22;
	v29 =	vmul.f32 v35, v35;
	v25 =	vmul.f32 v25, v25;
	v31, _, _ =	vpop (xrf0)  }
0x96: {  	v23 =	vadd.f32 v28, v23;
	v17 =	vadd.f32 v26, v17;
	v20 =	vadd.s32 v31, v20  }
0x97: {  	v26 =	vadd.f32 v32, v29;
	v25 =	vadd.f32 v33, v25;
	v20 =	vadd.s32 $0xFFFFFFFF, v20;
	[tilespmem:v18+s8+$0x0] =	vst.idx.msk vm0, v37  }
0x98: {  	vm4 =	vlt.f32 v17, $9.999999770e-03;
	v18 =	vmul.f32 v34, v34;
	vm0 =	vlt.s32 v20, $0x4F  }
0x99: {  	vm2 =	vlt.f32 v17, $3.999999910e-02;
	v26 =	vadd.f32 v27, v26;
	v17 =	vsel vm4, $0x1, v2  }
0x9a: {  	v29 =	vmpcnt.ones.xlane vm2;
	v18 =	vadd.f32 v18, v23;
	v20 =	vnsel vm0, $0x4F, v20  }
0x9b: {  	v23 =	vsel vm2, $0x1, v2;
	v20 =	vadd.s32 v15, v20;
	(xrf0) =	vadd.scan.msk.s32 $0xffff, v17;
	v17 =	vadd.s32 v15, v22  }
0x9c: {  	vm8 =	vlt.f32 v26, $3.999999910e-02;
	vm1 =	vlt.f32 v18, $9.999999770e-03;
	vm9 =	vlt.f32 v18, $3.999999910e-02;
	(xrf0) =	vadd.scan.msk.s32 $0xffff, v23  }
0x9d: {  	v25 =	vadd.f32 v19, v25;
	v22 =	vsel vm8, $0x1, v2;
	v23 =	vsel vm1, $0x1, v2  }
0x9e: {  	v18 =	vor.u32 s19, v1;
	v19 =	vsel vm9, $0x1, v2;
	(xrf0) =	vadd.scan.msk.s32 $0xffff, v23  }
0x9f: {  	vm5 =	vlt.f32 v25, $9.999999770e-03;
	vm0 =	vlt.f32 v25, $3.999999910e-02;
	v31 =	vmpcnt.ones.xlane vm1;
	(xrf0) =	vadd.scan.msk.s32 $0xffff, v22  }
0xa0: {  	v25 =	vmpcnt.ones.xlane vm5;
	v23 =	vsel vm5, $0x1, v2;
	v22 =	vmpcnt.ones.xlane vm4;
	[tilespmem:v20+s8+$0x0] =	vst.idx.msk vm7, v39  }
0xa1: {  	vm3 =	vlt.f32 v26, $9.999999770e-03;
	v20 =	vmpcnt.ones.xlane vm8;
	v26, _, _ =	vpop (xrf0);
	(xrf0) =	vadd.scan.msk.s32 $0xffff, v23;
	[tilespmem:v17+s8+$0x0] =	vst.idx.msk vm6, v30  }
.Ltmp0:
0xa2: {  	v23 =	vadd.s32 v21, v22;
	v22 =	vmpcnt.ones.xlane vm3;
	v17 =	vadd.s32 v26, v21;
	v21, _, _ =	vpop (xrf0);
	(pc) =	sbr.rel @p0 .LBB2_3-.Ltmp0, $4  }
0xa3: {  	v32 =	vsel vm3, $0x1, v2;
	v26 =	vadd.s32 $0xFFFFFFFF, v17;
	v21 =	vadd.s32 v21, v24  }
0xa4: {  	v27 =	vadd.s32 v23, v22;
	v17 =	vmpcnt.ones.xlane vm0;
	vm6 =	vlt.s32 v26, $0x2F;
	v28, _, _ =	vpop (xrf0)  }
0xa5: {  	v29 =	vadd.s32 v24, v29;
	v22 =	vnsel vm6, $0x2F, v26;
	v26 =	vadd.s32 v27, v31;
	(xrf0) =	vadd.scan.msk.s32 $0xffff, v32;
	v30, _, _ =	vpop (xrf0)  }
0xa6: {  	s22 =	sadd.s32 $0x40, s22;
	s23 =	sadd.s32 $0x40, s23;
	s21 =	sadd.s32 $0x40, s21;
	v20 =	vadd.s32 v29, v20;
	v24 =	vadd.s32 v16, v22;
	v22 =	vadd.s32 v30, v29  }
0xa7: {  	v29 =	vsel vm0, $0x1, v2  }
0xa8: {  	v25 =	vadd.s32 v26, v25;
	(xrf0) =	vadd.scan.msk.s32 $0xffff, v29  }
0xa9: {  	v52 =	vxor.u32 $0x80000000, v25;
	(xrf0) =	vadd.scan.msk.s32 $0xffff, v19  }
0xaa: {  	(xrf0) =	vmax.scan.msk.u32 $0xffff, v52;
	_ =	sdelay $0x1  }
0xab: {  	v53, _, _ =	vpop (xrf0);
	v27 =	vadd.s32 v28, v27  }
0xac: {  	v21 =	vadd.s32 $0xFFFFFFFF, v21;
	vm6 =	vmmov vm8;
	vm7 =	vmmov vm9;
	v54, _, _ =	vpop (xrf0)  }
0xad: {  	v22 =	vadd.s32 $0xFFFFFFFF, v22;
	v61 =	vshrl.u32 v16, $0x3;
	vm14 =	vlt.s32 v21, $0x4F;
	v55, _, _ =	vpop (xrf0)  }
0xae: {  	s23 =	sadd.s32 $0x20, s18;
	v27 =	vadd.s32 $0xFFFFFFFF, v27;
	v58 =	vmpcnt.ones.xlane vm7;
	vm9 =	vlt.s32 v22, $0x4F;
	v56, _, _ =	vpop (xrf0)  }
0xaf: {  	v63 =	vor.u32 s23, v1;
	v19 =	vadd.s32 v53, v26;
	v21 =	vnsel vm14, $0x4F, v21;
	v57, _, _ =	vpop (xrf0)  }
0xb0: {  	vm15 =	vlt.s32 v27, $0x2F;
	v62 =	vnsel vm9, $0x4F, v22;
	(v2sf) =	vpush v57, $0xF  }
0xb1: {  	v19 =	vadd.s32 $0xFFFFFFFF, v19;
	v21 =	vadd.s32 v15, v21;
	v27 =	vnsel vm15, $0x2F, v27  }
0xb2: {  	v25 =	vadd.s32 v20, v58;
	vm12 =	vlt.s32 v19, $0x2F;
	v23 =	vadd.s32 v54, v23  }
0xb3: {  	v27 =	vadd.s32 v16, v27;
	v19 =	vnsel vm12, $0x2F, v19;
	v23 =	vadd.s32 $0xFFFFFFFF, v23  }
0xb4: {  	v19 =	vadd.s32 v16, v19;
	vm13 =	vlt.s32 v23, $0x2F;
	v28 =	vadd.s32 v55, v25  }
0xb5: {  	v23 =	vnsel vm13, $0x2F, v23;
	v28 =	vadd.s32 $0xFFFFFFFF, v28;
	v59 =	vadd.s32 v56, v20  }
0xb6: {  	[tilespmem:v24+s7+$0x0] =	vst.idx.msk vm4, v18;
	v23 =	vadd.s32 v16, v23;
	vm14 =	vlt.s32 v28, $0x4F;
	v20 =	vadd.s32 $0xFFFFFFFF, v59  }
0xb7: {  	[tilespmem:v21+s8+$0x0] =	vst.idx.msk vm2, v18;
	v18 =	vadd.s32 v15, v62;
	v28 =	vnsel vm14, $0x4F, v28;
	vm15 =	vlt.s32 v20, $0x4F  }
0xb8: {  	s19 =	sadd.s32 $0x30, s18;
	v16 =	vshll.u32 v61, v3;
	v28 =	vadd.s32 v15, v28;
	v20 =	vnsel vm15, $0x4F, v20  }
0xb9: {  	s24 =	sadd.s32 $0x10, s18;
	v60 =	vor.u32 s19, v1;
	[tilespmem:v27+s7+$0x0] =	vst.idx.msk vm1, v63;
	v16 =	vbroadcast v16, $0x0;
	v20 =	vadd.s32 v15, v20  }
0xba: {  	v24 =	vor.u32 s24, v1;
	[tilespmem:v19+s7+$0x0] =	vst.idx.msk vm5, v60  }
0xbb: {  	[tilespmem:v23+s7+$0x0] =	vst.idx.msk vm3, v24  }
0xbc: {  	[tilespmem:v18+s8+$0x0] =	vst.idx.msk vm6, v24  }
0xbd: {  	[tilespmem:v28+s8+$0x0] =	vst.idx.msk vm0, v60  }
0xbe: {  	[tilespmem:v20+s8+$0x0] =	vst.idx.msk vm7, v63  }
0xbf: {  	v16 =	vld.idx.msk [tilespmem:v16+s7+$0x0], $0xffff;
	s25 =	spop (v2sf)  }
0xc0: {  	v18 =	vld [tilespmem:s17+$0x6180];
	s18 =	sxor.u32 $0x80000000, s25  }
0xc1: {  	p0 =	slt.s32 s18, $0x20  }
0xc2: {  	s18 =	simm.s32 @!p0 $0x20  }
0xc3: {  	v28 =	vmov s18  }
0xc4: {  	vm10 =	vgt.s32 v28, v1  }
0xc5: {  	v18 =	vsel vm10, v18, v16;
	_ =	sdelay $0x2  }
0xc6: {  	s19 =	smul.u32 $0x60, s15;
	v29 =	vadd.s32 v0, v18  }
0xc7: {  	[tilespmem:s17+$0x91A0] =	vst v29  }
0xc8: {  	v30 =	vadd.s32 s19, v4;
	v20 =	vld.idx.msk [tilespmem:v18+s2+$0x0], $0xffff  }
0xc9: {  	v32 =	vadd.s32 s19, v6;
	v21 =	vand.u32 $0x7FF8, v30;
	v31 =	vld.idx.msk [tilespmem:v18+s0+$0x0], $0xffff  }
0xca: {  	v33 =	vadd.s32 s19, v8;
	v21 =	vor.u32 v5, v21;
	v23 =	vand.u32 $0x7FF8, v32;
	v18 =	vld.idx.msk [tilespmem:v18+s3+$0x0], $0xffff  }
0xcb: {  	v23 =	vor.u32 v7, v23;
	v24 =	vand.u32 $0x7FF8, v33  }
0xcc: {  	v24 =	vor.u32 v9, v24  }
0xcd: {  	v20 =	vsub.f32 v20, v12  }
0xce: {  	v17 =	vadd.s32 v25, v17;
	v22 =	vsub.f32 v31, v13  }
0xcf: {  	v17 =	vxor.u32 $0x80000000, v17;
	v18 =	vsub.f32 v18, v14;
	[tilespmem:v21+s9+$0x0] =	vst.idx.msk $0xffff, v20  }
0xd0: {  	(xrf0) =	vmax.scan.msk.u32 $0xffff, v17;
	[tilespmem:v23+s9+$0x0] =	vst.idx.msk $0xffff, v22  }
0xd1: {  	[tilespmem:v24+s9+$0x0] =	vst.idx.msk $0xffff, v18  }
0xd2: {  	v34 =	vld [tilespmem:s17+$0x6190];
	_ =	sdelay $0x3  }
0xd3: {  	v35, _, _ =	vpop (xrf0);
	vm11 =	vgt.s32 v28, v10  }
0xd4: {  	(v2sf) =	vpush v35, $0xF;
	v16 =	vsel vm11, v34, v16;
	_ =	sdelay $0x1  }
0xd5: {  	s20 =	sor.u32 $0x10, s17  }
0xd6: {  	s18 =	smul.u32 $0x3, s20;
	v17 =	vadd.s32 v0, v16  }
0xd7: {  	[tilespmem:s17+$0x91B0] =	vst v17  }
0xd8: {  	v36 =	vadd.s32 s18, v4;
	v37 =	vld.idx.msk [tilespmem:v16+s2+$0x0], $0xffff  }
0xd9: {  	v41 =	vshrl.u32 v15, $0x3;
	v39 =	vadd.s32 s18, v6;
	v17 =	vand.u32 $0x7FFFFFF8, v36;
	v38 =	vld.idx.msk [tilespmem:v16+s0+$0x0], $0xffff  }
0xda: {  	v40 =	vadd.s32 s18, v8;
	v20 =	vand.u32 $0x7FFFFFF8, v39;
	v17 =	vor.u32 v5, v17;
	v16 =	vld.idx.msk [tilespmem:v16+s3+$0x0], $0xffff  }
0xdb: {  	v15 =	vshll.u32 v41, v3;
	v21 =	vand.u32 $0x7FFFFFF8, v40;
	v20 =	vor.u32 v7, v20  }
0xdc: {  	v15 =	vbroadcast v15, $0x0;
	v21 =	vor.u32 v9, v21  }
0xdd: {  	v18 =	vsub.f32 v37, v12  }
0xde: {  	v19 =	vsub.f32 v38, v13  }
0xdf: {  	v16 =	vsub.f32 v16, v14;
	[tilespmem:v17+s9+$0x0] =	vst.idx.msk $0xffff, v18  }
0xe0: {  	[tilespmem:v20+s9+$0x0] =	vst.idx.msk $0xffff, v19  }
0xe1: {  	[tilespmem:v21+s9+$0x0] =	vst.idx.msk $0xffff, v16  }
0xe2: {  	s21 =	spop (v2sf);
	v15 =	vld.idx.msk [tilespmem:v15+s8+$0x0], $0xffff  }
0xe3: {  	s17 =	sxor.u32 $0x80000000, s21;
	v16 =	vld [tilespmem:s16+$0x7190]  }
0xe4: {  	p0 =	slt.s32 s17, $0x40  }
0xe5: {  	s17 =	simm.s32 @!p0 $0x40  }
0xe6: {  	v42 =	vmov s17  }
0xe7: {  	vm12 =	vgt.s32 v42, v1  }
0xe8: {  	v16 =	vsel vm12, v16, v15;
	_ =	sdelay $0x2  }
0xe9: {  	v43 =	vadd.s32 v0, v16  }
0xea: {  	s22 =	smul.u32 $0xC0, s15;
	[tilespmem:s16+$0xA1A0] =	vst v43  }
0xeb: {  	v18 =	vld.idx.msk [tilespmem:v16+s2+$0x0], $0xffff  }
0xec: {  	v44 =	vor.u32 s22, v4;
	v19 =	vld.idx.msk [tilespmem:v16+s0+$0x0], $0xffff  }
0xed: {  	v20 =	vand.u32 v11, v44;
	v16 =	vld.idx.msk [tilespmem:v16+s3+$0x0], $0xffff  }
0xee: {  	v45 =	vor.u32 s22, v6  }
0xef: {  	v46 =	vor.u32 s22, v8  }
0xf0: {  	v18 =	vsub.f32 v18, v12  }
0xf1: {  	v19 =	vsub.f32 v19, v13  }
0xf2: {  	v16 =	vsub.f32 v16, v14;
	[tilespmem:v20+s10+$0x0] =	vst.idx.msk $0xffff, v18  }
0xf3: {  	[tilespmem:v45+s10+$0x0] =	vst.idx.msk $0xffff, v19  }
0xf4: {  	[tilespmem:v46+s10+$0x0] =	vst.idx.msk $0xffff, v16  }
0xf5: {  	v16 =	vld [tilespmem:s16+$0x71A0];
	_ =	sdelay $0x3  }
0xf6: {  	vm13 =	vgt.s32 v42, v10  }
0xf7: {  	v16 =	vsel vm13, v16, v15;
	_ =	sdelay $0x1  }
0xf8: {  	s23 =	sor.u32 $0x10, s16  }
0xf9: {  	s17 =	smul.u32 $0x3, s23;
	v47 =	vadd.s32 v0, v16  }
0xfa: {  	[tilespmem:s16+$0xA1B0] =	vst v47  }
0xfb: {  	v48 =	vadd.s32 s17, v4;
	v18 =	vld.idx.msk [tilespmem:v16+s2+$0x0], $0xffff  }
0xfc: {  	v49 =	vadd.s32 s17, v6;
	v19 =	vand.u32 $0x7FFFFFF8, v48;
	v20 =	vld.idx.msk [tilespmem:v16+s0+$0x0], $0xffff  }
0xfd: {  	v50 =	vadd.s32 s17, v8;
	v21 =	vand.u32 $0x7FFFFFF8, v49;
	v19 =	vor.u32 v5, v19;
	v16 =	vld.idx.msk [tilespmem:v16+s3+$0x0], $0xffff  }
0xfe: {  	v22 =	vand.u32 $0x7FFFFFF8, v50;
	v21 =	vor.u32 v7, v21  }
0xff: {  	v22 =	vor.u32 v9, v22  }
0x100: {  	v18 =	vsub.f32 v18, v12  }
0x101: {  	v20 =	vsub.f32 v20, v13  }
0x102: {  	v16 =	vsub.f32 v16, v14;
	[tilespmem:v19+s10+$0x0] =	vst.idx.msk $0xffff, v18  }
0x103: {  	[tilespmem:v21+s10+$0x0] =	vst.idx.msk $0xffff, v20  }
0x104: {  	[tilespmem:v22+s10+$0x0] =	vst.idx.msk $0xffff, v16  }
0x105: {  	v16 =	vld [tilespmem:s16+$0x71B0];
	_ =	sdelay $0x2  }
0x106: {  	v51 =	vor.u32 $0x20, v1  }
0x107: {  	vm14 =	vgt.s32 v42, v51  }
0x108: {  	v16 =	vsel vm14, v16, v15;
	_ =	sdelay $0x1  }
0x109: {  	s24 =	sor.u32 $0x20, s16  }
0x10a: {  	s17 =	smul.u32 $0x3, s24;
	v52 =	vadd.s32 v0, v16  }
0x10b: {  	[tilespmem:s16+$0xA1C0] =	vst v52  }
0x10c: {  	v53 =	vadd.s32 s17, v4;
	v18 =	vld.idx.msk [tilespmem:v16+s2+$0x0], $0xffff  }
0x10d: {  	v54 =	vadd.s32 s17, v6;
	v19 =	vand.u32 $0x7FFFFFF8, v53;
	v20 =	vld.idx.msk [tilespmem:v16+s0+$0x0], $0xffff  }
0x10e: {  	v55 =	vadd.s32 s17, v8;
	v19 =	vor.u32 v5, v19;
	v21 =	vand.u32 $0x7FFFFFF8, v54;
	v16 =	vld.idx.msk [tilespmem:v16+s3+$0x0], $0xffff  }
0x10f: {  	v21 =	vor.u32 v7, v21;
	v22 =	vand.u32 $0x7FFFFFF8, v55  }
0x110: {  	v22 =	vor.u32 v9, v22  }
0x111: {  	v18 =	vsub.f32 v18, v12  }
0x112: {  	v20 =	vsub.f32 v20, v13  }
0x113: {  	v16 =	vsub.f32 v16, v14;
	[tilespmem:v19+s10+$0x0] =	vst.idx.msk $0xffff, v18  }
0x114: {  	[tilespmem:v21+s10+$0x0] =	vst.idx.msk $0xffff, v20  }
0x115: {  	[tilespmem:v22+s10+$0x0] =	vst.idx.msk $0xffff, v16  }
0x116: {  	v16 =	vld [tilespmem:s16+$0x71C0];
	_ =	sdelay $0x2  }
0x117: {  	v56 =	vor.u32 $0x30, v1  }
0x118: {  	vm15 =	vgt.s32 v42, v56  }
0x119: {  	v15 =	vsel vm15, v16, v15;
	_ =	sdelay $0x1  }
0x11a: {  	s25 =	sor.u32 $0x30, s16  }
0x11b: {  	s17 =	smul.u32 $0x3, s25;
	v16 =	vadd.s32 v0, v15  }
0x11c: {  	[tilespmem:s16+$0xA1D0] =	vst v16  }
0x11d: {  	v57 =	vadd.s32 s17, v4;
	v16 =	vld.idx.msk [tilespmem:v15+s2+$0x0], $0xffff  }
0x11e: {  	v59 =	vadd.s32 s17, v6;
	v17 =	vand.u32 $0x7FFFFFF8, v57;
	v58 =	vld.idx.msk [tilespmem:v15+s0+$0x0], $0xffff  }
0x11f: {  	v60 =	vadd.s32 s17, v8;
	v17 =	vor.u32 v5, v17;
	v19 =	vand.u32 $0x7FFFFFF8, v59;
	v15 =	vld.idx.msk [tilespmem:v15+s3+$0x0], $0xffff  }
0x120: {  	s15 =	sadd.s32 $0x1, s15;
	v19 =	vor.u32 v7, v19;
	v20 =	vand.u32 $0x7FFFFFF8, v60  }
0x121: {  	p0 =	sne.s32 s15, $0x80;
	v20 =	vor.u32 v9, v20  }
.Ltmp1:
0x122: {  	v61 =	vsub.f32 v16, v12;
	(pc) =	sbr.rel @p0 .LBB2_2-.Ltmp1, $4  }
0x123: {  	v62 =	vsub.f32 v58, v13  }
0x124: {  	v63 =	vsub.f32 v15, v14;
	[tilespmem:v17+s10+$0x0] =	vst.idx.msk $0xffff, v61  }
0x125: {  	[tilespmem:v19+s10+$0x0] =	vst.idx.msk $0xffff, v62  }
0x126: {  	[tilespmem:v20+s10+$0x0] =	vst.idx.msk $0xffff, v63  }
0x127: {  	s15 =	simm.s32 $0x91A0  }
0x128: {  	[tilespmem:s12], [sflag:$0x1] =	stream.indirect.gather [hbm4b:s28+s11], $0x40, s15, s11, $0xb8;
	[tilespmem:$0x191A0] =	vst v63  }
0x129: {  	_ =	swait.ge [sflag:s13], $0x4000  }
0x12a: {  	[sflag:s13] =	ssyncset.done $0x0  }
0x12b: {  	s22 =	rddreg [dreg:$0x3];
	[sflag:s13] =	ssyncadd.s32 $0xFFFFC000  }
0x12c: {  	[hbm4b:s22+s2] =	stream.linear.scatter [tilespmem:s12], [sflag:$0x2], $0x4000, $0x38;
	[tilespmem:$0x191A0] =	vst v63  }
0x12d: {  	_ =	swait.ge [sflag:s1], $0x4000  }
0x12e: {  	[sflag:s1] =	ssyncset.done $0x0  }
0x12f: {  	s23 =	simm.s32 $0x92A0;
	[sflag:s1] =	ssyncadd.s32 $0xFFFFC000  }
0x130: {  	[tilespmem:s12], [sflag:$0x1] =	stream.indirect.gather [hbm4b:s28+s11], $0x40, s23, s11, $0xb8;
	[tilespmem:$0x191A0] =	vst v63  }
0x131: {  	_ =	swait.ge [sflag:s13], $0x4000  }
0x132: {  	[sflag:s13] =	ssyncset.done $0x0  }
0x133: {  	s24 =	rddreg [dreg:$0x4];
	[sflag:s13] =	ssyncadd.s32 $0xFFFFC000  }
0x134: {  	[hbm4b:s24+s2] =	stream.linear.scatter [tilespmem:s12], [sflag:$0x2], $0x4000, $0x38;
	[tilespmem:$0x191A0] =	vst v63  }
0x135: {  	_ =	swait.ge [sflag:s1], $0x4000  }
0x136: {  	[sflag:s1] =	ssyncset.done $0x0  }
0x137: {  	s25 =	simm.s32 $0x93A0;
	[sflag:s1] =	ssyncadd.s32 $0xFFFFC000  }
0x138: {  	[tilespmem:s12], [sflag:$0x1] =	stream.indirect.gather [hbm4b:s28+s11], $0x40, s25, s11, $0xb8;
	[tilespmem:$0x191A0] =	vst v63  }
0x139: {  	_ =	swait.ge [sflag:s13], $0x4000  }
0x13a: {  	[sflag:s13] =	ssyncset.done $0x0  }
0x13b: {  	s16 =	rddreg [dreg:$0x5];
	[sflag:s13] =	ssyncadd.s32 $0xFFFFC000  }
0x13c: {  	[hbm4b:s16+s2] =	stream.linear.scatter [tilespmem:s12], [sflag:$0x2], $0x4000, $0x38;
	[tilespmem:$0x191A0] =	vst v63  }
0x13d: {  	_ =	swait.ge [sflag:s1], $0x4000  }
0x13e: {  	[sflag:s1] =	ssyncset.done $0x0  }
0x13f: {  	s17 =	simm.s32 $0x94A0;
	[sflag:s1] =	ssyncadd.s32 $0xFFFFC000  }
0x140: {  	[tilespmem:s12], [sflag:$0x1] =	stream.indirect.gather [hbm4b:s28+s11], $0x40, s17, s11, $0xb8;
	[tilespmem:$0x191A0] =	vst v63  }
0x141: {  	_ =	swait.ge [sflag:s13], $0x4000  }
0x142: {  	[sflag:s13] =	ssyncset.done $0x0  }
0x143: {  	s18 =	rddreg [dreg:$0x6];
	[sflag:s13] =	ssyncadd.s32 $0xFFFFC000  }
0x144: {  	[hbm4b:s18+s2] =	stream.linear.scatter [tilespmem:s12], [sflag:$0x2], $0x4000, $0x38;
	[tilespmem:$0x191A0] =	vst v63  }
0x145: {  	_ =	swait.ge [sflag:s1], $0x4000  }
0x146: {  	[sflag:s1] =	ssyncset.done $0x0  }
0x147: {  	s19 =	simm.s32 $0x95A0;
	[sflag:s1] =	ssyncadd.s32 $0xFFFFC000  }
0x148: {  	[tilespmem:s12], [sflag:$0x1] =	stream.indirect.gather [hbm4b:s28+s11], $0x40, s19, s11, $0xb8;
	[tilespmem:$0x191A0] =	vst v63  }
0x149: {  	_ =	swait.ge [sflag:s13], $0x4000  }
0x14a: {  	[sflag:s13] =	ssyncset.done $0x0  }
0x14b: {  	s20 =	rddreg [dreg:$0x7];
	[sflag:s13] =	ssyncadd.s32 $0xFFFFC000  }
0x14c: {  	[hbm4b:s20+s2] =	stream.linear.scatter [tilespmem:s12], [sflag:$0x2], $0x4000, $0x38;
	[tilespmem:$0x191A0] =	vst v63  }
0x14d: {  	_ =	swait.ge [sflag:s1], $0x4000  }
0x14e: {  	[sflag:s1] =	ssyncset.done $0x0  }
0x14f: {  	s21 =	simm.s32 $0x96A0;
	[sflag:s1] =	ssyncadd.s32 $0xFFFFC000  }
0x150: {  	[tilespmem:s12], [sflag:$0x1] =	stream.indirect.gather [hbm4b:s28+s11], $0x40, s21, s11, $0xb8;
	[tilespmem:$0x191A0] =	vst v63  }
0x151: {  	_ =	swait.ge [sflag:s13], $0x4000  }
0x152: {  	[sflag:s13] =	ssyncset.done $0x0  }
0x153: {  	s22 =	rddreg [dreg:$0x8];
	[sflag:s13] =	ssyncadd.s32 $0xFFFFC000  }
0x154: {  	[hbm4b:s22+s2] =	stream.linear.scatter [tilespmem:s12], [sflag:$0x2], $0x4000, $0x38;
	[tilespmem:$0x191A0] =	vst v63  }
0x155: {  	_ =	swait.ge [sflag:s1], $0x4000  }
0x156: {  	[sflag:s1] =	ssyncset.done $0x0  }
0x157: {  	s23 =	simm.s32 $0x97A0;
	[sflag:s1] =	ssyncadd.s32 $0xFFFFC000  }
0x158: {  	[tilespmem:s12], [sflag:$0x1] =	stream.indirect.gather [hbm4b:s28+s11], $0x40, s23, s11, $0xb8;
	[tilespmem:$0x191A0] =	vst v63  }
0x159: {  	_ =	swait.ge [sflag:s13], $0x4000  }
0x15a: {  	[sflag:s13] =	ssyncset.done $0x0  }
0x15b: {  	s24 =	rddreg [dreg:$0x9];
	[sflag:s13] =	ssyncadd.s32 $0xFFFFC000  }
0x15c: {  	[hbm4b:s24+s2] =	stream.linear.scatter [tilespmem:s12], [sflag:$0x2], $0x4000, $0x38;
	[tilespmem:$0x191A0] =	vst v63  }
0x15d: {  	_ =	swait.ge [sflag:s1], $0x4000  }
0x15e: {  	[sflag:s1] =	ssyncset.done $0x0  }
0x15f: {  	s25 =	simm.s32 $0x98A0;
	[sflag:s1] =	ssyncadd.s32 $0xFFFFC000  }
0x160: {  	[tilespmem:s12], [sflag:$0x1] =	stream.indirect.gather [hbm4b:s28+s11], $0x40, s25, s11, $0xb8;
	[tilespmem:$0x191A0] =	vst v63  }
0x161: {  	_ =	swait.ge [sflag:s13], $0x4000  }
0x162: {  	[sflag:s13] =	ssyncset.done $0x0  }
0x163: {  	s16 =	rddreg [dreg:$0xa];
	[sflag:s13] =	ssyncadd.s32 $0xFFFFC000  }
0x164: {  	[hbm4b:s16+s2] =	stream.linear.scatter [tilespmem:s12], [sflag:$0x2], $0x4000, $0x38;
	[tilespmem:$0x191A0] =	vst v63  }
0x165: {  	_ =	swait.ge [sflag:s1], $0x4000  }
0x166: {  	[sflag:s1] =	ssyncset.done $0x0  }
0x167: {  	s17 =	simm.s32 $0x99A0;
	[sflag:s1] =	ssyncadd.s32 $0xFFFFC000  }
0x168: {  	[tilespmem:s12], [sflag:$0x1] =	stream.indirect.gather [hbm4b:s28+s11], $0x40, s17, s11, $0xb8;
	[tilespmem:$0x191A0] =	vst v63  }
0x169: {  	_ =	swait.ge [sflag:s13], $0x4000  }
0x16a: {  	[sflag:s13] =	ssyncset.done $0x0  }
0x16b: {  	s18 =	rddreg [dreg:$0xb];
	[sflag:s13] =	ssyncadd.s32 $0xFFFFC000  }
0x16c: {  	[hbm4b:s18+s2] =	stream.linear.scatter [tilespmem:s12], [sflag:$0x2], $0x4000, $0x38;
	[tilespmem:$0x191A0] =	vst v63  }
0x16d: {  	_ =	swait.ge [sflag:s1], $0x4000  }
0x16e: {  	[sflag:s1] =	ssyncset.done $0x0  }
0x16f: {  	s19 =	simm.s32 $0x9AA0;
	[sflag:s1] =	ssyncadd.s32 $0xFFFFC000  }
0x170: {  	[tilespmem:s12], [sflag:$0x1] =	stream.indirect.gather [hbm4b:s28+s11], $0x40, s19, s11, $0xb8;
	[tilespmem:$0x191A0] =	vst v63  }
0x171: {  	_ =	swait.ge [sflag:s13], $0x4000  }
0x172: {  	[sflag:s13] =	ssyncset.done $0x0  }
0x173: {  	s20 =	rddreg [dreg:$0xc];
	[sflag:s13] =	ssyncadd.s32 $0xFFFFC000  }
0x174: {  	[hbm4b:s20+s2] =	stream.linear.scatter [tilespmem:s12], [sflag:$0x2], $0x4000, $0x38;
	[tilespmem:$0x191A0] =	vst v63  }
0x175: {  	_ =	swait.ge [sflag:s1], $0x4000  }
0x176: {  	[sflag:s1] =	ssyncset.done $0x0  }
0x177: {  	s21 =	simm.s32 $0x9BA0;
	[sflag:s1] =	ssyncadd.s32 $0xFFFFC000  }
0x178: {  	[tilespmem:s12], [sflag:$0x1] =	stream.indirect.gather [hbm4b:s28+s11], $0x40, s21, s11, $0xb8;
	[tilespmem:$0x191A0] =	vst v63  }
0x179: {  	_ =	swait.ge [sflag:s13], $0x4000  }
0x17a: {  	[sflag:s13] =	ssyncset.done $0x0  }
0x17b: {  	s22 =	rddreg [dreg:$0xd];
	[sflag:s13] =	ssyncadd.s32 $0xFFFFC000  }
0x17c: {  	[hbm4b:s22+s2] =	stream.linear.scatter [tilespmem:s12], [sflag:$0x2], $0x4000, $0x38;
	[tilespmem:$0x191A0] =	vst v63  }
0x17d: {  	_ =	swait.ge [sflag:s1], $0x4000  }
0x17e: {  	[sflag:s1] =	ssyncset.done $0x0  }
0x17f: {  	s23 =	simm.s32 $0x9CA0;
	[sflag:s1] =	ssyncadd.s32 $0xFFFFC000  }
0x180: {  	[tilespmem:s12], [sflag:$0x1] =	stream.indirect.gather [hbm4b:s28+s11], $0x40, s23, s11, $0xb8;
	[tilespmem:$0x191A0] =	vst v63  }
0x181: {  	_ =	swait.ge [sflag:s13], $0x4000  }
0x182: {  	[sflag:s13] =	ssyncset.done $0x0  }
0x183: {  	s24 =	rddreg [dreg:$0xe];
	[sflag:s13] =	ssyncadd.s32 $0xFFFFC000  }
0x184: {  	[hbm4b:s24+s2] =	stream.linear.scatter [tilespmem:s12], [sflag:$0x2], $0x4000, $0x38;
	[tilespmem:$0x191A0] =	vst v63  }
0x185: {  	_ =	swait.ge [sflag:s1], $0x4000  }
0x186: {  	[sflag:s1] =	ssyncset.done $0x0  }
0x187: {  	s25 =	simm.s32 $0x9DA0;
	[sflag:s1] =	ssyncadd.s32 $0xFFFFC000  }
0x188: {  	[tilespmem:s12], [sflag:$0x1] =	stream.indirect.gather [hbm4b:s28+s11], $0x40, s25, s11, $0xb8;
	[tilespmem:$0x191A0] =	vst v63  }
0x189: {  	_ =	swait.ge [sflag:s13], $0x4000  }
0x18a: {  	[sflag:s13] =	ssyncset.done $0x0  }
0x18b: {  	s16 =	rddreg [dreg:$0xf];
	[sflag:s13] =	ssyncadd.s32 $0xFFFFC000  }
0x18c: {  	[hbm4b:s16+s2] =	stream.linear.scatter [tilespmem:s12], [sflag:$0x2], $0x4000, $0x38;
	[tilespmem:$0x191A0] =	vst v63  }
0x18d: {  	_ =	swait.ge [sflag:s1], $0x4000  }
0x18e: {  	[sflag:s1] =	ssyncset.done $0x0  }
0x18f: {  	s17 =	simm.s32 $0x9EA0;
	[sflag:s1] =	ssyncadd.s32 $0xFFFFC000  }
0x190: {  	[tilespmem:s12], [sflag:$0x1] =	stream.indirect.gather [hbm4b:s28+s11], $0x40, s17, s11, $0xb8;
	[tilespmem:$0x191A0] =	vst v63  }
0x191: {  	_ =	swait.ge [sflag:s13], $0x4000  }
0x192: {  	[sflag:s13] =	ssyncset.done $0x0  }
0x193: {  	s18 =	rddreg [dreg:$0x10];
	[sflag:s13] =	ssyncadd.s32 $0xFFFFC000  }
0x194: {  	[hbm4b:s18+s2] =	stream.linear.scatter [tilespmem:s12], [sflag:$0x2], $0x4000, $0x38;
	[tilespmem:$0x191A0] =	vst v63  }
0x195: {  	_ =	swait.ge [sflag:s1], $0x4000  }
0x196: {  	[sflag:s1] =	ssyncset.done $0x0  }
0x197: {  	s19 =	simm.s32 $0x9FA0;
	[sflag:s1] =	ssyncadd.s32 $0xFFFFC000  }
0x198: {  	[tilespmem:s12], [sflag:$0x1] =	stream.indirect.gather [hbm4b:s28+s11], $0x40, s19, s11, $0xb8;
	[tilespmem:$0x191A0] =	vst v63  }
0x199: {  	_ =	swait.ge [sflag:s13], $0x4000  }
0x19a: {  	[sflag:s13] =	ssyncset.done $0x0  }
0x19b: {  	s20 =	rddreg [dreg:$0x11];
	[sflag:s13] =	ssyncadd.s32 $0xFFFFC000  }
0x19c: {  	[hbm4b:s20+s2] =	stream.linear.scatter [tilespmem:s12], [sflag:$0x2], $0x4000, $0x38;
	[tilespmem:$0x191A0] =	vst v63  }
0x19d: {  	_ =	swait.ge [sflag:s1], $0x4000  }
0x19e: {  	[sflag:s1] =	ssyncset.done $0x0  }
0x19f: {  	s21 =	simm.s32 $0xA0A0;
	[sflag:s1] =	ssyncadd.s32 $0xFFFFC000  }
0x1a0: {  	[tilespmem:s12], [sflag:$0x1] =	stream.indirect.gather [hbm4b:s28+s11], $0x40, s21, s11, $0xb8;
	[tilespmem:$0x191A0] =	vst v63  }
0x1a1: {  	_ =	swait.ge [sflag:s13], $0x4000  }
0x1a2: {  	s22 =	sld [smem:$0x7F6]  }
0x1a3: {  	[sflag:s13] =	ssyncset.done $0x0  }
0x1a4: {  	[sflag:s13] =	ssyncadd.s32 $0xFFFFC000  }
0x1a5: {  	[hbm4b:s22+s2] =	stream.linear.scatter [tilespmem:s12], [sflag:$0x2], $0x4000, $0x38;
	[tilespmem:$0x191A0] =	vst v63  }
0x1a6: {  	_ =	swait.ge [sflag:s1], $0x4000  }
0x1a7: {  	[sflag:s1] =	ssyncset.done $0x0  }
0x1a8: {  	s23 =	simm.s32 $0xA1A0;
	[sflag:s1] =	ssyncadd.s32 $0xFFFFC000  }
0x1a9: {  	[tilespmem:s12], [sflag:$0x1] =	stream.indirect.gather [hbm4b:s28+s11], $0x40, s23, s11, $0xb8;
	[tilespmem:$0x191A0] =	vst v63  }
0x1aa: {  	_ =	swait.ge [sflag:s13], $0x4000  }
0x1ab: {  	[sflag:s13] =	ssyncset.done $0x0  }
0x1ac: {  	s24 =	rddreg [dreg:$0x13];
	[sflag:s13] =	ssyncadd.s32 $0xFFFFC000  }
0x1ad: {  	[hbm4b:s24+s2] =	stream.linear.scatter [tilespmem:s12], [sflag:$0x2], $0x4000, $0x38;
	[tilespmem:$0x191A0] =	vst v63  }
0x1ae: {  	_ =	swait.ge [sflag:s1], $0x4000  }
0x1af: {  	[sflag:s1] =	ssyncset.done $0x0  }
0x1b0: {  	s25 =	simm.s32 $0xA2A0;
	[sflag:s1] =	ssyncadd.s32 $0xFFFFC000  }
0x1b1: {  	[tilespmem:s12], [sflag:$0x1] =	stream.indirect.gather [hbm4b:s28+s11], $0x40, s25, s11, $0xb8;
	[tilespmem:$0x191A0] =	vst v63  }
0x1b2: {  	_ =	swait.ge [sflag:s13], $0x4000  }
0x1b3: {  	[sflag:s13] =	ssyncset.done $0x0  }
0x1b4: {  	s16 =	rddreg [dreg:$0x14];
	[sflag:s13] =	ssyncadd.s32 $0xFFFFC000  }
0x1b5: {  	[hbm4b:s16+s2] =	stream.linear.scatter [tilespmem:s12], [sflag:$0x2], $0x4000, $0x38;
	[tilespmem:$0x191A0] =	vst v63  }
0x1b6: {  	_ =	swait.ge [sflag:s1], $0x4000  }
0x1b7: {  	[sflag:s1] =	ssyncset.done $0x0  }
0x1b8: {  	s17 =	simm.s32 $0xA3A0;
	[sflag:s1] =	ssyncadd.s32 $0xFFFFC000  }
0x1b9: {  	[tilespmem:s12], [sflag:$0x1] =	stream.indirect.gather [hbm4b:s28+s11], $0x40, s17, s11, $0xb8;
	[tilespmem:$0x191A0] =	vst v63  }
0x1ba: {  	_ =	swait.ge [sflag:s13], $0x4000  }
0x1bb: {  	[sflag:s13] =	ssyncset.done $0x0  }
0x1bc: {  	s18 =	rddreg [dreg:$0x16];
	[sflag:s13] =	ssyncadd.s32 $0xFFFFC000  }
0x1bd: {  	[hbm4b:s18+s2] =	stream.linear.scatter [tilespmem:s12], [sflag:$0x2], $0x4000, $0x38;
	[tilespmem:$0x191A0] =	vst v63  }
0x1be: {  	_ =	swait.ge [sflag:s1], $0x4000  }
0x1bf: {  	[sflag:s1] =	ssyncset.done $0x0  }
0x1c0: {  	s19 =	simm.s32 $0xA4A0;
	[sflag:s1] =	ssyncadd.s32 $0xFFFFC000  }
0x1c1: {  	[tilespmem:s12], [sflag:$0x1] =	stream.indirect.gather [hbm4b:s28+s11], $0x40, s19, s11, $0xb8;
	[tilespmem:$0x191A0] =	vst v63  }
0x1c2: {  	_ =	swait.ge [sflag:s13], $0x4000  }
0x1c3: {  	[sflag:s13] =	ssyncset.done $0x0  }
0x1c4: {  	s20 =	rddreg [dreg:$0x17];
	[sflag:s13] =	ssyncadd.s32 $0xFFFFC000  }
0x1c5: {  	[hbm4b:s20+s2] =	stream.linear.scatter [tilespmem:s12], [sflag:$0x2], $0x4000, $0x38;
	[tilespmem:$0x191A0] =	vst v63  }
0x1c6: {  	_ =	swait.ge [sflag:s1], $0x4000  }
0x1c7: {  	[sflag:s1] =	ssyncset.done $0x0  }
0x1c8: {  	s21 =	simm.s32 $0xA5A0;
	[sflag:s1] =	ssyncadd.s32 $0xFFFFC000  }
0x1c9: {  	[tilespmem:s12], [sflag:$0x1] =	stream.indirect.gather [hbm4b:s28+s11], $0x40, s21, s11, $0xb8;
	[tilespmem:$0x191A0] =	vst v63  }
0x1ca: {  	_ =	swait.ge [sflag:s13], $0x4000  }
0x1cb: {  	[sflag:s13] =	ssyncset.done $0x0  }
0x1cc: {  	s22 =	rddreg [dreg:$0x19];
	[sflag:s13] =	ssyncadd.s32 $0xFFFFC000  }
0x1cd: {  	[hbm4b:s22+s2] =	stream.linear.scatter [tilespmem:s12], [sflag:$0x2], $0x4000, $0x38;
	[tilespmem:$0x191A0] =	vst v63  }
0x1ce: {  	_ =	swait.ge [sflag:s1], $0x4000  }
0x1cf: {  	[sflag:s1] =	ssyncset.done $0x0  }
0x1d0: {  	s23 =	simm.s32 $0xA6A0;
	[sflag:s1] =	ssyncadd.s32 $0xFFFFC000  }
0x1d1: {  	[tilespmem:s12], [sflag:$0x1] =	stream.indirect.gather [hbm4b:s28+s11], $0x40, s23, s11, $0xb8;
	[tilespmem:$0x191A0] =	vst v63  }
0x1d2: {  	_ =	swait.ge [sflag:s13], $0x4000  }
0x1d3: {  	[sflag:s13] =	ssyncset.done $0x0  }
0x1d4: {  	s24 =	rddreg [dreg:$0x1a];
	[sflag:s13] =	ssyncadd.s32 $0xFFFFC000  }
0x1d5: {  	[hbm4b:s24+s2] =	stream.linear.scatter [tilespmem:s12], [sflag:$0x2], $0x4000, $0x38;
	[tilespmem:$0x191A0] =	vst v63  }
0x1d6: {  	_ =	swait.ge [sflag:s1], $0x4000  }
0x1d7: {  	[sflag:s1] =	ssyncset.done $0x0  }
0x1d8: {  	s25 =	simm.s32 $0xA7A0;
	[sflag:s1] =	ssyncadd.s32 $0xFFFFC000  }
0x1d9: {  	[tilespmem:s12], [sflag:$0x1] =	stream.indirect.gather [hbm4b:s28+s11], $0x40, s25, s11, $0xb8;
	[tilespmem:$0x191A0] =	vst v63  }
0x1da: {  	_ =	swait.ge [sflag:s13], $0x4000  }
0x1db: {  	[sflag:s13] =	ssyncset.done $0x0  }
0x1dc: {  	s16 =	rddreg [dreg:$0x1b];
	[sflag:s13] =	ssyncadd.s32 $0xFFFFC000  }
0x1dd: {  	[hbm4b:s16+s2] =	stream.linear.scatter [tilespmem:s12], [sflag:$0x2], $0x4000, $0x38;
	[tilespmem:$0x191A0] =	vst v63  }
0x1de: {  	_ =	swait.ge [sflag:s1], $0x4000  }
0x1df: {  	[sflag:s1] =	ssyncset.done $0x0  }
0x1e0: {  	s17 =	simm.s32 $0xA8A0;
	[sflag:s1] =	ssyncadd.s32 $0xFFFFC000  }
0x1e1: {  	[tilespmem:s12], [sflag:$0x1] =	stream.indirect.gather [hbm4b:s28+s11], $0x40, s17, s11, $0xb8;
	[tilespmem:$0x191A0] =	vst v63  }
0x1e2: {  	_ =	swait.ge [sflag:s13], $0x4000  }
0x1e3: {  	[sflag:s13] =	ssyncset.done $0x0  }
0x1e4: {  	s18 =	rddreg [dreg:$0x1c];
	[sflag:s13] =	ssyncadd.s32 $0xFFFFC000  }
0x1e5: {  	[hbm4b:s18+s2] =	stream.linear.scatter [tilespmem:s12], [sflag:$0x2], $0x4000, $0x38;
	[tilespmem:$0x191A0] =	vst v63  }
0x1e6: {  	_ =	swait.ge [sflag:s1], $0x4000  }
0x1e7: {  	[sflag:s1] =	ssyncset.done $0x0  }
0x1e8: {  	s19 =	simm.s32 $0xA9A0;
	[sflag:s1] =	ssyncadd.s32 $0xFFFFC000  }
0x1e9: {  	[tilespmem:s12], [sflag:$0x1] =	stream.indirect.gather [hbm4b:s28+s11], $0x40, s19, s11, $0xb8;
	[tilespmem:$0x191A0] =	vst v63  }
0x1ea: {  	_ =	swait.ge [sflag:s13], $0x4000  }
0x1eb: {  	[sflag:s13] =	ssyncset.done $0x0  }
0x1ec: {  	s20 =	rddreg [dreg:$0x1d];
	[sflag:s13] =	ssyncadd.s32 $0xFFFFC000  }
0x1ed: {  	[hbm4b:s20+s2] =	stream.linear.scatter [tilespmem:s12], [sflag:$0x2], $0x4000, $0x38;
	[tilespmem:$0x191A0] =	vst v63  }
0x1ee: {  	_ =	swait.ge [sflag:s1], $0x4000  }
0x1ef: {  	[sflag:s1] =	ssyncset.done $0x0  }
0x1f0: {  	s21 =	simm.s32 $0xAAA0;
	[sflag:s1] =	ssyncadd.s32 $0xFFFFC000  }
0x1f1: {  	[tilespmem:s12], [sflag:$0x1] =	stream.indirect.gather [hbm4b:s28+s11], $0x40, s21, s11, $0xb8;
	[tilespmem:$0x191A0] =	vst v63  }
0x1f2: {  	_ =	swait.ge [sflag:s13], $0x4000  }
0x1f3: {  	[sflag:s13] =	ssyncset.done $0x0  }
0x1f4: {  	s22 =	rddreg [dreg:$0x1e];
	[sflag:s13] =	ssyncadd.s32 $0xFFFFC000  }
0x1f5: {  	[hbm4b:s22+s2] =	stream.linear.scatter [tilespmem:s12], [sflag:$0x2], $0x4000, $0x38;
	[tilespmem:$0x191A0] =	vst v63  }
0x1f6: {  	_ =	swait.ge [sflag:s1], $0x4000  }
0x1f7: {  	[sflag:s1] =	ssyncset.done $0x0  }
0x1f8: {  	s23 =	simm.s32 $0xABA0;
	[sflag:s1] =	ssyncadd.s32 $0xFFFFC000  }
0x1f9: {  	[tilespmem:s12], [sflag:$0x1] =	stream.indirect.gather [hbm4b:s28+s11], $0x40, s23, s11, $0xb8;
	[tilespmem:$0x191A0] =	vst v63  }
0x1fa: {  	_ =	swait.ge [sflag:s13], $0x4000  }
0x1fb: {  	[sflag:s13] =	ssyncset.done $0x0  }
0x1fc: {  	s24 =	rddreg [dreg:$0x1f];
	[sflag:s13] =	ssyncadd.s32 $0xFFFFC000  }
0x1fd: {  	[hbm4b:s24+s2] =	stream.linear.scatter [tilespmem:s12], [sflag:$0x2], $0x4000, $0x38;
	[tilespmem:$0x191A0] =	vst v63  }
0x1fe: {  	_ =	swait.ge [sflag:s1], $0x4000  }
0x1ff: {  	[sflag:s1] =	ssyncset.done $0x0  }
0x200: {  	s25 =	simm.s32 $0xACA0;
	[sflag:s1] =	ssyncadd.s32 $0xFFFFC000  }
0x201: {  	[tilespmem:s12], [sflag:$0x1] =	stream.indirect.gather [hbm4b:s28+s11], $0x40, s25, s11, $0xb8;
	[tilespmem:$0x191A0] =	vst v63  }
0x202: {  	_ =	swait.ge [sflag:s13], $0x4000  }
0x203: {  	s16 =	sld [smem:$0x7E6]  }
0x204: {  	[sflag:s13] =	ssyncset.done $0x0  }
0x205: {  	[sflag:s13] =	ssyncadd.s32 $0xFFFFC000  }
0x206: {  	[hbm4b:s16+s2] =	stream.linear.scatter [tilespmem:s12], [sflag:$0x2], $0x4000, $0x38;
	[tilespmem:$0x191A0] =	vst v63  }
0x207: {  	_ =	swait.ge [sflag:s1], $0x4000  }
0x208: {  	[sflag:s1] =	ssyncset.done $0x0  }
0x209: {  	s17 =	simm.s32 $0xADA0;
	[sflag:s1] =	ssyncadd.s32 $0xFFFFC000  }
0x20a: {  	[tilespmem:s12], [sflag:$0x1] =	stream.indirect.gather [hbm4b:s28+s11], $0x40, s17, s11, $0xb8;
	[tilespmem:$0x191A0] =	vst v63  }
0x20b: {  	_ =	swait.ge [sflag:s13], $0x4000  }
0x20c: {  	s18 =	sld [smem:$0x7E7]  }
0x20d: {  	[sflag:s13] =	ssyncset.done $0x0  }
0x20e: {  	[sflag:s13] =	ssyncadd.s32 $0xFFFFC000  }
0x20f: {  	[hbm4b:s18+s2] =	stream.linear.scatter [tilespmem:s12], [sflag:$0x2], $0x4000, $0x38;
	[tilespmem:$0x191A0] =	vst v63  }
0x210: {  	_ =	swait.ge [sflag:s1], $0x4000  }
0x211: {  	[sflag:s1] =	ssyncset.done $0x0  }
0x212: {  	s19 =	simm.s32 $0xAEA0;
	[sflag:s1] =	ssyncadd.s32 $0xFFFFC000  }
0x213: {  	[tilespmem:s12], [sflag:$0x1] =	stream.indirect.gather [hbm4b:s28+s11], $0x40, s19, s11, $0xb8;
	[tilespmem:$0x191A0] =	vst v63  }
0x214: {  	_ =	swait.ge [sflag:s13], $0x4000  }
0x215: {  	s20 =	sld [smem:$0x7E8]  }
0x216: {  	[sflag:s13] =	ssyncset.done $0x0  }
0x217: {  	[sflag:s13] =	ssyncadd.s32 $0xFFFFC000  }
0x218: {  	[hbm4b:s20+s2] =	stream.linear.scatter [tilespmem:s12], [sflag:$0x2], $0x4000, $0x38;
	[tilespmem:$0x191A0] =	vst v63  }
0x219: {  	_ =	swait.ge [sflag:s1], $0x4000  }
0x21a: {  	[sflag:s1] =	ssyncset.done $0x0  }
0x21b: {  	s21 =	simm.s32 $0xAFA0;
	[sflag:s1] =	ssyncadd.s32 $0xFFFFC000  }
0x21c: {  	[tilespmem:s12], [sflag:$0x1] =	stream.indirect.gather [hbm4b:s28+s11], $0x40, s21, s11, $0xb8;
	[tilespmem:$0x191A0] =	vst v63  }
0x21d: {  	_ =	swait.ge [sflag:s13], $0x4000  }
0x21e: {  	s22 =	sld [smem:$0x7EA]  }
0x21f: {  	[sflag:s13] =	ssyncset.done $0x0  }
0x220: {  	[sflag:s13] =	ssyncadd.s32 $0xFFFFC000  }
0x221: {  	[hbm4b:s22+s2] =	stream.linear.scatter [tilespmem:s12], [sflag:$0x2], $0x4000, $0x38;
	[tilespmem:$0x191A0] =	vst v63  }
0x222: {  	_ =	swait.ge [sflag:s1], $0x4000  }
0x223: {  	[sflag:s1] =	ssyncset.done $0x0  }
0x224: {  	s23 =	simm.s32 $0xB0A0;
	[sflag:s1] =	ssyncadd.s32 $0xFFFFC000  }
0x225: {  	[tilespmem:s12], [sflag:$0x1] =	stream.indirect.gather [hbm4b:s28+s11], $0x40, s23, s11, $0xb8;
	[tilespmem:$0x191A0] =	vst v63  }
0x226: {  	_ =	swait.ge [sflag:s13], $0x4000  }
0x227: {  	s24 =	sld [smem:$0x7EB]  }
0x228: {  	[sflag:s13] =	ssyncset.done $0x0  }
0x229: {  	[sflag:s13] =	ssyncadd.s32 $0xFFFFC000  }
0x22a: {  	[hbm4b:s24+s2] =	stream.linear.scatter [tilespmem:s12], [sflag:$0x2], $0x4000, $0x38;
	[tilespmem:$0x191A0] =	vst v63  }
0x22b: {  	_ =	swait.ge [sflag:s1], $0x4000  }
0x22c: {  	[sflag:s1] =	ssyncset.done $0x0  }
0x22d: {  	s25 =	simm.s32 $0xB1A0;
	[sflag:s1] =	ssyncadd.s32 $0xFFFFC000  }
0x22e: {  	[tilespmem:s12], [sflag:$0x1] =	stream.indirect.gather [hbm4b:s28+s11], $0x40, s25, s11, $0xb8;
	[tilespmem:$0x191A0] =	vst v63  }
0x22f: {  	_ =	swait.ge [sflag:s13], $0x4000  }
0x230: {  	s16 =	sld [smem:$0x7EC]  }
0x231: {  	[sflag:s13] =	ssyncset.done $0x0  }
0x232: {  	[sflag:s13] =	ssyncadd.s32 $0xFFFFC000  }
0x233: {  	[hbm4b:s16+s2] =	stream.linear.scatter [tilespmem:s12], [sflag:$0x2], $0x4000, $0x38;
	[tilespmem:$0x191A0] =	vst v63  }
0x234: {  	_ =	swait.ge [sflag:s1], $0x4000  }
0x235: {  	[sflag:s1] =	ssyncset.done $0x0  }
0x236: {  	s17 =	simm.s32 $0xB2A0;
	[sflag:s1] =	ssyncadd.s32 $0xFFFFC000  }
0x237: {  	[tilespmem:s12], [sflag:$0x1] =	stream.indirect.gather [hbm4b:s28+s11], $0x40, s17, s11, $0xb8;
	[tilespmem:$0x191A0] =	vst v63  }
0x238: {  	_ =	swait.ge [sflag:s13], $0x4000  }
0x239: {  	s18 =	sld [smem:$0x7ED]  }
0x23a: {  	[sflag:s13] =	ssyncset.done $0x0  }
0x23b: {  	[sflag:s13] =	ssyncadd.s32 $0xFFFFC000  }
0x23c: {  	[hbm4b:s18+s2] =	stream.linear.scatter [tilespmem:s12], [sflag:$0x2], $0x4000, $0x38;
	[tilespmem:$0x191A0] =	vst v63  }
0x23d: {  	_ =	swait.ge [sflag:s1], $0x4000  }
0x23e: {  	[sflag:s1] =	ssyncset.done $0x0  }
0x23f: {  	s19 =	simm.s32 $0xB3A0;
	[sflag:s1] =	ssyncadd.s32 $0xFFFFC000  }
0x240: {  	[tilespmem:s12], [sflag:$0x1] =	stream.indirect.gather [hbm4b:s28+s11], $0x40, s19, s11, $0xb8;
	[tilespmem:$0x191A0] =	vst v63  }
0x241: {  	_ =	swait.ge [sflag:s13], $0x4000  }
0x242: {  	s20 =	sld [smem:$0x7EF]  }
0x243: {  	[sflag:s13] =	ssyncset.done $0x0  }
0x244: {  	[sflag:s13] =	ssyncadd.s32 $0xFFFFC000  }
0x245: {  	[hbm4b:s20+s2] =	stream.linear.scatter [tilespmem:s12], [sflag:$0x2], $0x4000, $0x38;
	[tilespmem:$0x191A0] =	vst v63  }
0x246: {  	_ =	swait.ge [sflag:s1], $0x4000  }
0x247: {  	[sflag:s1] =	ssyncset.done $0x0  }
0x248: {  	s21 =	simm.s32 $0xB4A0;
	[sflag:s1] =	ssyncadd.s32 $0xFFFFC000  }
0x249: {  	[tilespmem:s12], [sflag:$0x1] =	stream.indirect.gather [hbm4b:s28+s11], $0x40, s21, s11, $0xb8;
	[tilespmem:$0x191A0] =	vst v63  }
0x24a: {  	_ =	swait.ge [sflag:s13], $0x4000  }
0x24b: {  	s22 =	sld [smem:$0x7F0]  }
0x24c: {  	[sflag:s13] =	ssyncset.done $0x0  }
0x24d: {  	[sflag:s13] =	ssyncadd.s32 $0xFFFFC000  }
0x24e: {  	[hbm4b:s22+s2] =	stream.linear.scatter [tilespmem:s12], [sflag:$0x2], $0x4000, $0x38;
	[tilespmem:$0x191A0] =	vst v63  }
0x24f: {  	_ =	swait.ge [sflag:s1], $0x4000  }
0x250: {  	[sflag:s1] =	ssyncset.done $0x0  }
0x251: {  	s23 =	simm.s32 $0xB5A0;
	[sflag:s1] =	ssyncadd.s32 $0xFFFFC000  }
0x252: {  	[tilespmem:s12], [sflag:$0x1] =	stream.indirect.gather [hbm4b:s28+s11], $0x40, s23, s11, $0xb8;
	[tilespmem:$0x191A0] =	vst v63  }
0x253: {  	_ =	swait.ge [sflag:s13], $0x4000  }
0x254: {  	s24 =	sld [smem:$0x7F1]  }
0x255: {  	[sflag:s13] =	ssyncset.done $0x0  }
0x256: {  	[sflag:s13] =	ssyncadd.s32 $0xFFFFC000  }
0x257: {  	[hbm4b:s24+s2] =	stream.linear.scatter [tilespmem:s12], [sflag:$0x2], $0x4000, $0x38;
	[tilespmem:$0x191A0] =	vst v63  }
0x258: {  	_ =	swait.ge [sflag:s1], $0x4000  }
0x259: {  	[sflag:s1] =	ssyncset.done $0x0  }
0x25a: {  	s25 =	simm.s32 $0xB6A0;
	[sflag:s1] =	ssyncadd.s32 $0xFFFFC000  }
0x25b: {  	[tilespmem:s12], [sflag:$0x1] =	stream.indirect.gather [hbm4b:s28+s11], $0x40, s25, s11, $0xb8;
	[tilespmem:$0x191A0] =	vst v63  }
0x25c: {  	_ =	swait.ge [sflag:s13], $0x4000  }
0x25d: {  	s16 =	sld [smem:$0x7F2]  }
0x25e: {  	[sflag:s13] =	ssyncset.done $0x0  }
0x25f: {  	[sflag:s13] =	ssyncadd.s32 $0xFFFFC000  }
0x260: {  	[hbm4b:s16+s2] =	stream.linear.scatter [tilespmem:s12], [sflag:$0x2], $0x4000, $0x38;
	[tilespmem:$0x191A0] =	vst v63  }
0x261: {  	_ =	swait.ge [sflag:s1], $0x4000  }
0x262: {  	[sflag:s1] =	ssyncset.done $0x0  }
0x263: {  	s17 =	simm.s32 $0xB7A0;
	[sflag:s1] =	ssyncadd.s32 $0xFFFFC000  }
0x264: {  	[tilespmem:s12], [sflag:$0x1] =	stream.indirect.gather [hbm4b:s28+s11], $0x40, s17, s11, $0xb8;
	[tilespmem:$0x191A0] =	vst v63  }
0x265: {  	_ =	swait.ge [sflag:s13], $0x4000  }
0x266: {  	s18 =	sld [smem:$0x7F4]  }
0x267: {  	[sflag:s13] =	ssyncset.done $0x0  }
0x268: {  	[sflag:s13] =	ssyncadd.s32 $0xFFFFC000  }
0x269: {  	[hbm4b:s18+s2] =	stream.linear.scatter [tilespmem:s12], [sflag:$0x2], $0x4000, $0x38;
	[tilespmem:$0x191A0] =	vst v63  }
0x26a: {  	_ =	swait.ge [sflag:s1], $0x4000  }
0x26b: {  	[sflag:s1] =	ssyncset.done $0x0  }
0x26c: {  	s19 =	simm.s32 $0xB8A0;
	[sflag:s1] =	ssyncadd.s32 $0xFFFFC000  }
0x26d: {  	[tilespmem:s12], [sflag:$0x1] =	stream.indirect.gather [hbm4b:s28+s11], $0x40, s19, s11, $0xb8;
	[tilespmem:$0x191A0] =	vst v63  }
0x26e: {  	_ =	swait.ge [sflag:s13], $0x4000  }
0x26f: {  	s20 =	sld [smem:$0x7F5]  }
0x270: {  	[sflag:s13] =	ssyncset.done $0x0  }
0x271: {  	[sflag:s13] =	ssyncadd.s32 $0xFFFFC000  }
0x272: {  	[hbm4b:s20+s2] =	stream.linear.scatter [tilespmem:s12], [sflag:$0x2], $0x4000, $0x38;
	[tilespmem:$0x191A0] =	vst v63  }
0x273: {  	_ =	swait.ge [sflag:s1], $0x4000  }
0x274: {  	[sflag:s1] =	ssyncset.done $0x0  }
0x275: {  	s21 =	simm.s32 $0xB9A0;
	[sflag:s1] =	ssyncadd.s32 $0xFFFFC000  }
0x276: {  	[tilespmem:s12], [sflag:$0x1] =	stream.indirect.gather [hbm4b:s28+s11], $0x40, s21, s11, $0xb8;
	[tilespmem:$0x191A0] =	vst v63  }
0x277: {  	_ =	swait.ge [sflag:s13], $0x4000  }
0x278: {  	s22 =	sld [smem:$0x7F7]  }
0x279: {  	[sflag:s13] =	ssyncset.done $0x0  }
0x27a: {  	[sflag:s13] =	ssyncadd.s32 $0xFFFFC000  }
0x27b: {  	[hbm4b:s22+s2] =	stream.linear.scatter [tilespmem:s12], [sflag:$0x2], $0x4000, $0x38;
	[tilespmem:$0x191A0] =	vst v63  }
0x27c: {  	_ =	swait.ge [sflag:s1], $0x4000  }
0x27d: {  	[sflag:s1] =	ssyncset.done $0x0  }
0x27e: {  	s23 =	simm.s32 $0xBAA0;
	[sflag:s1] =	ssyncadd.s32 $0xFFFFC000  }
0x27f: {  	[tilespmem:s12], [sflag:$0x1] =	stream.indirect.gather [hbm4b:s28+s11], $0x40, s23, s11, $0xb8;
	[tilespmem:$0x191A0] =	vst v63  }
0x280: {  	_ =	swait.ge [sflag:s13], $0x4000  }
0x281: {  	s24 =	sld [smem:$0x7F8]  }
0x282: {  	[sflag:s13] =	ssyncset.done $0x0  }
0x283: {  	[sflag:s13] =	ssyncadd.s32 $0xFFFFC000  }
0x284: {  	[hbm4b:s24+s2] =	stream.linear.scatter [tilespmem:s12], [sflag:$0x2], $0x4000, $0x38;
	[tilespmem:$0x191A0] =	vst v63  }
0x285: {  	_ =	swait.ge [sflag:s1], $0x4000  }
0x286: {  	[sflag:s1] =	ssyncset.done $0x0  }
0x287: {  	s25 =	simm.s32 $0xBBA0;
	[sflag:s1] =	ssyncadd.s32 $0xFFFFC000  }
0x288: {  	[tilespmem:s12], [sflag:$0x1] =	stream.indirect.gather [hbm4b:s28+s11], $0x40, s25, s11, $0xb8;
	[tilespmem:$0x191A0] =	vst v63  }
0x289: {  	_ =	swait.ge [sflag:s13], $0x4000  }
0x28a: {  	s16 =	sld [smem:$0x7F9]  }
0x28b: {  	[sflag:s13] =	ssyncset.done $0x0  }
0x28c: {  	[sflag:s13] =	ssyncadd.s32 $0xFFFFC000  }
0x28d: {  	[hbm4b:s16+s2] =	stream.linear.scatter [tilespmem:s12], [sflag:$0x2], $0x4000, $0x38;
	[tilespmem:$0x191A0] =	vst v63  }
0x28e: {  	_ =	swait.ge [sflag:s1], $0x4000  }
0x28f: {  	[sflag:s1] =	ssyncset.done $0x0  }
0x290: {  	s17 =	simm.s32 $0xBCA0;
	[sflag:s1] =	ssyncadd.s32 $0xFFFFC000  }
0x291: {  	[tilespmem:s12], [sflag:$0x1] =	stream.indirect.gather [hbm4b:s28+s11], $0x40, s17, s11, $0xb8;
	[tilespmem:$0x191A0] =	vst v63  }
0x292: {  	_ =	swait.ge [sflag:s13], $0x4000  }
0x293: {  	s18 =	sld [smem:$0x7FB]  }
0x294: {  	[sflag:s13] =	ssyncset.done $0x0  }
0x295: {  	[sflag:s13] =	ssyncadd.s32 $0xFFFFC000  }
0x296: {  	[hbm4b:s18+s2] =	stream.linear.scatter [tilespmem:s12], [sflag:$0x2], $0x4000, $0x38;
	[tilespmem:$0x191A0] =	vst v63  }
0x297: {  	_ =	swait.ge [sflag:s1], $0x4000  }
0x298: {  	[sflag:s1] =	ssyncset.done $0x0  }
0x299: {  	s19 =	simm.s32 $0xBDA0;
	[sflag:s1] =	ssyncadd.s32 $0xFFFFC000  }
0x29a: {  	[tilespmem:s12], [sflag:$0x1] =	stream.indirect.gather [hbm4b:s28+s11], $0x40, s19, s11, $0xb8;
	[tilespmem:$0x191A0] =	vst v63  }
0x29b: {  	_ =	swait.ge [sflag:s13], $0x4000  }
0x29c: {  	s20 =	sld [smem:$0x7FC]  }
0x29d: {  	[sflag:s13] =	ssyncset.done $0x0  }
0x29e: {  	[sflag:s13] =	ssyncadd.s32 $0xFFFFC000  }
0x29f: {  	[hbm4b:s20+s2] =	stream.linear.scatter [tilespmem:s12], [sflag:$0x2], $0x4000, $0x38;
	[tilespmem:$0x191A0] =	vst v63  }
0x2a0: {  	_ =	swait.ge [sflag:s1], $0x4000  }
0x2a1: {  	[sflag:s1] =	ssyncset.done $0x0  }
0x2a2: {  	s21 =	simm.s32 $0xBEA0;
	[sflag:s1] =	ssyncadd.s32 $0xFFFFC000  }
0x2a3: {  	[tilespmem:s12], [sflag:$0x1] =	stream.indirect.gather [hbm4b:s28+s11], $0x40, s21, s11, $0xb8;
	[tilespmem:$0x191A0] =	vst v63  }
0x2a4: {  	_ =	swait.ge [sflag:s13], $0x4000  }
0x2a5: {  	s22 =	sld [smem:$0x7FD]  }
0x2a6: {  	[sflag:s13] =	ssyncset.done $0x0  }
0x2a7: {  	[sflag:s13] =	ssyncadd.s32 $0xFFFFC000  }
0x2a8: {  	[hbm4b:s22+s2] =	stream.linear.scatter [tilespmem:s12], [sflag:$0x2], $0x4000, $0x38;
	[tilespmem:$0x191A0] =	vst v63  }
0x2a9: {  	_ =	swait.ge [sflag:s1], $0x4000  }
0x2aa: {  	[sflag:s1] =	ssyncset.done $0x0  }
0x2ab: {  	s23 =	simm.s32 $0xBFA0;
	[sflag:s1] =	ssyncadd.s32 $0xFFFFC000  }
0x2ac: {  	[tilespmem:s12], [sflag:$0x1] =	stream.indirect.gather [hbm4b:s28+s11], $0x40, s23, s11, $0xb8;
	[tilespmem:$0x191A0] =	vst v63  }
0x2ad: {  	_ =	swait.ge [sflag:s13], $0x4000  }
0x2ae: {  	[sflag:s13] =	ssyncset.done $0x0  }
0x2af: {  	[sflag:s13] =	ssyncadd.s32 $0xFFFFC000  }
0x2b0: {  	[hbm4b:s26+s2] =	stream.linear.scatter [tilespmem:s12], [sflag:$0x2], $0x4000, $0x38;
	[tilespmem:$0x191A0] =	vst v63  }
0x2b1: {  	_ =	swait.ge [sflag:s1], $0x4000  }
0x2b2: {  	[sflag:s1] =	ssyncset.done $0x0  }
0x2b3: {  	s24 =	simm.s32 $0xC0A0;
	[sflag:s1] =	ssyncadd.s32 $0xFFFFC000  }
0x2b4: {  	[tilespmem:s12], [sflag:$0x1] =	stream.indirect.gather [hbm4b:s28+s11], $0x40, s24, s11, $0xb8;
	[tilespmem:$0x191A0] =	vst v63  }
0x2b5: {  	_ =	swait.ge [sflag:s13], $0x4000  }
0x2b6: {  	[sflag:s13] =	ssyncset.done $0x0  }
0x2b7: {  	[sflag:s13] =	ssyncadd.s32 $0xFFFFC000  }
0x2b8: {  	[hbm4b:s29+s2] =	stream.linear.scatter [tilespmem:s12], [sflag:$0x2], $0x4000, $0x38;
	[tilespmem:$0x191A0] =	vst v63  }
0x2b9: {  	_ =	swait.ge [sflag:s1], $0x4000  }
0x2ba: {  	s25 =	sld [smem:$0x7FA]  }
0x2bb: {  	[sflag:s1] =	ssyncset.done $0x0  }
0x2bc: {  	[sflag:s1] =	ssyncadd.s32 $0xFFFFC000  }
0x2bd: {  	[hbm4b:s25+s2] =	stream.linear.scatter [tilespmem:s9], [sflag:$0x2], $0x3000, $0x38;
	[tilespmem:$0x191A0] =	vst v63  }
0x2be: {  	s14 =	sadd.s32 $0x1, s14;
	_ =	swait.ge [sflag:s1], $0x3000  }
0x2bf: {  	p0 =	sne.s32 s14, s31;
	[sflag:s1] =	ssyncset.done $0x0  }
.Ltmp2:
0x2c0: {  	[sflag:s1] =	ssyncadd.s32 $0xFFFFD000;
	(pc) =	sbr.rel @p0 .LBB2_1-.Ltmp2, $4  }
0x2c1: {  	[hbm4b:s30+s2] =	stream.linear.scatter [tilespmem:s10], [sflag:$0x2], $0x6000, $0x38;
	[tilespmem:$0x191A0] =	vst v63  }
0x2c2: {  	_ =	swait.ge [sflag:s1], $0x6000  }
0x2c3: {  	[sflag:s1] =	ssyncset.done $0x0  }
0x2c4: {  	[sflag:s1] =	ssyncadd.s32 $0xFFFFA000  }
0x2c5: {  	_ =	sfence.sel $0x180000  }
0x2c6: {  	[bflag:$0x0] =	sbarrier.arrive $0xFFFF  }
0x2c7: {  	_ =	strace $0x90000047  }
0x2c8: {  	s0 =	stileid.u32;
	[bflag:$0x2] =	sbarrier.arrive $0xFFFF  }
0x2c9: {  	p0 =	sne.s32 s0, $0x0;
	s0 =	rddreg [dreg:$0x2]  }
0x2ca: {  	s0 =	sadd.s32 @!p0 $0x100000, s0  }
0x2cb: {  	[sflag:s0] =	ssyncadd.tile.s32 @!p0 $0x1;
	_ =	shalt  }
.Lfunc_end2:
_tile_overlayer_lowered:
.L_overlay_start_2:
0x2cc: {  	(tag) =	ssettag $0x2  }
0x2cd: {  	s0 =	rddreg [dreg:$0x0];
	s2 =	stileid.u32  }
0x2ce: {  	s1 =	rddreg [dreg:$0x1];
	p0 =	sne.s32 s2, $0x0  }
0x2cf: {  	s3 =	rddreg [dreg:$0x2];
	[bflag:$0x3] =	sbarrier.arrive $0xFFFF;
	s2 =	simm.s32 @!p0 $0x1C02  }
0x2d0: {  	[timem:s3], [sflag:s2] =	dma.local @!p0 [hbm:s0], s1  }
0x2d1: {  	s0 =	simm.s32 @!p0 $0x2  }
0x2d2: {  	_ =	swait.ge @!p0 [sflag:s0], s1  }
0x2d3: {  	s1 =	ssub.s32 @!p0 $0x0, s1;
	[sflag:s0] =	ssyncset.done @!p0 $0x0  }
0x2d4: {  	[sflag:s0] =	ssyncadd.s32 @!p0 s1  }
0x2d5: {  	[bflag:$0x3] =	sbarrier.arrive $0xFFFF  }
0x2d6: {  	_ =	shalt  }

</sc_bundles>
